<compile_context>
chip_gen: v7x
topology: tpu7x:2x2x1
jax: 0.10.2.dev20260603
libtpu: 0.0.44.dev20260713+nightly
codegen_flags: <defaults>
</compile_context>

<pallas_src>
import jax
import jax.numpy as jnp
from jax import lax
from jax.experimental import pallas as pl
from jax.experimental.pallas import tpu as pltpu
from jax.experimental.pallas import tpu_sc as plsc

B = 16384
Z = 64
L = 16
NC = 2
NS = 16
NW = NC * NS
BPW = B // NW
HQ = BPW // 2
CH = 32
N_CH = HQ // CH


def _sc_body(i_hbm, sl_hbm, eps_hbm, mean_hbm, z_hbm, kl_hbm,
             idx_v, rows_v, eps_v, sl_v, kl_v, sem):
    wid = lax.axis_index("s") * NC + lax.axis_index("c")

    pltpu.sync_copy(i_hbm.at[wid], idx_v)
    pltpu.sync_copy(sl_hbm, sl_v)

    sigmas = []
    c_acc = jnp.zeros((L,), jnp.float32)
    for j in range(Z // L):
        slj = sl_v[pl.ds(j * L, L)]
        sg = jnp.exp(slj)
        sigmas.append(sg)
        c_acc = c_acc + 0.5 * (sg * sg - 2.0 * slj - 1.0)
    c_const = c_acc[0]
    for k in range(1, L):
        c_const = c_const + c_acc[k]

    lane = lax.iota(jnp.int32, L)

    for h in range(2):
        def issue_chunk(ch, carry):
            for k in range(CH // L):
                v = idx_v[h * N_CH + ch, pl.ds(k * L, L)]
                for t in range(L):
                    pltpu.async_copy(
                        mean_hbm.at[v[t]],
                        rows_v.at[ch * CH + k * L + t], sem)
            return carry

        lax.fori_loop(0, N_CH, issue_chunk, 0)

        pltpu.sync_copy(eps_hbm.at[wid, pl.ds(h * HQ, HQ)], eps_v)
        pltpu.make_async_copy(
            eps_hbm.at[wid, pl.ds(h * HQ, HQ)], rows_v, sem).wait()

        def body(g, carry):
            base_r = g * L
            row_idx = base_r + lane
            klacc = jnp.zeros((L,), jnp.float32)
            for z in range(Z):
                col = plsc.load_gather(
                    rows_v, [row_idx, jnp.full((L,), z, jnp.int32)])
                klacc = klacc + col * col
            kl_v[pl.ds(h * HQ + base_r, L)] = c_const + 0.5 * klacc
            for rr in range(L):
                r = base_r + rr
                for j in range(Z // L):
                    mu = rows_v[r, pl.ds(j * L, L)]
                    e = eps_v[r, pl.ds(j * L, L)]
                    rows_v[r, pl.ds(j * L, L)] = mu + e * sigmas[j]
            return carry

        lax.fori_loop(0, HQ // L, body, 0)

        pltpu.sync_copy(rows_v, z_hbm.at[wid, pl.ds(h * HQ, HQ)])

    pltpu.sync_copy(kl_v, kl_hbm.at[wid])


def kernel(i, mean, std_logits, eps):
    idx = i.reshape(NW, 2 * N_CH, CH)
    sl = std_logits.reshape(Z)
    eps3 = eps.reshape(NW, BPW, Z)
    mesh = plsc.VectorSubcoreMesh(core_axis_name="c", subcore_axis_name="s")
    f = pl.kernel(
        _sc_body,
        mesh=mesh,
        out_type=[
            jax.ShapeDtypeStruct((NW, BPW, Z), jnp.float32),
            jax.ShapeDtypeStruct((NW, BPW), jnp.float32),
        ],
        scratch_types=[
            pltpu.VMEM((2 * N_CH, CH), jnp.int32),
            pltpu.VMEM((HQ, Z), jnp.float32),
            pltpu.VMEM((HQ, Z), jnp.float32),
            pltpu.VMEM((Z,), jnp.float32),
            pltpu.VMEM((BPW,), jnp.float32),
            pltpu.SemaphoreType.DMA,
        ],
        compiler_params=pltpu.CompilerParams(needs_layout_passes=False),
    )
    z, kl = f(idx, sl, eps3, mean)
    return z.reshape(B, Z), kl.reshape(B, 1)

# --- scband reference (transcript-rebuilt; emitter-appended) ---
"""Pipeline reference for scband-latent-mapping-13383118094434 (READ-ONLY COPY).

The authoritative reference and input builder live on the scoring server;
editing this copy changes nothing except your own understanding.
"""

import jax, jax.numpy as jnp
import numpy as np

B = 16384
Z = 64
N_LATENT = 1000000

def setup_inputs(seed: int = 0) -> dict:
    key = jax.random.key(seed)
    k1, k2, k3, k4 = jax.random.split(key, 4)
    i = jax.random.randint(k1, (B, 1), 0, N_LATENT, dtype=jnp.int32)
    mean = jax.random.normal(k2, (N_LATENT, Z), dtype=jnp.float32)
    std_logits = 0.01 * jax.random.normal(k3, (1, Z), dtype=jnp.float32)
    eps = jax.random.normal(k4, (B, Z), dtype=jnp.float32)
    return {"i": i, "mean": mean, "std_logits": std_logits, "eps": eps}

def reference(i, mean, std_logits, eps):
    # mu = self.mean[i.squeeze(), :]  -> gather (SparseCore-friendly)
    mu = jnp.take(mean, i[:, 0], axis=0)            # (B, Z)
    # sigma = exp(std_logits).repeat(n, 1) -> broadcasting is equivalent
    sigma = jnp.exp(std_logits)                      # (1, Z)
    z = mu + eps * sigma                             # (B, Z)
    kl = jnp.sum(0.5 * (sigma ** 2 + mu ** 2 - jnp.log(sigma ** 2) - 1.0), axis=1, keepdims=True)  # (B, 1)
    return (z, kl)

if __name__ == "__main__":
    import jax
    _d = setup_inputs()
    print(jax.jit(kernel)(*tuple(_d.values())))

</pallas_src>

<mosaic_0001>
#map = affine_map<(d0, d1) -> (0, 0, 0)>
#map1 = affine_map<(d0, d1) -> (0)>
#map2 = affine_map<(d0, d1) -> (0, 0)>
module attributes {stable_mosaic.version = 14 : i64} {
  func.func @_sc_body(%arg0: i32, %arg1: i32, %arg2: memref<32x16x32xi32, #tpu.memory_space<hbm>>, %arg3: memref<64xf32, #tpu.memory_space<hbm>>, %arg4: memref<32x512x64xf32, #tpu.memory_space<hbm>>, %arg5: memref<1000000x64xf32, #tpu.memory_space<hbm>>, %arg6: memref<32x512x64xf32, #tpu.memory_space<hbm>>, %arg7: memref<32x512xf32, #tpu.memory_space<hbm>>, %arg8: memref<16x32xi32, #tpu.memory_space<vmem>>, %arg9: memref<256x64xf32, #tpu.memory_space<vmem>>, %arg10: memref<256x64xf32, #tpu.memory_space<vmem>>, %arg11: memref<64xf32, #tpu.memory_space<vmem>>, %arg12: memref<512xf32, #tpu.memory_space<vmem>>, %arg13: memref<!tpu.dma_semaphore, #tpu.memory_space<semaphore_mem>>) attributes {dimension_semantics = [#tpu.dimension_semantics<core_parallel>, #tpu.dimension_semantics<subcore_parallel>], iteration_bounds = array<i64: 2, 16>, scalar_prefetch = 0 : i64, scratch_operands = 6 : i64, tpu.core_type = #tpu.core_type<sc_vector_subcore>, window_params = [{transform_indices = #map}, {transform_indices = #map1}, {transform_indices = #map}, {transform_indices = #map2}, {transform_indices = #map}, {transform_indices = #map2}]} {
    %mul3A = arith.constant 2 : i32
    %mul3A_0 = arith.muli %arg1, %mul3A : i32
    %add3A = arith.addi %mul3A_0, %arg0 : i32
    "tpu.region"() ({
      %run_scoped3A = tpu.sem_alloc : memref<!tpu.dma_semaphore, #tpu.memory_space<semaphore_mem>>
      %dma_start3A = arith.constant 0 : i32
      %dma_start3A_142 = arith.constant 0 : i32
      %dma_start3A_143 = tpu.memref_slice %arg2[%add3A, %dma_start3A, %dma_start3A_142] : memref<32x16x32xi32, #tpu.memory_space<hbm>> -> memref<1x16x32xi32, #tpu.memory_space<hbm>>
      %dma_start3A_144 = tpu.memref_squeeze %dma_start3A_143 : memref<1x16x32xi32, #tpu.memory_space<hbm>> -> memref<16x32xi32, #tpu.memory_space<hbm>>
      %dma_start3A_145 = arith.constant 0 : i32
      %dma_start3A_146 = arith.constant 0 : i32
      %dma_start3A_147 = tpu.memref_slice %arg2[%add3A, %dma_start3A_145, %dma_start3A_146] : memref<32x16x32xi32, #tpu.memory_space<hbm>> -> memref<1x16x32xi32, #tpu.memory_space<hbm>>
      %dma_start3A_148 = tpu.memref_squeeze %dma_start3A_147 : memref<1x16x32xi32, #tpu.memory_space<hbm>> -> memref<16x32xi32, #tpu.memory_space<hbm>>
      tpu.enqueue_dma source(%dma_start3A_148 : memref<16x32xi32, #tpu.memory_space<hbm>>) target(%arg8 : memref<16x32xi32, #tpu.memory_space<vmem>>) target_semaphore(%run_scoped3A : memref<!tpu.dma_semaphore, #tpu.memory_space<semaphore_mem>>)
      %dma_wait3A_149 = arith.constant 0 : i32
      %dma_wait3A_150 = arith.constant 0 : i32
      %dma_wait3A_151 = tpu.memref_slice %arg2[%add3A, %dma_wait3A_149, %dma_wait3A_150] : memref<32x16x32xi32, #tpu.memory_space<hbm>> -> memref<1x16x32xi32, #tpu.memory_space<hbm>>
      %dma_wait3A_152 = tpu.memref_squeeze %dma_wait3A_151 : memref<1x16x32xi32, #tpu.memory_space<hbm>> -> memref<16x32xi32, #tpu.memory_space<hbm>>
      %dma_wait3A_153 = arith.constant 0 : i32
      %dma_wait3A_154 = arith.constant 0 : i32
      %dma_wait3A_155 = tpu.memref_slice %arg2[%add3A, %dma_wait3A_153, %dma_wait3A_154] : memref<32x16x32xi32, #tpu.memory_space<hbm>> -> memref<1x16x32xi32, #tpu.memory_space<hbm>>
      %dma_wait3A_156 = tpu.memref_squeeze %dma_wait3A_155 : memref<1x16x32xi32, #tpu.memory_space<hbm>> -> memref<16x32xi32, #tpu.memory_space<hbm>>
      tpu.wait_dma2 semaphore(%run_scoped3A : memref<!tpu.dma_semaphore, #tpu.memory_space<semaphore_mem>>) src(%dma_wait3A_156 : memref<16x32xi32, #tpu.memory_space<hbm>>) dst(%arg8 : memref<16x32xi32, #tpu.memory_space<vmem>>)
      tpu.yield
    }) : () -> ()
    "tpu.region"() ({
      %run_scoped3A = tpu.sem_alloc : memref<!tpu.dma_semaphore, #tpu.memory_space<semaphore_mem>>
      tpu.enqueue_dma source(%arg3 : memref<64xf32, #tpu.memory_space<hbm>>) target(%arg11 : memref<64xf32, #tpu.memory_space<vmem>>) target_semaphore(%run_scoped3A : memref<!tpu.dma_semaphore, #tpu.memory_space<semaphore_mem>>)
      tpu.wait_dma2 semaphore(%run_scoped3A : memref<!tpu.dma_semaphore, #tpu.memory_space<semaphore_mem>>) src(%arg3 : memref<64xf32, #tpu.memory_space<hbm>>) dst(%arg11 : memref<64xf32, #tpu.memory_space<vmem>>)
      tpu.yield
    }) : () -> ()
    %broadcast_in_dim3A = arith.constant 0.000000e+00 : f32
    %broadcast_in_dim3A_1 = vector.broadcast %broadcast_in_dim3A : f32 to vector<16xf32>
    %get3A = arith.constant 0 : index
    %get3A_2 = tpu.vector_load %arg11[%get3A] {strides = array<i32>} : memref<64xf32, #tpu.memory_space<vmem>>, vector<16xf32>,
    %exp3A = math.exp %get3A_2 : vector<16xf32>
    %mul3A_3 = arith.mulf %exp3A, %exp3A : vector<16xf32>
    %mul3A_4 = arith.constant 2.000000e+00 : f32
    %mul3A_5 = vector.broadcast %mul3A_4 : f32 to vector<16xf32>
    %mul3A_6 = arith.mulf %mul3A_5, %get3A_2 : vector<16xf32>
    %sub3A = arith.subf %mul3A_3, %mul3A_6 : vector<16xf32>
    %sub3A_7 = arith.constant 1.000000e+00 : f32
    %sub3A_8 = vector.broadcast %sub3A_7 : f32 to vector<16xf32>
    %sub3A_9 = arith.subf %sub3A, %sub3A_8 : vector<16xf32>
    %mul3A_10 = arith.constant 5.000000e-01 : f32
    %mul3A_11 = vector.broadcast %mul3A_10 : f32 to vector<16xf32>
    %mul3A_12 = arith.mulf %mul3A_11, %sub3A_9 : vector<16xf32>
    %add3A_13 = arith.addf %broadcast_in_dim3A_1, %mul3A_12 : vector<16xf32>
    %get3A_14 = arith.constant 16 : index
    %get3A_15 = tpu.vector_load %arg11[%get3A_14] {strides = array<i32>} : memref<64xf32, #tpu.memory_space<vmem>>, vector<16xf32>,
    %exp3A_16 = math.exp %get3A_15 : vector<16xf32>
    %mul3A_17 = arith.mulf %exp3A_16, %exp3A_16 : vector<16xf32>
    %mul3A_18 = arith.constant 2.000000e+00 : f32
    %mul3A_19 = vector.broadcast %mul3A_18 : f32 to vector<16xf32>
    %mul3A_20 = arith.mulf %mul3A_19, %get3A_15 : vector<16xf32>
    %sub3A_21 = arith.subf %mul3A_17, %mul3A_20 : vector<16xf32>
    %sub3A_22 = arith.constant 1.000000e+00 : f32
    %sub3A_23 = vector.broadcast %sub3A_22 : f32 to vector<16xf32>
    %sub3A_24 = arith.subf %sub3A_21, %sub3A_23 : vector<16xf32>
    %mul3A_25 = arith.constant 5.000000e-01 : f32
    %mul3A_26 = vector.broadcast %mul3A_25 : f32 to vector<16xf32>
    %mul3A_27 = arith.mulf %mul3A_26, %sub3A_24 : vector<16xf32>
    %add3A_28 = arith.addf %add3A_13, %mul3A_27 : vector<16xf32>
    %get3A_29 = arith.constant 32 : index
    %get3A_30 = tpu.vector_load %arg11[%get3A_29] {strides = array<i32>} : memref<64xf32, #tpu.memory_space<vmem>>, vector<16xf32>,
    %exp3A_31 = math.exp %get3A_30 : vector<16xf32>
    %mul3A_32 = arith.mulf %exp3A_31, %exp3A_31 : vector<16xf32>
    %mul3A_33 = arith.constant 2.000000e+00 : f32
    %mul3A_34 = vector.broadcast %mul3A_33 : f32 to vector<16xf32>
    %mul3A_35 = arith.mulf %mul3A_34, %get3A_30 : vector<16xf32>
    %sub3A_36 = arith.subf %mul3A_32, %mul3A_35 : vector<16xf32>
    %sub3A_37 = arith.constant 1.000000e+00 : f32
    %sub3A_38 = vector.broadcast %sub3A_37 : f32 to vector<16xf32>
    %sub3A_39 = arith.subf %sub3A_36, %sub3A_38 : vector<16xf32>
    %mul3A_40 = arith.constant 5.000000e-01 : f32
    %mul3A_41 = vector.broadcast %mul3A_40 : f32 to vector<16xf32>
    %mul3A_42 = arith.mulf %mul3A_41, %sub3A_39 : vector<16xf32>
    %add3A_43 = arith.addf %add3A_28, %mul3A_42 : vector<16xf32>
    %get3A_44 = arith.constant 48 : index
    %get3A_45 = tpu.vector_load %arg11[%get3A_44] {strides = array<i32>} : memref<64xf32, #tpu.memory_space<vmem>>, vector<16xf32>,
    %exp3A_46 = math.exp %get3A_45 : vector<16xf32>
    %mul3A_47 = arith.mulf %exp3A_46, %exp3A_46 : vector<16xf32>
    %mul3A_48 = arith.constant 2.000000e+00 : f32
    %mul3A_49 = vector.broadcast %mul3A_48 : f32 to vector<16xf32>
    %mul3A_50 = arith.mulf %mul3A_49, %get3A_45 : vector<16xf32>
    %sub3A_51 = arith.subf %mul3A_47, %mul3A_50 : vector<16xf32>
    %sub3A_52 = arith.constant 1.000000e+00 : f32
    %sub3A_53 = vector.broadcast %sub3A_52 : f32 to vector<16xf32>
    %sub3A_54 = arith.subf %sub3A_51, %sub3A_53 : vector<16xf32>
    %mul3A_55 = arith.constant 5.000000e-01 : f32
    %mul3A_56 = vector.broadcast %mul3A_55 : f32 to vector<16xf32>
    %mul3A_57 = arith.mulf %mul3A_56, %sub3A_54 : vector<16xf32>
    %add3A_58 = arith.addf %add3A_43, %mul3A_57 : vector<16xf32>
    %slice3A = vector.extract_strided_slice %add3A_58 {offsets = [0], sizes = [1], strides = [1]} : vector<16xf32> to vector<1xf32>
    %squeeze3A = vector.extract %slice3A[0] : f32 from vector<1xf32>
    %slice3A_59 = vector.extract_strided_slice %add3A_58 {offsets = [1], sizes = [1], strides = [1]} : vector<16xf32> to vector<1xf32>
    %squeeze3A_60 = vector.extract %slice3A_59[0] : f32 from vector<1xf32>
    %add3A_61 = arith.addf %squeeze3A, %squeeze3A_60 : f32
    %slice3A_62 = vector.extract_strided_slice %add3A_58 {offsets = [2], sizes = [1], strides = [1]} : vector<16xf32> to vector<1xf32>
    %squeeze3A_63 = vector.extract %slice3A_62[0] : f32 from vector<1xf32>
    %add3A_64 = arith.addf %add3A_61, %squeeze3A_63 : f32
    %slice3A_65 = vector.extract_strided_slice %add3A_58 {offsets = [3], sizes = [1], strides = [1]} : vector<16xf32> to vector<1xf32>
    %squeeze3A_66 = vector.extract %slice3A_65[0] : f32 from vector<1xf32>
    %add3A_67 = arith.addf %add3A_64, %squeeze3A_66 : f32
    %slice3A_68 = vector.extract_strided_slice %add3A_58 {offsets = [4], sizes = [1], strides = [1]} : vector<16xf32> to vector<1xf32>
    %squeeze3A_69 = vector.extract %slice3A_68[0] : f32 from vector<1xf32>
    %add3A_70 = arith.addf %add3A_67, %squeeze3A_69 : f32
    %slice3A_71 = vector.extract_strided_slice %add3A_58 {offsets = [5], sizes = [1], strides = [1]} : vector<16xf32> to vector<1xf32>
    %squeeze3A_72 = vector.extract %slice3A_71[0] : f32 from vector<1xf32>
    %add3A_73 = arith.addf %add3A_70, %squeeze3A_72 : f32
    %slice3A_74 = vector.extract_strided_slice %add3A_58 {offsets = [6], sizes = [1], strides = [1]} : vector<16xf32> to vector<1xf32>
    %squeeze3A_75 = vector.extract %slice3A_74[0] : f32 from vector<1xf32>
    %add3A_76 = arith.addf %add3A_73, %squeeze3A_75 : f32
    %slice3A_77 = vector.extract_strided_slice %add3A_58 {offsets = [7], sizes = [1], strides = [1]} : vector<16xf32> to vector<1xf32>
    %squeeze3A_78 = vector.extract %slice3A_77[0] : f32 from vector<1xf32>
    %add3A_79 = arith.addf %add3A_76, %squeeze3A_78 : f32
    %slice3A_80 = vector.extract_strided_slice %add3A_58 {offsets = [8], sizes = [1], strides = [1]} : vector<16xf32> to vector<1xf32>
    %squeeze3A_81 = vector.extract %slice3A_80[0] : f32 from vector<1xf32>
    %add3A_82 = arith.addf %add3A_79, %squeeze3A_81 : f32
    %slice3A_83 = vector.extract_strided_slice %add3A_58 {offsets = [9], sizes = [1], strides = [1]} : vector<16xf32> to vector<1xf32>
    %squeeze3A_84 = vector.extract %slice3A_83[0] : f32 from vector<1xf32>
    %add3A_85 = arith.addf %add3A_82, %squeeze3A_84 : f32
    %slice3A_86 = vector.extract_strided_slice %add3A_58 {offsets = [10], sizes = [1], strides = [1]} : vector<16xf32> to vector<1xf32>
    %squeeze3A_87 = vector.extract %slice3A_86[0] : f32 from vector<1xf32>
    %add3A_88 = arith.addf %add3A_85, %squeeze3A_87 : f32
    %slice3A_89 = vector.extract_strided_slice %add3A_58 {offsets = [11], sizes = [1], strides = [1]} : vector<16xf32> to vector<1xf32>
    %squeeze3A_90 = vector.extract %slice3A_89[0] : f32 from vector<1xf32>
    %add3A_91 = arith.addf %add3A_88, %squeeze3A_90 : f32
    %slice3A_92 = vector.extract_strided_slice %add3A_58 {offsets = [12], sizes = [1], strides = [1]} : vector<16xf32> to vector<1xf32>
    %squeeze3A_93 = vector.extract %slice3A_92[0] : f32 from vector<1xf32>
    %add3A_94 = arith.addf %add3A_91, %squeeze3A_93 : f32
    %slice3A_95 = vector.extract_strided_slice %add3A_58 {offsets = [13], sizes = [1], strides = [1]} : vector<16xf32> to vector<1xf32>
    %squeeze3A_96 = vector.extract %slice3A_95[0] : f32 from vector<1xf32>
    %add3A_97 = arith.addf %add3A_94, %squeeze3A_96 : f32
    %slice3A_98 = vector.extract_strided_slice %add3A_58 {offsets = [14], sizes = [1], strides = [1]} : vector<16xf32> to vector<1xf32>
    %squeeze3A_99 = vector.extract %slice3A_98[0] : f32 from vector<1xf32>
    %add3A_100 = arith.addf %add3A_97, %squeeze3A_99 : f32
    %slice3A_101 = vector.extract_strided_slice %add3A_58 {offsets = [15], sizes = [1], strides = [1]} : vector<16xf32> to vector<1xf32>
    %squeeze3A_102 = vector.extract %slice3A_101[0] : f32 from vector<1xf32>
    %add3A_103 = arith.addf %add3A_100, %squeeze3A_102 : f32
    %iota3A = tpu.iota {dimensions = array<i32: 0>} : vector<16xi32>
    %scan3A = arith.constant 0 : i32
    %scan3A_104 = arith.constant 0 : i32
    %scan3A_105 = arith.constant 8 : i32
    %scan3A_106 = arith.addi %scan3A_104, %scan3A_105 : i32
    %scan3A_107 = arith.constant 1 : i32
    scf.for %scan3A_142 = %scan3A_104 to %scan3A_106 step %scan3A_107  : i32 {
      %add3A_143 = arith.constant 0 : i32
      %add3A_144 = arith.addi %add3A_143, %scan3A_142 : i32
      %get3A_145 = arith.index_cast %add3A_144 : i32 to index
      %get3A_146 = arith.constant 0 : index
      %get3A_147 = tpu.vector_load %arg8[%get3A_145, %get3A_146] {strides = array<i32>} : memref<16x32xi32, #tpu.memory_space<vmem>>, vector<16xi32>,
      %slice3A_148 = vector.extract_strided_slice %get3A_147 {offsets = [0], sizes = [1], strides = [1]} : vector<16xi32> to vector<1xi32>
      %squeeze3A_149 = vector.extract %slice3A_148[0] : i32 from vector<1xi32>
      %mul3A_150 = arith.constant 32 : i32
      %mul3A_151 = arith.muli %scan3A_142, %mul3A_150 : i32
      %add3A_152 = arith.constant 0 : i32
      %add3A_153 = arith.addi %mul3A_151, %add3A_152 : i32
      %add3A_154 = arith.constant 0 : i32
      %add3A_155 = arith.addi %add3A_153, %add3A_154 : i32
      %dma_start3A = arith.constant 0 : i32
      %dma_start3A_156 = tpu.memref_slice %arg9[%add3A_155, %dma_start3A] : memref<256x64xf32, #tpu.memory_space<vmem>> -> memref<1x64xf32, #tpu.memory_space<vmem>>
      %dma_start3A_157 = tpu.memref_squeeze %dma_start3A_156 : memref<1x64xf32, #tpu.memory_space<vmem>> -> memref<64xf32, #tpu.memory_space<vmem>>
      %dma_start3A_158 = arith.constant 0 : i32
      %dma_start3A_159 = tpu.memref_slice %arg5[%squeeze3A_149, %dma_start3A_158] : memref<1000000x64xf32, #tpu.memory_space<hbm>> -> memref<1x64xf32, #tpu.memory_space<hbm>>
      %dma_start3A_160 = tpu.memref_squeeze %dma_start3A_159 : memref<1x64xf32, #tpu.memory_space<hbm>> -> memref<64xf32, #tpu.memory_space<hbm>>
      %dma_start3A_161 = arith.constant 0 : i32
      %dma_start3A_162 = tpu.memref_slice %arg9[%add3A_155, %dma_start3A_161] : memref<256x64xf32, #tpu.memory_space<vmem>> -> memref<1x64xf32, #tpu.memory_space<vmem>>
      %dma_start3A_163 = tpu.memref_squeeze %dma_start3A_162 : memref<1x64xf32, #tpu.memory_space<vmem>> -> memref<64xf32, #tpu.memory_space<vmem>>
      %dma_start3A_164 = arith.constant 0 : i32
      %dma_start3A_165 = tpu.memref_slice %arg5[%squeeze3A_149, %dma_start3A_164] : memref<1000000x64xf32, #tpu.memory_space<hbm>> -> memref<1x64xf32, #tpu.memory_space<hbm>>
      %dma_start3A_166 = tpu.memref_squeeze %dma_start3A_165 : memref<1x64xf32, #tpu.memory_space<hbm>> -> memref<64xf32, #tpu.memory_space<hbm>>
      tpu.enqueue_dma source(%dma_start3A_166 : memref<64xf32, #tpu.memory_space<hbm>>) target(%dma_start3A_163 : memref<64xf32, #tpu.memory_space<vmem>>) target_semaphore(%arg13 : memref<!tpu.dma_semaphore, #tpu.memory_space<semaphore_mem>>)
      %slice3A_167 = vector.extract_strided_slice %get3A_147 {offsets = [1], sizes = [1], strides = [1]} : vector<16xi32> to vector<1xi32>
      %squeeze3A_168 = vector.extract %slice3A_167[0] : i32 from vector<1xi32>
      %mul3A_169 = arith.constant 32 : i32
      %mul3A_170 = arith.muli %scan3A_142, %mul3A_169 : i32
      %add3A_171 = arith.constant 0 : i32
      %add3A_172 = arith.addi %mul3A_170, %add3A_171 : i32
      %add3A_173 = arith.constant 1 : i32
      %add3A_174 = arith.addi %add3A_172, %add3A_173 : i32
      %dma_start3A_175 = arith.constant 0 : i32
      %dma_start3A_176 = tpu.memref_slice %arg9[%add3A_174, %dma_start3A_175] : memref<256x64xf32, #tpu.memory_space<vmem>> -> memref<1x64xf32, #tpu.memory_space<vmem>>
      %dma_start3A_177 = tpu.memref_squeeze %dma_start3A_176 : memref<1x64xf32, #tpu.memory_space<vmem>> -> memref<64xf32, #tpu.memory_space<vmem>>
      %dma_start3A_178 = arith.constant 0 : i32
      %dma_start3A_179 = tpu.memref_slice %arg5[%squeeze3A_168, %dma_start3A_178] : memref<1000000x64xf32, #tpu.memory_space<hbm>> -> memref<1x64xf32, #tpu.memory_space<hbm>>
      %dma_start3A_180 = tpu.memref_squeeze %dma_start3A_179 : memref<1x64xf32, #tpu.memory_space<hbm>> -> memref<64xf32, #tpu.memory_space<hbm>>
      %dma_start3A_181 = arith.constant 0 : i32
      %dma_start3A_182 = tpu.memref_slice %arg9[%add3A_174, %dma_start3A_181] : memref<256x64xf32, #tpu.memory_space<vmem>> -> memref<1x64xf32, #tpu.memory_space<vmem>>
      %dma_start3A_183 = tpu.memref_squeeze %dma_start3A_182 : memref<1x64xf32, #tpu.memory_space<vmem>> -> memref<64xf32, #tpu.memory_space<vmem>>
      %dma_start3A_184 = arith.constant 0 : i32
      %dma_start3A_185 = tpu.memref_slice %arg5[%squeeze3A_168, %dma_start3A_184] : memref<1000000x64xf32, #tpu.memory_space<hbm>> -> memref<1x64xf32, #tpu.memory_space<hbm>>
      %dma_start3A_186 = tpu.memref_squeeze %dma_start3A_185 : memref<1x64xf32, #tpu.memory_space<hbm>> -> memref<64xf32, #tpu.memory_space<hbm>>
      tpu.enqueue_dma source(%dma_start3A_186 : memref<64xf32, #tpu.memory_space<hbm>>) target(%dma_start3A_183 : memref<64xf32, #tpu.memory_space<vmem>>) target_semaphore(%arg13 : memref<!tpu.dma_semaphore, #tpu.memory_space<semaphore_mem>>)
      %slice3A_187 = vector.extract_strided_slice %get3A_147 {offsets = [2], sizes = [1], strides = [1]} : vector<16xi32> to vector<1xi32>
      %squeeze3A_188 = vector.extract %slice3A_187[0] : i32 from vector<1xi32>
      %mul3A_189 = arith.constant 32 : i32
      %mul3A_190 = arith.muli %scan3A_142, %mul3A_189 : i32
      %add3A_191 = arith.constant 0 : i32
      %add3A_192 = arith.addi %mul3A_190, %add3A_191 : i32
      %add3A_193 = arith.constant 2 : i32
      %add3A_194 = arith.addi %add3A_192, %add3A_193 : i32
      %dma_start3A_195 = arith.constant 0 : i32
      %dma_start3A_196 = tpu.memref_slice %arg9[%add3A_194, %dma_start3A_195] : memref<256x64xf32, #tpu.memory_space<vmem>> -> memref<1x64xf32, #tpu.memory_space<vmem>>
      %dma_start3A_197 = tpu.memref_squeeze %dma_start3A_196 : memref<1x64xf32, #tpu.memory_space<vmem>> -> memref<64xf32, #tpu.memory_space<vmem>>
      %dma_start3A_198 = arith.constant 0 : i32
      %dma_start3A_199 = tpu.memref_slice %arg5[%squeeze3A_188, %dma_start3A_198] : memref<1000000x64xf32, #tpu.memory_space<hbm>> -> memref<1x64xf32, #tpu.memory_space<hbm>>
      %dma_start3A_200 = tpu.memref_squeeze %dma_start3A_199 : memref<1x64xf32, #tpu.memory_space<hbm>> -> memref<64xf32, #tpu.memory_space<hbm>>
      %dma_start3A_201 = arith.constant 0 : i32
      %dma_start3A_202 = tpu.memref_slice %arg9[%add3A_194, %dma_start3A_201] : memref<256x64xf32, #tpu.memory_space<vmem>> -> memref<1x64xf32, #tpu.memory_space<vmem>>
      %dma_start3A_203 = tpu.memref_squeeze %dma_start3A_202 : memref<1x64xf32, #tpu.memory_space<vmem>> -> memref<64xf32, #tpu.memory_space<vmem>>
      %dma_start3A_204 = arith.constant 0 : i32
      %dma_start3A_205 = tpu.memref_slice %arg5[%squeeze3A_188, %dma_start3A_204] : memref<1000000x64xf32, #tpu.memory_space<hbm>> -> memref<1x64xf32, #tpu.memory_space<hbm>>
      %dma_start3A_206 = tpu.memref_squeeze %dma_start3A_205 : memref<1x64xf32, #tpu.memory_space<hbm>> -> memref<64xf32, #tpu.memory_space<hbm>>
      tpu.enqueue_dma source(%dma_start3A_206 : memref<64xf32, #tpu.memory_space<hbm>>) target(%dma_start3A_203 : memref<64xf32, #tpu.memory_space<vmem>>) target_semaphore(%arg13 : memref<!tpu.dma_semaphore, #tpu.memory_space<semaphore_mem>>)
      %slice3A_207 = vector.extract_strided_slice %get3A_147 {offsets = [3], sizes = [1], strides = [1]} : vector<16xi32> to vector<1xi32>
      %squeeze3A_208 = vector.extract %slice3A_207[0] : i32 from vector<1xi32>
      %mul3A_209 = arith.constant 32 : i32
      %mul3A_210 = arith.muli %scan3A_142, %mul3A_209 : i32
      %add3A_211 = arith.constant 0 : i32
      %add3A_212 = arith.addi %mul3A_210, %add3A_211 : i32
      %add3A_213 = arith.constant 3 : i32
      %add3A_214 = arith.addi %add3A_212, %add3A_213 : i32
      %dma_start3A_215 = arith.constant 0 : i32
      %dma_start3A_216 = tpu.memref_slice %arg9[%add3A_214, %dma_start3A_215] : memref<256x64xf32, #tpu.memory_space<vmem>> -> memref<1x64xf32, #tpu.memory_space<vmem>>
      %dma_start3A_217 = tpu.memref_squeeze %dma_start3A_216 : memref<1x64xf32, #tpu.memory_space<vmem>> -> memref<64xf32, #tpu.memory_space<vmem>>
      %dma_start3A_218 = arith.constant 0 : i32
      %dma_start3A_219 = tpu.memref_slice %arg5[%squeeze3A_208, %dma_start3A_218] : memref<1000000x64xf32, #tpu.memory_space<hbm>> -> memref<1x64xf32, #tpu.memory_space<hbm>>
      %dma_start3A_220 = tpu.memref_squeeze %dma_start3A_219 : memref<1x64xf32, #tpu.memory_space<hbm>> -> memref<64xf32, #tpu.memory_space<hbm>>
      %dma_start3A_221 = arith.constant 0 : i32
      %dma_start3A_222 = tpu.memref_slice %arg9[%add3A_214, %dma_start3A_221] : memref<256x64xf32, #tpu.memory_space<vmem>> -> memref<1x64xf32, #tpu.memory_space<vmem>>
      %dma_start3A_223 = tpu.memref_squeeze %dma_start3A_222 : memref<1x64xf32, #tpu.memory_space<vmem>> -> memref<64xf32, #tpu.memory_space<vmem>>
      %dma_start3A_224 = arith.constant 0 : i32
      %dma_start3A_225 = tpu.memref_slice %arg5[%squeeze3A_208, %dma_start3A_224] : memref<1000000x64xf32, #tpu.memory_space<hbm>> -> memref<1x64xf32, #tpu.memory_space<hbm>>
      %dma_start3A_226 = tpu.memref_squeeze %dma_start3A_225 : memref<1x64xf32, #tpu.memory_space<hbm>> -> memref<64xf32, #tpu.memory_space<hbm>>
      tpu.enqueue_dma source(%dma_start3A_226 : memref<64xf32, #tpu.memory_space<hbm>>) target(%dma_start3A_223 : memref<64xf32, #tpu.memory_space<vmem>>) target_semaphore(%arg13 : memref<!tpu.dma_semaphore, #tpu.memory_space<semaphore_mem>>)
      %slice3A_227 = vector.extract_strided_slice %get3A_147 {offsets = [4], sizes = [1], strides = [1]} : vector<16xi32> to vector<1xi32>
      %squeeze3A_228 = vector.extract %slice3A_227[0] : i32 from vector<1xi32>
      %mul3A_229 = arith.constant 32 : i32
      %mul3A_230 = arith.muli %scan3A_142, %mul3A_229 : i32
      %add3A_231 = arith.constant 0 : i32
      %add3A_232 = arith.addi %mul3A_230, %add3A_231 : i32
      %add3A_233 = arith.constant 4 : i32
      %add3A_234 = arith.addi %add3A_232, %add3A_233 : i32
      %dma_start3A_235 = arith.constant 0 : i32
      %dma_start3A_236 = tpu.memref_slice %arg9[%add3A_234, %dma_start3A_235] : memref<256x64xf32, #tpu.memory_space<vmem>> -> memref<1x64xf32, #tpu.memory_space<vmem>>
      %dma_start3A_237 = tpu.memref_squeeze %dma_start3A_236 : memref<1x64xf32, #tpu.memory_space<vmem>> -> memref<64xf32, #tpu.memory_space<vmem>>
      %dma_start3A_238 = arith.constant 0 : i32
      %dma_start3A_239 = tpu.memref_slice %arg5[%squeeze3A_228, %dma_start3A_238] : memref<1000000x64xf32, #tpu.memory_space<hbm>> -> memref<1x64xf32, #tpu.memory_space<hbm>>
      %dma_start3A_240 = tpu.memref_squeeze %dma_start3A_239 : memref<1x64xf32, #tpu.memory_space<hbm>> -> memref<64xf32, #tpu.memory_space<hbm>>
      %dma_start3A_241 = arith.constant 0 : i32
      %dma_start3A_242 = tpu.memref_slice %arg9[%add3A_234, %dma_start3A_241] : memref<256x64xf32, #tpu.memory_space<vmem>> -> memref<1x64xf32, #tpu.memory_space<vmem>>
      %dma_start3A_243 = tpu.memref_squeeze %dma_start3A_242 : memref<1x64xf32, #tpu.memory_space<vmem>> -> memref<64xf32, #tpu.memory_space<vmem>>
      %dma_start3A_244 = arith.constant 0 : i32
      %dma_start3A_245 = tpu.memref_slice %arg5[%squeeze3A_228, %dma_start3A_244] : memref<1000000x64xf32, #tpu.memory_space<hbm>> -> memref<1x64xf32, #tpu.memory_space<hbm>>
      %dma_start3A_246 = tpu.memref_squeeze %dma_start3A_245 : memref<1x64xf32, #tpu.memory_space<hbm>> -> memref<64xf32, #tpu.memory_space<hbm>>
      tpu.enqueue_dma source(%dma_start3A_246 : memref<64xf32, #tpu.memory_space<hbm>>) target(%dma_start3A_243 : memref<64xf32, #tpu.memory_space<vmem>>) target_semaphore(%arg13 : memref<!tpu.dma_semaphore, #tpu.memory_space<semaphore_mem>>)
      %slice3A_247 = vector.extract_strided_slice %get3A_147 {offsets = [5], sizes = [1], strides = [1]} : vector<16xi32> to vector<1xi32>
      %squeeze3A_248 = vector.extract %slice3A_247[0] : i32 from vector<1xi32>
      %mul3A_249 = arith.constant 32 : i32
      %mul3A_250 = arith.muli %scan3A_142, %mul3A_249 : i32
      %add3A_251 = arith.constant 0 : i32
      %add3A_252 = arith.addi %mul3A_250, %add3A_251 : i32
      %add3A_253 = arith.constant 5 : i32
      %add3A_254 = arith.addi %add3A_252, %add3A_253 : i32
      %dma_start3A_255 = arith.constant 0 : i32
      %dma_start3A_256 = tpu.memref_slice %arg9[%add3A_254, %dma_start3A_255] : memref<256x64xf32, #tpu.memory_space<vmem>> -> memref<1x64xf32, #tpu.memory_space<vmem>>
      %dma_start3A_257 = tpu.memref_squeeze %dma_start3A_256 : memref<1x64xf32, #tpu.memory_space<vmem>> -> memref<64xf32, #tpu.memory_space<vmem>>
      %dma_start3A_258 = arith.constant 0 : i32
      %dma_start3A_259 = tpu.memref_slice %arg5[%squeeze3A_248, %dma_start3A_258] : memref<1000000x64xf32, #tpu.memory_space<hbm>> -> memref<1x64xf32, #tpu.memory_space<hbm>>
      %dma_start3A_260 = tpu.memref_squeeze %dma_start3A_259 : memref<1x64xf32, #tpu.memory_space<hbm>> -> memref<64xf32, #tpu.memory_space<hbm>>
      %dma_start3A_261 = arith.constant 0 : i32
      %dma_start3A_262 = tpu.memref_slice %arg9[%add3A_254, %dma_start3A_261] : memref<256x64xf32, #tpu.memory_space<vmem>> -> memref<1x64xf32, #tpu.memory_space<vmem>>
      %dma_start3A_263 = tpu.memref_squeeze %dma_start3A_262 : memref<1x64xf32, #tpu.memory_space<vmem>> -> memref<64xf32, #tpu.memory_space<vmem>>
      %dma_start3A_264 = arith.constant 0 : i32
      %dma_start3A_265 = tpu.memref_slice %arg5[%squeeze3A_248, %dma_start3A_264] : memref<1000000x64xf32, #tpu.memory_space<hbm>> -> memref<1x64xf32, #tpu.memory_space<hbm>>
      %dma_start3A_266 = tpu.memref_squeeze %dma_start3A_265 : memref<1x64xf32, #tpu.memory_space<hbm>> -> memref<64xf32, #tpu.memory_space<hbm>>
      tpu.enqueue_dma source(%dma_start3A_266 : memref<64xf32, #tpu.memory_space<hbm>>) target(%dma_start3A_263 : memref<64xf32, #tpu.memory_space<vmem>>) target_semaphore(%arg13 : memref<!tpu.dma_semaphore, #tpu.memory_space<semaphore_mem>>)
      %slice3A_267 = vector.extract_strided_slice %get3A_147 {offsets = [6], sizes = [1], strides = [1]} : vector<16xi32> to vector<1xi32>
      %squeeze3A_268 = vector.extract %slice3A_267[0] : i32 from vector<1xi32>
      %mul3A_269 = arith.constant 32 : i32
      %mul3A_270 = arith.muli %scan3A_142, %mul3A_269 : i32
      %add3A_271 = arith.constant 0 : i32
      %add3A_272 = arith.addi %mul3A_270, %add3A_271 : i32
      %add3A_273 = arith.constant 6 : i32
      %add3A_274 = arith.addi %add3A_272, %add3A_273 : i32
      %dma_start3A_275 = arith.constant 0 : i32
      %dma_start3A_276 = tpu.memref_slice %arg9[%add3A_274, %dma_start3A_275] : memref<256x64xf32, #tpu.memory_space<vmem>> -> memref<1x64xf32, #tpu.memory_space<vmem>>
      %dma_start3A_277 = tpu.memref_squeeze %dma_start3A_276 : memref<1x64xf32, #tpu.memory_space<vmem>> -> memref<64xf32, #tpu.memory_space<vmem>>
      %dma_start3A_278 = arith.constant 0 : i32
      %dma_start3A_279 = tpu.memref_slice %arg5[%squeeze3A_268, %dma_start3A_278] : memref<1000000x64xf32, #tpu.memory_space<hbm>> -> memref<1x64xf32, #tpu.memory_space<hbm>>
      %dma_start3A_280 = tpu.memref_squeeze %dma_start3A_279 : memref<1x64xf32, #tpu.memory_space<hbm>> -> memref<64xf32, #tpu.memory_space<hbm>>
      %dma_start3A_281 = arith.constant 0 : i32
      %dma_start3A_282 = tpu.memref_slice %arg9[%add3A_274, %dma_start3A_281] : memref<256x64xf32, #tpu.memory_space<vmem>> -> memref<1x64xf32, #tpu.memory_space<vmem>>
      %dma_start3A_283 = tpu.memref_squeeze %dma_start3A_282 : memref<1x64xf32, #tpu.memory_space<vmem>> -> memref<64xf32, #tpu.memory_space<vmem>>
      %dma_start3A_284 = arith.constant 0 : i32
      %dma_start3A_285 = tpu.memref_slice %arg5[%squeeze3A_268, %dma_start3A_284] : memref<1000000x64xf32, #tpu.memory_space<hbm>> -> memref<1x64xf32, #tpu.memory_space<hbm>>
      %dma_start3A_286 = tpu.memref_squeeze %dma_start3A_285 : memref<1x64xf32, #tpu.memory_space<hbm>> -> memref<64xf32, #tpu.memory_space<hbm>>
      tpu.enqueue_dma source(%dma_start3A_286 : memref<64xf32, #tpu.memory_space<hbm>>) target(%dma_start3A_283 : memref<64xf32, #tpu.memory_space<vmem>>) target_semaphore(%arg13 : memref<!tpu.dma_semaphore, #tpu.memory_space<semaphore_mem>>)
      %slice3A_287 = vector.extract_strided_slice %get3A_147 {offsets = [7], sizes = [1], strides = [1]} : vector<16xi32> to vector<1xi32>
      %squeeze3A_288 = vector.extract %slice3A_287[0] : i32 from vector<1xi32>
      %mul3A_289 = arith.constant 32 : i32
      %mul3A_290 = arith.muli %scan3A_142, %mul3A_289 : i32
      %add3A_291 = arith.constant 0 : i32
      %add3A_292 = arith.addi %mul3A_290, %add3A_291 : i32
      %add3A_293 = arith.constant 7 : i32
      %add3A_294 = arith.addi %add3A_292, %add3A_293 : i32
      %dma_start3A_295 = arith.constant 0 : i32
      %dma_start3A_296 = tpu.memref_slice %arg9[%add3A_294, %dma_start3A_295] : memref<256x64xf32, #tpu.memory_space<vmem>> -> memref<1x64xf32, #tpu.memory_space<vmem>>
      %dma_start3A_297 = tpu.memref_squeeze %dma_start3A_296 : memref<1x64xf32, #tpu.memory_space<vmem>> -> memref<64xf32, #tpu.memory_space<vmem>>
      %dma_start3A_298 = arith.constant 0 : i32
      %dma_start3A_299 = tpu.memref_slice %arg5[%squeeze3A_288, %dma_start3A_298] : memref<1000000x64xf32, #tpu.memory_space<hbm>> -> memref<1x64xf32, #tpu.memory_space<hbm>>
      %dma_start3A_300 = tpu.memref_squeeze %dma_start3A_299 : memref<1x64xf32, #tpu.memory_space<hbm>> -> memref<64xf32, #tpu.memory_space<hbm>>
      %dma_start3A_301 = arith.constant 0 : i32
      %dma_start3A_302 = tpu.memref_slice %arg9[%add3A_294, %dma_start3A_301] : memref<256x64xf32, #tpu.memory_space<vmem>> -> memref<1x64xf32, #tpu.memory_space<vmem>>
      %dma_start3A_303 = tpu.memref_squeeze %dma_start3A_302 : memref<1x64xf32, #tpu.memory_space<vmem>> -> memref<64xf32, #tpu.memory_space<vmem>>
      %dma_start3A_304 = arith.constant 0 : i32
      %dma_start3A_305 = tpu.memref_slice %arg5[%squeeze3A_288, %dma_start3A_304] : memref<1000000x64xf32, #tpu.memory_space<hbm>> -> memref<1x64xf32, #tpu.memory_space<hbm>>
      %dma_start3A_306 = tpu.memref_squeeze %dma_start3A_305 : memref<1x64xf32, #tpu.memory_space<hbm>> -> memref<64xf32, #tpu.memory_space<hbm>>
      tpu.enqueue_dma source(%dma_start3A_306 : memref<64xf32, #tpu.memory_space<hbm>>) target(%dma_start3A_303 : memref<64xf32, #tpu.memory_space<vmem>>) target_semaphore(%arg13 : memref<!tpu.dma_semaphore, #tpu.memory_space<semaphore_mem>>)
      %slice3A_307 = vector.extract_strided_slice %get3A_147 {offsets = [8], sizes = [1], strides = [1]} : vector<16xi32> to vector<1xi32>
      %squeeze3A_308 = vector.extract %slice3A_307[0] : i32 from vector<1xi32>
      %mul3A_309 = arith.constant 32 : i32
      %mul3A_310 = arith.muli %scan3A_142, %mul3A_309 : i32
      %add3A_311 = arith.constant 0 : i32
      %add3A_312 = arith.addi %mul3A_310, %add3A_311 : i32
      %add3A_313 = arith.constant 8 : i32
      %add3A_314 = arith.addi %add3A_312, %add3A_313 : i32
      %dma_start3A_315 = arith.constant 0 : i32
      %dma_start3A_316 = tpu.memref_slice %arg9[%add3A_314, %dma_start3A_315] : memref<256x64xf32, #tpu.memory_space<vmem>> -> memref<1x64xf32, #tpu.memory_space<vmem>>
      %dma_start3A_317 = tpu.memref_squeeze %dma_start3A_316 : memref<1x64xf32, #tpu.memory_space<vmem>> -> memref<64xf32, #tpu.memory_space<vmem>>
      %dma_start3A_318 = arith.constant 0 : i32
      %dma_start3A_319 = tpu.memref_slice %arg5[%squeeze3A_308, %dma_start3A_318] : memref<1000000x64xf32, #tpu.memory_space<hbm>> -> memref<1x64xf32, #tpu.memory_space<hbm>>
      %dma_start3A_320 = tpu.memref_squeeze %dma_start3A_319 : memref<1x64xf32, #tpu.memory_space<hbm>> -> memref<64xf32, #tpu.memory_space<hbm>>
      %dma_start3A_321 = arith.constant 0 : i32
      %dma_start3A_322 = tpu.memref_slice %arg9[%add3A_314, %dma_start3A_321] : memref<256x64xf32, #tpu.memory_space<vmem>> -> memref<1x64xf32, #tpu.memory_space<vmem>>
      %dma_start3A_323 = tpu.memref_squeeze %dma_start3A_322 : memref<1x64xf32, #tpu.memory_space<vmem>> -> memref<64xf32, #tpu.memory_space<vmem>>
      %dma_start3A_324 = arith.constant 0 : i32
      %dma_start3A_325 = tpu.memref_slice %arg5[%squeeze3A_308, %dma_start3A_324] : memref<1000000x64xf32, #tpu.memory_space<hbm>> -> memref<1x64xf32, #tpu.memory_space<hbm>>
      %dma_start3A_326 = tpu.memref_squeeze %dma_start3A_325 : memref<1x64xf32, #tpu.memory_space<hbm>> -> memref<64xf32, #tpu.memory_space<hbm>>
      tpu.enqueue_dma source(%dma_start3A_326 : memref<64xf32, #tpu.memory_space<hbm>>) target(%dma_start3A_323 : memref<64xf32, #tpu.memory_space<vmem>>) target_semaphore(%arg13 : memref<!tpu.dma_semaphore, #tpu.memory_space<semaphore_mem>>)
      %slice3A_327 = vector.extract_strided_slice %get3A_147 {offsets = [9], sizes = [1], strides = [1]} : vector<16xi32> to vector<1xi32>
      %squeeze3A_328 = vector.extract %slice3A_327[0] : i32 from vector<1xi32>
      %mul3A_329 = arith.constant 32 : i32
      %mul3A_330 = arith.muli %scan3A_142, %mul3A_329 : i32
      %add3A_331 = arith.constant 0 : i32
      %add3A_332 = arith.addi %mul3A_330, %add3A_331 : i32
      %add3A_333 = arith.constant 9 : i32
      %add3A_334 = arith.addi %add3A_332, %add3A_333 : i32
      %dma_start3A_335 = arith.constant 0 : i32
      %dma_start3A_336 = tpu.memref_slice %arg9[%add3A_334, %dma_start3A_335] : memref<256x64xf32, #tpu.memory_space<vmem>> -> memref<1x64xf32, #tpu.memory_space<vmem>>
      %dma_start3A_337 = tpu.memref_squeeze %dma_start3A_336 : memref<1x64xf32, #tpu.memory_space<vmem>> -> memref<64xf32, #tpu.memory_space<vmem>>
      %dma_start3A_338 = arith.constant 0 : i32
      %dma_start3A_339 = tpu.memref_slice %arg5[%squeeze3A_328, %dma_start3A_338] : memref<1000000x64xf32, #tpu.memory_space<hbm>> -> memref<1x64xf32, #tpu.memory_space<hbm>>
      %dma_start3A_340 = tpu.memref_squeeze %dma_start3A_339 : memref<1x64xf32, #tpu.memory_space<hbm>> -> memref<64xf32, #tpu.memory_space<hbm>>
      %dma_start3A_341 = arith.constant 0 : i32
      %dma_start3A_342 = tpu.memref_slice %arg9[%add3A_334, %dma_start3A_341] : memref<256x64xf32, #tpu.memory_space<vmem>> -> memref<1x64xf32, #tpu.memory_space<vmem>>
      %dma_start3A_343 = tpu.memref_squeeze %dma_start3A_342 : memref<1x64xf32, #tpu.memory_space<vmem>> -> memref<64xf32, #tpu.memory_space<vmem>>
      %dma_start3A_344 = arith.constant 0 : i32
      %dma_start3A_345 = tpu.memref_slice %arg5[%squeeze3A_328, %dma_start3A_344] : memref<1000000x64xf32, #tpu.memory_space<hbm>> -> memref<1x64xf32, #tpu.memory_space<hbm>>
      %dma_start3A_346 = tpu.memref_squeeze %dma_start3A_345 : memref<1x64xf32, #tpu.memory_space<hbm>> -> memref<64xf32, #tpu.memory_space<hbm>>
      tpu.enqueue_dma source(%dma_start3A_346 : memref<64xf32, #tpu.memory_space<hbm>>) target(%dma_start3A_343 : memref<64xf32, #tpu.memory_space<vmem>>) target_semaphore(%arg13 : memref<!tpu.dma_semaphore, #tpu.memory_space<semaphore_mem>>)
      %slice3A_347 = vector.extract_strided_slice %get3A_147 {offsets = [10], sizes = [1], strides = [1]} : vector<16xi32> to vector<1xi32>
      %squeeze3A_348 = vector.extract %slice3A_347[0] : i32 from vector<1xi32>
      %mul3A_349 = arith.constant 32 : i32
      %mul3A_350 = arith.muli %scan3A_142, %mul3A_349 : i32
      %add3A_351 = arith.constant 0 : i32
      %add3A_352 = arith.addi %mul3A_350, %add3A_351 : i32
      %add3A_353 = arith.constant 10 : i32
      %add3A_354 = arith.addi %add3A_352, %add3A_353 : i32
      %dma_start3A_355 = arith.constant 0 : i32
      %dma_start3A_356 = tpu.memref_slice %arg9[%add3A_354, %dma_start3A_355] : memref<256x64xf32, #tpu.memory_space<vmem>> -> memref<1x64xf32, #tpu.memory_space<vmem>>
      %dma_start3A_357 = tpu.memref_squeeze %dma_start3A_356 : memref<1x64xf32, #tpu.memory_space<vmem>> -> memref<64xf32, #tpu.memory_space<vmem>>
      %dma_start3A_358 = arith.constant 0 : i32
      %dma_start3A_359 = tpu.memref_slice %arg5[%squeeze3A_348, %dma_start3A_358] : memref<1000000x64xf32, #tpu.memory_space<hbm>> -> memref<1x64xf32, #tpu.memory_space<hbm>>
      %dma_start3A_360 = tpu.memref_squeeze %dma_start3A_359 : memref<1x64xf32, #tpu.memory_space<hbm>> -> memref<64xf32, #tpu.memory_space<hbm>>
      %dma_start3A_361 = arith.constant 0 : i32
      %dma_start3A_362 = tpu.memref_slice %arg9[%add3A_354, %dma_start3A_361] : memref<256x64xf32, #tpu.memory_space<vmem>> -> memref<1x64xf32, #tpu.memory_space<vmem>>
      %dma_start3A_363 = tpu.memref_squeeze %dma_start3A_362 : memref<1x64xf32, #tpu.memory_space<vmem>> -> memref<64xf32, #tpu.memory_space<vmem>>
      %dma_start3A_364 = arith.constant 0 : i32
      %dma_start3A_365 = tpu.memref_slice %arg5[%squeeze3A_348, %dma_start3A_364] : memref<1000000x64xf32, #tpu.memory_space<hbm>> -> memref<1x64xf32, #tpu.memory_space<hbm>>
      %dma_start3A_366 = tpu.memref_squeeze %dma_start3A_365 : memref<1x64xf32, #tpu.memory_space<hbm>> -> memref<64xf32, #tpu.memory_space<hbm>>
      tpu.enqueue_dma source(%dma_start3A_366 : memref<64xf32, #tpu.memory_space<hbm>>) target(%dma_start3A_363 : memref<64xf32, #tpu.memory_space<vmem>>) target_semaphore(%arg13 : memref<!tpu.dma_semaphore, #tpu.memory_space<semaphore_mem>>)
      %slice3A_367 = vector.extract_strided_slice %get3A_147 {offsets = [11], sizes = [1], strides = [1]} : vector<16xi32> to vector<1xi32>
      %squeeze3A_368 = vector.extract %slice3A_367[0] : i32 from vector<1xi32>
      %mul3A_369 = arith.constant 32 : i32
      %mul3A_370 = arith.muli %scan3A_142, %mul3A_369 : i32
      %add3A_371 = arith.constant 0 : i32
      %add3A_372 = arith.addi %mul3A_370, %add3A_371 : i32
      %add3A_373 = arith.constant 11 : i32
      %add3A_374 = arith.addi %add3A_372, %add3A_373 : i32
      %dma_start3A_375 = arith.constant 0 : i32
      %dma_start3A_376 = tpu.memref_slice %arg9[%add3A_374, %dma_start3A_375] : memref<256x64xf32, #tpu.memory_space<vmem>> -> memref<1x64xf32, #tpu.memory_space<vmem>>
      %dma_start3A_377 = tpu.memref_squeeze %dma_start3A_376 : memref<1x64xf32, #tpu.memory_space<vmem>> -> memref<64xf32, #tpu.memory_space<vmem>>
      %dma_start3A_378 = arith.constant 0 : i32
      %dma_start3A_379 = tpu.memref_slice %arg5[%squeeze3A_368, %dma_start3A_378] : memref<1000000x64xf32, #tpu.memory_space<hbm>> -> memref<1x64xf32, #tpu.memory_space<hbm>>
      %dma_start3A_380 = tpu.memref_squeeze %dma_start3A_379 : memref<1x64xf32, #tpu.memory_space<hbm>> -> memref<64xf32, #tpu.memory_space<hbm>>
      %dma_start3A_381 = arith.constant 0 : i32
      %dma_start3A_382 = tpu.memref_slice %arg9[%add3A_374, %dma_start3A_381] : memref<256x64xf32, #tpu.memory_space<vmem>> -> memref<1x64xf32, #tpu.memory_space<vmem>>
      %dma_start3A_383 = tpu.memref_squeeze %dma_start3A_382 : memref<1x64xf32, #tpu.memory_space<vmem>> -> memref<64xf32, #tpu.memory_space<vmem>>
      %dma_start3A_384 = arith.constant 0 : i32
      %dma_start3A_385 = tpu.memref_slice %arg5[%squeeze3A_368, %dma_start3A_384] : memref<1000000x64xf32, #tpu.memory_space<hbm>> -> memref<1x64xf32, #tpu.memory_space<hbm>>
      %dma_start3A_386 = tpu.memref_squeeze %dma_start3A_385 : memref<1x64xf32, #tpu.memory_space<hbm>> -> memref<64xf32, #tpu.memory_space<hbm>>
      tpu.enqueue_dma source(%dma_start3A_386 : memref<64xf32, #tpu.memory_space<hbm>>) target(%dma_start3A_383 : memref<64xf32, #tpu.memory_space<vmem>>) target_semaphore(%arg13 : memref<!tpu.dma_semaphore, #tpu.memory_space<semaphore_mem>>)
      %slice3A_387 = vector.extract_strided_slice %get3A_147 {offsets = [12], sizes = [1], strides = [1]} : vector<16xi32> to vector<1xi32>
      %squeeze3A_388 = vector.extract %slice3A_387[0] : i32 from vector<1xi32>
      %mul3A_389 = arith.constant 32 : i32
      %mul3A_390 = arith.muli %scan3A_142, %mul3A_389 : i32
      %add3A_391 = arith.constant 0 : i32
      %add3A_392 = arith.addi %mul3A_390, %add3A_391 : i32
      %add3A_393 = arith.constant 12 : i32
      %add3A_394 = arith.addi %add3A_392, %add3A_393 : i32
      %dma_start3A_395 = arith.constant 0 : i32
      %dma_start3A_396 = tpu.memref_slice %arg9[%add3A_394, %dma_start3A_395] : memref<256x64xf32, #tpu.memory_space<vmem>> -> memref<1x64xf32, #tpu.memory_space<vmem>>
      %dma_start3A_397 = tpu.memref_squeeze %dma_start3A_396 : memref<1x64xf32, #tpu.memory_space<vmem>> -> memref<64xf32, #tpu.memory_space<vmem>>
      %dma_start3A_398 = arith.constant 0 : i32
      %dma_start3A_399 = tpu.memref_slice %arg5[%squeeze3A_388, %dma_start3A_398] : memref<1000000x64xf32, #tpu.memory_space<hbm>> -> memref<1x64xf32, #tpu.memory_space<hbm>>
      %dma_start3A_400 = tpu.memref_squeeze %dma_start3A_399 : memref<1x64xf32, #tpu.memory_space<hbm>> -> memref<64xf32, #tpu.memory_space<hbm>>
      %dma_start3A_401 = arith.constant 0 : i32
      %dma_start3A_402 = tpu.memref_slice %arg9[%add3A_394, %dma_start3A_401] : memref<256x64xf32, #tpu.memory_space<vmem>> -> memref<1x64xf32, #tpu.memory_space<vmem>>
      %dma_start3A_403 = tpu.memref_squeeze %dma_start3A_402 : memref<1x64xf32, #tpu.memory_space<vmem>> -> memref<64xf32, #tpu.memory_space<vmem>>
      %dma_start3A_404 = arith.constant 0 : i32
      %dma_start3A_405 = tpu.memref_slice %arg5[%squeeze3A_388, %dma_start3A_404] : memref<1000000x64xf32, #tpu.memory_space<hbm>> -> memref<1x64xf32, #tpu.memory_space<hbm>>
      %dma_start3A_406 = tpu.memref_squeeze %dma_start3A_405 : memref<1x64xf32, #tpu.memory_space<hbm>> -> memref<64xf32, #tpu.memory_space<hbm>>
      tpu.enqueue_dma source(%dma_start3A_406 : memref<64xf32, #tpu.memory_space<hbm>>) target(%dma_start3A_403 : memref<64xf32, #tpu.memory_space<vmem>>) target_semaphore(%arg13 : memref<!tpu.dma_semaphore, #tpu.memory_space<semaphore_mem>>)
      %slice3A_407 = vector.extract_strided_slice %get3A_147 {offsets = [13], sizes = [1], strides = [1]} : vector<16xi32> to vector<1xi32>
      %squeeze3A_408 = vector.extract %slice3A_407[0] : i32 from vector<1xi32>
      %mul3A_409 = arith.constant 32 : i32
      %mul3A_410 = arith.muli %scan3A_142, %mul3A_409 : i32
      %add3A_411 = arith.constant 0 : i32
      %add3A_412 = arith.addi %mul3A_410, %add3A_411 : i32
      %add3A_413 = arith.constant 13 : i32
      %add3A_414 = arith.addi %add3A_412, %add3A_413 : i32
      %dma_start3A_415 = arith.constant 0 : i32
      %dma_start3A_416 = tpu.memref_slice %arg9[%add3A_414, %dma_start3A_415] : memref<256x64xf32, #tpu.memory_space<vmem>> -> memref<1x64xf32, #tpu.memory_space<vmem>>
      %dma_start3A_417 = tpu.memref_squeeze %dma_start3A_416 : memref<1x64xf32, #tpu.memory_space<vmem>> -> memref<64xf32, #tpu.memory_space<vmem>>
      %dma_start3A_418 = arith.constant 0 : i32
      %dma_start3A_419 = tpu.memref_slice %arg5[%squeeze3A_408, %dma_start3A_418] : memref<1000000x64xf32, #tpu.memory_space<hbm>> -> memref<1x64xf32, #tpu.memory_space<hbm>>
      %dma_start3A_420 = tpu.memref_squeeze %dma_start3A_419 : memref<1x64xf32, #tpu.memory_space<hbm>> -> memref<64xf32, #tpu.memory_space<hbm>>
      %dma_start3A_421 = arith.constant 0 : i32
      %dma_start3A_422 = tpu.memref_slice %arg9[%add3A_414, %dma_start3A_421] : memref<256x64xf32, #tpu.memory_space<vmem>> -> memref<1x64xf32, #tpu.memory_space<vmem>>
      %dma_start3A_423 = tpu.memref_squeeze %dma_start3A_422 : memref<1x64xf32, #tpu.memory_space<vmem>> -> memref<64xf32, #tpu.memory_space<vmem>>
      %dma_start3A_424 = arith.constant 0 : i32
      %dma_start3A_425 = tpu.memref_slice %arg5[%squeeze3A_408, %dma_start3A_424] : memref<1000000x64xf32, #tpu.memory_space<hbm>> -> memref<1x64xf32, #tpu.memory_space<hbm>>
      %dma_start3A_426 = tpu.memref_squeeze %dma_start3A_425 : memref<1x64xf32, #tpu.memory_space<hbm>> -> memref<64xf32, #tpu.memory_space<hbm>>
      tpu.enqueue_dma source(%dma_start3A_426 : memref<64xf32, #tpu.memory_space<hbm>>) target(%dma_start3A_423 : memref<64xf32, #tpu.memory_space<vmem>>) target_semaphore(%arg13 : memref<!tpu.dma_semaphore, #tpu.memory_space<semaphore_mem>>)
      %slice3A_427 = vector.extract_strided_slice %get3A_147 {offsets = [14], sizes = [1], strides = [1]} : vector<16xi32> to vector<1xi32>
      %squeeze3A_428 = vector.extract %slice3A_427[0] : i32 from vector<1xi32>
      %mul3A_429 = arith.constant 32 : i32
      %mul3A_430 = arith.muli %scan3A_142, %mul3A_429 : i32
      %add3A_431 = arith.constant 0 : i32
      %add3A_432 = arith.addi %mul3A_430, %add3A_431 : i32
      %add3A_433 = arith.constant 14 : i32
      %add3A_434 = arith.addi %add3A_432, %add3A_433 : i32
      %dma_start3A_435 = arith.constant 0 : i32
      %dma_start3A_436 = tpu.memref_slice %arg9[%add3A_434, %dma_start3A_435] : memref<256x64xf32, #tpu.memory_space<vmem>> -> memref<1x64xf32, #tpu.memory_space<vmem>>
      %dma_start3A_437 = tpu.memref_squeeze %dma_start3A_436 : memref<1x64xf32, #tpu.memory_space<vmem>> -> memref<64xf32, #tpu.memory_space<vmem>>
      %dma_start3A_438 = arith.constant 0 : i32
      %dma_start3A_439 = tpu.memref_slice %arg5[%squeeze3A_428, %dma_start3A_438] : memref<1000000x64xf32, #tpu.memory_space<hbm>> -> memref<1x64xf32, #tpu.memory_space<hbm>>
      %dma_start3A_440 = tpu.memref_squeeze %dma_start3A_439 : memref<1x64xf32, #tpu.memory_space<hbm>> -> memref<64xf32, #tpu.memory_space<hbm>>
      %dma_start3A_441 = arith.constant 0 : i32
      %dma_start3A_442 = tpu.memref_slice %arg9[%add3A_434, %dma_start3A_441] : memref<256x64xf32, #tpu.memory_space<vmem>> -> memref<1x64xf32, #tpu.memory_space<vmem>>
      %dma_start3A_443 = tpu.memref_squeeze %dma_start3A_442 : memref<1x64xf32, #tpu.memory_space<vmem>> -> memref<64xf32, #tpu.memory_space<vmem>>
      %dma_start3A_444 = arith.constant 0 : i32
      %dma_start3A_445 = tpu.memref_slice %arg5[%squeeze3A_428, %dma_start3A_444] : memref<1000000x64xf32, #tpu.memory_space<hbm>> -> memref<1x64xf32, #tpu.memory_space<hbm>>
      %dma_start3A_446 = tpu.memref_squeeze %dma_start3A_445 : memref<1x64xf32, #tpu.memory_space<hbm>> -> memref<64xf32, #tpu.memory_space<hbm>>
      tpu.enqueue_dma source(%dma_start3A_446 : memref<64xf32, #tpu.memory_space<hbm>>) target(%dma_start3A_443 : memref<64xf32, #tpu.memory_space<vmem>>) target_semaphore(%arg13 : memref<!tpu.dma_semaphore, #tpu.memory_space<semaphore_mem>>)
      %slice3A_447 = vector.extract_strided_slice %get3A_147 {offsets = [15], sizes = [1], strides = [1]} : vector<16xi32> to vector<1xi32>
      %squeeze3A_448 = vector.extract %slice3A_447[0] : i32 from vector<1xi32>
      %mul3A_449 = arith.constant 32 : i32
      %mul3A_450 = arith.muli %scan3A_142, %mul3A_449 : i32
      %add3A_451 = arith.constant 0 : i32
      %add3A_452 = arith.addi %mul3A_450, %add3A_451 : i32
      %add3A_453 = arith.constant 15 : i32
      %add3A_454 = arith.addi %add3A_452, %add3A_453 : i32
      %dma_start3A_455 = arith.constant 0 : i32
      %dma_start3A_456 = tpu.memref_slice %arg9[%add3A_454, %dma_start3A_455] : memref<256x64xf32, #tpu.memory_space<vmem>> -> memref<1x64xf32, #tpu.memory_space<vmem>>
      %dma_start3A_457 = tpu.memref_squeeze %dma_start3A_456 : memref<1x64xf32, #tpu.memory_space<vmem>> -> memref<64xf32, #tpu.memory_space<vmem>>
      %dma_start3A_458 = arith.constant 0 : i32
      %dma_start3A_459 = tpu.memref_slice %arg5[%squeeze3A_448, %dma_start3A_458] : memref<1000000x64xf32, #tpu.memory_space<hbm>> -> memref<1x64xf32, #tpu.memory_space<hbm>>
      %dma_start3A_460 = tpu.memref_squeeze %dma_start3A_459 : memref<1x64xf32, #tpu.memory_space<hbm>> -> memref<64xf32, #tpu.memory_space<hbm>>
      %dma_start3A_461 = arith.constant 0 : i32
      %dma_start3A_462 = tpu.memref_slice %arg9[%add3A_454, %dma_start3A_461] : memref<256x64xf32, #tpu.memory_space<vmem>> -> memref<1x64xf32, #tpu.memory_space<vmem>>
      %dma_start3A_463 = tpu.memref_squeeze %dma_start3A_462 : memref<1x64xf32, #tpu.memory_space<vmem>> -> memref<64xf32, #tpu.memory_space<vmem>>
      %dma_start3A_464 = arith.constant 0 : i32
      %dma_start3A_465 = tpu.memref_slice %arg5[%squeeze3A_448, %dma_start3A_464] : memref<1000000x64xf32, #tpu.memory_space<hbm>> -> memref<1x64xf32, #tpu.memory_space<hbm>>
      %dma_start3A_466 = tpu.memref_squeeze %dma_start3A_465 : memref<1x64xf32, #tpu.memory_space<hbm>> -> memref<64xf32, #tpu.memory_space<hbm>>
      tpu.enqueue_dma source(%dma_start3A_466 : memref<64xf32, #tpu.memory_space<hbm>>) target(%dma_start3A_463 : memref<64xf32, #tpu.memory_space<vmem>>) target_semaphore(%arg13 : memref<!tpu.dma_semaphore, #tpu.memory_space<semaphore_mem>>)
      %add3A_467 = arith.constant 0 : i32
      %add3A_468 = arith.addi %add3A_467, %scan3A_142 : i32
      %get3A_469 = arith.index_cast %add3A_468 : i32 to index
      %get3A_470 = arith.constant 16 : index
      %get3A_471 = tpu.vector_load %arg8[%get3A_469, %get3A_470] {strides = array<i32>} : memref<16x32xi32, #tpu.memory_space<vmem>>, vector<16xi32>,
      %slice3A_472 = vector.extract_strided_slice %get3A_471 {offsets = [0], sizes = [1], strides = [1]} : vector<16xi32> to vector<1xi32>
      %squeeze3A_473 = vector.extract %slice3A_472[0] : i32 from vector<1xi32>
      %mul3A_474 = arith.constant 32 : i32
      %mul3A_475 = arith.muli %scan3A_142, %mul3A_474 : i32
      %add3A_476 = arith.constant 16 : i32
      %add3A_477 = arith.addi %mul3A_475, %add3A_476 : i32
      %add3A_478 = arith.constant 0 : i32
      %add3A_479 = arith.addi %add3A_477, %add3A_478 : i32
      %dma_start3A_480 = arith.constant 0 : i32
      %dma_start3A_481 = tpu.memref_slice %arg9[%add3A_479, %dma_start3A_480] : memref<256x64xf32, #tpu.memory_space<vmem>> -> memref<1x64xf32, #tpu.memory_space<vmem>>
      %dma_start3A_482 = tpu.memref_squeeze %dma_start3A_481 : memref<1x64xf32, #tpu.memory_space<vmem>> -> memref<64xf32, #tpu.memory_space<vmem>>
      %dma_start3A_483 = arith.constant 0 : i32
      %dma_start3A_484 = tpu.memref_slice %arg5[%squeeze3A_473, %dma_start3A_483] : memref<1000000x64xf32, #tpu.memory_space<hbm>> -> memref<1x64xf32, #tpu.memory_space<hbm>>
      %dma_start3A_485 = tpu.memref_squeeze %dma_start3A_484 : memref<1x64xf32, #tpu.memory_space<hbm>> -> memref<64xf32, #tpu.memory_space<hbm>>
      %dma_start3A_486 = arith.constant 0 : i32
      %dma_start3A_487 = tpu.memref_slice %arg9[%add3A_479, %dma_start3A_486] : memref<256x64xf32, #tpu.memory_space<vmem>> -> memref<1x64xf32, #tpu.memory_space<vmem>>
      %dma_start3A_488 = tpu.memref_squeeze %dma_start3A_487 : memref<1x64xf32, #tpu.memory_space<vmem>> -> memref<64xf32, #tpu.memory_space<vmem>>
      %dma_start3A_489 = arith.constant 0 : i32
      %dma_start3A_490 = tpu.memref_slice %arg5[%squeeze3A_473, %dma_start3A_489] : memref<1000000x64xf32, #tpu.memory_space<hbm>> -> memref<1x64xf32, #tpu.memory_space<hbm>>
      %dma_start3A_491 = tpu.memref_squeeze %dma_start3A_490 : memref<1x64xf32, #tpu.memory_space<hbm>> -> memref<64xf32, #tpu.memory_space<hbm>>
      tpu.enqueue_dma source(%dma_start3A_491 : memref<64xf32, #tpu.memory_space<hbm>>) target(%dma_start3A_488 : memref<64xf32, #tpu.memory_space<vmem>>) target_semaphore(%arg13 : memref<!tpu.dma_semaphore, #tpu.memory_space<semaphore_mem>>)
      %slice3A_492 = vector.extract_strided_slice %get3A_471 {offsets = [1], sizes = [1], strides = [1]} : vector<16xi32> to vector<1xi32>
      %squeeze3A_493 = vector.extract %slice3A_492[0] : i32 from vector<1xi32>
      %mul3A_494 = arith.constant 32 : i32
      %mul3A_495 = arith.muli %scan3A_142, %mul3A_494 : i32
      %add3A_496 = arith.constant 16 : i32
      %add3A_497 = arith.addi %mul3A_495, %add3A_496 : i32
      %add3A_498 = arith.constant 1 : i32
      %add3A_499 = arith.addi %add3A_497, %add3A_498 : i32
      %dma_start3A_500 = arith.constant 0 : i32
      %dma_start3A_501 = tpu.memref_slice %arg9[%add3A_499, %dma_start3A_500] : memref<256x64xf32, #tpu.memory_space<vmem>> -> memref<1x64xf32, #tpu.memory_space<vmem>>
      %dma_start3A_502 = tpu.memref_squeeze %dma_start3A_501 : memref<1x64xf32, #tpu.memory_space<vmem>> -> memref<64xf32, #tpu.memory_space<vmem>>
      %dma_start3A_503 = arith.constant 0 : i32
      %dma_start3A_504 = tpu.memref_slice %arg5[%squeeze3A_493, %dma_start3A_503] : memref<1000000x64xf32, #tpu.memory_space<hbm>> -> memref<1x64xf32, #tpu.memory_space<hbm>>
      %dma_start3A_505 = tpu.memref_squeeze %dma_start3A_504 : memref<1x64xf32, #tpu.memory_space<hbm>> -> memref<64xf32, #tpu.memory_space<hbm>>
      %dma_start3A_506 = arith.constant 0 : i32
      %dma_start3A_507 = tpu.memref_slice %arg9[%add3A_499, %dma_start3A_506] : memref<256x64xf32, #tpu.memory_space<vmem>> -> memref<1x64xf32, #tpu.memory_space<vmem>>
      %dma_start3A_508 = tpu.memref_squeeze %dma_start3A_507 : memref<1x64xf32, #tpu.memory_space<vmem>> -> memref<64xf32, #tpu.memory_space<vmem>>
      %dma_start3A_509 = arith.constant 0 : i32
      %dma_start3A_510 = tpu.memref_slice %arg5[%squeeze3A_493, %dma_start3A_509] : memref<1000000x64xf32, #tpu.memory_space<hbm>> -> memref<1x64xf32, #tpu.memory_space<hbm>>
      %dma_start3A_511 = tpu.memref_squeeze %dma_start3A_510 : memref<1x64xf32, #tpu.memory_space<hbm>> -> memref<64xf32, #tpu.memory_space<hbm>>
      tpu.enqueue_dma source(%dma_start3A_511 : memref<64xf32, #tpu.memory_space<hbm>>) target(%dma_start3A_508 : memref<64xf32, #tpu.memory_space<vmem>>) target_semaphore(%arg13 : memref<!tpu.dma_semaphore, #tpu.memory_space<semaphore_mem>>)
      %slice3A_512 = vector.extract_strided_slice %get3A_471 {offsets = [2], sizes = [1], strides = [1]} : vector<16xi32> to vector<1xi32>
      %squeeze3A_513 = vector.extract %slice3A_512[0] : i32 from vector<1xi32>
      %mul3A_514 = arith.constant 32 : i32
      %mul3A_515 = arith.muli %scan3A_142, %mul3A_514 : i32
      %add3A_516 = arith.constant 16 : i32
      %add3A_517 = arith.addi %mul3A_515, %add3A_516 : i32
      %add3A_518 = arith.constant 2 : i32
      %add3A_519 = arith.addi %add3A_517, %add3A_518 : i32
      %dma_start3A_520 = arith.constant 0 : i32
      %dma_start3A_521 = tpu.memref_slice %arg9[%add3A_519, %dma_start3A_520] : memref<256x64xf32, #tpu.memory_space<vmem>> -> memref<1x64xf32, #tpu.memory_space<vmem>>
      %dma_start3A_522 = tpu.memref_squeeze %dma_start3A_521 : memref<1x64xf32, #tpu.memory_space<vmem>> -> memref<64xf32, #tpu.memory_space<vmem>>
      %dma_start3A_523 = arith.constant 0 : i32
      %dma_start3A_524 = tpu.memref_slice %arg5[%squeeze3A_513, %dma_start3A_523] : memref<1000000x64xf32, #tpu.memory_space<hbm>> -> memref<1x64xf32, #tpu.memory_space<hbm>>
      %dma_start3A_525 = tpu.memref_squeeze %dma_start3A_524 : memref<1x64xf32, #tpu.memory_space<hbm>> -> memref<64xf32, #tpu.memory_space<hbm>>
      %dma_start3A_526 = arith.constant 0 : i32
      %dma_start3A_527 = tpu.memref_slice %arg9[%add3A_519, %dma_start3A_526] : memref<256x64xf32, #tpu.memory_space<vmem>> -> memref<1x64xf32, #tpu.memory_space<vmem>>
      %dma_start3A_528 = tpu.memref_squeeze %dma_start3A_527 : memref<1x64xf32, #tpu.memory_space<vmem>> -> memref<64xf32, #tpu.memory_space<vmem>>
      %dma_start3A_529 = arith.constant 0 : i32
      %dma_start3A_530 = tpu.memref_slice %arg5[%squeeze3A_513, %dma_start3A_529] : memref<1000000x64xf32, #tpu.memory_space<hbm>> -> memref<1x64xf32, #tpu.memory_space<hbm>>
      %dma_start3A_531 = tpu.memref_squeeze %dma_start3A_530 : memref<1x64xf32, #tpu.memory_space<hbm>> -> memref<64xf32, #tpu.memory_space<hbm>>
      tpu.enqueue_dma source(%dma_start3A_531 : memref<64xf32, #tpu.memory_space<hbm>>) target(%dma_start3A_528 : memref<64xf32, #tpu.memory_space<vmem>>) target_semaphore(%arg13 : memref<!tpu.dma_semaphore, #tpu.memory_space<semaphore_mem>>)
      %slice3A_532 = vector.extract_strided_slice %get3A_471 {offsets = [3], sizes = [1], strides = [1]} : vector<16xi32> to vector<1xi32>
      %squeeze3A_533 = vector.extract %slice3A_532[0] : i32 from vector<1xi32>
      %mul3A_534 = arith.constant 32 : i32
      %mul3A_535 = arith.muli %scan3A_142, %mul3A_534 : i32
      %add3A_536 = arith.constant 16 : i32
      %add3A_537 = arith.addi %mul3A_535, %add3A_536 : i32
      %add3A_538 = arith.constant 3 : i32
      %add3A_539 = arith.addi %add3A_537, %add3A_538 : i32
      %dma_start3A_540 = arith.constant 0 : i32
      %dma_start3A_541 = tpu.memref_slice %arg9[%add3A_539, %dma_start3A_540] : memref<256x64xf32, #tpu.memory_space<vmem>> -> memref<1x64xf32, #tpu.memory_space<vmem>>
      %dma_start3A_542 = tpu.memref_squeeze %dma_start3A_541 : memref<1x64xf32, #tpu.memory_space<vmem>> -> memref<64xf32, #tpu.memory_space<vmem>>
      %dma_start3A_543 = arith.constant 0 : i32
      %dma_start3A_544 = tpu.memref_slice %arg5[%squeeze3A_533, %dma_start3A_543] : memref<1000000x64xf32, #tpu.memory_space<hbm>> -> memref<1x64xf32, #tpu.memory_space<hbm>>
      %dma_start3A_545 = tpu.memref_squeeze %dma_start3A_544 : memref<1x64xf32, #tpu.memory_space<hbm>> -> memref<64xf32, #tpu.memory_space<hbm>>
      %dma_start3A_546 = arith.constant 0 : i32
      %dma_start3A_547 = tpu.memref_slice %arg9[%add3A_539, %dma_start3A_546] : memref<256x64xf32, #tpu.memory_space<vmem>> -> memref<1x64xf32, #tpu.memory_space<vmem>>
      %dma_start3A_548 = tpu.memref_squeeze %dma_start3A_547 : memref<1x64xf32, #tpu.memory_space<vmem>> -> memref<64xf32, #tpu.memory_space<vmem>>
      %dma_start3A_549 = arith.constant 0 : i32
      %dma_start3A_550 = tpu.memref_slice %arg5[%squeeze3A_533, %dma_start3A_549] : memref<1000000x64xf32, #tpu.memory_space<hbm>> -> memref<1x64xf32, #tpu.memory_space<hbm>>
      %dma_start3A_551 = tpu.memref_squeeze %dma_start3A_550 : memref<1x64xf32, #tpu.memory_space<hbm>> -> memref<64xf32, #tpu.memory_space<hbm>>
      tpu.enqueue_dma source(%dma_start3A_551 : memref<64xf32, #tpu.memory_space<hbm>>) target(%dma_start3A_548 : memref<64xf32, #tpu.memory_space<vmem>>) target_semaphore(%arg13 : memref<!tpu.dma_semaphore, #tpu.memory_space<semaphore_mem>>)
      %slice3A_552 = vector.extract_strided_slice %get3A_471 {offsets = [4], sizes = [1], strides = [1]} : vector<16xi32> to vector<1xi32>
      %squeeze3A_553 = vector.extract %slice3A_552[0] : i32 from vector<1xi32>
      %mul3A_554 = arith.constant 32 : i32
      %mul3A_555 = arith.muli %scan3A_142, %mul3A_554 : i32
      %add3A_556 = arith.constant 16 : i32
      %add3A_557 = arith.addi %mul3A_555, %add3A_556 : i32
      %add3A_558 = arith.constant 4 : i32
      %add3A_559 = arith.addi %add3A_557, %add3A_558 : i32
      %dma_start3A_560 = arith.constant 0 : i32
      %dma_start3A_561 = tpu.memref_slice %arg9[%add3A_559, %dma_start3A_560] : memref<256x64xf32, #tpu.memory_space<vmem>> -> memref<1x64xf32, #tpu.memory_space<vmem>>
      %dma_start3A_562 = tpu.memref_squeeze %dma_start3A_561 : memref<1x64xf32, #tpu.memory_space<vmem>> -> memref<64xf32, #tpu.memory_space<vmem>>
      %dma_start3A_563 = arith.constant 0 : i32
      %dma_start3A_564 = tpu.memref_slice %arg5[%squeeze3A_553, %dma_start3A_563] : memref<1000000x64xf32, #tpu.memory_space<hbm>> -> memref<1x64xf32, #tpu.memory_space<hbm>>
      %dma_start3A_565 = tpu.memref_squeeze %dma_start3A_564 : memref<1x64xf32, #tpu.memory_space<hbm>> -> memref<64xf32, #tpu.memory_space<hbm>>
      %dma_start3A_566 = arith.constant 0 : i32
      %dma_start3A_567 = tpu.memref_slice %arg9[%add3A_559, %dma_start3A_566] : memref<256x64xf32, #tpu.memory_space<vmem>> -> memref<1x64xf32, #tpu.memory_space<vmem>>
      %dma_start3A_568 = tpu.memref_squeeze %dma_start3A_567 : memref<1x64xf32, #tpu.memory_space<vmem>> -> memref<64xf32, #tpu.memory_space<vmem>>
      %dma_start3A_569 = arith.constant 0 : i32
      %dma_start3A_570 = tpu.memref_slice %arg5[%squeeze3A_553, %dma_start3A_569] : memref<1000000x64xf32, #tpu.memory_space<hbm>> -> memref<1x64xf32, #tpu.memory_space<hbm>>
      %dma_start3A_571 = tpu.memref_squeeze %dma_start3A_570 : memref<1x64xf32, #tpu.memory_space<hbm>> -> memref<64xf32, #tpu.memory_space<hbm>>
      tpu.enqueue_dma source(%dma_start3A_571 : memref<64xf32, #tpu.memory_space<hbm>>) target(%dma_start3A_568 : memref<64xf32, #tpu.memory_space<vmem>>) target_semaphore(%arg13 : memref<!tpu.dma_semaphore, #tpu.memory_space<semaphore_mem>>)
      %slice3A_572 = vector.extract_strided_slice %get3A_471 {offsets = [5], sizes = [1], strides = [1]} : vector<16xi32> to vector<1xi32>
      %squeeze3A_573 = vector.extract %slice3A_572[0] : i32 from vector<1xi32>
      %mul3A_574 = arith.constant 32 : i32
      %mul3A_575 = arith.muli %scan3A_142, %mul3A_574 : i32
      %add3A_576 = arith.constant 16 : i32
      %add3A_577 = arith.addi %mul3A_575, %add3A_576 : i32
      %add3A_578 = arith.constant 5 : i32
      %add3A_579 = arith.addi %add3A_577, %add3A_578 : i32
      %dma_start3A_580 = arith.constant 0 : i32
      %dma_start3A_581 = tpu.memref_slice %arg9[%add3A_579, %dma_start3A_580] : memref<256x64xf32, #tpu.memory_space<vmem>> -> memref<1x64xf32, #tpu.memory_space<vmem>>
      %dma_start3A_582 = tpu.memref_squeeze %dma_start3A_581 : memref<1x64xf32, #tpu.memory_space<vmem>> -> memref<64xf32, #tpu.memory_space<vmem>>
      %dma_start3A_583 = arith.constant 0 : i32
      %dma_start3A_584 = tpu.memref_slice %arg5[%squeeze3A_573, %dma_start3A_583] : memref<1000000x64xf32, #tpu.memory_space<hbm>> -> memref<1x64xf32, #tpu.memory_space<hbm>>
      %dma_start3A_585 = tpu.memref_squeeze %dma_start3A_584 : memref<1x64xf32, #tpu.memory_space<hbm>> -> memref<64xf32, #tpu.memory_space<hbm>>
      %dma_start3A_586 = arith.constant 0 : i32
      %dma_start3A_587 = tpu.memref_slice %arg9[%add3A_579, %dma_start3A_586] : memref<256x64xf32, #tpu.memory_space<vmem>> -> memref<1x64xf32, #tpu.memory_space<vmem>>
      %dma_start3A_588 = tpu.memref_squeeze %dma_start3A_587 : memref<1x64xf32, #tpu.memory_space<vmem>> -> memref<64xf32, #tpu.memory_space<vmem>>
      %dma_start3A_589 = arith.constant 0 : i32
      %dma_start3A_590 = tpu.memref_slice %arg5[%squeeze3A_573, %dma_start3A_589] : memref<1000000x64xf32, #tpu.memory_space<hbm>> -> memref<1x64xf32, #tpu.memory_space<hbm>>
      %dma_start3A_591 = tpu.memref_squeeze %dma_start3A_590 : memref<1x64xf32, #tpu.memory_space<hbm>> -> memref<64xf32, #tpu.memory_space<hbm>>
      tpu.enqueue_dma source(%dma_start3A_591 : memref<64xf32, #tpu.memory_space<hbm>>) target(%dma_start3A_588 : memref<64xf32, #tpu.memory_space<vmem>>) target_semaphore(%arg13 : memref<!tpu.dma_semaphore, #tpu.memory_space<semaphore_mem>>)
      %slice3A_592 = vector.extract_strided_slice %get3A_471 {offsets = [6], sizes = [1], strides = [1]} : vector<16xi32> to vector<1xi32>
      %squeeze3A_593 = vector.extract %slice3A_592[0] : i32 from vector<1xi32>
      %mul3A_594 = arith.constant 32 : i32
      %mul3A_595 = arith.muli %scan3A_142, %mul3A_594 : i32
      %add3A_596 = arith.constant 16 : i32
      %add3A_597 = arith.addi %mul3A_595, %add3A_596 : i32
      %add3A_598 = arith.constant 6 : i32
      %add3A_599 = arith.addi %add3A_597, %add3A_598 : i32
      %dma_start3A_600 = arith.constant 0 : i32
      %dma_start3A_601 = tpu.memref_slice %arg9[%add3A_599, %dma_start3A_600] : memref<256x64xf32, #tpu.memory_space<vmem>> -> memref<1x64xf32, #tpu.memory_space<vmem>>
      %dma_start3A_602 = tpu.memref_squeeze %dma_start3A_601 : memref<1x64xf32, #tpu.memory_space<vmem>> -> memref<64xf32, #tpu.memory_space<vmem>>
      %dma_start3A_603 = arith.constant 0 : i32
      %dma_start3A_604 = tpu.memref_slice %arg5[%squeeze3A_593, %dma_start3A_603] : memref<1000000x64xf32, #tpu.memory_space<hbm>> -> memref<1x64xf32, #tpu.memory_space<hbm>>
      %dma_start3A_605 = tpu.memref_squeeze %dma_start3A_604 : memref<1x64xf32, #tpu.memory_space<hbm>> -> memref<64xf32, #tpu.memory_space<hbm>>
      %dma_start3A_606 = arith.constant 0 : i32
      %dma_start3A_607 = tpu.memref_slice %arg9[%add3A_599, %dma_start3A_606] : memref<256x64xf32, #tpu.memory_space<vmem>> -> memref<1x64xf32, #tpu.memory_space<vmem>>
      %dma_start3A_608 = tpu.memref_squeeze %dma_start3A_607 : memref<1x64xf32, #tpu.memory_space<vmem>> -> memref<64xf32, #tpu.memory_space<vmem>>
      %dma_start3A_609 = arith.constant 0 : i32
      %dma_start3A_610 = tpu.memref_slice %arg5[%squeeze3A_593, %dma_start3A_609] : memref<1000000x64xf32, #tpu.memory_space<hbm>> -> memref<1x64xf32, #tpu.memory_space<hbm>>
      %dma_start3A_611 = tpu.memref_squeeze %dma_start3A_610 : memref<1x64xf32, #tpu.memory_space<hbm>> -> memref<64xf32, #tpu.memory_space<hbm>>
      tpu.enqueue_dma source(%dma_start3A_611 : memref<64xf32, #tpu.memory_space<hbm>>) target(%dma_start3A_608 : memref<64xf32, #tpu.memory_space<vmem>>) target_semaphore(%arg13 : memref<!tpu.dma_semaphore, #tpu.memory_space<semaphore_mem>>)
      %slice3A_612 = vector.extract_strided_slice %get3A_471 {offsets = [7], sizes = [1], strides = [1]} : vector<16xi32> to vector<1xi32>
      %squeeze3A_613 = vector.extract %slice3A_612[0] : i32 from vector<1xi32>
      %mul3A_614 = arith.constant 32 : i32
      %mul3A_615 = arith.muli %scan3A_142, %mul3A_614 : i32
      %add3A_616 = arith.constant 16 : i32
      %add3A_617 = arith.addi %mul3A_615, %add3A_616 : i32
      %add3A_618 = arith.constant 7 : i32
      %add3A_619 = arith.addi %add3A_617, %add3A_618 : i32
      %dma_start3A_620 = arith.constant 0 : i32
      %dma_start3A_621 = tpu.memref_slice %arg9[%add3A_619, %dma_start3A_620] : memref<256x64xf32, #tpu.memory_space<vmem>> -> memref<1x64xf32, #tpu.memory_space<vmem>>
      %dma_start3A_622 = tpu.memref_squeeze %dma_start3A_621 : memref<1x64xf32, #tpu.memory_space<vmem>> -> memref<64xf32, #tpu.memory_space<vmem>>
      %dma_start3A_623 = arith.constant 0 : i32
      %dma_start3A_624 = tpu.memref_slice %arg5[%squeeze3A_613, %dma_start3A_623] : memref<1000000x64xf32, #tpu.memory_space<hbm>> -> memref<1x64xf32, #tpu.memory_space<hbm>>
      %dma_start3A_625 = tpu.memref_squeeze %dma_start3A_624 : memref<1x64xf32, #tpu.memory_space<hbm>> -> memref<64xf32, #tpu.memory_space<hbm>>
      %dma_start3A_626 = arith.constant 0 : i32
      %dma_start3A_627 = tpu.memref_slice %arg9[%add3A_619, %dma_start3A_626] : memref<256x64xf32, #tpu.memory_space<vmem>> -> memref<1x64xf32, #tpu.memory_space<vmem>>
      %dma_start3A_628 = tpu.memref_squeeze %dma_start3A_627 : memref<1x64xf32, #tpu.memory_space<vmem>> -> memref<64xf32, #tpu.memory_space<vmem>>
      %dma_start3A_629 = arith.constant 0 : i32
      %dma_start3A_630 = tpu.memref_slice %arg5[%squeeze3A_613, %dma_start3A_629] : memref<1000000x64xf32, #tpu.memory_space<hbm>> -> memref<1x64xf32, #tpu.memory_space<hbm>>
      %dma_start3A_631 = tpu.memref_squeeze %dma_start3A_630 : memref<1x64xf32, #tpu.memory_space<hbm>> -> memref<64xf32, #tpu.memory_space<hbm>>
      tpu.enqueue_dma source(%dma_start3A_631 : memref<64xf32, #tpu.memory_space<hbm>>) target(%dma_start3A_628 : memref<64xf32, #tpu.memory_space<vmem>>) target_semaphore(%arg13 : memref<!tpu.dma_semaphore, #tpu.memory_space<semaphore_mem>>)
      %slice3A_632 = vector.extract_strided_slice %get3A_471 {offsets = [8], sizes = [1], strides = [1]} : vector<16xi32> to vector<1xi32>
      %squeeze3A_633 = vector.extract %slice3A_632[0] : i32 from vector<1xi32>
      %mul3A_634 = arith.constant 32 : i32
      %mul3A_635 = arith.muli %scan3A_142, %mul3A_634 : i32
      %add3A_636 = arith.constant 16 : i32
      %add3A_637 = arith.addi %mul3A_635, %add3A_636 : i32
      %add3A_638 = arith.constant 8 : i32
      %add3A_639 = arith.addi %add3A_637, %add3A_638 : i32
      %dma_start3A_640 = arith.constant 0 : i32
      %dma_start3A_641 = tpu.memref_slice %arg9[%add3A_639, %dma_start3A_640] : memref<256x64xf32, #tpu.memory_space<vmem>> -> memref<1x64xf32, #tpu.memory_space<vmem>>
      %dma_start3A_642 = tpu.memref_squeeze %dma_start3A_641 : memref<1x64xf32, #tpu.memory_space<vmem>> -> memref<64xf32, #tpu.memory_space<vmem>>
      %dma_start3A_643 = arith.constant 0 : i32
      %dma_start3A_644 = tpu.memref_slice %arg5[%squeeze3A_633, %dma_start3A_643] : memref<1000000x64xf32, #tpu.memory_space<hbm>> -> memref<1x64xf32, #tpu.memory_space<hbm>>
      %dma_start3A_645 = tpu.memref_squeeze %dma_start3A_644 : memref<1x64xf32, #tpu.memory_space<hbm>> -> memref<64xf32, #tpu.memory_space<hbm>>
      %dma_start3A_646 = arith.constant 0 : i32
      %dma_start3A_647 = tpu.memref_slice %arg9[%add3A_639, %dma_start3A_646] : memref<256x64xf32, #tpu.memory_space<vmem>> -> memref<1x64xf32, #tpu.memory_space<vmem>>
      %dma_start3A_648 = tpu.memref_squeeze %dma_start3A_647 : memref<1x64xf32, #tpu.memory_space<vmem>> -> memref<64xf32, #tpu.memory_space<vmem>>
      %dma_start3A_649 = arith.constant 0 : i32
      %dma_start3A_650 = tpu.memref_slice %arg5[%squeeze3A_633, %dma_start3A_649] : memref<1000000x64xf32, #tpu.memory_space<hbm>> -> memref<1x64xf32, #tpu.memory_space<hbm>>
      %dma_start3A_651 = tpu.memref_squeeze %dma_start3A_650 : memref<1x64xf32, #tpu.memory_space<hbm>> -> memref<64xf32, #tpu.memory_space<hbm>>
      tpu.enqueue_dma source(%dma_start3A_651 : memref<64xf32, #tpu.memory_space<hbm>>) target(%dma_start3A_648 : memref<64xf32, #tpu.memory_space<vmem>>) target_semaphore(%arg13 : memref<!tpu.dma_semaphore, #tpu.memory_space<semaphore_mem>>)
      %slice3A_652 = vector.extract_strided_slice %get3A_471 {offsets = [9], sizes = [1], strides = [1]} : vector<16xi32> to vector<1xi32>
      %squeeze3A_653 = vector.extract %slice3A_652[0] : i32 from vector<1xi32>
      %mul3A_654 = arith.constant 32 : i32
      %mul3A_655 = arith.muli %scan3A_142, %mul3A_654 : i32
      %add3A_656 = arith.constant 16 : i32
      %add3A_657 = arith.addi %mul3A_655, %add3A_656 : i32
      %add3A_658 = arith.constant 9 : i32
      %add3A_659 = arith.addi %add3A_657, %add3A_658 : i32
      %dma_start3A_660 = arith.constant 0 : i32
      %dma_start3A_661 = tpu.memref_slice %arg9[%add3A_659, %dma_start3A_660] : memref<256x64xf32, #tpu.memory_space<vmem>> -> memref<1x64xf32, #tpu.memory_space<vmem>>
      %dma_start3A_662 = tpu.memref_squeeze %dma_start3A_661 : memref<1x64xf32, #tpu.memory_space<vmem>> -> memref<64xf32, #tpu.memory_space<vmem>>
      %dma_start3A_663 = arith.constant 0 : i32
      %dma_start3A_664 = tpu.memref_slice %arg5[%squeeze3A_653, %dma_start3A_663] : memref<1000000x64xf32, #tpu.memory_space<hbm>> -> memref<1x64xf32, #tpu.memory_space<hbm>>
      %dma_start3A_665 = tpu.memref_squeeze %dma_start3A_664 : memref<1x64xf32, #tpu.memory_space<hbm>> -> memref<64xf32, #tpu.memory_space<hbm>>
      %dma_start3A_666 = arith.constant 0 : i32
      %dma_start3A_667 = tpu.memref_slice %arg9[%add3A_659, %dma_start3A_666] : memref<256x64xf32, #tpu.memory_space<vmem>> -> memref<1x64xf32, #tpu.memory_space<vmem>>
      %dma_start3A_668 = tpu.memref_squeeze %dma_start3A_667 : memref<1x64xf32, #tpu.memory_space<vmem>> -> memref<64xf32, #tpu.memory_space<vmem>>
      %dma_start3A_669 = arith.constant 0 : i32
      %dma_start3A_670 = tpu.memref_slice %arg5[%squeeze3A_653, %dma_start3A_669] : memref<1000000x64xf32, #tpu.memory_space<hbm>> -> memref<1x64xf32, #tpu.memory_space<hbm>>
      %dma_start3A_671 = tpu.memref_squeeze %dma_start3A_670 : memref<1x64xf32, #tpu.memory_space<hbm>> -> memref<64xf32, #tpu.memory_space<hbm>>
      tpu.enqueue_dma source(%dma_start3A_671 : memref<64xf32, #tpu.memory_space<hbm>>) target(%dma_start3A_668 : memref<64xf32, #tpu.memory_space<vmem>>) target_semaphore(%arg13 : memref<!tpu.dma_semaphore, #tpu.memory_space<semaphore_mem>>)
      %slice3A_672 = vector.extract_strided_slice %get3A_471 {offsets = [10], sizes = [1], strides = [1]} : vector<16xi32> to vector<1xi32>
      %squeeze3A_673 = vector.extract %slice3A_672[0] : i32 from vector<1xi32>
      %mul3A_674 = arith.constant 32 : i32
      %mul3A_675 = arith.muli %scan3A_142, %mul3A_674 : i32
      %add3A_676 = arith.constant 16 : i32
      %add3A_677 = arith.addi %mul3A_675, %add3A_676 : i32
      %add3A_678 = arith.constant 10 : i32
      %add3A_679 = arith.addi %add3A_677, %add3A_678 : i32
      %dma_start3A_680 = arith.constant 0 : i32
      %dma_start3A_681 = tpu.memref_slice %arg9[%add3A_679, %dma_start3A_680] : memref<256x64xf32, #tpu.memory_space<vmem>> -> memref<1x64xf32, #tpu.memory_space<vmem>>
      %dma_start3A_682 = tpu.memref_squeeze %dma_start3A_681 : memref<1x64xf32, #tpu.memory_space<vmem>> -> memref<64xf32, #tpu.memory_space<vmem>>
      %dma_start3A_683 = arith.constant 0 : i32
      %dma_start3A_684 = tpu.memref_slice %arg5[%squeeze3A_673, %dma_start3A_683] : memref<1000000x64xf32, #tpu.memory_space<hbm>> -> memref<1x64xf32, #tpu.memory_space<hbm>>
      %dma_start3A_685 = tpu.memref_squeeze %dma_start3A_684 : memref<1x64xf32, #tpu.memory_space<hbm>> -> memref<64xf32, #tpu.memory_space<hbm>>
      %dma_start3A_686 = arith.constant 0 : i32
      %dma_start3A_687 = tpu.memref_slice %arg9[%add3A_679, %dma_start3A_686] : memref<256x64xf32, #tpu.memory_space<vmem>> -> memref<1x64xf32, #tpu.memory_space<vmem>>
      %dma_start3A_688 = tpu.memref_squeeze %dma_start3A_687 : memref<1x64xf32, #tpu.memory_space<vmem>> -> memref<64xf32, #tpu.memory_space<vmem>>
      %dma_start3A_689 = arith.constant 0 : i32
      %dma_start3A_690 = tpu.memref_slice %arg5[%squeeze3A_673, %dma_start3A_689] : memref<1000000x64xf32, #tpu.memory_space<hbm>> -> memref<1x64xf32, #tpu.memory_space<hbm>>
      %dma_start3A_691 = tpu.memref_squeeze %dma_start3A_690 : memref<1x64xf32, #tpu.memory_space<hbm>> -> memref<64xf32, #tpu.memory_space<hbm>>
      tpu.enqueue_dma source(%dma_start3A_691 : memref<64xf32, #tpu.memory_space<hbm>>) target(%dma_start3A_688 : memref<64xf32, #tpu.memory_space<vmem>>) target_semaphore(%arg13 : memref<!tpu.dma_semaphore, #tpu.memory_space<semaphore_mem>>)
      %slice3A_692 = vector.extract_strided_slice %get3A_471 {offsets = [11], sizes = [1], strides = [1]} : vector<16xi32> to vector<1xi32>
      %squeeze3A_693 = vector.extract %slice3A_692[0] : i32 from vector<1xi32>
      %mul3A_694 = arith.constant 32 : i32
      %mul3A_695 = arith.muli %scan3A_142, %mul3A_694 : i32
      %add3A_696 = arith.constant 16 : i32
      %add3A_697 = arith.addi %mul3A_695, %add3A_696 : i32
      %add3A_698 = arith.constant 11 : i32
      %add3A_699 = arith.addi %add3A_697, %add3A_698 : i32
      %dma_start3A_700 = arith.constant 0 : i32
      %dma_start3A_701 = tpu.memref_slice %arg9[%add3A_699, %dma_start3A_700] : memref<256x64xf32, #tpu.memory_space<vmem>> -> memref<1x64xf32, #tpu.memory_space<vmem>>
      %dma_start3A_702 = tpu.memref_squeeze %dma_start3A_701 : memref<1x64xf32, #tpu.memory_space<vmem>> -> memref<64xf32, #tpu.memory_space<vmem>>
      %dma_start3A_703 = arith.constant 0 : i32
      %dma_start3A_704 = tpu.memref_slice %arg5[%squeeze3A_693, %dma_start3A_703] : memref<1000000x64xf32, #tpu.memory_space<hbm>> -> memref<1x64xf32, #tpu.memory_space<hbm>>
      %dma_start3A_705 = tpu.memref_squeeze %dma_start3A_704 : memref<1x64xf32, #tpu.memory_space<hbm>> -> memref<64xf32, #tpu.memory_space<hbm>>
      %dma_start3A_706 = arith.constant 0 : i32
      %dma_start3A_707 = tpu.memref_slice %arg9[%add3A_699, %dma_start3A_706] : memref<256x64xf32, #tpu.memory_space<vmem>> -> memref<1x64xf32, #tpu.memory_space<vmem>>
      %dma_start3A_708 = tpu.memref_squeeze %dma_start3A_707 : memref<1x64xf32, #tpu.memory_space<vmem>> -> memref<64xf32, #tpu.memory_space<vmem>>
      %dma_start3A_709 = arith.constant 0 : i32
      %dma_start3A_710 = tpu.memref_slice %arg5[%squeeze3A_693, %dma_start3A_709] : memref<1000000x64xf32, #tpu.memory_space<hbm>> -> memref<1x64xf32, #tpu.memory_space<hbm>>
      %dma_start3A_711 = tpu.memref_squeeze %dma_start3A_710 : memref<1x64xf32, #tpu.memory_space<hbm>> -> memref<64xf32, #tpu.memory_space<hbm>>
      tpu.enqueue_dma source(%dma_start3A_711 : memref<64xf32, #tpu.memory_space<hbm>>) target(%dma_start3A_708 : memref<64xf32, #tpu.memory_space<vmem>>) target_semaphore(%arg13 : memref<!tpu.dma_semaphore, #tpu.memory_space<semaphore_mem>>)
      %slice3A_712 = vector.extract_strided_slice %get3A_471 {offsets = [12], sizes = [1], strides = [1]} : vector<16xi32> to vector<1xi32>
      %squeeze3A_713 = vector.extract %slice3A_712[0] : i32 from vector<1xi32>
      %mul3A_714 = arith.constant 32 : i32
      %mul3A_715 = arith.muli %scan3A_142, %mul3A_714 : i32
      %add3A_716 = arith.constant 16 : i32
      %add3A_717 = arith.addi %mul3A_715, %add3A_716 : i32
      %add3A_718 = arith.constant 12 : i32
      %add3A_719 = arith.addi %add3A_717, %add3A_718 : i32
      %dma_start3A_720 = arith.constant 0 : i32
      %dma_start3A_721 = tpu.memref_slice %arg9[%add3A_719, %dma_start3A_720] : memref<256x64xf32, #tpu.memory_space<vmem>> -> memref<1x64xf32, #tpu.memory_space<vmem>>
      %dma_start3A_722 = tpu.memref_squeeze %dma_start3A_721 : memref<1x64xf32, #tpu.memory_space<vmem>> -> memref<64xf32, #tpu.memory_space<vmem>>
      %dma_start3A_723 = arith.constant 0 : i32
      %dma_start3A_724 = tpu.memref_slice %arg5[%squeeze3A_713, %dma_start3A_723] : memref<1000000x64xf32, #tpu.memory_space<hbm>> -> memref<1x64xf32, #tpu.memory_space<hbm>>
      %dma_start3A_725 = tpu.memref_squeeze %dma_start3A_724 : memref<1x64xf32, #tpu.memory_space<hbm>> -> memref<64xf32, #tpu.memory_space<hbm>>
      %dma_start3A_726 = arith.constant 0 : i32
      %dma_start3A_727 = tpu.memref_slice %arg9[%add3A_719, %dma_start3A_726] : memref<256x64xf32, #tpu.memory_space<vmem>> -> memref<1x64xf32, #tpu.memory_space<vmem>>
      %dma_start3A_728 = tpu.memref_squeeze %dma_start3A_727 : memref<1x64xf32, #tpu.memory_space<vmem>> -> memref<64xf32, #tpu.memory_space<vmem>>
      %dma_start3A_729 = arith.constant 0 : i32
      %dma_start3A_730 = tpu.memref_slice %arg5[%squeeze3A_713, %dma_start3A_729] : memref<1000000x64xf32, #tpu.memory_space<hbm>> -> memref<1x64xf32, #tpu.memory_space<hbm>>
      %dma_start3A_731 = tpu.memref_squeeze %dma_start3A_730 : memref<1x64xf32, #tpu.memory_space<hbm>> -> memref<64xf32, #tpu.memory_space<hbm>>
      tpu.enqueue_dma source(%dma_start3A_731 : memref<64xf32, #tpu.memory_space<hbm>>) target(%dma_start3A_728 : memref<64xf32, #tpu.memory_space<vmem>>) target_semaphore(%arg13 : memref<!tpu.dma_semaphore, #tpu.memory_space<semaphore_mem>>)
      %slice3A_732 = vector.extract_strided_slice %get3A_471 {offsets = [13], sizes = [1], strides = [1]} : vector<16xi32> to vector<1xi32>
      %squeeze3A_733 = vector.extract %slice3A_732[0] : i32 from vector<1xi32>
      %mul3A_734 = arith.constant 32 : i32
      %mul3A_735 = arith.muli %scan3A_142, %mul3A_734 : i32
      %add3A_736 = arith.constant 16 : i32
      %add3A_737 = arith.addi %mul3A_735, %add3A_736 : i32
      %add3A_738 = arith.constant 13 : i32
      %add3A_739 = arith.addi %add3A_737, %add3A_738 : i32
      %dma_start3A_740 = arith.constant 0 : i32
      %dma_start3A_741 = tpu.memref_slice %arg9[%add3A_739, %dma_start3A_740] : memref<256x64xf32, #tpu.memory_space<vmem>> -> memref<1x64xf32, #tpu.memory_space<vmem>>
      %dma_start3A_742 = tpu.memref_squeeze %dma_start3A_741 : memref<1x64xf32, #tpu.memory_space<vmem>> -> memref<64xf32, #tpu.memory_space<vmem>>
      %dma_start3A_743 = arith.constant 0 : i32
      %dma_start3A_744 = tpu.memref_slice %arg5[%squeeze3A_733, %dma_start3A_743] : memref<1000000x64xf32, #tpu.memory_space<hbm>> -> memref<1x64xf32, #tpu.memory_space<hbm>>
      %dma_start3A_745 = tpu.memref_squeeze %dma_start3A_744 : memref<1x64xf32, #tpu.memory_space<hbm>> -> memref<64xf32, #tpu.memory_space<hbm>>
      %dma_start3A_746 = arith.constant 0 : i32
      %dma_start3A_747 = tpu.memref_slice %arg9[%add3A_739, %dma_start3A_746] : memref<256x64xf32, #tpu.memory_space<vmem>> -> memref<1x64xf32, #tpu.memory_space<vmem>>
      %dma_start3A_748 = tpu.memref_squeeze %dma_start3A_747 : memref<1x64xf32, #tpu.memory_space<vmem>> -> memref<64xf32, #tpu.memory_space<vmem>>
      %dma_start3A_749 = arith.constant 0 : i32
      %dma_start3A_750 = tpu.memref_slice %arg5[%squeeze3A_733, %dma_start3A_749] : memref<1000000x64xf32, #tpu.memory_space<hbm>> -> memref<1x64xf32, #tpu.memory_space<hbm>>
      %dma_start3A_751 = tpu.memref_squeeze %dma_start3A_750 : memref<1x64xf32, #tpu.memory_space<hbm>> -> memref<64xf32, #tpu.memory_space<hbm>>
      tpu.enqueue_dma source(%dma_start3A_751 : memref<64xf32, #tpu.memory_space<hbm>>) target(%dma_start3A_748 : memref<64xf32, #tpu.memory_space<vmem>>) target_semaphore(%arg13 : memref<!tpu.dma_semaphore, #tpu.memory_space<semaphore_mem>>)
      %slice3A_752 = vector.extract_strided_slice %get3A_471 {offsets = [14], sizes = [1], strides = [1]} : vector<16xi32> to vector<1xi32>
      %squeeze3A_753 = vector.extract %slice3A_752[0] : i32 from vector<1xi32>
      %mul3A_754 = arith.constant 32 : i32
      %mul3A_755 = arith.muli %scan3A_142, %mul3A_754 : i32
      %add3A_756 = arith.constant 16 : i32
      %add3A_757 = arith.addi %mul3A_755, %add3A_756 : i32
      %add3A_758 = arith.constant 14 : i32
      %add3A_759 = arith.addi %add3A_757, %add3A_758 : i32
      %dma_start3A_760 = arith.constant 0 : i32
      %dma_start3A_761 = tpu.memref_slice %arg9[%add3A_759, %dma_start3A_760] : memref<256x64xf32, #tpu.memory_space<vmem>> -> memref<1x64xf32, #tpu.memory_space<vmem>>
      %dma_start3A_762 = tpu.memref_squeeze %dma_start3A_761 : memref<1x64xf32, #tpu.memory_space<vmem>> -> memref<64xf32, #tpu.memory_space<vmem>>
      %dma_start3A_763 = arith.constant 0 : i32
      %dma_start3A_764 = tpu.memref_slice %arg5[%squeeze3A_753, %dma_start3A_763] : memref<1000000x64xf32, #tpu.memory_space<hbm>> -> memref<1x64xf32, #tpu.memory_space<hbm>>
      %dma_start3A_765 = tpu.memref_squeeze %dma_start3A_764 : memref<1x64xf32, #tpu.memory_space<hbm>> -> memref<64xf32, #tpu.memory_space<hbm>>
      %dma_start3A_766 = arith.constant 0 : i32
      %dma_start3A_767 = tpu.memref_slice %arg9[%add3A_759, %dma_start3A_766] : memref<256x64xf32, #tpu.memory_space<vmem>> -> memref<1x64xf32, #tpu.memory_space<vmem>>
      %dma_start3A_768 = tpu.memref_squeeze %dma_start3A_767 : memref<1x64xf32, #tpu.memory_space<vmem>> -> memref<64xf32, #tpu.memory_space<vmem>>
      %dma_start3A_769 = arith.constant 0 : i32
      %dma_start3A_770 = tpu.memref_slice %arg5[%squeeze3A_753, %dma_start3A_769] : memref<1000000x64xf32, #tpu.memory_space<hbm>> -> memref<1x64xf32, #tpu.memory_space<hbm>>
      %dma_start3A_771 = tpu.memref_squeeze %dma_start3A_770 : memref<1x64xf32, #tpu.memory_space<hbm>> -> memref<64xf32, #tpu.memory_space<hbm>>
      tpu.enqueue_dma source(%dma_start3A_771 : memref<64xf32, #tpu.memory_space<hbm>>) target(%dma_start3A_768 : memref<64xf32, #tpu.memory_space<vmem>>) target_semaphore(%arg13 : memref<!tpu.dma_semaphore, #tpu.memory_space<semaphore_mem>>)
      %slice3A_772 = vector.extract_strided_slice %get3A_471 {offsets = [15], sizes = [1], strides = [1]} : vector<16xi32> to vector<1xi32>
      %squeeze3A_773 = vector.extract %slice3A_772[0] : i32 from vector<1xi32>
      %mul3A_774 = arith.constant 32 : i32
      %mul3A_775 = arith.muli %scan3A_142, %mul3A_774 : i32
      %add3A_776 = arith.constant 16 : i32
      %add3A_777 = arith.addi %mul3A_775, %add3A_776 : i32
      %add3A_778 = arith.constant 15 : i32
      %add3A_779 = arith.addi %add3A_777, %add3A_778 : i32
      %dma_start3A_780 = arith.constant 0 : i32
      %dma_start3A_781 = tpu.memref_slice %arg9[%add3A_779, %dma_start3A_780] : memref<256x64xf32, #tpu.memory_space<vmem>> -> memref<1x64xf32, #tpu.memory_space<vmem>>
      %dma_start3A_782 = tpu.memref_squeeze %dma_start3A_781 : memref<1x64xf32, #tpu.memory_space<vmem>> -> memref<64xf32, #tpu.memory_space<vmem>>
      %dma_start3A_783 = arith.constant 0 : i32
      %dma_start3A_784 = tpu.memref_slice %arg5[%squeeze3A_773, %dma_start3A_783] : memref<1000000x64xf32, #tpu.memory_space<hbm>> -> memref<1x64xf32, #tpu.memory_space<hbm>>
      %dma_start3A_785 = tpu.memref_squeeze %dma_start3A_784 : memref<1x64xf32, #tpu.memory_space<hbm>> -> memref<64xf32, #tpu.memory_space<hbm>>
      %dma_start3A_786 = arith.constant 0 : i32
      %dma_start3A_787 = tpu.memref_slice %arg9[%add3A_779, %dma_start3A_786] : memref<256x64xf32, #tpu.memory_space<vmem>> -> memref<1x64xf32, #tpu.memory_space<vmem>>
      %dma_start3A_788 = tpu.memref_squeeze %dma_start3A_787 : memref<1x64xf32, #tpu.memory_space<vmem>> -> memref<64xf32, #tpu.memory_space<vmem>>
      %dma_start3A_789 = arith.constant 0 : i32
      %dma_start3A_790 = tpu.memref_slice %arg5[%squeeze3A_773, %dma_start3A_789] : memref<1000000x64xf32, #tpu.memory_space<hbm>> -> memref<1x64xf32, #tpu.memory_space<hbm>>
      %dma_start3A_791 = tpu.memref_squeeze %dma_start3A_790 : memref<1x64xf32, #tpu.memory_space<hbm>> -> memref<64xf32, #tpu.memory_space<hbm>>
      tpu.enqueue_dma source(%dma_start3A_791 : memref<64xf32, #tpu.memory_space<hbm>>) target(%dma_start3A_788 : memref<64xf32, #tpu.memory_space<vmem>>) target_semaphore(%arg13 : memref<!tpu.dma_semaphore, #tpu.memory_space<semaphore_mem>>)
    }
    %scan3A_108 = arith.constant 8 : i32
    "tpu.region"() ({
      %run_scoped3A = tpu.sem_alloc : memref<!tpu.dma_semaphore, #tpu.memory_space<semaphore_mem>>
      %dma_start3A = arith.constant 0 : i32
      %dma_start3A_142 = arith.constant 0 : i32
      %dma_start3A_143 = tpu.memref_slice %arg4[%add3A, %dma_start3A, %dma_start3A_142] : memref<32x512x64xf32, #tpu.memory_space<hbm>> -> memref<1x256x64xf32, #tpu.memory_space<hbm>>
      %dma_start3A_144 = tpu.memref_squeeze %dma_start3A_143 : memref<1x256x64xf32, #tpu.memory_space<hbm>> -> memref<256x64xf32, #tpu.memory_space<hbm>>
      %dma_start3A_145 = arith.constant 0 : i32
      %dma_start3A_146 = arith.constant 0 : i32
      %dma_start3A_147 = tpu.memref_slice %arg4[%add3A, %dma_start3A_145, %dma_start3A_146] : memref<32x512x64xf32, #tpu.memory_space<hbm>> -> memref<1x256x64xf32, #tpu.memory_space<hbm>>
      %dma_start3A_148 = tpu.memref_squeeze %dma_start3A_147 : memref<1x256x64xf32, #tpu.memory_space<hbm>> -> memref<256x64xf32, #tpu.memory_space<hbm>>
      tpu.enqueue_dma source(%dma_start3A_148 : memref<256x64xf32, #tpu.memory_space<hbm>>) target(%arg10 : memref<256x64xf32, #tpu.memory_space<vmem>>) target_semaphore(%run_scoped3A : memref<!tpu.dma_semaphore, #tpu.memory_space<semaphore_mem>>)
      %dma_wait3A_149 = arith.constant 0 : i32
      %dma_wait3A_150 = arith.constant 0 : i32
      %dma_wait3A_151 = tpu.memref_slice %arg4[%add3A, %dma_wait3A_149, %dma_wait3A_150] : memref<32x512x64xf32, #tpu.memory_space<hbm>> -> memref<1x256x64xf32, #tpu.memory_space<hbm>>
      %dma_wait3A_152 = tpu.memref_squeeze %dma_wait3A_151 : memref<1x256x64xf32, #tpu.memory_space<hbm>> -> memref<256x64xf32, #tpu.memory_space<hbm>>
      %dma_wait3A_153 = arith.constant 0 : i32
      %dma_wait3A_154 = arith.constant 0 : i32
      %dma_wait3A_155 = tpu.memref_slice %arg4[%add3A, %dma_wait3A_153, %dma_wait3A_154] : memref<32x512x64xf32, #tpu.memory_space<hbm>> -> memref<1x256x64xf32, #tpu.memory_space<hbm>>
      %dma_wait3A_156 = tpu.memref_squeeze %dma_wait3A_155 : memref<1x256x64xf32, #tpu.memory_space<hbm>> -> memref<256x64xf32, #tpu.memory_space<hbm>>
      tpu.wait_dma2 semaphore(%run_scoped3A : memref<!tpu.dma_semaphore, #tpu.memory_space<semaphore_mem>>) src(%dma_wait3A_156 : memref<256x64xf32, #tpu.memory_space<hbm>>) dst(%arg10 : memref<256x64xf32, #tpu.memory_space<vmem>>)
      tpu.yield
    }) : () -> ()
    %dma_wait3A = arith.constant 0 : i32
    %dma_wait3A_109 = arith.constant 0 : i32
    %dma_wait3A_110 = tpu.memref_slice %arg4[%add3A, %dma_wait3A, %dma_wait3A_109] : memref<32x512x64xf32, #tpu.memory_space<hbm>> -> memref<1x256x64xf32, #tpu.memory_space<hbm>>
    %dma_wait3A_111 = tpu.memref_squeeze %dma_wait3A_110 : memref<1x256x64xf32, #tpu.memory_space<hbm>> -> memref<256x64xf32, #tpu.memory_space<hbm>>
    %dma_wait3A_112 = arith.constant 0 : i32
    %dma_wait3A_113 = arith.constant 0 : i32
    %dma_wait3A_114 = tpu.memref_slice %arg4[%add3A, %dma_wait3A_112, %dma_wait3A_113] : memref<32x512x64xf32, #tpu.memory_space<hbm>> -> memref<1x256x64xf32, #tpu.memory_space<hbm>>
    %dma_wait3A_115 = tpu.memref_squeeze %dma_wait3A_114 : memref<1x256x64xf32, #tpu.memory_space<hbm>> -> memref<256x64xf32, #tpu.memory_space<hbm>>
    tpu.wait_dma2 semaphore(%arg13 : memref<!tpu.dma_semaphore, #tpu.memory_space<semaphore_mem>>) src(%dma_wait3A_115 : memref<256x64xf32, #tpu.memory_space<hbm>>) dst(%arg9 : memref<256x64xf32, #tpu.memory_space<vmem>>)
    %scan3A_116 = arith.constant 0 : i32
    %scan3A_117 = arith.constant 0 : i32
    %scan3A_118 = arith.constant 16 : i32
    %scan3A_119 = arith.addi %scan3A_117, %scan3A_118 : i32
    %scan3A_120 = arith.constant 1 : i32
    scf.for %scan3A_142 = %scan3A_117 to %scan3A_119 step %scan3A_120  : i32 {
      %mul3A_143 = arith.constant 16 : i32
      %mul3A_144 = arith.muli %scan3A_142, %mul3A_143 : i32
      %add3A_145 = vector.broadcast %mul3A_144 : i32 to vector<16xi32>
      %add3A_146 = arith.addi %add3A_145, %iota3A : vector<16xi32>
      %broadcast_in_dim3A_147 = arith.constant 0.000000e+00 : f32
      %broadcast_in_dim3A_148 = vector.broadcast %broadcast_in_dim3A_147 : f32 to vector<16xf32>
      %broadcast_in_dim3A_149 = arith.constant 0 : i32
      %broadcast_in_dim3A_150 = vector.broadcast %broadcast_in_dim3A_149 : i32 to vector<16xi32>
      %gather3A = tpu.vector_load_idx %arg9[%add3A_146, %broadcast_in_dim3A_150] : memref<256x64xf32, #tpu.memory_space<vmem>>[vector<16xi32>, vector<16xi32>], vector<16xf32>,
      %mul3A_151 = arith.mulf %gather3A, %gather3A : vector<16xf32>
      %add3A_152 = arith.addf %broadcast_in_dim3A_148, %mul3A_151 : vector<16xf32>
      %broadcast_in_dim3A_153 = arith.constant 1 : i32
      %broadcast_in_dim3A_154 = vector.broadcast %broadcast_in_dim3A_153 : i32 to vector<16xi32>
      %gather3A_155 = tpu.vector_load_idx %arg9[%add3A_146, %broadcast_in_dim3A_154] : memref<256x64xf32, #tpu.memory_space<vmem>>[vector<16xi32>, vector<16xi32>], vector<16xf32>,
      %mul3A_156 = arith.mulf %gather3A_155, %gather3A_155 : vector<16xf32>
      %add3A_157 = arith.addf %add3A_152, %mul3A_156 : vector<16xf32>
      %broadcast_in_dim3A_158 = arith.constant 2 : i32
      %broadcast_in_dim3A_159 = vector.broadcast %broadcast_in_dim3A_158 : i32 to vector<16xi32>
      %gather3A_160 = tpu.vector_load_idx %arg9[%add3A_146, %broadcast_in_dim3A_159] : memref<256x64xf32, #tpu.memory_space<vmem>>[vector<16xi32>, vector<16xi32>], vector<16xf32>,
      %mul3A_161 = arith.mulf %gather3A_160, %gather3A_160 : vector<16xf32>
      %add3A_162 = arith.addf %add3A_157, %mul3A_161 : vector<16xf32>
      %broadcast_in_dim3A_163 = arith.constant 3 : i32
      %broadcast_in_dim3A_164 = vector.broadcast %broadcast_in_dim3A_163 : i32 to vector<16xi32>
      %gather3A_165 = tpu.vector_load_idx %arg9[%add3A_146, %broadcast_in_dim3A_164] : memref<256x64xf32, #tpu.memory_space<vmem>>[vector<16xi32>, vector<16xi32>], vector<16xf32>,
      %mul3A_166 = arith.mulf %gather3A_165, %gather3A_165 : vector<16xf32>
      %add3A_167 = arith.addf %add3A_162, %mul3A_166 : vector<16xf32>
      %broadcast_in_dim3A_168 = arith.constant 4 : i32
      %broadcast_in_dim3A_169 = vector.broadcast %broadcast_in_dim3A_168 : i32 to vector<16xi32>
      %gather3A_170 = tpu.vector_load_idx %arg9[%add3A_146, %broadcast_in_dim3A_169] : memref<256x64xf32, #tpu.memory_space<vmem>>[vector<16xi32>, vector<16xi32>], vector<16xf32>,
      %mul3A_171 = arith.mulf %gather3A_170, %gather3A_170 : vector<16xf32>
      %add3A_172 = arith.addf %add3A_167, %mul3A_171 : vector<16xf32>
      %broadcast_in_dim3A_173 = arith.constant 5 : i32
      %broadcast_in_dim3A_174 = vector.broadcast %broadcast_in_dim3A_173 : i32 to vector<16xi32>
      %gather3A_175 = tpu.vector_load_idx %arg9[%add3A_146, %broadcast_in_dim3A_174] : memref<256x64xf32, #tpu.memory_space<vmem>>[vector<16xi32>, vector<16xi32>], vector<16xf32>,
      %mul3A_176 = arith.mulf %gather3A_175, %gather3A_175 : vector<16xf32>
      %add3A_177 = arith.addf %add3A_172, %mul3A_176 : vector<16xf32>
      %broadcast_in_dim3A_178 = arith.constant 6 : i32
      %broadcast_in_dim3A_179 = vector.broadcast %broadcast_in_dim3A_178 : i32 to vector<16xi32>
      %gather3A_180 = tpu.vector_load_idx %arg9[%add3A_146, %broadcast_in_dim3A_179] : memref<256x64xf32, #tpu.memory_space<vmem>>[vector<16xi32>, vector<16xi32>], vector<16xf32>,
      %mul3A_181 = arith.mulf %gather3A_180, %gather3A_180 : vector<16xf32>
      %add3A_182 = arith.addf %add3A_177, %mul3A_181 : vector<16xf32>
      %broadcast_in_dim3A_183 = arith.constant 7 : i32
      %broadcast_in_dim3A_184 = vector.broadcast %broadcast_in_dim3A_183 : i32 to vector<16xi32>
      %gather3A_185 = tpu.vector_load_idx %arg9[%add3A_146, %broadcast_in_dim3A_184] : memref<256x64xf32, #tpu.memory_space<vmem>>[vector<16xi32>, vector<16xi32>], vector<16xf32>,
      %mul3A_186 = arith.mulf %gather3A_185, %gather3A_185 : vector<16xf32>
      %add3A_187 = arith.addf %add3A_182, %mul3A_186 : vector<16xf32>
      %broadcast_in_dim3A_188 = arith.constant 8 : i32
      %broadcast_in_dim3A_189 = vector.broadcast %broadcast_in_dim3A_188 : i32 to vector<16xi32>
      %gather3A_190 = tpu.vector_load_idx %arg9[%add3A_146, %broadcast_in_dim3A_189] : memref<256x64xf32, #tpu.memory_space<vmem>>[vector<16xi32>, vector<16xi32>], vector<16xf32>,
      %mul3A_191 = arith.mulf %gather3A_190, %gather3A_190 : vector<16xf32>
      %add3A_192 = arith.addf %add3A_187, %mul3A_191 : vector<16xf32>
      %broadcast_in_dim3A_193 = arith.constant 9 : i32
      %broadcast_in_dim3A_194 = vector.broadcast %broadcast_in_dim3A_193 : i32 to vector<16xi32>
      %gather3A_195 = tpu.vector_load_idx %arg9[%add3A_146, %broadcast_in_dim3A_194] : memref<256x64xf32, #tpu.memory_space<vmem>>[vector<16xi32>, vector<16xi32>], vector<16xf32>,
      %mul3A_196 = arith.mulf %gather3A_195, %gather3A_195 : vector<16xf32>
      %add3A_197 = arith.addf %add3A_192, %mul3A_196 : vector<16xf32>
      %broadcast_in_dim3A_198 = arith.constant 10 : i32
      %broadcast_in_dim3A_199 = vector.broadcast %broadcast_in_dim3A_198 : i32 to vector<16xi32>
      %gather3A_200 = tpu.vector_load_idx %arg9[%add3A_146, %broadcast_in_dim3A_199] : memref<256x64xf32, #tpu.memory_space<vmem>>[vector<16xi32>, vector<16xi32>], vector<16xf32>,
      %mul3A_201 = arith.mulf %gather3A_200, %gather3A_200 : vector<16xf32>
      %add3A_202 = arith.addf %add3A_197, %mul3A_201 : vector<16xf32>
      %broadcast_in_dim3A_203 = arith.constant 11 : i32
      %broadcast_in_dim3A_204 = vector.broadcast %broadcast_in_dim3A_203 : i32 to vector<16xi32>
      %gather3A_205 = tpu.vector_load_idx %arg9[%add3A_146, %broadcast_in_dim3A_204] : memref<256x64xf32, #tpu.memory_space<vmem>>[vector<16xi32>, vector<16xi32>], vector<16xf32>,
      %mul3A_206 = arith.mulf %gather3A_205, %gather3A_205 : vector<16xf32>
      %add3A_207 = arith.addf %add3A_202, %mul3A_206 : vector<16xf32>
      %broadcast_in_dim3A_208 = arith.constant 12 : i32
      %broadcast_in_dim3A_209 = vector.broadcast %broadcast_in_dim3A_208 : i32 to vector<16xi32>
      %gather3A_210 = tpu.vector_load_idx %arg9[%add3A_146, %broadcast_in_dim3A_209] : memref<256x64xf32, #tpu.memory_space<vmem>>[vector<16xi32>, vector<16xi32>], vector<16xf32>,
      %mul3A_211 = arith.mulf %gather3A_210, %gather3A_210 : vector<16xf32>
      %add3A_212 = arith.addf %add3A_207, %mul3A_211 : vector<16xf32>
      %broadcast_in_dim3A_213 = arith.constant 13 : i32
      %broadcast_in_dim3A_214 = vector.broadcast %broadcast_in_dim3A_213 : i32 to vector<16xi32>
      %gather3A_215 = tpu.vector_load_idx %arg9[%add3A_146, %broadcast_in_dim3A_214] : memref<256x64xf32, #tpu.memory_space<vmem>>[vector<16xi32>, vector<16xi32>], vector<16xf32>,
      %mul3A_216 = arith.mulf %gather3A_215, %gather3A_215 : vector<16xf32>
      %add3A_217 = arith.addf %add3A_212, %mul3A_216 : vector<16xf32>
      %broadcast_in_dim3A_218 = arith.constant 14 : i32
      %broadcast_in_dim3A_219 = vector.broadcast %broadcast_in_dim3A_218 : i32 to vector<16xi32>
      %gather3A_220 = tpu.vector_load_idx %arg9[%add3A_146, %broadcast_in_dim3A_219] : memref<256x64xf32, #tpu.memory_space<vmem>>[vector<16xi32>, vector<16xi32>], vector<16xf32>,
      %mul3A_221 = arith.mulf %gather3A_220, %gather3A_220 : vector<16xf32>
      %add3A_222 = arith.addf %add3A_217, %mul3A_221 : vector<16xf32>
      %broadcast_in_dim3A_223 = arith.constant 15 : i32
      %broadcast_in_dim3A_224 = vector.broadcast %broadcast_in_dim3A_223 : i32 to vector<16xi32>
      %gather3A_225 = tpu.vector_load_idx %arg9[%add3A_146, %broadcast_in_dim3A_224] : memref<256x64xf32, #tpu.memory_space<vmem>>[vector<16xi32>, vector<16xi32>], vector<16xf32>,
      %mul3A_226 = arith.mulf %gather3A_225, %gather3A_225 : vector<16xf32>
      %add3A_227 = arith.addf %add3A_222, %mul3A_226 : vector<16xf32>
      %broadcast_in_dim3A_228 = arith.constant 16 : i32
      %broadcast_in_dim3A_229 = vector.broadcast %broadcast_in_dim3A_228 : i32 to vector<16xi32>
      %gather3A_230 = tpu.vector_load_idx %arg9[%add3A_146, %broadcast_in_dim3A_229] : memref<256x64xf32, #tpu.memory_space<vmem>>[vector<16xi32>, vector<16xi32>], vector<16xf32>,
      %mul3A_231 = arith.mulf %gather3A_230, %gather3A_230 : vector<16xf32>
      %add3A_232 = arith.addf %add3A_227, %mul3A_231 : vector<16xf32>
      %broadcast_in_dim3A_233 = arith.constant 17 : i32
      %broadcast_in_dim3A_234 = vector.broadcast %broadcast_in_dim3A_233 : i32 to vector<16xi32>
      %gather3A_235 = tpu.vector_load_idx %arg9[%add3A_146, %broadcast_in_dim3A_234] : memref<256x64xf32, #tpu.memory_space<vmem>>[vector<16xi32>, vector<16xi32>], vector<16xf32>,
      %mul3A_236 = arith.mulf %gather3A_235, %gather3A_235 : vector<16xf32>
      %add3A_237 = arith.addf %add3A_232, %mul3A_236 : vector<16xf32>
      %broadcast_in_dim3A_238 = arith.constant 18 : i32
      %broadcast_in_dim3A_239 = vector.broadcast %broadcast_in_dim3A_238 : i32 to vector<16xi32>
      %gather3A_240 = tpu.vector_load_idx %arg9[%add3A_146, %broadcast_in_dim3A_239] : memref<256x64xf32, #tpu.memory_space<vmem>>[vector<16xi32>, vector<16xi32>], vector<16xf32>,
      %mul3A_241 = arith.mulf %gather3A_240, %gather3A_240 : vector<16xf32>
      %add3A_242 = arith.addf %add3A_237, %mul3A_241 : vector<16xf32>
      %broadcast_in_dim3A_243 = arith.constant 19 : i32
      %broadcast_in_dim3A_244 = vector.broadcast %broadcast_in_dim3A_243 : i32 to vector<16xi32>
      %gather3A_245 = tpu.vector_load_idx %arg9[%add3A_146, %broadcast_in_dim3A_244] : memref<256x64xf32, #tpu.memory_space<vmem>>[vector<16xi32>, vector<16xi32>], vector<16xf32>,
      %mul3A_246 = arith.mulf %gather3A_245, %gather3A_245 : vector<16xf32>
      %add3A_247 = arith.addf %add3A_242, %mul3A_246 : vector<16xf32>
      %broadcast_in_dim3A_248 = arith.constant 20 : i32
      %broadcast_in_dim3A_249 = vector.broadcast %broadcast_in_dim3A_248 : i32 to vector<16xi32>
      %gather3A_250 = tpu.vector_load_idx %arg9[%add3A_146, %broadcast_in_dim3A_249] : memref<256x64xf32, #tpu.memory_space<vmem>>[vector<16xi32>, vector<16xi32>], vector<16xf32>,
      %mul3A_251 = arith.mulf %gather3A_250, %gather3A_250 : vector<16xf32>
      %add3A_252 = arith.addf %add3A_247, %mul3A_251 : vector<16xf32>
      %broadcast_in_dim3A_253 = arith.constant 21 : i32
      %broadcast_in_dim3A_254 = vector.broadcast %broadcast_in_dim3A_253 : i32 to vector<16xi32>
      %gather3A_255 = tpu.vector_load_idx %arg9[%add3A_146, %broadcast_in_dim3A_254] : memref<256x64xf32, #tpu.memory_space<vmem>>[vector<16xi32>, vector<16xi32>], vector<16xf32>,
      %mul3A_256 = arith.mulf %gather3A_255, %gather3A_255 : vector<16xf32>
      %add3A_257 = arith.addf %add3A_252, %mul3A_256 : vector<16xf32>
      %broadcast_in_dim3A_258 = arith.constant 22 : i32
      %broadcast_in_dim3A_259 = vector.broadcast %broadcast_in_dim3A_258 : i32 to vector<16xi32>
      %gather3A_260 = tpu.vector_load_idx %arg9[%add3A_146, %broadcast_in_dim3A_259] : memref<256x64xf32, #tpu.memory_space<vmem>>[vector<16xi32>, vector<16xi32>], vector<16xf32>,
      %mul3A_261 = arith.mulf %gather3A_260, %gather3A_260 : vector<16xf32>
      %add3A_262 = arith.addf %add3A_257, %mul3A_261 : vector<16xf32>
      %broadcast_in_dim3A_263 = arith.constant 23 : i32
      %broadcast_in_dim3A_264 = vector.broadcast %broadcast_in_dim3A_263 : i32 to vector<16xi32>
      %gather3A_265 = tpu.vector_load_idx %arg9[%add3A_146, %broadcast_in_dim3A_264] : memref<256x64xf32, #tpu.memory_space<vmem>>[vector<16xi32>, vector<16xi32>], vector<16xf32>,
      %mul3A_266 = arith.mulf %gather3A_265, %gather3A_265 : vector<16xf32>
      %add3A_267 = arith.addf %add3A_262, %mul3A_266 : vector<16xf32>
      %broadcast_in_dim3A_268 = arith.constant 24 : i32
      %broadcast_in_dim3A_269 = vector.broadcast %broadcast_in_dim3A_268 : i32 to vector<16xi32>
      %gather3A_270 = tpu.vector_load_idx %arg9[%add3A_146, %broadcast_in_dim3A_269] : memref<256x64xf32, #tpu.memory_space<vmem>>[vector<16xi32>, vector<16xi32>], vector<16xf32>,
      %mul3A_271 = arith.mulf %gather3A_270, %gather3A_270 : vector<16xf32>
      %add3A_272 = arith.addf %add3A_267, %mul3A_271 : vector<16xf32>
      %broadcast_in_dim3A_273 = arith.constant 25 : i32
      %broadcast_in_dim3A_274 = vector.broadcast %broadcast_in_dim3A_273 : i32 to vector<16xi32>
      %gather3A_275 = tpu.vector_load_idx %arg9[%add3A_146, %broadcast_in_dim3A_274] : memref<256x64xf32, #tpu.memory_space<vmem>>[vector<16xi32>, vector<16xi32>], vector<16xf32>,
      %mul3A_276 = arith.mulf %gather3A_275, %gather3A_275 : vector<16xf32>
      %add3A_277 = arith.addf %add3A_272, %mul3A_276 : vector<16xf32>
      %broadcast_in_dim3A_278 = arith.constant 26 : i32
      %broadcast_in_dim3A_279 = vector.broadcast %broadcast_in_dim3A_278 : i32 to vector<16xi32>
      %gather3A_280 = tpu.vector_load_idx %arg9[%add3A_146, %broadcast_in_dim3A_279] : memref<256x64xf32, #tpu.memory_space<vmem>>[vector<16xi32>, vector<16xi32>], vector<16xf32>,
      %mul3A_281 = arith.mulf %gather3A_280, %gather3A_280 : vector<16xf32>
      %add3A_282 = arith.addf %add3A_277, %mul3A_281 : vector<16xf32>
      %broadcast_in_dim3A_283 = arith.constant 27 : i32
      %broadcast_in_dim3A_284 = vector.broadcast %broadcast_in_dim3A_283 : i32 to vector<16xi32>
      %gather3A_285 = tpu.vector_load_idx %arg9[%add3A_146, %broadcast_in_dim3A_284] : memref<256x64xf32, #tpu.memory_space<vmem>>[vector<16xi32>, vector<16xi32>], vector<16xf32>,
      %mul3A_286 = arith.mulf %gather3A_285, %gather3A_285 : vector<16xf32>
      %add3A_287 = arith.addf %add3A_282, %mul3A_286 : vector<16xf32>
      %broadcast_in_dim3A_288 = arith.constant 28 : i32
      %broadcast_in_dim3A_289 = vector.broadcast %broadcast_in_dim3A_288 : i32 to vector<16xi32>
      %gather3A_290 = tpu.vector_load_idx %arg9[%add3A_146, %broadcast_in_dim3A_289] : memref<256x64xf32, #tpu.memory_space<vmem>>[vector<16xi32>, vector<16xi32>], vector<16xf32>,
      %mul3A_291 = arith.mulf %gather3A_290, %gather3A_290 : vector<16xf32>
      %add3A_292 = arith.addf %add3A_287, %mul3A_291 : vector<16xf32>
      %broadcast_in_dim3A_293 = arith.constant 29 : i32
      %broadcast_in_dim3A_294 = vector.broadcast %broadcast_in_dim3A_293 : i32 to vector<16xi32>
      %gather3A_295 = tpu.vector_load_idx %arg9[%add3A_146, %broadcast_in_dim3A_294] : memref<256x64xf32, #tpu.memory_space<vmem>>[vector<16xi32>, vector<16xi32>], vector<16xf32>,
      %mul3A_296 = arith.mulf %gather3A_295, %gather3A_295 : vector<16xf32>
      %add3A_297 = arith.addf %add3A_292, %mul3A_296 : vector<16xf32>
      %broadcast_in_dim3A_298 = arith.constant 30 : i32
      %broadcast_in_dim3A_299 = vector.broadcast %broadcast_in_dim3A_298 : i32 to vector<16xi32>
      %gather3A_300 = tpu.vector_load_idx %arg9[%add3A_146, %broadcast_in_dim3A_299] : memref<256x64xf32, #tpu.memory_space<vmem>>[vector<16xi32>, vector<16xi32>], vector<16xf32>,
      %mul3A_301 = arith.mulf %gather3A_300, %gather3A_300 : vector<16xf32>
      %add3A_302 = arith.addf %add3A_297, %mul3A_301 : vector<16xf32>
      %broadcast_in_dim3A_303 = arith.constant 31 : i32
      %broadcast_in_dim3A_304 = vector.broadcast %broadcast_in_dim3A_303 : i32 to vector<16xi32>
      %gather3A_305 = tpu.vector_load_idx %arg9[%add3A_146, %broadcast_in_dim3A_304] : memref<256x64xf32, #tpu.memory_space<vmem>>[vector<16xi32>, vector<16xi32>], vector<16xf32>,
      %mul3A_306 = arith.mulf %gather3A_305, %gather3A_305 : vector<16xf32>
      %add3A_307 = arith.addf %add3A_302, %mul3A_306 : vector<16xf32>
      %broadcast_in_dim3A_308 = arith.constant 32 : i32
      %broadcast_in_dim3A_309 = vector.broadcast %broadcast_in_dim3A_308 : i32 to vector<16xi32>
      %gather3A_310 = tpu.vector_load_idx %arg9[%add3A_146, %broadcast_in_dim3A_309] : memref<256x64xf32, #tpu.memory_space<vmem>>[vector<16xi32>, vector<16xi32>], vector<16xf32>,
      %mul3A_311 = arith.mulf %gather3A_310, %gather3A_310 : vector<16xf32>
      %add3A_312 = arith.addf %add3A_307, %mul3A_311 : vector<16xf32>
      %broadcast_in_dim3A_313 = arith.constant 33 : i32
      %broadcast_in_dim3A_314 = vector.broadcast %broadcast_in_dim3A_313 : i32 to vector<16xi32>
      %gather3A_315 = tpu.vector_load_idx %arg9[%add3A_146, %broadcast_in_dim3A_314] : memref<256x64xf32, #tpu.memory_space<vmem>>[vector<16xi32>, vector<16xi32>], vector<16xf32>,
      %mul3A_316 = arith.mulf %gather3A_315, %gather3A_315 : vector<16xf32>
      %add3A_317 = arith.addf %add3A_312, %mul3A_316 : vector<16xf32>
      %broadcast_in_dim3A_318 = arith.constant 34 : i32
      %broadcast_in_dim3A_319 = vector.broadcast %broadcast_in_dim3A_318 : i32 to vector<16xi32>
      %gather3A_320 = tpu.vector_load_idx %arg9[%add3A_146, %broadcast_in_dim3A_319] : memref<256x64xf32, #tpu.memory_space<vmem>>[vector<16xi32>, vector<16xi32>], vector<16xf32>,
      %mul3A_321 = arith.mulf %gather3A_320, %gather3A_320 : vector<16xf32>
      %add3A_322 = arith.addf %add3A_317, %mul3A_321 : vector<16xf32>
      %broadcast_in_dim3A_323 = arith.constant 35 : i32
      %broadcast_in_dim3A_324 = vector.broadcast %broadcast_in_dim3A_323 : i32 to vector<16xi32>
      %gather3A_325 = tpu.vector_load_idx %arg9[%add3A_146, %broadcast_in_dim3A_324] : memref<256x64xf32, #tpu.memory_space<vmem>>[vector<16xi32>, vector<16xi32>], vector<16xf32>,
      %mul3A_326 = arith.mulf %gather3A_325, %gather3A_325 : vector<16xf32>
      %add3A_327 = arith.addf %add3A_322, %mul3A_326 : vector<16xf32>
      %broadcast_in_dim3A_328 = arith.constant 36 : i32
      %broadcast_in_dim3A_329 = vector.broadcast %broadcast_in_dim3A_328 : i32 to vector<16xi32>
      %gather3A_330 = tpu.vector_load_idx %arg9[%add3A_146, %broadcast_in_dim3A_329] : memref<256x64xf32, #tpu.memory_space<vmem>>[vector<16xi32>, vector<16xi32>], vector<16xf32>,
      %mul3A_331 = arith.mulf %gather3A_330, %gather3A_330 : vector<16xf32>
      %add3A_332 = arith.addf %add3A_327, %mul3A_331 : vector<16xf32>
      %broadcast_in_dim3A_333 = arith.constant 37 : i32
      %broadcast_in_dim3A_334 = vector.broadcast %broadcast_in_dim3A_333 : i32 to vector<16xi32>
      %gather3A_335 = tpu.vector_load_idx %arg9[%add3A_146, %broadcast_in_dim3A_334] : memref<256x64xf32, #tpu.memory_space<vmem>>[vector<16xi32>, vector<16xi32>], vector<16xf32>,
      %mul3A_336 = arith.mulf %gather3A_335, %gather3A_335 : vector<16xf32>
      %add3A_337 = arith.addf %add3A_332, %mul3A_336 : vector<16xf32>
      %broadcast_in_dim3A_338 = arith.constant 38 : i32
      %broadcast_in_dim3A_339 = vector.broadcast %broadcast_in_dim3A_338 : i32 to vector<16xi32>
      %gather3A_340 = tpu.vector_load_idx %arg9[%add3A_146, %broadcast_in_dim3A_339] : memref<256x64xf32, #tpu.memory_space<vmem>>[vector<16xi32>, vector<16xi32>], vector<16xf32>,
      %mul3A_341 = arith.mulf %gather3A_340, %gather3A_340 : vector<16xf32>
      %add3A_342 = arith.addf %add3A_337, %mul3A_341 : vector<16xf32>
      %broadcast_in_dim3A_343 = arith.constant 39 : i32
      %broadcast_in_dim3A_344 = vector.broadcast %broadcast_in_dim3A_343 : i32 to vector<16xi32>
      %gather3A_345 = tpu.vector_load_idx %arg9[%add3A_146, %broadcast_in_dim3A_344] : memref<256x64xf32, #tpu.memory_space<vmem>>[vector<16xi32>, vector<16xi32>], vector<16xf32>,
      %mul3A_346 = arith.mulf %gather3A_345, %gather3A_345 : vector<16xf32>
      %add3A_347 = arith.addf %add3A_342, %mul3A_346 : vector<16xf32>
      %broadcast_in_dim3A_348 = arith.constant 40 : i32
      %broadcast_in_dim3A_349 = vector.broadcast %broadcast_in_dim3A_348 : i32 to vector<16xi32>
      %gather3A_350 = tpu.vector_load_idx %arg9[%add3A_146, %broadcast_in_dim3A_349] : memref<256x64xf32, #tpu.memory_space<vmem>>[vector<16xi32>, vector<16xi32>], vector<16xf32>,
      %mul3A_351 = arith.mulf %gather3A_350, %gather3A_350 : vector<16xf32>
      %add3A_352 = arith.addf %add3A_347, %mul3A_351 : vector<16xf32>
      %broadcast_in_dim3A_353 = arith.constant 41 : i32
      %broadcast_in_dim3A_354 = vector.broadcast %broadcast_in_dim3A_353 : i32 to vector<16xi32>
      %gather3A_355 = tpu.vector_load_idx %arg9[%add3A_146, %broadcast_in_dim3A_354] : memref<256x64xf32, #tpu.memory_space<vmem>>[vector<16xi32>, vector<16xi32>], vector<16xf32>,
      %mul3A_356 = arith.mulf %gather3A_355, %gather3A_355 : vector<16xf32>
      %add3A_357 = arith.addf %add3A_352, %mul3A_356 : vector<16xf32>
      %broadcast_in_dim3A_358 = arith.constant 42 : i32
      %broadcast_in_dim3A_359 = vector.broadcast %broadcast_in_dim3A_358 : i32 to vector<16xi32>
      %gather3A_360 = tpu.vector_load_idx %arg9[%add3A_146, %broadcast_in_dim3A_359] : memref<256x64xf32, #tpu.memory_space<vmem>>[vector<16xi32>, vector<16xi32>], vector<16xf32>,
      %mul3A_361 = arith.mulf %gather3A_360, %gather3A_360 : vector<16xf32>
      %add3A_362 = arith.addf %add3A_357, %mul3A_361 : vector<16xf32>
      %broadcast_in_dim3A_363 = arith.constant 43 : i32
      %broadcast_in_dim3A_364 = vector.broadcast %broadcast_in_dim3A_363 : i32 to vector<16xi32>
      %gather3A_365 = tpu.vector_load_idx %arg9[%add3A_146, %broadcast_in_dim3A_364] : memref<256x64xf32, #tpu.memory_space<vmem>>[vector<16xi32>, vector<16xi32>], vector<16xf32>,
      %mul3A_366 = arith.mulf %gather3A_365, %gather3A_365 : vector<16xf32>
      %add3A_367 = arith.addf %add3A_362, %mul3A_366 : vector<16xf32>
      %broadcast_in_dim3A_368 = arith.constant 44 : i32
      %broadcast_in_dim3A_369 = vector.broadcast %broadcast_in_dim3A_368 : i32 to vector<16xi32>
      %gather3A_370 = tpu.vector_load_idx %arg9[%add3A_146, %broadcast_in_dim3A_369] : memref<256x64xf32, #tpu.memory_space<vmem>>[vector<16xi32>, vector<16xi32>], vector<16xf32>,
      %mul3A_371 = arith.mulf %gather3A_370, %gather3A_370 : vector<16xf32>
      %add3A_372 = arith.addf %add3A_367, %mul3A_371 : vector<16xf32>
      %broadcast_in_dim3A_373 = arith.constant 45 : i32
      %broadcast_in_dim3A_374 = vector.broadcast %broadcast_in_dim3A_373 : i32 to vector<16xi32>
      %gather3A_375 = tpu.vector_load_idx %arg9[%add3A_146, %broadcast_in_dim3A_374] : memref<256x64xf32, #tpu.memory_space<vmem>>[vector<16xi32>, vector<16xi32>], vector<16xf32>,
      %mul3A_376 = arith.mulf %gather3A_375, %gather3A_375 : vector<16xf32>
      %add3A_377 = arith.addf %add3A_372, %mul3A_376 : vector<16xf32>
      %broadcast_in_dim3A_378 = arith.constant 46 : i32
      %broadcast_in_dim3A_379 = vector.broadcast %broadcast_in_dim3A_378 : i32 to vector<16xi32>
      %gather3A_380 = tpu.vector_load_idx %arg9[%add3A_146, %broadcast_in_dim3A_379] : memref<256x64xf32, #tpu.memory_space<vmem>>[vector<16xi32>, vector<16xi32>], vector<16xf32>,
      %mul3A_381 = arith.mulf %gather3A_380, %gather3A_380 : vector<16xf32>
      %add3A_382 = arith.addf %add3A_377, %mul3A_381 : vector<16xf32>
      %broadcast_in_dim3A_383 = arith.constant 47 : i32
      %broadcast_in_dim3A_384 = vector.broadcast %broadcast_in_dim3A_383 : i32 to vector<16xi32>
      %gather3A_385 = tpu.vector_load_idx %arg9[%add3A_146, %broadcast_in_dim3A_384] : memref<256x64xf32, #tpu.memory_space<vmem>>[vector<16xi32>, vector<16xi32>], vector<16xf32>,
      %mul3A_386 = arith.mulf %gather3A_385, %gather3A_385 : vector<16xf32>
      %add3A_387 = arith.addf %add3A_382, %mul3A_386 : vector<16xf32>
      %broadcast_in_dim3A_388 = arith.constant 48 : i32
      %broadcast_in_dim3A_389 = vector.broadcast %broadcast_in_dim3A_388 : i32 to vector<16xi32>
      %gather3A_390 = tpu.vector_load_idx %arg9[%add3A_146, %broadcast_in_dim3A_389] : memref<256x64xf32, #tpu.memory_space<vmem>>[vector<16xi32>, vector<16xi32>], vector<16xf32>,
      %mul3A_391 = arith.mulf %gather3A_390, %gather3A_390 : vector<16xf32>
      %add3A_392 = arith.addf %add3A_387, %mul3A_391 : vector<16xf32>
      %broadcast_in_dim3A_393 = arith.constant 49 : i32
      %broadcast_in_dim3A_394 = vector.broadcast %broadcast_in_dim3A_393 : i32 to vector<16xi32>
      %gather3A_395 = tpu.vector_load_idx %arg9[%add3A_146, %broadcast_in_dim3A_394] : memref<256x64xf32, #tpu.memory_space<vmem>>[vector<16xi32>, vector<16xi32>], vector<16xf32>,
      %mul3A_396 = arith.mulf %gather3A_395, %gather3A_395 : vector<16xf32>
      %add3A_397 = arith.addf %add3A_392, %mul3A_396 : vector<16xf32>
      %broadcast_in_dim3A_398 = arith.constant 50 : i32
      %broadcast_in_dim3A_399 = vector.broadcast %broadcast_in_dim3A_398 : i32 to vector<16xi32>
      %gather3A_400 = tpu.vector_load_idx %arg9[%add3A_146, %broadcast_in_dim3A_399] : memref<256x64xf32, #tpu.memory_space<vmem>>[vector<16xi32>, vector<16xi32>], vector<16xf32>,
      %mul3A_401 = arith.mulf %gather3A_400, %gather3A_400 : vector<16xf32>
      %add3A_402 = arith.addf %add3A_397, %mul3A_401 : vector<16xf32>
      %broadcast_in_dim3A_403 = arith.constant 51 : i32
      %broadcast_in_dim3A_404 = vector.broadcast %broadcast_in_dim3A_403 : i32 to vector<16xi32>
      %gather3A_405 = tpu.vector_load_idx %arg9[%add3A_146, %broadcast_in_dim3A_404] : memref<256x64xf32, #tpu.memory_space<vmem>>[vector<16xi32>, vector<16xi32>], vector<16xf32>,
      %mul3A_406 = arith.mulf %gather3A_405, %gather3A_405 : vector<16xf32>
      %add3A_407 = arith.addf %add3A_402, %mul3A_406 : vector<16xf32>
      %broadcast_in_dim3A_408 = arith.constant 52 : i32
      %broadcast_in_dim3A_409 = vector.broadcast %broadcast_in_dim3A_408 : i32 to vector<16xi32>
      %gather3A_410 = tpu.vector_load_idx %arg9[%add3A_146, %broadcast_in_dim3A_409] : memref<256x64xf32, #tpu.memory_space<vmem>>[vector<16xi32>, vector<16xi32>], vector<16xf32>,
      %mul3A_411 = arith.mulf %gather3A_410, %gather3A_410 : vector<16xf32>
      %add3A_412 = arith.addf %add3A_407, %mul3A_411 : vector<16xf32>
      %broadcast_in_dim3A_413 = arith.constant 53 : i32
      %broadcast_in_dim3A_414 = vector.broadcast %broadcast_in_dim3A_413 : i32 to vector<16xi32>
      %gather3A_415 = tpu.vector_load_idx %arg9[%add3A_146, %broadcast_in_dim3A_414] : memref<256x64xf32, #tpu.memory_space<vmem>>[vector<16xi32>, vector<16xi32>], vector<16xf32>,
      %mul3A_416 = arith.mulf %gather3A_415, %gather3A_415 : vector<16xf32>
      %add3A_417 = arith.addf %add3A_412, %mul3A_416 : vector<16xf32>
      %broadcast_in_dim3A_418 = arith.constant 54 : i32
      %broadcast_in_dim3A_419 = vector.broadcast %broadcast_in_dim3A_418 : i32 to vector<16xi32>
      %gather3A_420 = tpu.vector_load_idx %arg9[%add3A_146, %broadcast_in_dim3A_419] : memref<256x64xf32, #tpu.memory_space<vmem>>[vector<16xi32>, vector<16xi32>], vector<16xf32>,
      %mul3A_421 = arith.mulf %gather3A_420, %gather3A_420 : vector<16xf32>
      %add3A_422 = arith.addf %add3A_417, %mul3A_421 : vector<16xf32>
      %broadcast_in_dim3A_423 = arith.constant 55 : i32
      %broadcast_in_dim3A_424 = vector.broadcast %broadcast_in_dim3A_423 : i32 to vector<16xi32>
      %gather3A_425 = tpu.vector_load_idx %arg9[%add3A_146, %broadcast_in_dim3A_424] : memref<256x64xf32, #tpu.memory_space<vmem>>[vector<16xi32>, vector<16xi32>], vector<16xf32>,
      %mul3A_426 = arith.mulf %gather3A_425, %gather3A_425 : vector<16xf32>
      %add3A_427 = arith.addf %add3A_422, %mul3A_426 : vector<16xf32>
      %broadcast_in_dim3A_428 = arith.constant 56 : i32
      %broadcast_in_dim3A_429 = vector.broadcast %broadcast_in_dim3A_428 : i32 to vector<16xi32>
      %gather3A_430 = tpu.vector_load_idx %arg9[%add3A_146, %broadcast_in_dim3A_429] : memref<256x64xf32, #tpu.memory_space<vmem>>[vector<16xi32>, vector<16xi32>], vector<16xf32>,
      %mul3A_431 = arith.mulf %gather3A_430, %gather3A_430 : vector<16xf32>
      %add3A_432 = arith.addf %add3A_427, %mul3A_431 : vector<16xf32>
      %broadcast_in_dim3A_433 = arith.constant 57 : i32
      %broadcast_in_dim3A_434 = vector.broadcast %broadcast_in_dim3A_433 : i32 to vector<16xi32>
      %gather3A_435 = tpu.vector_load_idx %arg9[%add3A_146, %broadcast_in_dim3A_434] : memref<256x64xf32, #tpu.memory_space<vmem>>[vector<16xi32>, vector<16xi32>], vector<16xf32>,
      %mul3A_436 = arith.mulf %gather3A_435, %gather3A_435 : vector<16xf32>
      %add3A_437 = arith.addf %add3A_432, %mul3A_436 : vector<16xf32>
      %broadcast_in_dim3A_438 = arith.constant 58 : i32
      %broadcast_in_dim3A_439 = vector.broadcast %broadcast_in_dim3A_438 : i32 to vector<16xi32>
      %gather3A_440 = tpu.vector_load_idx %arg9[%add3A_146, %broadcast_in_dim3A_439] : memref<256x64xf32, #tpu.memory_space<vmem>>[vector<16xi32>, vector<16xi32>], vector<16xf32>,
      %mul3A_441 = arith.mulf %gather3A_440, %gather3A_440 : vector<16xf32>
      %add3A_442 = arith.addf %add3A_437, %mul3A_441 : vector<16xf32>
      %broadcast_in_dim3A_443 = arith.constant 59 : i32
      %broadcast_in_dim3A_444 = vector.broadcast %broadcast_in_dim3A_443 : i32 to vector<16xi32>
      %gather3A_445 = tpu.vector_load_idx %arg9[%add3A_146, %broadcast_in_dim3A_444] : memref<256x64xf32, #tpu.memory_space<vmem>>[vector<16xi32>, vector<16xi32>], vector<16xf32>,
      %mul3A_446 = arith.mulf %gather3A_445, %gather3A_445 : vector<16xf32>
      %add3A_447 = arith.addf %add3A_442, %mul3A_446 : vector<16xf32>
      %broadcast_in_dim3A_448 = arith.constant 60 : i32
      %broadcast_in_dim3A_449 = vector.broadcast %broadcast_in_dim3A_448 : i32 to vector<16xi32>
      %gather3A_450 = tpu.vector_load_idx %arg9[%add3A_146, %broadcast_in_dim3A_449] : memref<256x64xf32, #tpu.memory_space<vmem>>[vector<16xi32>, vector<16xi32>], vector<16xf32>,
      %mul3A_451 = arith.mulf %gather3A_450, %gather3A_450 : vector<16xf32>
      %add3A_452 = arith.addf %add3A_447, %mul3A_451 : vector<16xf32>
      %broadcast_in_dim3A_453 = arith.constant 61 : i32
      %broadcast_in_dim3A_454 = vector.broadcast %broadcast_in_dim3A_453 : i32 to vector<16xi32>
      %gather3A_455 = tpu.vector_load_idx %arg9[%add3A_146, %broadcast_in_dim3A_454] : memref<256x64xf32, #tpu.memory_space<vmem>>[vector<16xi32>, vector<16xi32>], vector<16xf32>,
      %mul3A_456 = arith.mulf %gather3A_455, %gather3A_455 : vector<16xf32>
      %add3A_457 = arith.addf %add3A_452, %mul3A_456 : vector<16xf32>
      %broadcast_in_dim3A_458 = arith.constant 62 : i32
      %broadcast_in_dim3A_459 = vector.broadcast %broadcast_in_dim3A_458 : i32 to vector<16xi32>
      %gather3A_460 = tpu.vector_load_idx %arg9[%add3A_146, %broadcast_in_dim3A_459] : memref<256x64xf32, #tpu.memory_space<vmem>>[vector<16xi32>, vector<16xi32>], vector<16xf32>,
      %mul3A_461 = arith.mulf %gather3A_460, %gather3A_460 : vector<16xf32>
      %add3A_462 = arith.addf %add3A_457, %mul3A_461 : vector<16xf32>
      %broadcast_in_dim3A_463 = arith.constant 63 : i32
      %broadcast_in_dim3A_464 = vector.broadcast %broadcast_in_dim3A_463 : i32 to vector<16xi32>
      %gather3A_465 = tpu.vector_load_idx %arg9[%add3A_146, %broadcast_in_dim3A_464] : memref<256x64xf32, #tpu.memory_space<vmem>>[vector<16xi32>, vector<16xi32>], vector<16xf32>,
      %mul3A_466 = arith.mulf %gather3A_465, %gather3A_465 : vector<16xf32>
      %add3A_467 = arith.addf %add3A_462, %mul3A_466 : vector<16xf32>
      %mul3A_468 = arith.constant 5.000000e-01 : f32
      %mul3A_469 = vector.broadcast %mul3A_468 : f32 to vector<16xf32>
      %mul3A_470 = arith.mulf %mul3A_469, %add3A_467 : vector<16xf32>
      %add3A_471 = vector.broadcast %add3A_103 : f32 to vector<16xf32>
      %add3A_472 = arith.addf %add3A_471, %mul3A_470 : vector<16xf32>
      %add3A_473 = arith.constant 0 : i32
      %add3A_474 = arith.addi %add3A_473, %mul3A_144 : i32
      %swap3A = arith.index_cast %add3A_474 : i32 to index
      %swap3A_475 = tpu.vector_load %arg12[%swap3A] {strides = array<i32>} : memref<512xf32, #tpu.memory_space<vmem>>, vector<16xf32>,
      tpu.vector_store %arg12[%swap3A], %add3A_472 {strides = array<i32>} : memref<512xf32, #tpu.memory_space<vmem>>, vector<16xf32>,
      %add3A_476 = arith.constant 0 : i32
      %add3A_477 = arith.addi %mul3A_144, %add3A_476 : i32
      %get3A_478 = arith.index_cast %add3A_477 : i32 to index
      %get3A_479 = arith.constant 0 : index
      %get3A_480 = tpu.vector_load %arg9[%get3A_478, %get3A_479] {strides = array<i32>} : memref<256x64xf32, #tpu.memory_space<vmem>>, vector<16xf32>,
      %get3A_481 = arith.index_cast %add3A_477 : i32 to index
      %get3A_482 = arith.constant 0 : index
      %get3A_483 = tpu.vector_load %arg10[%get3A_481, %get3A_482] {strides = array<i32>} : memref<256x64xf32, #tpu.memory_space<vmem>>, vector<16xf32>,
      %mul3A_484 = arith.mulf %get3A_483, %exp3A : vector<16xf32>
      %add3A_485 = arith.addf %get3A_480, %mul3A_484 : vector<16xf32>
      %swap3A_486 = arith.index_cast %add3A_477 : i32 to index
      %swap3A_487 = arith.constant 0 : index
      %swap3A_488 = tpu.vector_load %arg9[%swap3A_486, %swap3A_487] {strides = array<i32>} : memref<256x64xf32, #tpu.memory_space<vmem>>, vector<16xf32>,
      tpu.vector_store %arg9[%swap3A_486, %swap3A_487], %add3A_485 {strides = array<i32>} : memref<256x64xf32, #tpu.memory_space<vmem>>, vector<16xf32>,
      %get3A_489 = arith.index_cast %add3A_477 : i32 to index
      %get3A_490 = arith.constant 16 : index
      %get3A_491 = tpu.vector_load %arg9[%get3A_489, %get3A_490] {strides = array<i32>} : memref<256x64xf32, #tpu.memory_space<vmem>>, vector<16xf32>,
      %get3A_492 = arith.index_cast %add3A_477 : i32 to index
      %get3A_493 = arith.constant 16 : index
      %get3A_494 = tpu.vector_load %arg10[%get3A_492, %get3A_493] {strides = array<i32>} : memref<256x64xf32, #tpu.memory_space<vmem>>, vector<16xf32>,
      %mul3A_495 = arith.mulf %get3A_494, %exp3A_16 : vector<16xf32>
      %add3A_496 = arith.addf %get3A_491, %mul3A_495 : vector<16xf32>
      %swap3A_497 = arith.index_cast %add3A_477 : i32 to index
      %swap3A_498 = arith.constant 16 : index
      %swap3A_499 = tpu.vector_load %arg9[%swap3A_497, %swap3A_498] {strides = array<i32>} : memref<256x64xf32, #tpu.memory_space<vmem>>, vector<16xf32>,
      tpu.vector_store %arg9[%swap3A_497, %swap3A_498], %add3A_496 {strides = array<i32>} : memref<256x64xf32, #tpu.memory_space<vmem>>, vector<16xf32>,
      %get3A_500 = arith.index_cast %add3A_477 : i32 to index
      %get3A_501 = arith.constant 32 : index
      %get3A_502 = tpu.vector_load %arg9[%get3A_500, %get3A_501] {strides = array<i32>} : memref<256x64xf32, #tpu.memory_space<vmem>>, vector<16xf32>,
      %get3A_503 = arith.index_cast %add3A_477 : i32 to index
      %get3A_504 = arith.constant 32 : index
      %get3A_505 = tpu.vector_load %arg10[%get3A_503, %get3A_504] {strides = array<i32>} : memref<256x64xf32, #tpu.memory_space<vmem>>, vector<16xf32>,
      %mul3A_506 = arith.mulf %get3A_505, %exp3A_31 : vector<16xf32>
      %add3A_507 = arith.addf %get3A_502, %mul3A_506 : vector<16xf32>
      %swap3A_508 = arith.index_cast %add3A_477 : i32 to index
      %swap3A_509 = arith.constant 32 : index
      %swap3A_510 = tpu.vector_load %arg9[%swap3A_508, %swap3A_509] {strides = array<i32>} : memref<256x64xf32, #tpu.memory_space<vmem>>, vector<16xf32>,
      tpu.vector_store %arg9[%swap3A_508, %swap3A_509], %add3A_507 {strides = array<i32>} : memref<256x64xf32, #tpu.memory_space<vmem>>, vector<16xf32>,
      %get3A_511 = arith.index_cast %add3A_477 : i32 to index
      %get3A_512 = arith.constant 48 : index
      %get3A_513 = tpu.vector_load %arg9[%get3A_511, %get3A_512] {strides = array<i32>} : memref<256x64xf32, #tpu.memory_space<vmem>>, vector<16xf32>,
      %get3A_514 = arith.index_cast %add3A_477 : i32 to index
      %get3A_515 = arith.constant 48 : index
      %get3A_516 = tpu.vector_load %arg10[%get3A_514, %get3A_515] {strides = array<i32>} : memref<256x64xf32, #tpu.memory_space<vmem>>, vector<16xf32>,
      %mul3A_517 = arith.mulf %get3A_516, %exp3A_46 : vector<16xf32>
      %add3A_518 = arith.addf %get3A_513, %mul3A_517 : vector<16xf32>
      %swap3A_519 = arith.index_cast %add3A_477 : i32 to index
      %swap3A_520 = arith.constant 48 : index
      %swap3A_521 = tpu.vector_load %arg9[%swap3A_519, %swap3A_520] {strides = array<i32>} : memref<256x64xf32, #tpu.memory_space<vmem>>, vector<16xf32>,
      tpu.vector_store %arg9[%swap3A_519, %swap3A_520], %add3A_518 {strides = array<i32>} : memref<256x64xf32, #tpu.memory_space<vmem>>, vector<16xf32>,
      %add3A_522 = arith.constant 1 : i32
      %add3A_523 = arith.addi %mul3A_144, %add3A_522 : i32
      %get3A_524 = arith.index_cast %add3A_523 : i32 to index
      %get3A_525 = arith.constant 0 : index
      %get3A_526 = tpu.vector_load %arg9[%get3A_524, %get3A_525] {strides = array<i32>} : memref<256x64xf32, #tpu.memory_space<vmem>>, vector<16xf32>,
      %get3A_527 = arith.index_cast %add3A_523 : i32 to index
      %get3A_528 = arith.constant 0 : index
      %get3A_529 = tpu.vector_load %arg10[%get3A_527, %get3A_528] {strides = array<i32>} : memref<256x64xf32, #tpu.memory_space<vmem>>, vector<16xf32>,
      %mul3A_530 = arith.mulf %get3A_529, %exp3A : vector<16xf32>
      %add3A_531 = arith.addf %get3A_526, %mul3A_530 : vector<16xf32>
      %swap3A_532 = arith.index_cast %add3A_523 : i32 to index
      %swap3A_533 = arith.constant 0 : index
      %swap3A_534 = tpu.vector_load %arg9[%swap3A_532, %swap3A_533] {strides = array<i32>} : memref<256x64xf32, #tpu.memory_space<vmem>>, vector<16xf32>,
      tpu.vector_store %arg9[%swap3A_532, %swap3A_533], %add3A_531 {strides = array<i32>} : memref<256x64xf32, #tpu.memory_space<vmem>>, vector<16xf32>,
      %get3A_535 = arith.index_cast %add3A_523 : i32 to index
      %get3A_536 = arith.constant 16 : index
      %get3A_537 = tpu.vector_load %arg9[%get3A_535, %get3A_536] {strides = array<i32>} : memref<256x64xf32, #tpu.memory_space<vmem>>, vector<16xf32>,
      %get3A_538 = arith.index_cast %add3A_523 : i32 to index
      %get3A_539 = arith.constant 16 : index
      %get3A_540 = tpu.vector_load %arg10[%get3A_538, %get3A_539] {strides = array<i32>} : memref<256x64xf32, #tpu.memory_space<vmem>>, vector<16xf32>,
      %mul3A_541 = arith.mulf %get3A_540, %exp3A_16 : vector<16xf32>
      %add3A_542 = arith.addf %get3A_537, %mul3A_541 : vector<16xf32>
      %swap3A_543 = arith.index_cast %add3A_523 : i32 to index
      %swap3A_544 = arith.constant 16 : index
      %swap3A_545 = tpu.vector_load %arg9[%swap3A_543, %swap3A_544] {strides = array<i32>} : memref<256x64xf32, #tpu.memory_space<vmem>>, vector<16xf32>,
      tpu.vector_store %arg9[%swap3A_543, %swap3A_544], %add3A_542 {strides = array<i32>} : memref<256x64xf32, #tpu.memory_space<vmem>>, vector<16xf32>,
      %get3A_546 = arith.index_cast %add3A_523 : i32 to index
      %get3A_547 = arith.constant 32 : index
      %get3A_548 = tpu.vector_load %arg9[%get3A_546, %get3A_547] {strides = array<i32>} : memref<256x64xf32, #tpu.memory_space<vmem>>, vector<16xf32>,
      %get3A_549 = arith.index_cast %add3A_523 : i32 to index
      %get3A_550 = arith.constant 32 : index
      %get3A_551 = tpu.vector_load %arg10[%get3A_549, %get3A_550] {strides = array<i32>} : memref<256x64xf32, #tpu.memory_space<vmem>>, vector<16xf32>,
      %mul3A_552 = arith.mulf %get3A_551, %exp3A_31 : vector<16xf32>
      %add3A_553 = arith.addf %get3A_548, %mul3A_552 : vector<16xf32>
      %swap3A_554 = arith.index_cast %add3A_523 : i32 to index
      %swap3A_555 = arith.constant 32 : index
      %swap3A_556 = tpu.vector_load %arg9[%swap3A_554, %swap3A_555] {strides = array<i32>} : memref<256x64xf32, #tpu.memory_space<vmem>>, vector<16xf32>,
      tpu.vector_store %arg9[%swap3A_554, %swap3A_555], %add3A_553 {strides = array<i32>} : memref<256x64xf32, #tpu.memory_space<vmem>>, vector<16xf32>,
      %get3A_557 = arith.index_cast %add3A_523 : i32 to index
      %get3A_558 = arith.constant 48 : index
      %get3A_559 = tpu.vector_load %arg9[%get3A_557, %get3A_558] {strides = array<i32>} : memref<256x64xf32, #tpu.memory_space<vmem>>, vector<16xf32>,
      %get3A_560 = arith.index_cast %add3A_523 : i32 to index
      %get3A_561 = arith.constant 48 : index
      %get3A_562 = tpu.vector_load %arg10[%get3A_560, %get3A_561] {strides = array<i32>} : memref<256x64xf32, #tpu.memory_space<vmem>>, vector<16xf32>,
      %mul3A_563 = arith.mulf %get3A_562, %exp3A_46 : vector<16xf32>
      %add3A_564 = arith.addf %get3A_559, %mul3A_563 : vector<16xf32>
      %swap3A_565 = arith.index_cast %add3A_523 : i32 to index
      %swap3A_566 = arith.constant 48 : index
      %swap3A_567 = tpu.vector_load %arg9[%swap3A_565, %swap3A_566] {strides = array<i32>} : memref<256x64xf32, #tpu.memory_space<vmem>>, vector<16xf32>,
      tpu.vector_store %arg9[%swap3A_565, %swap3A_566], %add3A_564 {strides = array<i32>} : memref<256x64xf32, #tpu.memory_space<vmem>>, vector<16xf32>,
      %add3A_568 = arith.constant 2 : i32
      %add3A_569 = arith.addi %mul3A_144, %add3A_568 : i32
      %get3A_570 = arith.index_cast %add3A_569 : i32 to index
      %get3A_571 = arith.constant 0 : index
      %get3A_572 = tpu.vector_load %arg9[%get3A_570, %get3A_571] {strides = array<i32>} : memref<256x64xf32, #tpu.memory_space<vmem>>, vector<16xf32>,
      %get3A_573 = arith.index_cast %add3A_569 : i32 to index
      %get3A_574 = arith.constant 0 : index
      %get3A_575 = tpu.vector_load %arg10[%get3A_573, %get3A_574] {strides = array<i32>} : memref<256x64xf32, #tpu.memory_space<vmem>>, vector<16xf32>,
      %mul3A_576 = arith.mulf %get3A_575, %exp3A : vector<16xf32>
      %add3A_577 = arith.addf %get3A_572, %mul3A_576 : vector<16xf32>
      %swap3A_578 = arith.index_cast %add3A_569 : i32 to index
      %swap3A_579 = arith.constant 0 : index
      %swap3A_580 = tpu.vector_load %arg9[%swap3A_578, %swap3A_579] {strides = array<i32>} : memref<256x64xf32, #tpu.memory_space<vmem>>, vector<16xf32>,
      tpu.vector_store %arg9[%swap3A_578, %swap3A_579], %add3A_577 {strides = array<i32>} : memref<256x64xf32, #tpu.memory_space<vmem>>, vector<16xf32>,
      %get3A_581 = arith.index_cast %add3A_569 : i32 to index
      %get3A_582 = arith.constant 16 : index
      %get3A_583 = tpu.vector_load %arg9[%get3A_581, %get3A_582] {strides = array<i32>} : memref<256x64xf32, #tpu.memory_space<vmem>>, vector<16xf32>,
      %get3A_584 = arith.index_cast %add3A_569 : i32 to index
      %get3A_585 = arith.constant 16 : index
      %get3A_586 = tpu.vector_load %arg10[%get3A_584, %get3A_585] {strides = array<i32>} : memref<256x64xf32, #tpu.memory_space<vmem>>, vector<16xf32>,
      %mul3A_587 = arith.mulf %get3A_586, %exp3A_16 : vector<16xf32>
      %add3A_588 = arith.addf %get3A_583, %mul3A_587 : vector<16xf32>
      %swap3A_589 = arith.index_cast %add3A_569 : i32 to index
      %swap3A_590 = arith.constant 16 : index
      %swap3A_591 = tpu.vector_load %arg9[%swap3A_589, %swap3A_590] {strides = array<i32>} : memref<256x64xf32, #tpu.memory_space<vmem>>, vector<16xf32>,
      tpu.vector_store %arg9[%swap3A_589, %swap3A_590], %add3A_588 {strides = array<i32>} : memref<256x64xf32, #tpu.memory_space<vmem>>, vector<16xf32>,
      %get3A_592 = arith.index_cast %add3A_569 : i32 to index
      %get3A_593 = arith.constant 32 : index
      %get3A_594 = tpu.vector_load %arg9[%get3A_592, %get3A_593] {strides = array<i32>} : memref<256x64xf32, #tpu.memory_space<vmem>>, vector<16xf32>,
      %get3A_595 = arith.index_cast %add3A_569 : i32 to index
      %get3A_596 = arith.constant 32 : index
      %get3A_597 = tpu.vector_load %arg10[%get3A_595, %get3A_596] {strides = array<i32>} : memref<256x64xf32, #tpu.memory_space<vmem>>, vector<16xf32>,
      %mul3A_598 = arith.mulf %get3A_597, %exp3A_31 : vector<16xf32>
      %add3A_599 = arith.addf %get3A_594, %mul3A_598 : vector<16xf32>
      %swap3A_600 = arith.index_cast %add3A_569 : i32 to index
      %swap3A_601 = arith.constant 32 : index
      %swap3A_602 = tpu.vector_load %arg9[%swap3A_600, %swap3A_601] {strides = array<i32>} : memref<256x64xf32, #tpu.memory_space<vmem>>, vector<16xf32>,
      tpu.vector_store %arg9[%swap3A_600, %swap3A_601], %add3A_599 {strides = array<i32>} : memref<256x64xf32, #tpu.memory_space<vmem>>, vector<16xf32>,
      %get3A_603 = arith.index_cast %add3A_569 : i32 to index
      %get3A_604 = arith.constant 48 : index
      %get3A_605 = tpu.vector_load %arg9[%get3A_603, %get3A_604] {strides = array<i32>} : memref<256x64xf32, #tpu.memory_space<vmem>>, vector<16xf32>,
      %get3A_606 = arith.index_cast %add3A_569 : i32 to index
      %get3A_607 = arith.constant 48 : index
      %get3A_608 = tpu.vector_load %arg10[%get3A_606, %get3A_607] {strides = array<i32>} : memref<256x64xf32, #tpu.memory_space<vmem>>, vector<16xf32>,
      %mul3A_609 = arith.mulf %get3A_608, %exp3A_46 : vector<16xf32>
      %add3A_610 = arith.addf %get3A_605, %mul3A_609 : vector<16xf32>
      %swap3A_611 = arith.index_cast %add3A_569 : i32 to index
      %swap3A_612 = arith.constant 48 : index
      %swap3A_613 = tpu.vector_load %arg9[%swap3A_611, %swap3A_612] {strides = array<i32>} : memref<256x64xf32, #tpu.memory_space<vmem>>, vector<16xf32>,
      tpu.vector_store %arg9[%swap3A_611, %swap3A_612], %add3A_610 {strides = array<i32>} : memref<256x64xf32, #tpu.memory_space<vmem>>, vector<16xf32>,
      %add3A_614 = arith.constant 3 : i32
      %add3A_615 = arith.addi %mul3A_144, %add3A_614 : i32
      %get3A_616 = arith.index_cast %add3A_615 : i32 to index
      %get3A_617 = arith.constant 0 : index
      %get3A_618 = tpu.vector_load %arg9[%get3A_616, %get3A_617] {strides = array<i32>} : memref<256x64xf32, #tpu.memory_space<vmem>>, vector<16xf32>,
      %get3A_619 = arith.index_cast %add3A_615 : i32 to index
      %get3A_620 = arith.constant 0 : index
      %get3A_621 = tpu.vector_load %arg10[%get3A_619, %get3A_620] {strides = array<i32>} : memref<256x64xf32, #tpu.memory_space<vmem>>, vector<16xf32>,
      %mul3A_622 = arith.mulf %get3A_621, %exp3A : vector<16xf32>
      %add3A_623 = arith.addf %get3A_618, %mul3A_622 : vector<16xf32>
      %swap3A_624 = arith.index_cast %add3A_615 : i32 to index
      %swap3A_625 = arith.constant 0 : index
      %swap3A_626 = tpu.vector_load %arg9[%swap3A_624, %swap3A_625] {strides = array<i32>} : memref<256x64xf32, #tpu.memory_space<vmem>>, vector<16xf32>,
      tpu.vector_store %arg9[%swap3A_624, %swap3A_625], %add3A_623 {strides = array<i32>} : memref<256x64xf32, #tpu.memory_space<vmem>>, vector<16xf32>,
      %get3A_627 = arith.index_cast %add3A_615 : i32 to index
      %get3A_628 = arith.constant 16 : index
      %get3A_629 = tpu.vector_load %arg9[%get3A_627, %get3A_628] {strides = array<i32>} : memref<256x64xf32, #tpu.memory_space<vmem>>, vector<16xf32>,
      %get3A_630 = arith.index_cast %add3A_615 : i32 to index
      %get3A_631 = arith.constant 16 : index
      %get3A_632 = tpu.vector_load %arg10[%get3A_630, %get3A_631] {strides = array<i32>} : memref<256x64xf32, #tpu.memory_space<vmem>>, vector<16xf32>,
      %mul3A_633 = arith.mulf %get3A_632, %exp3A_16 : vector<16xf32>
      %add3A_634 = arith.addf %get3A_629, %mul3A_633 : vector<16xf32>
      %swap3A_635 = arith.index_cast %add3A_615 : i32 to index
      %swap3A_636 = arith.constant 16 : index
      %swap3A_637 = tpu.vector_load %arg9[%swap3A_635, %swap3A_636] {strides = array<i32>} : memref<256x64xf32, #tpu.memory_space<vmem>>, vector<16xf32>,
      tpu.vector_store %arg9[%swap3A_635, %swap3A_636], %add3A_634 {strides = array<i32>} : memref<256x64xf32, #tpu.memory_space<vmem>>, vector<16xf32>,
      %get3A_638 = arith.index_cast %add3A_615 : i32 to index
      %get3A_639 = arith.constant 32 : index
      %get3A_640 = tpu.vector_load %arg9[%get3A_638, %get3A_639] {strides = array<i32>} : memref<256x64xf32, #tpu.memory_space<vmem>>, vector<16xf32>,
      %get3A_641 = arith.index_cast %add3A_615 : i32 to index
      %get3A_642 = arith.constant 32 : index
      %get3A_643 = tpu.vector_load %arg10[%get3A_641, %get3A_642] {strides = array<i32>} : memref<256x64xf32, #tpu.memory_space<vmem>>, vector<16xf32>,
      %mul3A_644 = arith.mulf %get3A_643, %exp3A_31 : vector<16xf32>
      %add3A_645 = arith.addf %get3A_640, %mul3A_644 : vector<16xf32>
      %swap3A_646 = arith.index_cast %add3A_615 : i32 to index
      %swap3A_647 = arith.constant 32 : index
      %swap3A_648 = tpu.vector_load %arg9[%swap3A_646, %swap3A_647] {strides = array<i32>} : memref<256x64xf32, #tpu.memory_space<vmem>>, vector<16xf32>,
      tpu.vector_store %arg9[%swap3A_646, %swap3A_647], %add3A_645 {strides = array<i32>} : memref<256x64xf32, #tpu.memory_space<vmem>>, vector<16xf32>,
      %get3A_649 = arith.index_cast %add3A_615 : i32 to index
      %get3A_650 = arith.constant 48 : index
      %get3A_651 = tpu.vector_load %arg9[%get3A_649, %get3A_650] {strides = array<i32>} : memref<256x64xf32, #tpu.memory_space<vmem>>, vector<16xf32>,
      %get3A_652 = arith.index_cast %add3A_615 : i32 to index
      %get3A_653 = arith.constant 48 : index
      %get3A_654 = tpu.vector_load %arg10[%get3A_652, %get3A_653] {strides = array<i32>} : memref<256x64xf32, #tpu.memory_space<vmem>>, vector<16xf32>,
      %mul3A_655 = arith.mulf %get3A_654, %exp3A_46 : vector<16xf32>
      %add3A_656 = arith.addf %get3A_651, %mul3A_655 : vector<16xf32>
      %swap3A_657 = arith.index_cast %add3A_615 : i32 to index
      %swap3A_658 = arith.constant 48 : index
      %swap3A_659 = tpu.vector_load %arg9[%swap3A_657, %swap3A_658] {strides = array<i32>} : memref<256x64xf32, #tpu.memory_space<vmem>>, vector<16xf32>,
      tpu.vector_store %arg9[%swap3A_657, %swap3A_658], %add3A_656 {strides = array<i32>} : memref<256x64xf32, #tpu.memory_space<vmem>>, vector<16xf32>,
      %add3A_660 = arith.constant 4 : i32
      %add3A_661 = arith.addi %mul3A_144, %add3A_660 : i32
      %get3A_662 = arith.index_cast %add3A_661 : i32 to index
      %get3A_663 = arith.constant 0 : index
      %get3A_664 = tpu.vector_load %arg9[%get3A_662, %get3A_663] {strides = array<i32>} : memref<256x64xf32, #tpu.memory_space<vmem>>, vector<16xf32>,
      %get3A_665 = arith.index_cast %add3A_661 : i32 to index
      %get3A_666 = arith.constant 0 : index
      %get3A_667 = tpu.vector_load %arg10[%get3A_665, %get3A_666] {strides = array<i32>} : memref<256x64xf32, #tpu.memory_space<vmem>>, vector<16xf32>,
      %mul3A_668 = arith.mulf %get3A_667, %exp3A : vector<16xf32>
      %add3A_669 = arith.addf %get3A_664, %mul3A_668 : vector<16xf32>
      %swap3A_670 = arith.index_cast %add3A_661 : i32 to index
      %swap3A_671 = arith.constant 0 : index
      %swap3A_672 = tpu.vector_load %arg9[%swap3A_670, %swap3A_671] {strides = array<i32>} : memref<256x64xf32, #tpu.memory_space<vmem>>, vector<16xf32>,
      tpu.vector_store %arg9[%swap3A_670, %swap3A_671], %add3A_669 {strides = array<i32>} : memref<256x64xf32, #tpu.memory_space<vmem>>, vector<16xf32>,
      %get3A_673 = arith.index_cast %add3A_661 : i32 to index
      %get3A_674 = arith.constant 16 : index
      %get3A_675 = tpu.vector_load %arg9[%get3A_673, %get3A_674] {strides = array<i32>} : memref<256x64xf32, #tpu.memory_space<vmem>>, vector<16xf32>,
      %get3A_676 = arith.index_cast %add3A_661 : i32 to index
      %get3A_677 = arith.constant 16 : index
      %get3A_678 = tpu.vector_load %arg10[%get3A_676, %get3A_677] {strides = array<i32>} : memref<256x64xf32, #tpu.memory_space<vmem>>, vector<16xf32>,
      %mul3A_679 = arith.mulf %get3A_678, %exp3A_16 : vector<16xf32>
      %add3A_680 = arith.addf %get3A_675, %mul3A_679 : vector<16xf32>
      %swap3A_681 = arith.index_cast %add3A_661 : i32 to index
      %swap3A_682 = arith.constant 16 : index
      %swap3A_683 = tpu.vector_load %arg9[%swap3A_681, %swap3A_682] {strides = array<i32>} : memref<256x64xf32, #tpu.memory_space<vmem>>, vector<16xf32>,
      tpu.vector_store %arg9[%swap3A_681, %swap3A_682], %add3A_680 {strides = array<i32>} : memref<256x64xf32, #tpu.memory_space<vmem>>, vector<16xf32>,
      %get3A_684 = arith.index_cast %add3A_661 : i32 to index
      %get3A_685 = arith.constant 32 : index
      %get3A_686 = tpu.vector_load %arg9[%get3A_684, %get3A_685] {strides = array<i32>} : memref<256x64xf32, #tpu.memory_space<vmem>>, vector<16xf32>,
      %get3A_687 = arith.index_cast %add3A_661 : i32 to index
      %get3A_688 = arith.constant 32 : index
      %get3A_689 = tpu.vector_load %arg10[%get3A_687, %get3A_688] {strides = array<i32>} : memref<256x64xf32, #tpu.memory_space<vmem>>, vector<16xf32>,
      %mul3A_690 = arith.mulf %get3A_689, %exp3A_31 : vector<16xf32>
      %add3A_691 = arith.addf %get3A_686, %mul3A_690 : vector<16xf32>
      %swap3A_692 = arith.index_cast %add3A_661 : i32 to index
      %swap3A_693 = arith.constant 32 : index
      %swap3A_694 = tpu.vector_load %arg9[%swap3A_692, %swap3A_693] {strides = array<i32>} : memref<256x64xf32, #tpu.memory_space<vmem>>, vector<16xf32>,
      tpu.vector_store %arg9[%swap3A_692, %swap3A_693], %add3A_691 {strides = array<i32>} : memref<256x64xf32, #tpu.memory_space<vmem>>, vector<16xf32>,
      %get3A_695 = arith.index_cast %add3A_661 : i32 to index
      %get3A_696 = arith.constant 48 : index
      %get3A_697 = tpu.vector_load %arg9[%get3A_695, %get3A_696] {strides = array<i32>} : memref<256x64xf32, #tpu.memory_space<vmem>>, vector<16xf32>,
      %get3A_698 = arith.index_cast %add3A_661 : i32 to index
      %get3A_699 = arith.constant 48 : index
      %get3A_700 = tpu.vector_load %arg10[%get3A_698, %get3A_699] {strides = array<i32>} : memref<256x64xf32, #tpu.memory_space<vmem>>, vector<16xf32>,
      %mul3A_701 = arith.mulf %get3A_700, %exp3A_46 : vector<16xf32>
      %add3A_702 = arith.addf %get3A_697, %mul3A_701 : vector<16xf32>
      %swap3A_703 = arith.index_cast %add3A_661 : i32 to index
      %swap3A_704 = arith.constant 48 : index
      %swap3A_705 = tpu.vector_load %arg9[%swap3A_703, %swap3A_704] {strides = array<i32>} : memref<256x64xf32, #tpu.memory_space<vmem>>, vector<16xf32>,
      tpu.vector_store %arg9[%swap3A_703, %swap3A_704], %add3A_702 {strides = array<i32>} : memref<256x64xf32, #tpu.memory_space<vmem>>, vector<16xf32>,
      %add3A_706 = arith.constant 5 : i32
      %add3A_707 = arith.addi %mul3A_144, %add3A_706 : i32
      %get3A_708 = arith.index_cast %add3A_707 : i32 to index
      %get3A_709 = arith.constant 0 : index
      %get3A_710 = tpu.vector_load %arg9[%get3A_708, %get3A_709] {strides = array<i32>} : memref<256x64xf32, #tpu.memory_space<vmem>>, vector<16xf32>,
      %get3A_711 = arith.index_cast %add3A_707 : i32 to index
      %get3A_712 = arith.constant 0 : index
      %get3A_713 = tpu.vector_load %arg10[%get3A_711, %get3A_712] {strides = array<i32>} : memref<256x64xf32, #tpu.memory_space<vmem>>, vector<16xf32>,
      %mul3A_714 = arith.mulf %get3A_713, %exp3A : vector<16xf32>
      %add3A_715 = arith.addf %get3A_710, %mul3A_714 : vector<16xf32>
      %swap3A_716 = arith.index_cast %add3A_707 : i32 to index
      %swap3A_717 = arith.constant 0 : index
      %swap3A_718 = tpu.vector_load %arg9[%swap3A_716, %swap3A_717] {strides = array<i32>} : memref<256x64xf32, #tpu.memory_space<vmem>>, vector<16xf32>,
      tpu.vector_store %arg9[%swap3A_716, %swap3A_717], %add3A_715 {strides = array<i32>} : memref<256x64xf32, #tpu.memory_space<vmem>>, vector<16xf32>,
      %get3A_719 = arith.index_cast %add3A_707 : i32 to index
      %get3A_720 = arith.constant 16 : index
      %get3A_721 = tpu.vector_load %arg9[%get3A_719, %get3A_720] {strides = array<i32>} : memref<256x64xf32, #tpu.memory_space<vmem>>, vector<16xf32>,
      %get3A_722 = arith.index_cast %add3A_707 : i32 to index
      %get3A_723 = arith.constant 16 : index
      %get3A_724 = tpu.vector_load %arg10[%get3A_722, %get3A_723] {strides = array<i32>} : memref<256x64xf32, #tpu.memory_space<vmem>>, vector<16xf32>,
      %mul3A_725 = arith.mulf %get3A_724, %exp3A_16 : vector<16xf32>
      %add3A_726 = arith.addf %get3A_721, %mul3A_725 : vector<16xf32>
      %swap3A_727 = arith.index_cast %add3A_707 : i32 to index
      %swap3A_728 = arith.constant 16 : index
      %swap3A_729 = tpu.vector_load %arg9[%swap3A_727, %swap3A_728] {strides = array<i32>} : memref<256x64xf32, #tpu.memory_space<vmem>>, vector<16xf32>,
      tpu.vector_store %arg9[%swap3A_727, %swap3A_728], %add3A_726 {strides = array<i32>} : memref<256x64xf32, #tpu.memory_space<vmem>>, vector<16xf32>,
      %get3A_730 = arith.index_cast %add3A_707 : i32 to index
      %get3A_731 = arith.constant 32 : index
      %get3A_732 = tpu.vector_load %arg9[%get3A_730, %get3A_731] {strides = array<i32>} : memref<256x64xf32, #tpu.memory_space<vmem>>, vector<16xf32>,
      %get3A_733 = arith.index_cast %add3A_707 : i32 to index
      %get3A_734 = arith.constant 32 : index
      %get3A_735 = tpu.vector_load %arg10[%get3A_733, %get3A_734] {strides = array<i32>} : memref<256x64xf32, #tpu.memory_space<vmem>>, vector<16xf32>,
      %mul3A_736 = arith.mulf %get3A_735, %exp3A_31 : vector<16xf32>
      %add3A_737 = arith.addf %get3A_732, %mul3A_736 : vector<16xf32>
      %swap3A_738 = arith.index_cast %add3A_707 : i32 to index
      %swap3A_739 = arith.constant 32 : index
      %swap3A_740 = tpu.vector_load %arg9[%swap3A_738, %swap3A_739] {strides = array<i32>} : memref<256x64xf32, #tpu.memory_space<vmem>>, vector<16xf32>,
      tpu.vector_store %arg9[%swap3A_738, %swap3A_739], %add3A_737 {strides = array<i32>} : memref<256x64xf32, #tpu.memory_space<vmem>>, vector<16xf32>,
      %get3A_741 = arith.index_cast %add3A_707 : i32 to index
      %get3A_742 = arith.constant 48 : index
      %get3A_743 = tpu.vector_load %arg9[%get3A_741, %get3A_742] {strides = array<i32>} : memref<256x64xf32, #tpu.memory_space<vmem>>, vector<16xf32>,
      %get3A_744 = arith.index_cast %add3A_707 : i32 to index
      %get3A_745 = arith.constant 48 : index
      %get3A_746 = tpu.vector_load %arg10[%get3A_744, %get3A_745] {strides = array<i32>} : memref<256x64xf32, #tpu.memory_space<vmem>>, vector<16xf32>,
      %mul3A_747 = arith.mulf %get3A_746, %exp3A_46 : vector<16xf32>
      %add3A_748 = arith.addf %get3A_743, %mul3A_747 : vector<16xf32>
      %swap3A_749 = arith.index_cast %add3A_707 : i32 to index
      %swap3A_750 = arith.constant 48 : index
      %swap3A_751 = tpu.vector_load %arg9[%swap3A_749, %swap3A_750] {strides = array<i32>} : memref<256x64xf32, #tpu.memory_space<vmem>>, vector<16xf32>,
      tpu.vector_store %arg9[%swap3A_749, %swap3A_750], %add3A_748 {strides = array<i32>} : memref<256x64xf32, #tpu.memory_space<vmem>>, vector<16xf32>,
      %add3A_752 = arith.constant 6 : i32
      %add3A_753 = arith.addi %mul3A_144, %add3A_752 : i32
      %get3A_754 = arith.index_cast %add3A_753 : i32 to index
      %get3A_755 = arith.constant 0 : index
      %get3A_756 = tpu.vector_load %arg9[%get3A_754, %get3A_755] {strides = array<i32>} : memref<256x64xf32, #tpu.memory_space<vmem>>, vector<16xf32>,
      %get3A_757 = arith.index_cast %add3A_753 : i32 to index
      %get3A_758 = arith.constant 0 : index
      %get3A_759 = tpu.vector_load %arg10[%get3A_757, %get3A_758] {strides = array<i32>} : memref<256x64xf32, #tpu.memory_space<vmem>>, vector<16xf32>,
      %mul3A_760 = arith.mulf %get3A_759, %exp3A : vector<16xf32>
      %add3A_761 = arith.addf %get3A_756, %mul3A_760 : vector<16xf32>
      %swap3A_762 = arith.index_cast %add3A_753 : i32 to index
      %swap3A_763 = arith.constant 0 : index
      %swap3A_764 = tpu.vector_load %arg9[%swap3A_762, %swap3A_763] {strides = array<i32>} : memref<256x64xf32, #tpu.memory_space<vmem>>, vector<16xf32>,
      tpu.vector_store %arg9[%swap3A_762, %swap3A_763], %add3A_761 {strides = array<i32>} : memref<256x64xf32, #tpu.memory_space<vmem>>, vector<16xf32>,
      %get3A_765 = arith.index_cast %add3A_753 : i32 to index
      %get3A_766 = arith.constant 16 : index
      %get3A_767 = tpu.vector_load %arg9[%get3A_765, %get3A_766] {strides = array<i32>} : memref<256x64xf32, #tpu.memory_space<vmem>>, vector<16xf32>,
      %get3A_768 = arith.index_cast %add3A_753 : i32 to index
      %get3A_769 = arith.constant 16 : index
      %get3A_770 = tpu.vector_load %arg10[%get3A_768, %get3A_769] {strides = array<i32>} : memref<256x64xf32, #tpu.memory_space<vmem>>, vector<16xf32>,
      %mul3A_771 = arith.mulf %get3A_770, %exp3A_16 : vector<16xf32>
      %add3A_772 = arith.addf %get3A_767, %mul3A_771 : vector<16xf32>
      %swap3A_773 = arith.index_cast %add3A_753 : i32 to index
      %swap3A_774 = arith.constant 16 : index
      %swap3A_775 = tpu.vector_load %arg9[%swap3A_773, %swap3A_774] {strides = array<i32>} : memref<256x64xf32, #tpu.memory_space<vmem>>, vector<16xf32>,
      tpu.vector_store %arg9[%swap3A_773, %swap3A_774], %add3A_772 {strides = array<i32>} : memref<256x64xf32, #tpu.memory_space<vmem>>, vector<16xf32>,
      %get3A_776 = arith.index_cast %add3A_753 : i32 to index
      %get3A_777 = arith.constant 32 : index
      %get3A_778 = tpu.vector_load %arg9[%get3A_776, %get3A_777] {strides = array<i32>} : memref<256x64xf32, #tpu.memory_space<vmem>>, vector<16xf32>,
      %get3A_779 = arith.index_cast %add3A_753 : i32 to index
      %get3A_780 = arith.constant 32 : index
      %get3A_781 = tpu.vector_load %arg10[%get3A_779, %get3A_780] {strides = array<i32>} : memref<256x64xf32, #tpu.memory_space<vmem>>, vector<16xf32>,
      %mul3A_782 = arith.mulf %get3A_781, %exp3A_31 : vector<16xf32>
      %add3A_783 = arith.addf %get3A_778, %mul3A_782 : vector<16xf32>
      %swap3A_784 = arith.index_cast %add3A_753 : i32 to index
      %swap3A_785 = arith.constant 32 : index
      %swap3A_786 = tpu.vector_load %arg9[%swap3A_784, %swap3A_785] {strides = array<i32>} : memref<256x64xf32, #tpu.memory_space<vmem>>, vector<16xf32>,
      tpu.vector_store %arg9[%swap3A_784, %swap3A_785], %add3A_783 {strides = array<i32>} : memref<256x64xf32, #tpu.memory_space<vmem>>, vector<16xf32>,
      %get3A_787 = arith.index_cast %add3A_753 : i32 to index
      %get3A_788 = arith.constant 48 : index
      %get3A_789 = tpu.vector_load %arg9[%get3A_787, %get3A_788] {strides = array<i32>} : memref<256x64xf32, #tpu.memory_space<vmem>>, vector<16xf32>,
      %get3A_790 = arith.index_cast %add3A_753 : i32 to index
      %get3A_791 = arith.constant 48 : index
      %get3A_792 = tpu.vector_load %arg10[%get3A_790, %get3A_791] {strides = array<i32>} : memref<256x64xf32, #tpu.memory_space<vmem>>, vector<16xf32>,
      %mul3A_793 = arith.mulf %get3A_792, %exp3A_46 : vector<16xf32>
      %add3A_794 = arith.addf %get3A_789, %mul3A_793 : vector<16xf32>
      %swap3A_795 = arith.index_cast %add3A_753 : i32 to index
      %swap3A_796 = arith.constant 48 : index
      %swap3A_797 = tpu.vector_load %arg9[%swap3A_795, %swap3A_796] {strides = array<i32>} : memref<256x64xf32, #tpu.memory_space<vmem>>, vector<16xf32>,
      tpu.vector_store %arg9[%swap3A_795, %swap3A_796], %add3A_794 {strides = array<i32>} : memref<256x64xf32, #tpu.memory_space<vmem>>, vector<16xf32>,
      %add3A_798 = arith.constant 7 : i32
      %add3A_799 = arith.addi %mul3A_144, %add3A_798 : i32
      %get3A_800 = arith.index_cast %add3A_799 : i32 to index
      %get3A_801 = arith.constant 0 : index
      %get3A_802 = tpu.vector_load %arg9[%get3A_800, %get3A_801] {strides = array<i32>} : memref<256x64xf32, #tpu.memory_space<vmem>>, vector<16xf32>,
      %get3A_803 = arith.index_cast %add3A_799 : i32 to index
      %get3A_804 = arith.constant 0 : index
      %get3A_805 = tpu.vector_load %arg10[%get3A_803, %get3A_804] {strides = array<i32>} : memref<256x64xf32, #tpu.memory_space<vmem>>, vector<16xf32>,
      %mul3A_806 = arith.mulf %get3A_805, %exp3A : vector<16xf32>
      %add3A_807 = arith.addf %get3A_802, %mul3A_806 : vector<16xf32>
      %swap3A_808 = arith.index_cast %add3A_799 : i32 to index
      %swap3A_809 = arith.constant 0 : index
      %swap3A_810 = tpu.vector_load %arg9[%swap3A_808, %swap3A_809] {strides = array<i32>} : memref<256x64xf32, #tpu.memory_space<vmem>>, vector<16xf32>,
      tpu.vector_store %arg9[%swap3A_808, %swap3A_809], %add3A_807 {strides = array<i32>} : memref<256x64xf32, #tpu.memory_space<vmem>>, vector<16xf32>,
      %get3A_811 = arith.index_cast %add3A_799 : i32 to index
      %get3A_812 = arith.constant 16 : index
      %get3A_813 = tpu.vector_load %arg9[%get3A_811, %get3A_812] {strides = array<i32>} : memref<256x64xf32, #tpu.memory_space<vmem>>, vector<16xf32>,
      %get3A_814 = arith.index_cast %add3A_799 : i32 to index
      %get3A_815 = arith.constant 16 : index
      %get3A_816 = tpu.vector_load %arg10[%get3A_814, %get3A_815] {strides = array<i32>} : memref<256x64xf32, #tpu.memory_space<vmem>>, vector<16xf32>,
      %mul3A_817 = arith.mulf %get3A_816, %exp3A_16 : vector<16xf32>
      %add3A_818 = arith.addf %get3A_813, %mul3A_817 : vector<16xf32>
      %swap3A_819 = arith.index_cast %add3A_799 : i32 to index
      %swap3A_820 = arith.constant 16 : index
      %swap3A_821 = tpu.vector_load %arg9[%swap3A_819, %swap3A_820] {strides = array<i32>} : memref<256x64xf32, #tpu.memory_space<vmem>>, vector<16xf32>,
      tpu.vector_store %arg9[%swap3A_819, %swap3A_820], %add3A_818 {strides = array<i32>} : memref<256x64xf32, #tpu.memory_space<vmem>>, vector<16xf32>,
      %get3A_822 = arith.index_cast %add3A_799 : i32 to index
      %get3A_823 = arith.constant 32 : index
      %get3A_824 = tpu.vector_load %arg9[%get3A_822, %get3A_823] {strides = array<i32>} : memref<256x64xf32, #tpu.memory_space<vmem>>, vector<16xf32>,
      %get3A_825 = arith.index_cast %add3A_799 : i32 to index
      %get3A_826 = arith.constant 32 : index
      %get3A_827 = tpu.vector_load %arg10[%get3A_825, %get3A_826] {strides = array<i32>} : memref<256x64xf32, #tpu.memory_space<vmem>>, vector<16xf32>,
      %mul3A_828 = arith.mulf %get3A_827, %exp3A_31 : vector<16xf32>
      %add3A_829 = arith.addf %get3A_824, %mul3A_828 : vector<16xf32>
      %swap3A_830 = arith.index_cast %add3A_799 : i32 to index
      %swap3A_831 = arith.constant 32 : index
      %swap3A_832 = tpu.vector_load %arg9[%swap3A_830, %swap3A_831] {strides = array<i32>} : memref<256x64xf32, #tpu.memory_space<vmem>>, vector<16xf32>,
      tpu.vector_store %arg9[%swap3A_830, %swap3A_831], %add3A_829 {strides = array<i32>} : memref<256x64xf32, #tpu.memory_space<vmem>>, vector<16xf32>,
      %get3A_833 = arith.index_cast %add3A_799 : i32 to index
      %get3A_834 = arith.constant 48 : index
      %get3A_835 = tpu.vector_load %arg9[%get3A_833, %get3A_834] {strides = array<i32>} : memref<256x64xf32, #tpu.memory_space<vmem>>, vector<16xf32>,
      %get3A_836 = arith.index_cast %add3A_799 : i32 to index
      %get3A_837 = arith.constant 48 : index
      %get3A_838 = tpu.vector_load %arg10[%get3A_836, %get3A_837] {strides = array<i32>} : memref<256x64xf32, #tpu.memory_space<vmem>>, vector<16xf32>,
      %mul3A_839 = arith.mulf %get3A_838, %exp3A_46 : vector<16xf32>
      %add3A_840 = arith.addf %get3A_835, %mul3A_839 : vector<16xf32>
      %swap3A_841 = arith.index_cast %add3A_799 : i32 to index
      %swap3A_842 = arith.constant 48 : index
      %swap3A_843 = tpu.vector_load %arg9[%swap3A_841, %swap3A_842] {strides = array<i32>} : memref<256x64xf32, #tpu.memory_space<vmem>>, vector<16xf32>,
      tpu.vector_store %arg9[%swap3A_841, %swap3A_842], %add3A_840 {strides = array<i32>} : memref<256x64xf32, #tpu.memory_space<vmem>>, vector<16xf32>,
      %add3A_844 = arith.constant 8 : i32
      %add3A_845 = arith.addi %mul3A_144, %add3A_844 : i32
      %get3A_846 = arith.index_cast %add3A_845 : i32 to index
      %get3A_847 = arith.constant 0 : index
      %get3A_848 = tpu.vector_load %arg9[%get3A_846, %get3A_847] {strides = array<i32>} : memref<256x64xf32, #tpu.memory_space<vmem>>, vector<16xf32>,
      %get3A_849 = arith.index_cast %add3A_845 : i32 to index
      %get3A_850 = arith.constant 0 : index
      %get3A_851 = tpu.vector_load %arg10[%get3A_849, %get3A_850] {strides = array<i32>} : memref<256x64xf32, #tpu.memory_space<vmem>>, vector<16xf32>,
      %mul3A_852 = arith.mulf %get3A_851, %exp3A : vector<16xf32>
      %add3A_853 = arith.addf %get3A_848, %mul3A_852 : vector<16xf32>
      %swap3A_854 = arith.index_cast %add3A_845 : i32 to index
      %swap3A_855 = arith.constant 0 : index
      %swap3A_856 = tpu.vector_load %arg9[%swap3A_854, %swap3A_855] {strides = array<i32>} : memref<256x64xf32, #tpu.memory_space<vmem>>, vector<16xf32>,
      tpu.vector_store %arg9[%swap3A_854, %swap3A_855], %add3A_853 {strides = array<i32>} : memref<256x64xf32, #tpu.memory_space<vmem>>, vector<16xf32>,
      %get3A_857 = arith.index_cast %add3A_845 : i32 to index
      %get3A_858 = arith.constant 16 : index
      %get3A_859 = tpu.vector_load %arg9[%get3A_857, %get3A_858] {strides = array<i32>} : memref<256x64xf32, #tpu.memory_space<vmem>>, vector<16xf32>,
      %get3A_860 = arith.index_cast %add3A_845 : i32 to index
      %get3A_861 = arith.constant 16 : index
      %get3A_862 = tpu.vector_load %arg10[%get3A_860, %get3A_861] {strides = array<i32>} : memref<256x64xf32, #tpu.memory_space<vmem>>, vector<16xf32>,
      %mul3A_863 = arith.mulf %get3A_862, %exp3A_16 : vector<16xf32>
      %add3A_864 = arith.addf %get3A_859, %mul3A_863 : vector<16xf32>
      %swap3A_865 = arith.index_cast %add3A_845 : i32 to index
      %swap3A_866 = arith.constant 16 : index
      %swap3A_867 = tpu.vector_load %arg9[%swap3A_865, %swap3A_866] {strides = array<i32>} : memref<256x64xf32, #tpu.memory_space<vmem>>, vector<16xf32>,
      tpu.vector_store %arg9[%swap3A_865, %swap3A_866], %add3A_864 {strides = array<i32>} : memref<256x64xf32, #tpu.memory_space<vmem>>, vector<16xf32>,
      %get3A_868 = arith.index_cast %add3A_845 : i32 to index
      %get3A_869 = arith.constant 32 : index
      %get3A_870 = tpu.vector_load %arg9[%get3A_868, %get3A_869] {strides = array<i32>} : memref<256x64xf32, #tpu.memory_space<vmem>>, vector<16xf32>,
      %get3A_871 = arith.index_cast %add3A_845 : i32 to index
      %get3A_872 = arith.constant 32 : index
      %get3A_873 = tpu.vector_load %arg10[%get3A_871, %get3A_872] {strides = array<i32>} : memref<256x64xf32, #tpu.memory_space<vmem>>, vector<16xf32>,
      %mul3A_874 = arith.mulf %get3A_873, %exp3A_31 : vector<16xf32>
      %add3A_875 = arith.addf %get3A_870, %mul3A_874 : vector<16xf32>
      %swap3A_876 = arith.index_cast %add3A_845 : i32 to index
      %swap3A_877 = arith.constant 32 : index
      %swap3A_878 = tpu.vector_load %arg9[%swap3A_876, %swap3A_877] {strides = array<i32>} : memref<256x64xf32, #tpu.memory_space<vmem>>, vector<16xf32>,
      tpu.vector_store %arg9[%swap3A_876, %swap3A_877], %add3A_875 {strides = array<i32>} : memref<256x64xf32, #tpu.memory_space<vmem>>, vector<16xf32>,
      %get3A_879 = arith.index_cast %add3A_845 : i32 to index
      %get3A_880 = arith.constant 48 : index
      %get3A_881 = tpu.vector_load %arg9[%get3A_879, %get3A_880] {strides = array<i32>} : memref<256x64xf32, #tpu.memory_space<vmem>>, vector<16xf32>,
      %get3A_882 = arith.index_cast %add3A_845 : i32 to index
      %get3A_883 = arith.constant 48 : index
      %get3A_884 = tpu.vector_load %arg10[%get3A_882, %get3A_883] {strides = array<i32>} : memref<256x64xf32, #tpu.memory_space<vmem>>, vector<16xf32>,
      %mul3A_885 = arith.mulf %get3A_884, %exp3A_46 : vector<16xf32>
      %add3A_886 = arith.addf %get3A_881, %mul3A_885 : vector<16xf32>
      %swap3A_887 = arith.index_cast %add3A_845 : i32 to index
      %swap3A_888 = arith.constant 48 : index
      %swap3A_889 = tpu.vector_load %arg9[%swap3A_887, %swap3A_888] {strides = array<i32>} : memref<256x64xf32, #tpu.memory_space<vmem>>, vector<16xf32>,
      tpu.vector_store %arg9[%swap3A_887, %swap3A_888], %add3A_886 {strides = array<i32>} : memref<256x64xf32, #tpu.memory_space<vmem>>, vector<16xf32>,
      %add3A_890 = arith.constant 9 : i32
      %add3A_891 = arith.addi %mul3A_144, %add3A_890 : i32
      %get3A_892 = arith.index_cast %add3A_891 : i32 to index
      %get3A_893 = arith.constant 0 : index
      %get3A_894 = tpu.vector_load %arg9[%get3A_892, %get3A_893] {strides = array<i32>} : memref<256x64xf32, #tpu.memory_space<vmem>>, vector<16xf32>,
      %get3A_895 = arith.index_cast %add3A_891 : i32 to index
      %get3A_896 = arith.constant 0 : index
      %get3A_897 = tpu.vector_load %arg10[%get3A_895, %get3A_896] {strides = array<i32>} : memref<256x64xf32, #tpu.memory_space<vmem>>, vector<16xf32>,
      %mul3A_898 = arith.mulf %get3A_897, %exp3A : vector<16xf32>
      %add3A_899 = arith.addf %get3A_894, %mul3A_898 : vector<16xf32>
      %swap3A_900 = arith.index_cast %add3A_891 : i32 to index
      %swap3A_901 = arith.constant 0 : index
      %swap3A_902 = tpu.vector_load %arg9[%swap3A_900, %swap3A_901] {strides = array<i32>} : memref<256x64xf32, #tpu.memory_space<vmem>>, vector<16xf32>,
      tpu.vector_store %arg9[%swap3A_900, %swap3A_901], %add3A_899 {strides = array<i32>} : memref<256x64xf32, #tpu.memory_space<vmem>>, vector<16xf32>,
      %get3A_903 = arith.index_cast %add3A_891 : i32 to index
      %get3A_904 = arith.constant 16 : index
      %get3A_905 = tpu.vector_load %arg9[%get3A_903, %get3A_904] {strides = array<i32>} : memref<256x64xf32, #tpu.memory_space<vmem>>, vector<16xf32>,
      %get3A_906 = arith.index_cast %add3A_891 : i32 to index
      %get3A_907 = arith.constant 16 : index
      %get3A_908 = tpu.vector_load %arg10[%get3A_906, %get3A_907] {strides = array<i32>} : memref<256x64xf32, #tpu.memory_space<vmem>>, vector<16xf32>,
      %mul3A_909 = arith.mulf %get3A_908, %exp3A_16 : vector<16xf32>
      %add3A_910 = arith.addf %get3A_905, %mul3A_909 : vector<16xf32>
      %swap3A_911 = arith.index_cast %add3A_891 : i32 to index
      %swap3A_912 = arith.constant 16 : index
      %swap3A_913 = tpu.vector_load %arg9[%swap3A_911, %swap3A_912] {strides = array<i32>} : memref<256x64xf32, #tpu.memory_space<vmem>>, vector<16xf32>,
      tpu.vector_store %arg9[%swap3A_911, %swap3A_912], %add3A_910 {strides = array<i32>} : memref<256x64xf32, #tpu.memory_space<vmem>>, vector<16xf32>,
      %get3A_914 = arith.index_cast %add3A_891 : i32 to index
      %get3A_915 = arith.constant 32 : index
      %get3A_916 = tpu.vector_load %arg9[%get3A_914, %get3A_915] {strides = array<i32>} : memref<256x64xf32, #tpu.memory_space<vmem>>, vector<16xf32>,
      %get3A_917 = arith.index_cast %add3A_891 : i32 to index
      %get3A_918 = arith.constant 32 : index
      %get3A_919 = tpu.vector_load %arg10[%get3A_917, %get3A_918] {strides = array<i32>} : memref<256x64xf32, #tpu.memory_space<vmem>>, vector<16xf32>,
      %mul3A_920 = arith.mulf %get3A_919, %exp3A_31 : vector<16xf32>
      %add3A_921 = arith.addf %get3A_916, %mul3A_920 : vector<16xf32>
      %swap3A_922 = arith.index_cast %add3A_891 : i32 to index
      %swap3A_923 = arith.constant 32 : index
      %swap3A_924 = tpu.vector_load %arg9[%swap3A_922, %swap3A_923] {strides = array<i32>} : memref<256x64xf32, #tpu.memory_space<vmem>>, vector<16xf32>,
      tpu.vector_store %arg9[%swap3A_922, %swap3A_923], %add3A_921 {strides = array<i32>} : memref<256x64xf32, #tpu.memory_space<vmem>>, vector<16xf32>,
      %get3A_925 = arith.index_cast %add3A_891 : i32 to index
      %get3A_926 = arith.constant 48 : index
      %get3A_927 = tpu.vector_load %arg9[%get3A_925, %get3A_926] {strides = array<i32>} : memref<256x64xf32, #tpu.memory_space<vmem>>, vector<16xf32>,
      %get3A_928 = arith.index_cast %add3A_891 : i32 to index
      %get3A_929 = arith.constant 48 : index
      %get3A_930 = tpu.vector_load %arg10[%get3A_928, %get3A_929] {strides = array<i32>} : memref<256x64xf32, #tpu.memory_space<vmem>>, vector<16xf32>,
      %mul3A_931 = arith.mulf %get3A_930, %exp3A_46 : vector<16xf32>
      %add3A_932 = arith.addf %get3A_927, %mul3A_931 : vector<16xf32>
      %swap3A_933 = arith.index_cast %add3A_891 : i32 to index
      %swap3A_934 = arith.constant 48 : index
      %swap3A_935 = tpu.vector_load %arg9[%swap3A_933, %swap3A_934] {strides = array<i32>} : memref<256x64xf32, #tpu.memory_space<vmem>>, vector<16xf32>,
      tpu.vector_store %arg9[%swap3A_933, %swap3A_934], %add3A_932 {strides = array<i32>} : memref<256x64xf32, #tpu.memory_space<vmem>>, vector<16xf32>,
      %add3A_936 = arith.constant 10 : i32
      %add3A_937 = arith.addi %mul3A_144, %add3A_936 : i32
      %get3A_938 = arith.index_cast %add3A_937 : i32 to index
      %get3A_939 = arith.constant 0 : index
      %get3A_940 = tpu.vector_load %arg9[%get3A_938, %get3A_939] {strides = array<i32>} : memref<256x64xf32, #tpu.memory_space<vmem>>, vector<16xf32>,
      %get3A_941 = arith.index_cast %add3A_937 : i32 to index
      %get3A_942 = arith.constant 0 : index
      %get3A_943 = tpu.vector_load %arg10[%get3A_941, %get3A_942] {strides = array<i32>} : memref<256x64xf32, #tpu.memory_space<vmem>>, vector<16xf32>,
      %mul3A_944 = arith.mulf %get3A_943, %exp3A : vector<16xf32>
      %add3A_945 = arith.addf %get3A_940, %mul3A_944 : vector<16xf32>
      %swap3A_946 = arith.index_cast %add3A_937 : i32 to index
      %swap3A_947 = arith.constant 0 : index
      %swap3A_948 = tpu.vector_load %arg9[%swap3A_946, %swap3A_947] {strides = array<i32>} : memref<256x64xf32, #tpu.memory_space<vmem>>, vector<16xf32>,
      tpu.vector_store %arg9[%swap3A_946, %swap3A_947], %add3A_945 {strides = array<i32>} : memref<256x64xf32, #tpu.memory_space<vmem>>, vector<16xf32>,
      %get3A_949 = arith.index_cast %add3A_937 : i32 to index
      %get3A_950 = arith.constant 16 : index
      %get3A_951 = tpu.vector_load %arg9[%get3A_949, %get3A_950] {strides = array<i32>} : memref<256x64xf32, #tpu.memory_space<vmem>>, vector<16xf32>,
      %get3A_952 = arith.index_cast %add3A_937 : i32 to index
      %get3A_953 = arith.constant 16 : index
      %get3A_954 = tpu.vector_load %arg10[%get3A_952, %get3A_953] {strides = array<i32>} : memref<256x64xf32, #tpu.memory_space<vmem>>, vector<16xf32>,
      %mul3A_955 = arith.mulf %get3A_954, %exp3A_16 : vector<16xf32>
      %add3A_956 = arith.addf %get3A_951, %mul3A_955 : vector<16xf32>
      %swap3A_957 = arith.index_cast %add3A_937 : i32 to index
      %swap3A_958 = arith.constant 16 : index
      %swap3A_959 = tpu.vector_load %arg9[%swap3A_957, %swap3A_958] {strides = array<i32>} : memref<256x64xf32, #tpu.memory_space<vmem>>, vector<16xf32>,
      tpu.vector_store %arg9[%swap3A_957, %swap3A_958], %add3A_956 {strides = array<i32>} : memref<256x64xf32, #tpu.memory_space<vmem>>, vector<16xf32>,
      %get3A_960 = arith.index_cast %add3A_937 : i32 to index
      %get3A_961 = arith.constant 32 : index
      %get3A_962 = tpu.vector_load %arg9[%get3A_960, %get3A_961] {strides = array<i32>} : memref<256x64xf32, #tpu.memory_space<vmem>>, vector<16xf32>,
      %get3A_963 = arith.index_cast %add3A_937 : i32 to index
      %get3A_964 = arith.constant 32 : index
      %get3A_965 = tpu.vector_load %arg10[%get3A_963, %get3A_964] {strides = array<i32>} : memref<256x64xf32, #tpu.memory_space<vmem>>, vector<16xf32>,
      %mul3A_966 = arith.mulf %get3A_965, %exp3A_31 : vector<16xf32>
      %add3A_967 = arith.addf %get3A_962, %mul3A_966 : vector<16xf32>
      %swap3A_968 = arith.index_cast %add3A_937 : i32 to index
      %swap3A_969 = arith.constant 32 : index
      %swap3A_970 = tpu.vector_load %arg9[%swap3A_968, %swap3A_969] {strides = array<i32>} : memref<256x64xf32, #tpu.memory_space<vmem>>, vector<16xf32>,
      tpu.vector_store %arg9[%swap3A_968, %swap3A_969], %add3A_967 {strides = array<i32>} : memref<256x64xf32, #tpu.memory_space<vmem>>, vector<16xf32>,
      %get3A_971 = arith.index_cast %add3A_937 : i32 to index
      %get3A_972 = arith.constant 48 : index
      %get3A_973 = tpu.vector_load %arg9[%get3A_971, %get3A_972] {strides = array<i32>} : memref<256x64xf32, #tpu.memory_space<vmem>>, vector<16xf32>,
      %get3A_974 = arith.index_cast %add3A_937 : i32 to index
      %get3A_975 = arith.constant 48 : index
      %get3A_976 = tpu.vector_load %arg10[%get3A_974, %get3A_975] {strides = array<i32>} : memref<256x64xf32, #tpu.memory_space<vmem>>, vector<16xf32>,
      %mul3A_977 = arith.mulf %get3A_976, %exp3A_46 : vector<16xf32>
      %add3A_978 = arith.addf %get3A_973, %mul3A_977 : vector<16xf32>
      %swap3A_979 = arith.index_cast %add3A_937 : i32 to index
      %swap3A_980 = arith.constant 48 : index
      %swap3A_981 = tpu.vector_load %arg9[%swap3A_979, %swap3A_980] {strides = array<i32>} : memref<256x64xf32, #tpu.memory_space<vmem>>, vector<16xf32>,
      tpu.vector_store %arg9[%swap3A_979, %swap3A_980], %add3A_978 {strides = array<i32>} : memref<256x64xf32, #tpu.memory_space<vmem>>, vector<16xf32>,
      %add3A_982 = arith.constant 11 : i32
      %add3A_983 = arith.addi %mul3A_144, %add3A_982 : i32
      %get3A_984 = arith.index_cast %add3A_983 : i32 to index
      %get3A_985 = arith.constant 0 : index
      %get3A_986 = tpu.vector_load %arg9[%get3A_984, %get3A_985] {strides = array<i32>} : memref<256x64xf32, #tpu.memory_space<vmem>>, vector<16xf32>,
      %get3A_987 = arith.index_cast %add3A_983 : i32 to index
      %get3A_988 = arith.constant 0 : index
      %get3A_989 = tpu.vector_load %arg10[%get3A_987, %get3A_988] {strides = array<i32>} : memref<256x64xf32, #tpu.memory_space<vmem>>, vector<16xf32>,
      %mul3A_990 = arith.mulf %get3A_989, %exp3A : vector<16xf32>
      %add3A_991 = arith.addf %get3A_986, %mul3A_990 : vector<16xf32>
      %swap3A_992 = arith.index_cast %add3A_983 : i32 to index
      %swap3A_993 = arith.constant 0 : index
      %swap3A_994 = tpu.vector_load %arg9[%swap3A_992, %swap3A_993] {strides = array<i32>} : memref<256x64xf32, #tpu.memory_space<vmem>>, vector<16xf32>,
      tpu.vector_store %arg9[%swap3A_992, %swap3A_993], %add3A_991 {strides = array<i32>} : memref<256x64xf32, #tpu.memory_space<vmem>>, vector<16xf32>,
      %get3A_995 = arith.index_cast %add3A_983 : i32 to index
      %get3A_996 = arith.constant 16 : index
      %get3A_997 = tpu.vector_load %arg9[%get3A_995, %get3A_996] {strides = array<i32>} : memref<256x64xf32, #tpu.memory_space<vmem>>, vector<16xf32>,
      %get3A_998 = arith.index_cast %add3A_983 : i32 to index
      %get3A_999 = arith.constant 16 : index
      %get3A_1000 = tpu.vector_load %arg10[%get3A_998, %get3A_999] {strides = array<i32>} : memref<256x64xf32, #tpu.memory_space<vmem>>, vector<16xf32>,
      %mul3A_1001 = arith.mulf %get3A_1000, %exp3A_16 : vector<16xf32>
      %add3A_1002 = arith.addf %get3A_997, %mul3A_1001 : vector<16xf32>
      %swap3A_1003 = arith.index_cast %add3A_983 : i32 to index
      %swap3A_1004 = arith.constant 16 : index
      %swap3A_1005 = tpu.vector_load %arg9[%swap3A_1003, %swap3A_1004] {strides = array<i32>} : memref<256x64xf32, #tpu.memory_space<vmem>>, vector<16xf32>,
      tpu.vector_store %arg9[%swap3A_1003, %swap3A_1004], %add3A_1002 {strides = array<i32>} : memref<256x64xf32, #tpu.memory_space<vmem>>, vector<16xf32>,
      %get3A_1006 = arith.index_cast %add3A_983 : i32 to index
      %get3A_1007 = arith.constant 32 : index
      %get3A_1008 = tpu.vector_load %arg9[%get3A_1006, %get3A_1007] {strides = array<i32>} : memref<256x64xf32, #tpu.memory_space<vmem>>, vector<16xf32>,
      %get3A_1009 = arith.index_cast %add3A_983 : i32 to index
      %get3A_1010 = arith.constant 32 : index
      %get3A_1011 = tpu.vector_load %arg10[%get3A_1009, %get3A_1010] {strides = array<i32>} : memref<256x64xf32, #tpu.memory_space<vmem>>, vector<16xf32>,
      %mul3A_1012 = arith.mulf %get3A_1011, %exp3A_31 : vector<16xf32>
      %add3A_1013 = arith.addf %get3A_1008, %mul3A_1012 : vector<16xf32>
      %swap3A_1014 = arith.index_cast %add3A_983 : i32 to index
      %swap3A_1015 = arith.constant 32 : index
      %swap3A_1016 = tpu.vector_load %arg9[%swap3A_1014, %swap3A_1015] {strides = array<i32>} : memref<256x64xf32, #tpu.memory_space<vmem>>, vector<16xf32>,
      tpu.vector_store %arg9[%swap3A_1014, %swap3A_1015], %add3A_1013 {strides = array<i32>} : memref<256x64xf32, #tpu.memory_space<vmem>>, vector<16xf32>,
      %get3A_1017 = arith.index_cast %add3A_983 : i32 to index
      %get3A_1018 = arith.constant 48 : index
      %get3A_1019 = tpu.vector_load %arg9[%get3A_1017, %get3A_1018] {strides = array<i32>} : memref<256x64xf32, #tpu.memory_space<vmem>>, vector<16xf32>,
      %get3A_1020 = arith.index_cast %add3A_983 : i32 to index
      %get3A_1021 = arith.constant 48 : index
      %get3A_1022 = tpu.vector_load %arg10[%get3A_1020, %get3A_1021] {strides = array<i32>} : memref<256x64xf32, #tpu.memory_space<vmem>>, vector<16xf32>,
      %mul3A_1023 = arith.mulf %get3A_1022, %exp3A_46 : vector<16xf32>
      %add3A_1024 = arith.addf %get3A_1019, %mul3A_1023 : vector<16xf32>
      %swap3A_1025 = arith.index_cast %add3A_983 : i32 to index
      %swap3A_1026 = arith.constant 48 : index
      %swap3A_1027 = tpu.vector_load %arg9[%swap3A_1025, %swap3A_1026] {strides = array<i32>} : memref<256x64xf32, #tpu.memory_space<vmem>>, vector<16xf32>,
      tpu.vector_store %arg9[%swap3A_1025, %swap3A_1026], %add3A_1024 {strides = array<i32>} : memref<256x64xf32, #tpu.memory_space<vmem>>, vector<16xf32>,
      %add3A_1028 = arith.constant 12 : i32
      %add3A_1029 = arith.addi %mul3A_144, %add3A_1028 : i32
      %get3A_1030 = arith.index_cast %add3A_1029 : i32 to index
      %get3A_1031 = arith.constant 0 : index
      %get3A_1032 = tpu.vector_load %arg9[%get3A_1030, %get3A_1031] {strides = array<i32>} : memref<256x64xf32, #tpu.memory_space<vmem>>, vector<16xf32>,
      %get3A_1033 = arith.index_cast %add3A_1029 : i32 to index
      %get3A_1034 = arith.constant 0 : index
      %get3A_1035 = tpu.vector_load %arg10[%get3A_1033, %get3A_1034] {strides = array<i32>} : memref<256x64xf32, #tpu.memory_space<vmem>>, vector<16xf32>,
      %mul3A_1036 = arith.mulf %get3A_1035, %exp3A : vector<16xf32>
      %add3A_1037 = arith.addf %get3A_1032, %mul3A_1036 : vector<16xf32>
      %swap3A_1038 = arith.index_cast %add3A_1029 : i32 to index
      %swap3A_1039 = arith.constant 0 : index
      %swap3A_1040 = tpu.vector_load %arg9[%swap3A_1038, %swap3A_1039] {strides = array<i32>} : memref<256x64xf32, #tpu.memory_space<vmem>>, vector<16xf32>,
      tpu.vector_store %arg9[%swap3A_1038, %swap3A_1039], %add3A_1037 {strides = array<i32>} : memref<256x64xf32, #tpu.memory_space<vmem>>, vector<16xf32>,
      %get3A_1041 = arith.index_cast %add3A_1029 : i32 to index
      %get3A_1042 = arith.constant 16 : index
      %get3A_1043 = tpu.vector_load %arg9[%get3A_1041, %get3A_1042] {strides = array<i32>} : memref<256x64xf32, #tpu.memory_space<vmem>>, vector<16xf32>,
      %get3A_1044 = arith.index_cast %add3A_1029 : i32 to index
      %get3A_1045 = arith.constant 16 : index
      %get3A_1046 = tpu.vector_load %arg10[%get3A_1044, %get3A_1045] {strides = array<i32>} : memref<256x64xf32, #tpu.memory_space<vmem>>, vector<16xf32>,
      %mul3A_1047 = arith.mulf %get3A_1046, %exp3A_16 : vector<16xf32>
      %add3A_1048 = arith.addf %get3A_1043, %mul3A_1047 : vector<16xf32>
      %swap3A_1049 = arith.index_cast %add3A_1029 : i32 to index
      %swap3A_1050 = arith.constant 16 : index
      %swap3A_1051 = tpu.vector_load %arg9[%swap3A_1049, %swap3A_1050] {strides = array<i32>} : memref<256x64xf32, #tpu.memory_space<vmem>>, vector<16xf32>,
      tpu.vector_store %arg9[%swap3A_1049, %swap3A_1050], %add3A_1048 {strides = array<i32>} : memref<256x64xf32, #tpu.memory_space<vmem>>, vector<16xf32>,
      %get3A_1052 = arith.index_cast %add3A_1029 : i32 to index
      %get3A_1053 = arith.constant 32 : index
      %get3A_1054 = tpu.vector_load %arg9[%get3A_1052, %get3A_1053] {strides = array<i32>} : memref<256x64xf32, #tpu.memory_space<vmem>>, vector<16xf32>,
      %get3A_1055 = arith.index_cast %add3A_1029 : i32 to index
      %get3A_1056 = arith.constant 32 : index
      %get3A_1057 = tpu.vector_load %arg10[%get3A_1055, %get3A_1056] {strides = array<i32>} : memref<256x64xf32, #tpu.memory_space<vmem>>, vector<16xf32>,
      %mul3A_1058 = arith.mulf %get3A_1057, %exp3A_31 : vector<16xf32>
      %add3A_1059 = arith.addf %get3A_1054, %mul3A_1058 : vector<16xf32>
      %swap3A_1060 = arith.index_cast %add3A_1029 : i32 to index
      %swap3A_1061 = arith.constant 32 : index
      %swap3A_1062 = tpu.vector_load %arg9[%swap3A_1060, %swap3A_1061] {strides = array<i32>} : memref<256x64xf32, #tpu.memory_space<vmem>>, vector<16xf32>,
      tpu.vector_store %arg9[%swap3A_1060, %swap3A_1061], %add3A_1059 {strides = array<i32>} : memref<256x64xf32, #tpu.memory_space<vmem>>, vector<16xf32>,
      %get3A_1063 = arith.index_cast %add3A_1029 : i32 to index
      %get3A_1064 = arith.constant 48 : index
      %get3A_1065 = tpu.vector_load %arg9[%get3A_1063, %get3A_1064] {strides = array<i32>} : memref<256x64xf32, #tpu.memory_space<vmem>>, vector<16xf32>,
      %get3A_1066 = arith.index_cast %add3A_1029 : i32 to index
      %get3A_1067 = arith.constant 48 : index
      %get3A_1068 = tpu.vector_load %arg10[%get3A_1066, %get3A_1067] {strides = array<i32>} : memref<256x64xf32, #tpu.memory_space<vmem>>, vector<16xf32>,
      %mul3A_1069 = arith.mulf %get3A_1068, %exp3A_46 : vector<16xf32>
      %add3A_1070 = arith.addf %get3A_1065, %mul3A_1069 : vector<16xf32>
      %swap3A_1071 = arith.index_cast %add3A_1029 : i32 to index
      %swap3A_1072 = arith.constant 48 : index
      %swap3A_1073 = tpu.vector_load %arg9[%swap3A_1071, %swap3A_1072] {strides = array<i32>} : memref<256x64xf32, #tpu.memory_space<vmem>>, vector<16xf32>,
      tpu.vector_store %arg9[%swap3A_1071, %swap3A_1072], %add3A_1070 {strides = array<i32>} : memref<256x64xf32, #tpu.memory_space<vmem>>, vector<16xf32>,
      %add3A_1074 = arith.constant 13 : i32
      %add3A_1075 = arith.addi %mul3A_144, %add3A_1074 : i32
      %get3A_1076 = arith.index_cast %add3A_1075 : i32 to index
      %get3A_1077 = arith.constant 0 : index
      %get3A_1078 = tpu.vector_load %arg9[%get3A_1076, %get3A_1077] {strides = array<i32>} : memref<256x64xf32, #tpu.memory_space<vmem>>, vector<16xf32>,
      %get3A_1079 = arith.index_cast %add3A_1075 : i32 to index
      %get3A_1080 = arith.constant 0 : index
      %get3A_1081 = tpu.vector_load %arg10[%get3A_1079, %get3A_1080] {strides = array<i32>} : memref<256x64xf32, #tpu.memory_space<vmem>>, vector<16xf32>,
      %mul3A_1082 = arith.mulf %get3A_1081, %exp3A : vector<16xf32>
      %add3A_1083 = arith.addf %get3A_1078, %mul3A_1082 : vector<16xf32>
      %swap3A_1084 = arith.index_cast %add3A_1075 : i32 to index
      %swap3A_1085 = arith.constant 0 : index
      %swap3A_1086 = tpu.vector_load %arg9[%swap3A_1084, %swap3A_1085] {strides = array<i32>} : memref<256x64xf32, #tpu.memory_space<vmem>>, vector<16xf32>,
      tpu.vector_store %arg9[%swap3A_1084, %swap3A_1085], %add3A_1083 {strides = array<i32>} : memref<256x64xf32, #tpu.memory_space<vmem>>, vector<16xf32>,
      %get3A_1087 = arith.index_cast %add3A_1075 : i32 to index
      %get3A_1088 = arith.constant 16 : index
      %get3A_1089 = tpu.vector_load %arg9[%get3A_1087, %get3A_1088] {strides = array<i32>} : memref<256x64xf32, #tpu.memory_space<vmem>>, vector<16xf32>,
      %get3A_1090 = arith.index_cast %add3A_1075 : i32 to index
      %get3A_1091 = arith.constant 16 : index
      %get3A_1092 = tpu.vector_load %arg10[%get3A_1090, %get3A_1091] {strides = array<i32>} : memref<256x64xf32, #tpu.memory_space<vmem>>, vector<16xf32>,
      %mul3A_1093 = arith.mulf %get3A_1092, %exp3A_16 : vector<16xf32>
      %add3A_1094 = arith.addf %get3A_1089, %mul3A_1093 : vector<16xf32>
      %swap3A_1095 = arith.index_cast %add3A_1075 : i32 to index
      %swap3A_1096 = arith.constant 16 : index
      %swap3A_1097 = tpu.vector_load %arg9[%swap3A_1095, %swap3A_1096] {strides = array<i32>} : memref<256x64xf32, #tpu.memory_space<vmem>>, vector<16xf32>,
      tpu.vector_store %arg9[%swap3A_1095, %swap3A_1096], %add3A_1094 {strides = array<i32>} : memref<256x64xf32, #tpu.memory_space<vmem>>, vector<16xf32>,
      %get3A_1098 = arith.index_cast %add3A_1075 : i32 to index
      %get3A_1099 = arith.constant 32 : index
      %get3A_1100 = tpu.vector_load %arg9[%get3A_1098, %get3A_1099] {strides = array<i32>} : memref<256x64xf32, #tpu.memory_space<vmem>>, vector<16xf32>,
      %get3A_1101 = arith.index_cast %add3A_1075 : i32 to index
      %get3A_1102 = arith.constant 32 : index
      %get3A_1103 = tpu.vector_load %arg10[%get3A_1101, %get3A_1102] {strides = array<i32>} : memref<256x64xf32, #tpu.memory_space<vmem>>, vector<16xf32>,
      %mul3A_1104 = arith.mulf %get3A_1103, %exp3A_31 : vector<16xf32>
      %add3A_1105 = arith.addf %get3A_1100, %mul3A_1104 : vector<16xf32>
      %swap3A_1106 = arith.index_cast %add3A_1075 : i32 to index
      %swap3A_1107 = arith.constant 32 : index
      %swap3A_1108 = tpu.vector_load %arg9[%swap3A_1106, %swap3A_1107] {strides = array<i32>} : memref<256x64xf32, #tpu.memory_space<vmem>>, vector<16xf32>,
      tpu.vector_store %arg9[%swap3A_1106, %swap3A_1107], %add3A_1105 {strides = array<i32>} : memref<256x64xf32, #tpu.memory_space<vmem>>, vector<16xf32>,
      %get3A_1109 = arith.index_cast %add3A_1075 : i32 to index
      %get3A_1110 = arith.constant 48 : index
      %get3A_1111 = tpu.vector_load %arg9[%get3A_1109, %get3A_1110] {strides = array<i32>} : memref<256x64xf32, #tpu.memory_space<vmem>>, vector<16xf32>,
      %get3A_1112 = arith.index_cast %add3A_1075 : i32 to index
      %get3A_1113 = arith.constant 48 : index
      %get3A_1114 = tpu.vector_load %arg10[%get3A_1112, %get3A_1113] {strides = array<i32>} : memref<256x64xf32, #tpu.memory_space<vmem>>, vector<16xf32>,
      %mul3A_1115 = arith.mulf %get3A_1114, %exp3A_46 : vector<16xf32>
      %add3A_1116 = arith.addf %get3A_1111, %mul3A_1115 : vector<16xf32>
      %swap3A_1117 = arith.index_cast %add3A_1075 : i32 to index
      %swap3A_1118 = arith.constant 48 : index
      %swap3A_1119 = tpu.vector_load %arg9[%swap3A_1117, %swap3A_1118] {strides = array<i32>} : memref<256x64xf32, #tpu.memory_space<vmem>>, vector<16xf32>,
      tpu.vector_store %arg9[%swap3A_1117, %swap3A_1118], %add3A_1116 {strides = array<i32>} : memref<256x64xf32, #tpu.memory_space<vmem>>, vector<16xf32>,
      %add3A_1120 = arith.constant 14 : i32
      %add3A_1121 = arith.addi %mul3A_144, %add3A_1120 : i32
      %get3A_1122 = arith.index_cast %add3A_1121 : i32 to index
      %get3A_1123 = arith.constant 0 : index
      %get3A_1124 = tpu.vector_load %arg9[%get3A_1122, %get3A_1123] {strides = array<i32>} : memref<256x64xf32, #tpu.memory_space<vmem>>, vector<16xf32>,
      %get3A_1125 = arith.index_cast %add3A_1121 : i32 to index
      %get3A_1126 = arith.constant 0 : index
      %get3A_1127 = tpu.vector_load %arg10[%get3A_1125, %get3A_1126] {strides = array<i32>} : memref<256x64xf32, #tpu.memory_space<vmem>>, vector<16xf32>,
      %mul3A_1128 = arith.mulf %get3A_1127, %exp3A : vector<16xf32>
      %add3A_1129 = arith.addf %get3A_1124, %mul3A_1128 : vector<16xf32>
      %swap3A_1130 = arith.index_cast %add3A_1121 : i32 to index
      %swap3A_1131 = arith.constant 0 : index
      %swap3A_1132 = tpu.vector_load %arg9[%swap3A_1130, %swap3A_1131] {strides = array<i32>} : memref<256x64xf32, #tpu.memory_space<vmem>>, vector<16xf32>,
      tpu.vector_store %arg9[%swap3A_1130, %swap3A_1131], %add3A_1129 {strides = array<i32>} : memref<256x64xf32, #tpu.memory_space<vmem>>, vector<16xf32>,
      %get3A_1133 = arith.index_cast %add3A_1121 : i32 to index
      %get3A_1134 = arith.constant 16 : index
      %get3A_1135 = tpu.vector_load %arg9[%get3A_1133, %get3A_1134] {strides = array<i32>} : memref<256x64xf32, #tpu.memory_space<vmem>>, vector<16xf32>,
      %get3A_1136 = arith.index_cast %add3A_1121 : i32 to index
      %get3A_1137 = arith.constant 16 : index
      %get3A_1138 = tpu.vector_load %arg10[%get3A_1136, %get3A_1137] {strides = array<i32>} : memref<256x64xf32, #tpu.memory_space<vmem>>, vector<16xf32>,
      %mul3A_1139 = arith.mulf %get3A_1138, %exp3A_16 : vector<16xf32>
      %add3A_1140 = arith.addf %get3A_1135, %mul3A_1139 : vector<16xf32>
      %swap3A_1141 = arith.index_cast %add3A_1121 : i32 to index
      %swap3A_1142 = arith.constant 16 : index
      %swap3A_1143 = tpu.vector_load %arg9[%swap3A_1141, %swap3A_1142] {strides = array<i32>} : memref<256x64xf32, #tpu.memory_space<vmem>>, vector<16xf32>,
      tpu.vector_store %arg9[%swap3A_1141, %swap3A_1142], %add3A_1140 {strides = array<i32>} : memref<256x64xf32, #tpu.memory_space<vmem>>, vector<16xf32>,
      %get3A_1144 = arith.index_cast %add3A_1121 : i32 to index
      %get3A_1145 = arith.constant 32 : index
      %get3A_1146 = tpu.vector_load %arg9[%get3A_1144, %get3A_1145] {strides = array<i32>} : memref<256x64xf32, #tpu.memory_space<vmem>>, vector<16xf32>,
      %get3A_1147 = arith.index_cast %add3A_1121 : i32 to index
      %get3A_1148 = arith.constant 32 : index
      %get3A_1149 = tpu.vector_load %arg10[%get3A_1147, %get3A_1148] {strides = array<i32>} : memref<256x64xf32, #tpu.memory_space<vmem>>, vector<16xf32>,
      %mul3A_1150 = arith.mulf %get3A_1149, %exp3A_31 : vector<16xf32>
      %add3A_1151 = arith.addf %get3A_1146, %mul3A_1150 : vector<16xf32>
      %swap3A_1152 = arith.index_cast %add3A_1121 : i32 to index
      %swap3A_1153 = arith.constant 32 : index
      %swap3A_1154 = tpu.vector_load %arg9[%swap3A_1152, %swap3A_1153] {strides = array<i32>} : memref<256x64xf32, #tpu.memory_space<vmem>>, vector<16xf32>,
      tpu.vector_store %arg9[%swap3A_1152, %swap3A_1153], %add3A_1151 {strides = array<i32>} : memref<256x64xf32, #tpu.memory_space<vmem>>, vector<16xf32>,
      %get3A_1155 = arith.index_cast %add3A_1121 : i32 to index
      %get3A_1156 = arith.constant 48 : index
      %get3A_1157 = tpu.vector_load %arg9[%get3A_1155, %get3A_1156] {strides = array<i32>} : memref<256x64xf32, #tpu.memory_space<vmem>>, vector<16xf32>,
      %get3A_1158 = arith.index_cast %add3A_1121 : i32 to index
      %get3A_1159 = arith.constant 48 : index
      %get3A_1160 = tpu.vector_load %arg10[%get3A_1158, %get3A_1159] {strides = array<i32>} : memref<256x64xf32, #tpu.memory_space<vmem>>, vector<16xf32>,
      %mul3A_1161 = arith.mulf %get3A_1160, %exp3A_46 : vector<16xf32>
      %add3A_1162 = arith.addf %get3A_1157, %mul3A_1161 : vector<16xf32>
      %swap3A_1163 = arith.index_cast %add3A_1121 : i32 to index
      %swap3A_1164 = arith.constant 48 : index
      %swap3A_1165 = tpu.vector_load %arg9[%swap3A_1163, %swap3A_1164] {strides = array<i32>} : memref<256x64xf32, #tpu.memory_space<vmem>>, vector<16xf32>,
      tpu.vector_store %arg9[%swap3A_1163, %swap3A_1164], %add3A_1162 {strides = array<i32>} : memref<256x64xf32, #tpu.memory_space<vmem>>, vector<16xf32>,
      %add3A_1166 = arith.constant 15 : i32
      %add3A_1167 = arith.addi %mul3A_144, %add3A_1166 : i32
      %get3A_1168 = arith.index_cast %add3A_1167 : i32 to index
      %get3A_1169 = arith.constant 0 : index
      %get3A_1170 = tpu.vector_load %arg9[%get3A_1168, %get3A_1169] {strides = array<i32>} : memref<256x64xf32, #tpu.memory_space<vmem>>, vector<16xf32>,
      %get3A_1171 = arith.index_cast %add3A_1167 : i32 to index
      %get3A_1172 = arith.constant 0 : index
      %get3A_1173 = tpu.vector_load %arg10[%get3A_1171, %get3A_1172] {strides = array<i32>} : memref<256x64xf32, #tpu.memory_space<vmem>>, vector<16xf32>,
      %mul3A_1174 = arith.mulf %get3A_1173, %exp3A : vector<16xf32>
      %add3A_1175 = arith.addf %get3A_1170, %mul3A_1174 : vector<16xf32>
      %swap3A_1176 = arith.index_cast %add3A_1167 : i32 to index
      %swap3A_1177 = arith.constant 0 : index
      %swap3A_1178 = tpu.vector_load %arg9[%swap3A_1176, %swap3A_1177] {strides = array<i32>} : memref<256x64xf32, #tpu.memory_space<vmem>>, vector<16xf32>,
      tpu.vector_store %arg9[%swap3A_1176, %swap3A_1177], %add3A_1175 {strides = array<i32>} : memref<256x64xf32, #tpu.memory_space<vmem>>, vector<16xf32>,
      %get3A_1179 = arith.index_cast %add3A_1167 : i32 to index
      %get3A_1180 = arith.constant 16 : index
      %get3A_1181 = tpu.vector_load %arg9[%get3A_1179, %get3A_1180] {strides = array<i32>} : memref<256x64xf32, #tpu.memory_space<vmem>>, vector<16xf32>,
      %get3A_1182 = arith.index_cast %add3A_1167 : i32 to index
      %get3A_1183 = arith.constant 16 : index
      %get3A_1184 = tpu.vector_load %arg10[%get3A_1182, %get3A_1183] {strides = array<i32>} : memref<256x64xf32, #tpu.memory_space<vmem>>, vector<16xf32>,
      %mul3A_1185 = arith.mulf %get3A_1184, %exp3A_16 : vector<16xf32>
      %add3A_1186 = arith.addf %get3A_1181, %mul3A_1185 : vector<16xf32>
      %swap3A_1187 = arith.index_cast %add3A_1167 : i32 to index
      %swap3A_1188 = arith.constant 16 : index
      %swap3A_1189 = tpu.vector_load %arg9[%swap3A_1187, %swap3A_1188] {strides = array<i32>} : memref<256x64xf32, #tpu.memory_space<vmem>>, vector<16xf32>,
      tpu.vector_store %arg9[%swap3A_1187, %swap3A_1188], %add3A_1186 {strides = array<i32>} : memref<256x64xf32, #tpu.memory_space<vmem>>, vector<16xf32>,
      %get3A_1190 = arith.index_cast %add3A_1167 : i32 to index
      %get3A_1191 = arith.constant 32 : index
      %get3A_1192 = tpu.vector_load %arg9[%get3A_1190, %get3A_1191] {strides = array<i32>} : memref<256x64xf32, #tpu.memory_space<vmem>>, vector<16xf32>,
      %get3A_1193 = arith.index_cast %add3A_1167 : i32 to index
      %get3A_1194 = arith.constant 32 : index
      %get3A_1195 = tpu.vector_load %arg10[%get3A_1193, %get3A_1194] {strides = array<i32>} : memref<256x64xf32, #tpu.memory_space<vmem>>, vector<16xf32>,
      %mul3A_1196 = arith.mulf %get3A_1195, %exp3A_31 : vector<16xf32>
      %add3A_1197 = arith.addf %get3A_1192, %mul3A_1196 : vector<16xf32>
      %swap3A_1198 = arith.index_cast %add3A_1167 : i32 to index
      %swap3A_1199 = arith.constant 32 : index
      %swap3A_1200 = tpu.vector_load %arg9[%swap3A_1198, %swap3A_1199] {strides = array<i32>} : memref<256x64xf32, #tpu.memory_space<vmem>>, vector<16xf32>,
      tpu.vector_store %arg9[%swap3A_1198, %swap3A_1199], %add3A_1197 {strides = array<i32>} : memref<256x64xf32, #tpu.memory_space<vmem>>, vector<16xf32>,
      %get3A_1201 = arith.index_cast %add3A_1167 : i32 to index
      %get3A_1202 = arith.constant 48 : index
      %get3A_1203 = tpu.vector_load %arg9[%get3A_1201, %get3A_1202] {strides = array<i32>} : memref<256x64xf32, #tpu.memory_space<vmem>>, vector<16xf32>,
      %get3A_1204 = arith.index_cast %add3A_1167 : i32 to index
      %get3A_1205 = arith.constant 48 : index
      %get3A_1206 = tpu.vector_load %arg10[%get3A_1204, %get3A_1205] {strides = array<i32>} : memref<256x64xf32, #tpu.memory_space<vmem>>, vector<16xf32>,
      %mul3A_1207 = arith.mulf %get3A_1206, %exp3A_46 : vector<16xf32>
      %add3A_1208 = arith.addf %get3A_1203, %mul3A_1207 : vector<16xf32>
      %swap3A_1209 = arith.index_cast %add3A_1167 : i32 to index
      %swap3A_1210 = arith.constant 48 : index
      %swap3A_1211 = tpu.vector_load %arg9[%swap3A_1209, %swap3A_1210] {strides = array<i32>} : memref<256x64xf32, #tpu.memory_space<vmem>>, vector<16xf32>,
      tpu.vector_store %arg9[%swap3A_1209, %swap3A_1210], %add3A_1208 {strides = array<i32>} : memref<256x64xf32, #tpu.memory_space<vmem>>, vector<16xf32>,
    }
    %scan3A_121 = arith.constant 16 : i32
    "tpu.region"() ({
      %run_scoped3A = tpu.sem_alloc : memref<!tpu.dma_semaphore, #tpu.memory_space<semaphore_mem>>
      %dma_start3A = arith.constant 0 : i32
      %dma_start3A_142 = arith.constant 0 : i32
      %dma_start3A_143 = tpu.memref_slice %arg6[%add3A, %dma_start3A, %dma_start3A_142] : memref<32x512x64xf32, #tpu.memory_space<hbm>> -> memref<1x256x64xf32, #tpu.memory_space<hbm>>
      %dma_start3A_144 = tpu.memref_squeeze %dma_start3A_143 : memref<1x256x64xf32, #tpu.memory_space<hbm>> -> memref<256x64xf32, #tpu.memory_space<hbm>>
      %dma_start3A_145 = arith.constant 0 : i32
      %dma_start3A_146 = arith.constant 0 : i32
      %dma_start3A_147 = tpu.memref_slice %arg6[%add3A, %dma_start3A_145, %dma_start3A_146] : memref<32x512x64xf32, #tpu.memory_space<hbm>> -> memref<1x256x64xf32, #tpu.memory_space<hbm>>
      %dma_start3A_148 = tpu.memref_squeeze %dma_start3A_147 : memref<1x256x64xf32, #tpu.memory_space<hbm>> -> memref<256x64xf32, #tpu.memory_space<hbm>>
      tpu.enqueue_dma source(%arg9 : memref<256x64xf32, #tpu.memory_space<vmem>>) target(%dma_start3A_148 : memref<256x64xf32, #tpu.memory_space<hbm>>) target_semaphore(%run_scoped3A : memref<!tpu.dma_semaphore, #tpu.memory_space<semaphore_mem>>)
      %dma_wait3A_149 = arith.constant 0 : i32
      %dma_wait3A_150 = arith.constant 0 : i32
      %dma_wait3A_151 = tpu.memref_slice %arg6[%add3A, %dma_wait3A_149, %dma_wait3A_150] : memref<32x512x64xf32, #tpu.memory_space<hbm>> -> memref<1x256x64xf32, #tpu.memory_space<hbm>>
      %dma_wait3A_152 = tpu.memref_squeeze %dma_wait3A_151 : memref<1x256x64xf32, #tpu.memory_space<hbm>> -> memref<256x64xf32, #tpu.memory_space<hbm>>
      %dma_wait3A_153 = arith.constant 0 : i32
      %dma_wait3A_154 = arith.constant 0 : i32
      %dma_wait3A_155 = tpu.memref_slice %arg6[%add3A, %dma_wait3A_153, %dma_wait3A_154] : memref<32x512x64xf32, #tpu.memory_space<hbm>> -> memref<1x256x64xf32, #tpu.memory_space<hbm>>
      %dma_wait3A_156 = tpu.memref_squeeze %dma_wait3A_155 : memref<1x256x64xf32, #tpu.memory_space<hbm>> -> memref<256x64xf32, #tpu.memory_space<hbm>>
      tpu.wait_dma2 semaphore(%run_scoped3A : memref<!tpu.dma_semaphore, #tpu.memory_space<semaphore_mem>>) src(%arg9 : memref<256x64xf32, #tpu.memory_space<vmem>>) dst(%dma_wait3A_156 : memref<256x64xf32, #tpu.memory_space<hbm>>)
      tpu.yield
    }) : () -> ()
    %scan3A_122 = arith.constant 0 : i32
    %scan3A_123 = arith.constant 0 : i32
    %scan3A_124 = arith.constant 8 : i32
    %scan3A_125 = arith.addi %scan3A_123, %scan3A_124 : i32
    %scan3A_126 = arith.constant 1 : i32
    scf.for %scan3A_142 = %scan3A_123 to %scan3A_125 step %scan3A_126  : i32 {
      %add3A_143 = arith.constant 8 : i32
      %add3A_144 = arith.addi %add3A_143, %scan3A_142 : i32
      %get3A_145 = arith.index_cast %add3A_144 : i32 to index
      %get3A_146 = arith.constant 0 : index
      %get3A_147 = tpu.vector_load %arg8[%get3A_145, %get3A_146] {strides = array<i32>} : memref<16x32xi32, #tpu.memory_space<vmem>>, vector<16xi32>,
      %slice3A_148 = vector.extract_strided_slice %get3A_147 {offsets = [0], sizes = [1], strides = [1]} : vector<16xi32> to vector<1xi32>
      %squeeze3A_149 = vector.extract %slice3A_148[0] : i32 from vector<1xi32>
      %mul3A_150 = arith.constant 32 : i32
      %mul3A_151 = arith.muli %scan3A_142, %mul3A_150 : i32
      %add3A_152 = arith.constant 0 : i32
      %add3A_153 = arith.addi %mul3A_151, %add3A_152 : i32
      %add3A_154 = arith.constant 0 : i32
      %add3A_155 = arith.addi %add3A_153, %add3A_154 : i32
      %dma_start3A = arith.constant 0 : i32
      %dma_start3A_156 = tpu.memref_slice %arg9[%add3A_155, %dma_start3A] : memref<256x64xf32, #tpu.memory_space<vmem>> -> memref<1x64xf32, #tpu.memory_space<vmem>>
      %dma_start3A_157 = tpu.memref_squeeze %dma_start3A_156 : memref<1x64xf32, #tpu.memory_space<vmem>> -> memref<64xf32, #tpu.memory_space<vmem>>
      %dma_start3A_158 = arith.constant 0 : i32
      %dma_start3A_159 = tpu.memref_slice %arg5[%squeeze3A_149, %dma_start3A_158] : memref<1000000x64xf32, #tpu.memory_space<hbm>> -> memref<1x64xf32, #tpu.memory_space<hbm>>
      %dma_start3A_160 = tpu.memref_squeeze %dma_start3A_159 : memref<1x64xf32, #tpu.memory_space<hbm>> -> memref<64xf32, #tpu.memory_space<hbm>>
      %dma_start3A_161 = arith.constant 0 : i32
      %dma_start3A_162 = tpu.memref_slice %arg9[%add3A_155, %dma_start3A_161] : memref<256x64xf32, #tpu.memory_space<vmem>> -> memref<1x64xf32, #tpu.memory_space<vmem>>
      %dma_start3A_163 = tpu.memref_squeeze %dma_start3A_162 : memref<1x64xf32, #tpu.memory_space<vmem>> -> memref<64xf32, #tpu.memory_space<vmem>>
      %dma_start3A_164 = arith.constant 0 : i32
      %dma_start3A_165 = tpu.memref_slice %arg5[%squeeze3A_149, %dma_start3A_164] : memref<1000000x64xf32, #tpu.memory_space<hbm>> -> memref<1x64xf32, #tpu.memory_space<hbm>>
      %dma_start3A_166 = tpu.memref_squeeze %dma_start3A_165 : memref<1x64xf32, #tpu.memory_space<hbm>> -> memref<64xf32, #tpu.memory_space<hbm>>
      tpu.enqueue_dma source(%dma_start3A_166 : memref<64xf32, #tpu.memory_space<hbm>>) target(%dma_start3A_163 : memref<64xf32, #tpu.memory_space<vmem>>) target_semaphore(%arg13 : memref<!tpu.dma_semaphore, #tpu.memory_space<semaphore_mem>>)
      %slice3A_167 = vector.extract_strided_slice %get3A_147 {offsets = [1], sizes = [1], strides = [1]} : vector<16xi32> to vector<1xi32>
      %squeeze3A_168 = vector.extract %slice3A_167[0] : i32 from vector<1xi32>
      %mul3A_169 = arith.constant 32 : i32
      %mul3A_170 = arith.muli %scan3A_142, %mul3A_169 : i32
      %add3A_171 = arith.constant 0 : i32
      %add3A_172 = arith.addi %mul3A_170, %add3A_171 : i32
      %add3A_173 = arith.constant 1 : i32
      %add3A_174 = arith.addi %add3A_172, %add3A_173 : i32
      %dma_start3A_175 = arith.constant 0 : i32
      %dma_start3A_176 = tpu.memref_slice %arg9[%add3A_174, %dma_start3A_175] : memref<256x64xf32, #tpu.memory_space<vmem>> -> memref<1x64xf32, #tpu.memory_space<vmem>>
      %dma_start3A_177 = tpu.memref_squeeze %dma_start3A_176 : memref<1x64xf32, #tpu.memory_space<vmem>> -> memref<64xf32, #tpu.memory_space<vmem>>
      %dma_start3A_178 = arith.constant 0 : i32
      %dma_start3A_179 = tpu.memref_slice %arg5[%squeeze3A_168, %dma_start3A_178] : memref<1000000x64xf32, #tpu.memory_space<hbm>> -> memref<1x64xf32, #tpu.memory_space<hbm>>
      %dma_start3A_180 = tpu.memref_squeeze %dma_start3A_179 : memref<1x64xf32, #tpu.memory_space<hbm>> -> memref<64xf32, #tpu.memory_space<hbm>>
      %dma_start3A_181 = arith.constant 0 : i32
      %dma_start3A_182 = tpu.memref_slice %arg9[%add3A_174, %dma_start3A_181] : memref<256x64xf32, #tpu.memory_space<vmem>> -> memref<1x64xf32, #tpu.memory_space<vmem>>
      %dma_start3A_183 = tpu.memref_squeeze %dma_start3A_182 : memref<1x64xf32, #tpu.memory_space<vmem>> -> memref<64xf32, #tpu.memory_space<vmem>>
      %dma_start3A_184 = arith.constant 0 : i32
      %dma_start3A_185 = tpu.memref_slice %arg5[%squeeze3A_168, %dma_start3A_184] : memref<1000000x64xf32, #tpu.memory_space<hbm>> -> memref<1x64xf32, #tpu.memory_space<hbm>>
      %dma_start3A_186 = tpu.memref_squeeze %dma_start3A_185 : memref<1x64xf32, #tpu.memory_space<hbm>> -> memref<64xf32, #tpu.memory_space<hbm>>
      tpu.enqueue_dma source(%dma_start3A_186 : memref<64xf32, #tpu.memory_space<hbm>>) target(%dma_start3A_183 : memref<64xf32, #tpu.memory_space<vmem>>) target_semaphore(%arg13 : memref<!tpu.dma_semaphore, #tpu.memory_space<semaphore_mem>>)
      %slice3A_187 = vector.extract_strided_slice %get3A_147 {offsets = [2], sizes = [1], strides = [1]} : vector<16xi32> to vector<1xi32>
      %squeeze3A_188 = vector.extract %slice3A_187[0] : i32 from vector<1xi32>
      %mul3A_189 = arith.constant 32 : i32
      %mul3A_190 = arith.muli %scan3A_142, %mul3A_189 : i32
      %add3A_191 = arith.constant 0 : i32
      %add3A_192 = arith.addi %mul3A_190, %add3A_191 : i32
      %add3A_193 = arith.constant 2 : i32
      %add3A_194 = arith.addi %add3A_192, %add3A_193 : i32
      %dma_start3A_195 = arith.constant 0 : i32
      %dma_start3A_196 = tpu.memref_slice %arg9[%add3A_194, %dma_start3A_195] : memref<256x64xf32, #tpu.memory_space<vmem>> -> memref<1x64xf32, #tpu.memory_space<vmem>>
      %dma_start3A_197 = tpu.memref_squeeze %dma_start3A_196 : memref<1x64xf32, #tpu.memory_space<vmem>> -> memref<64xf32, #tpu.memory_space<vmem>>
      %dma_start3A_198 = arith.constant 0 : i32
      %dma_start3A_199 = tpu.memref_slice %arg5[%squeeze3A_188, %dma_start3A_198] : memref<1000000x64xf32, #tpu.memory_space<hbm>> -> memref<1x64xf32, #tpu.memory_space<hbm>>
      %dma_start3A_200 = tpu.memref_squeeze %dma_start3A_199 : memref<1x64xf32, #tpu.memory_space<hbm>> -> memref<64xf32, #tpu.memory_space<hbm>>
      %dma_start3A_201 = arith.constant 0 : i32
      %dma_start3A_202 = tpu.memref_slice %arg9[%add3A_194, %dma_start3A_201] : memref<256x64xf32, #tpu.memory_space<vmem>> -> memref<1x64xf32, #tpu.memory_space<vmem>>
      %dma_start3A_203 = tpu.memref_squeeze %dma_start3A_202 : memref<1x64xf32, #tpu.memory_space<vmem>> -> memref<64xf32, #tpu.memory_space<vmem>>
      %dma_start3A_204 = arith.constant 0 : i32
      %dma_start3A_205 = tpu.memref_slice %arg5[%squeeze3A_188, %dma_start3A_204] : memref<1000000x64xf32, #tpu.memory_space<hbm>> -> memref<1x64xf32, #tpu.memory_space<hbm>>
      %dma_start3A_206 = tpu.memref_squeeze %dma_start3A_205 : memref<1x64xf32, #tpu.memory_space<hbm>> -> memref<64xf32, #tpu.memory_space<hbm>>
      tpu.enqueue_dma source(%dma_start3A_206 : memref<64xf32, #tpu.memory_space<hbm>>) target(%dma_start3A_203 : memref<64xf32, #tpu.memory_space<vmem>>) target_semaphore(%arg13 : memref<!tpu.dma_semaphore, #tpu.memory_space<semaphore_mem>>)
      %slice3A_207 = vector.extract_strided_slice %get3A_147 {offsets = [3], sizes = [1], strides = [1]} : vector<16xi32> to vector<1xi32>
      %squeeze3A_208 = vector.extract %slice3A_207[0] : i32 from vector<1xi32>
      %mul3A_209 = arith.constant 32 : i32
      %mul3A_210 = arith.muli %scan3A_142, %mul3A_209 : i32
      %add3A_211 = arith.constant 0 : i32
      %add3A_212 = arith.addi %mul3A_210, %add3A_211 : i32
      %add3A_213 = arith.constant 3 : i32
      %add3A_214 = arith.addi %add3A_212, %add3A_213 : i32
      %dma_start3A_215 = arith.constant 0 : i32
      %dma_start3A_216 = tpu.memref_slice %arg9[%add3A_214, %dma_start3A_215] : memref<256x64xf32, #tpu.memory_space<vmem>> -> memref<1x64xf32, #tpu.memory_space<vmem>>
      %dma_start3A_217 = tpu.memref_squeeze %dma_start3A_216 : memref<1x64xf32, #tpu.memory_space<vmem>> -> memref<64xf32, #tpu.memory_space<vmem>>
      %dma_start3A_218 = arith.constant 0 : i32
      %dma_start3A_219 = tpu.memref_slice %arg5[%squeeze3A_208, %dma_start3A_218] : memref<1000000x64xf32, #tpu.memory_space<hbm>> -> memref<1x64xf32, #tpu.memory_space<hbm>>
      %dma_start3A_220 = tpu.memref_squeeze %dma_start3A_219 : memref<1x64xf32, #tpu.memory_space<hbm>> -> memref<64xf32, #tpu.memory_space<hbm>>
      %dma_start3A_221 = arith.constant 0 : i32
      %dma_start3A_222 = tpu.memref_slice %arg9[%add3A_214, %dma_start3A_221] : memref<256x64xf32, #tpu.memory_space<vmem>> -> memref<1x64xf32, #tpu.memory_space<vmem>>
      %dma_start3A_223 = tpu.memref_squeeze %dma_start3A_222 : memref<1x64xf32, #tpu.memory_space<vmem>> -> memref<64xf32, #tpu.memory_space<vmem>>
      %dma_start3A_224 = arith.constant 0 : i32
      %dma_start3A_225 = tpu.memref_slice %arg5[%squeeze3A_208, %dma_start3A_224] : memref<1000000x64xf32, #tpu.memory_space<hbm>> -> memref<1x64xf32, #tpu.memory_space<hbm>>
      %dma_start3A_226 = tpu.memref_squeeze %dma_start3A_225 : memref<1x64xf32, #tpu.memory_space<hbm>> -> memref<64xf32, #tpu.memory_space<hbm>>
      tpu.enqueue_dma source(%dma_start3A_226 : memref<64xf32, #tpu.memory_space<hbm>>) target(%dma_start3A_223 : memref<64xf32, #tpu.memory_space<vmem>>) target_semaphore(%arg13 : memref<!tpu.dma_semaphore, #tpu.memory_space<semaphore_mem>>)
      %slice3A_227 = vector.extract_strided_slice %get3A_147 {offsets = [4], sizes = [1], strides = [1]} : vector<16xi32> to vector<1xi32>
      %squeeze3A_228 = vector.extract %slice3A_227[0] : i32 from vector<1xi32>
      %mul3A_229 = arith.constant 32 : i32
      %mul3A_230 = arith.muli %scan3A_142, %mul3A_229 : i32
      %add3A_231 = arith.constant 0 : i32
      %add3A_232 = arith.addi %mul3A_230, %add3A_231 : i32
      %add3A_233 = arith.constant 4 : i32
      %add3A_234 = arith.addi %add3A_232, %add3A_233 : i32
      %dma_start3A_235 = arith.constant 0 : i32
      %dma_start3A_236 = tpu.memref_slice %arg9[%add3A_234, %dma_start3A_235] : memref<256x64xf32, #tpu.memory_space<vmem>> -> memref<1x64xf32, #tpu.memory_space<vmem>>
      %dma_start3A_237 = tpu.memref_squeeze %dma_start3A_236 : memref<1x64xf32, #tpu.memory_space<vmem>> -> memref<64xf32, #tpu.memory_space<vmem>>
      %dma_start3A_238 = arith.constant 0 : i32
      %dma_start3A_239 = tpu.memref_slice %arg5[%squeeze3A_228, %dma_start3A_238] : memref<1000000x64xf32, #tpu.memory_space<hbm>> -> memref<1x64xf32, #tpu.memory_space<hbm>>
      %dma_start3A_240 = tpu.memref_squeeze %dma_start3A_239 : memref<1x64xf32, #tpu.memory_space<hbm>> -> memref<64xf32, #tpu.memory_space<hbm>>
      %dma_start3A_241 = arith.constant 0 : i32
      %dma_start3A_242 = tpu.memref_slice %arg9[%add3A_234, %dma_start3A_241] : memref<256x64xf32, #tpu.memory_space<vmem>> -> memref<1x64xf32, #tpu.memory_space<vmem>>
      %dma_start3A_243 = tpu.memref_squeeze %dma_start3A_242 : memref<1x64xf32, #tpu.memory_space<vmem>> -> memref<64xf32, #tpu.memory_space<vmem>>
      %dma_start3A_244 = arith.constant 0 : i32
      %dma_start3A_245 = tpu.memref_slice %arg5[%squeeze3A_228, %dma_start3A_244] : memref<1000000x64xf32, #tpu.memory_space<hbm>> -> memref<1x64xf32, #tpu.memory_space<hbm>>
      %dma_start3A_246 = tpu.memref_squeeze %dma_start3A_245 : memref<1x64xf32, #tpu.memory_space<hbm>> -> memref<64xf32, #tpu.memory_space<hbm>>
      tpu.enqueue_dma source(%dma_start3A_246 : memref<64xf32, #tpu.memory_space<hbm>>) target(%dma_start3A_243 : memref<64xf32, #tpu.memory_space<vmem>>) target_semaphore(%arg13 : memref<!tpu.dma_semaphore, #tpu.memory_space<semaphore_mem>>)
      %slice3A_247 = vector.extract_strided_slice %get3A_147 {offsets = [5], sizes = [1], strides = [1]} : vector<16xi32> to vector<1xi32>
      %squeeze3A_248 = vector.extract %slice3A_247[0] : i32 from vector<1xi32>
      %mul3A_249 = arith.constant 32 : i32
      %mul3A_250 = arith.muli %scan3A_142, %mul3A_249 : i32
      %add3A_251 = arith.constant 0 : i32
      %add3A_252 = arith.addi %mul3A_250, %add3A_251 : i32
      %add3A_253 = arith.constant 5 : i32
      %add3A_254 = arith.addi %add3A_252, %add3A_253 : i32
      %dma_start3A_255 = arith.constant 0 : i32
      %dma_start3A_256 = tpu.memref_slice %arg9[%add3A_254, %dma_start3A_255] : memref<256x64xf32, #tpu.memory_space<vmem>> -> memref<1x64xf32, #tpu.memory_space<vmem>>
      %dma_start3A_257 = tpu.memref_squeeze %dma_start3A_256 : memref<1x64xf32, #tpu.memory_space<vmem>> -> memref<64xf32, #tpu.memory_space<vmem>>
      %dma_start3A_258 = arith.constant 0 : i32
      %dma_start3A_259 = tpu.memref_slice %arg5[%squeeze3A_248, %dma_start3A_258] : memref<1000000x64xf32, #tpu.memory_space<hbm>> -> memref<1x64xf32, #tpu.memory_space<hbm>>
      %dma_start3A_260 = tpu.memref_squeeze %dma_start3A_259 : memref<1x64xf32, #tpu.memory_space<hbm>> -> memref<64xf32, #tpu.memory_space<hbm>>
      %dma_start3A_261 = arith.constant 0 : i32
      %dma_start3A_262 = tpu.memref_slice %arg9[%add3A_254, %dma_start3A_261] : memref<256x64xf32, #tpu.memory_space<vmem>> -> memref<1x64xf32, #tpu.memory_space<vmem>>
      %dma_start3A_263 = tpu.memref_squeeze %dma_start3A_262 : memref<1x64xf32, #tpu.memory_space<vmem>> -> memref<64xf32, #tpu.memory_space<vmem>>
      %dma_start3A_264 = arith.constant 0 : i32
      %dma_start3A_265 = tpu.memref_slice %arg5[%squeeze3A_248, %dma_start3A_264] : memref<1000000x64xf32, #tpu.memory_space<hbm>> -> memref<1x64xf32, #tpu.memory_space<hbm>>
      %dma_start3A_266 = tpu.memref_squeeze %dma_start3A_265 : memref<1x64xf32, #tpu.memory_space<hbm>> -> memref<64xf32, #tpu.memory_space<hbm>>
      tpu.enqueue_dma source(%dma_start3A_266 : memref<64xf32, #tpu.memory_space<hbm>>) target(%dma_start3A_263 : memref<64xf32, #tpu.memory_space<vmem>>) target_semaphore(%arg13 : memref<!tpu.dma_semaphore, #tpu.memory_space<semaphore_mem>>)
      %slice3A_267 = vector.extract_strided_slice %get3A_147 {offsets = [6], sizes = [1], strides = [1]} : vector<16xi32> to vector<1xi32>
      %squeeze3A_268 = vector.extract %slice3A_267[0] : i32 from vector<1xi32>
      %mul3A_269 = arith.constant 32 : i32
      %mul3A_270 = arith.muli %scan3A_142, %mul3A_269 : i32
      %add3A_271 = arith.constant 0 : i32
      %add3A_272 = arith.addi %mul3A_270, %add3A_271 : i32
      %add3A_273 = arith.constant 6 : i32
      %add3A_274 = arith.addi %add3A_272, %add3A_273 : i32
      %dma_start3A_275 = arith.constant 0 : i32
      %dma_start3A_276 = tpu.memref_slice %arg9[%add3A_274, %dma_start3A_275] : memref<256x64xf32, #tpu.memory_space<vmem>> -> memref<1x64xf32, #tpu.memory_space<vmem>>
      %dma_start3A_277 = tpu.memref_squeeze %dma_start3A_276 : memref<1x64xf32, #tpu.memory_space<vmem>> -> memref<64xf32, #tpu.memory_space<vmem>>
      %dma_start3A_278 = arith.constant 0 : i32
      %dma_start3A_279 = tpu.memref_slice %arg5[%squeeze3A_268, %dma_start3A_278] : memref<1000000x64xf32, #tpu.memory_space<hbm>> -> memref<1x64xf32, #tpu.memory_space<hbm>>
      %dma_start3A_280 = tpu.memref_squeeze %dma_start3A_279 : memref<1x64xf32, #tpu.memory_space<hbm>> -> memref<64xf32, #tpu.memory_space<hbm>>
      %dma_start3A_281 = arith.constant 0 : i32
      %dma_start3A_282 = tpu.memref_slice %arg9[%add3A_274, %dma_start3A_281] : memref<256x64xf32, #tpu.memory_space<vmem>> -> memref<1x64xf32, #tpu.memory_space<vmem>>
      %dma_start3A_283 = tpu.memref_squeeze %dma_start3A_282 : memref<1x64xf32, #tpu.memory_space<vmem>> -> memref<64xf32, #tpu.memory_space<vmem>>
      %dma_start3A_284 = arith.constant 0 : i32
      %dma_start3A_285 = tpu.memref_slice %arg5[%squeeze3A_268, %dma_start3A_284] : memref<1000000x64xf32, #tpu.memory_space<hbm>> -> memref<1x64xf32, #tpu.memory_space<hbm>>
      %dma_start3A_286 = tpu.memref_squeeze %dma_start3A_285 : memref<1x64xf32, #tpu.memory_space<hbm>> -> memref<64xf32, #tpu.memory_space<hbm>>
      tpu.enqueue_dma source(%dma_start3A_286 : memref<64xf32, #tpu.memory_space<hbm>>) target(%dma_start3A_283 : memref<64xf32, #tpu.memory_space<vmem>>) target_semaphore(%arg13 : memref<!tpu.dma_semaphore, #tpu.memory_space<semaphore_mem>>)
      %slice3A_287 = vector.extract_strided_slice %get3A_147 {offsets = [7], sizes = [1], strides = [1]} : vector<16xi32> to vector<1xi32>
      %squeeze3A_288 = vector.extract %slice3A_287[0] : i32 from vector<1xi32>
      %mul3A_289 = arith.constant 32 : i32
      %mul3A_290 = arith.muli %scan3A_142, %mul3A_289 : i32
      %add3A_291 = arith.constant 0 : i32
      %add3A_292 = arith.addi %mul3A_290, %add3A_291 : i32
      %add3A_293 = arith.constant 7 : i32
      %add3A_294 = arith.addi %add3A_292, %add3A_293 : i32
      %dma_start3A_295 = arith.constant 0 : i32
      %dma_start3A_296 = tpu.memref_slice %arg9[%add3A_294, %dma_start3A_295] : memref<256x64xf32, #tpu.memory_space<vmem>> -> memref<1x64xf32, #tpu.memory_space<vmem>>
      %dma_start3A_297 = tpu.memref_squeeze %dma_start3A_296 : memref<1x64xf32, #tpu.memory_space<vmem>> -> memref<64xf32, #tpu.memory_space<vmem>>
      %dma_start3A_298 = arith.constant 0 : i32
      %dma_start3A_299 = tpu.memref_slice %arg5[%squeeze3A_288, %dma_start3A_298] : memref<1000000x64xf32, #tpu.memory_space<hbm>> -> memref<1x64xf32, #tpu.memory_space<hbm>>
      %dma_start3A_300 = tpu.memref_squeeze %dma_start3A_299 : memref<1x64xf32, #tpu.memory_space<hbm>> -> memref<64xf32, #tpu.memory_space<hbm>>
      %dma_start3A_301 = arith.constant 0 : i32
      %dma_start3A_302 = tpu.memref_slice %arg9[%add3A_294, %dma_start3A_301] : memref<256x64xf32, #tpu.memory_space<vmem>> -> memref<1x64xf32, #tpu.memory_space<vmem>>
      %dma_start3A_303 = tpu.memref_squeeze %dma_start3A_302 : memref<1x64xf32, #tpu.memory_space<vmem>> -> memref<64xf32, #tpu.memory_space<vmem>>
      %dma_start3A_304 = arith.constant 0 : i32
      %dma_start3A_305 = tpu.memref_slice %arg5[%squeeze3A_288, %dma_start3A_304] : memref<1000000x64xf32, #tpu.memory_space<hbm>> -> memref<1x64xf32, #tpu.memory_space<hbm>>
      %dma_start3A_306 = tpu.memref_squeeze %dma_start3A_305 : memref<1x64xf32, #tpu.memory_space<hbm>> -> memref<64xf32, #tpu.memory_space<hbm>>
      tpu.enqueue_dma source(%dma_start3A_306 : memref<64xf32, #tpu.memory_space<hbm>>) target(%dma_start3A_303 : memref<64xf32, #tpu.memory_space<vmem>>) target_semaphore(%arg13 : memref<!tpu.dma_semaphore, #tpu.memory_space<semaphore_mem>>)
      %slice3A_307 = vector.extract_strided_slice %get3A_147 {offsets = [8], sizes = [1], strides = [1]} : vector<16xi32> to vector<1xi32>
      %squeeze3A_308 = vector.extract %slice3A_307[0] : i32 from vector<1xi32>
      %mul3A_309 = arith.constant 32 : i32
      %mul3A_310 = arith.muli %scan3A_142, %mul3A_309 : i32
      %add3A_311 = arith.constant 0 : i32
      %add3A_312 = arith.addi %mul3A_310, %add3A_311 : i32
      %add3A_313 = arith.constant 8 : i32
      %add3A_314 = arith.addi %add3A_312, %add3A_313 : i32
      %dma_start3A_315 = arith.constant 0 : i32
      %dma_start3A_316 = tpu.memref_slice %arg9[%add3A_314, %dma_start3A_315] : memref<256x64xf32, #tpu.memory_space<vmem>> -> memref<1x64xf32, #tpu.memory_space<vmem>>
      %dma_start3A_317 = tpu.memref_squeeze %dma_start3A_316 : memref<1x64xf32, #tpu.memory_space<vmem>> -> memref<64xf32, #tpu.memory_space<vmem>>
      %dma_start3A_318 = arith.constant 0 : i32
      %dma_start3A_319 = tpu.memref_slice %arg5[%squeeze3A_308, %dma_start3A_318] : memref<1000000x64xf32, #tpu.memory_space<hbm>> -> memref<1x64xf32, #tpu.memory_space<hbm>>
      %dma_start3A_320 = tpu.memref_squeeze %dma_start3A_319 : memref<1x64xf32, #tpu.memory_space<hbm>> -> memref<64xf32, #tpu.memory_space<hbm>>
      %dma_start3A_321 = arith.constant 0 : i32
      %dma_start3A_322 = tpu.memref_slice %arg9[%add3A_314, %dma_start3A_321] : memref<256x64xf32, #tpu.memory_space<vmem>> -> memref<1x64xf32, #tpu.memory_space<vmem>>
      %dma_start3A_323 = tpu.memref_squeeze %dma_start3A_322 : memref<1x64xf32, #tpu.memory_space<vmem>> -> memref<64xf32, #tpu.memory_space<vmem>>
      %dma_start3A_324 = arith.constant 0 : i32
      %dma_start3A_325 = tpu.memref_slice %arg5[%squeeze3A_308, %dma_start3A_324] : memref<1000000x64xf32, #tpu.memory_space<hbm>> -> memref<1x64xf32, #tpu.memory_space<hbm>>
      %dma_start3A_326 = tpu.memref_squeeze %dma_start3A_325 : memref<1x64xf32, #tpu.memory_space<hbm>> -> memref<64xf32, #tpu.memory_space<hbm>>
      tpu.enqueue_dma source(%dma_start3A_326 : memref<64xf32, #tpu.memory_space<hbm>>) target(%dma_start3A_323 : memref<64xf32, #tpu.memory_space<vmem>>) target_semaphore(%arg13 : memref<!tpu.dma_semaphore, #tpu.memory_space<semaphore_mem>>)
      %slice3A_327 = vector.extract_strided_slice %get3A_147 {offsets = [9], sizes = [1], strides = [1]} : vector<16xi32> to vector<1xi32>
      %squeeze3A_328 = vector.extract %slice3A_327[0] : i32 from vector<1xi32>
      %mul3A_329 = arith.constant 32 : i32
      %mul3A_330 = arith.muli %scan3A_142, %mul3A_329 : i32
      %add3A_331 = arith.constant 0 : i32
      %add3A_332 = arith.addi %mul3A_330, %add3A_331 : i32
      %add3A_333 = arith.constant 9 : i32
      %add3A_334 = arith.addi %add3A_332, %add3A_333 : i32
      %dma_start3A_335 = arith.constant 0 : i32
      %dma_start3A_336 = tpu.memref_slice %arg9[%add3A_334, %dma_start3A_335] : memref<256x64xf32, #tpu.memory_space<vmem>> -> memref<1x64xf32, #tpu.memory_space<vmem>>
      %dma_start3A_337 = tpu.memref_squeeze %dma_start3A_336 : memref<1x64xf32, #tpu.memory_space<vmem>> -> memref<64xf32, #tpu.memory_space<vmem>>
      %dma_start3A_338 = arith.constant 0 : i32
      %dma_start3A_339 = tpu.memref_slice %arg5[%squeeze3A_328, %dma_start3A_338] : memref<1000000x64xf32, #tpu.memory_space<hbm>> -> memref<1x64xf32, #tpu.memory_space<hbm>>
      %dma_start3A_340 = tpu.memref_squeeze %dma_start3A_339 : memref<1x64xf32, #tpu.memory_space<hbm>> -> memref<64xf32, #tpu.memory_space<hbm>>
      %dma_start3A_341 = arith.constant 0 : i32
      %dma_start3A_342 = tpu.memref_slice %arg9[%add3A_334, %dma_start3A_341] : memref<256x64xf32, #tpu.memory_space<vmem>> -> memref<1x64xf32, #tpu.memory_space<vmem>>
      %dma_start3A_343 = tpu.memref_squeeze %dma_start3A_342 : memref<1x64xf32, #tpu.memory_space<vmem>> -> memref<64xf32, #tpu.memory_space<vmem>>
      %dma_start3A_344 = arith.constant 0 : i32
      %dma_start3A_345 = tpu.memref_slice %arg5[%squeeze3A_328, %dma_start3A_344] : memref<1000000x64xf32, #tpu.memory_space<hbm>> -> memref<1x64xf32, #tpu.memory_space<hbm>>
      %dma_start3A_346 = tpu.memref_squeeze %dma_start3A_345 : memref<1x64xf32, #tpu.memory_space<hbm>> -> memref<64xf32, #tpu.memory_space<hbm>>
      tpu.enqueue_dma source(%dma_start3A_346 : memref<64xf32, #tpu.memory_space<hbm>>) target(%dma_start3A_343 : memref<64xf32, #tpu.memory_space<vmem>>) target_semaphore(%arg13 : memref<!tpu.dma_semaphore, #tpu.memory_space<semaphore_mem>>)
      %slice3A_347 = vector.extract_strided_slice %get3A_147 {offsets = [10], sizes = [1], strides = [1]} : vector<16xi32> to vector<1xi32>
      %squeeze3A_348 = vector.extract %slice3A_347[0] : i32 from vector<1xi32>
      %mul3A_349 = arith.constant 32 : i32
      %mul3A_350 = arith.muli %scan3A_142, %mul3A_349 : i32
      %add3A_351 = arith.constant 0 : i32
      %add3A_352 = arith.addi %mul3A_350, %add3A_351 : i32
      %add3A_353 = arith.constant 10 : i32
      %add3A_354 = arith.addi %add3A_352, %add3A_353 : i32
      %dma_start3A_355 = arith.constant 0 : i32
      %dma_start3A_356 = tpu.memref_slice %arg9[%add3A_354, %dma_start3A_355] : memref<256x64xf32, #tpu.memory_space<vmem>> -> memref<1x64xf32, #tpu.memory_space<vmem>>
      %dma_start3A_357 = tpu.memref_squeeze %dma_start3A_356 : memref<1x64xf32, #tpu.memory_space<vmem>> -> memref<64xf32, #tpu.memory_space<vmem>>
      %dma_start3A_358 = arith.constant 0 : i32
      %dma_start3A_359 = tpu.memref_slice %arg5[%squeeze3A_348, %dma_start3A_358] : memref<1000000x64xf32, #tpu.memory_space<hbm>> -> memref<1x64xf32, #tpu.memory_space<hbm>>
      %dma_start3A_360 = tpu.memref_squeeze %dma_start3A_359 : memref<1x64xf32, #tpu.memory_space<hbm>> -> memref<64xf32, #tpu.memory_space<hbm>>
      %dma_start3A_361 = arith.constant 0 : i32
      %dma_start3A_362 = tpu.memref_slice %arg9[%add3A_354, %dma_start3A_361] : memref<256x64xf32, #tpu.memory_space<vmem>> -> memref<1x64xf32, #tpu.memory_space<vmem>>
      %dma_start3A_363 = tpu.memref_squeeze %dma_start3A_362 : memref<1x64xf32, #tpu.memory_space<vmem>> -> memref<64xf32, #tpu.memory_space<vmem>>
      %dma_start3A_364 = arith.constant 0 : i32
      %dma_start3A_365 = tpu.memref_slice %arg5[%squeeze3A_348, %dma_start3A_364] : memref<1000000x64xf32, #tpu.memory_space<hbm>> -> memref<1x64xf32, #tpu.memory_space<hbm>>
      %dma_start3A_366 = tpu.memref_squeeze %dma_start3A_365 : memref<1x64xf32, #tpu.memory_space<hbm>> -> memref<64xf32, #tpu.memory_space<hbm>>
      tpu.enqueue_dma source(%dma_start3A_366 : memref<64xf32, #tpu.memory_space<hbm>>) target(%dma_start3A_363 : memref<64xf32, #tpu.memory_space<vmem>>) target_semaphore(%arg13 : memref<!tpu.dma_semaphore, #tpu.memory_space<semaphore_mem>>)
      %slice3A_367 = vector.extract_strided_slice %get3A_147 {offsets = [11], sizes = [1], strides = [1]} : vector<16xi32> to vector<1xi32>
      %squeeze3A_368 = vector.extract %slice3A_367[0] : i32 from vector<1xi32>
      %mul3A_369 = arith.constant 32 : i32
      %mul3A_370 = arith.muli %scan3A_142, %mul3A_369 : i32
      %add3A_371 = arith.constant 0 : i32
      %add3A_372 = arith.addi %mul3A_370, %add3A_371 : i32
      %add3A_373 = arith.constant 11 : i32
      %add3A_374 = arith.addi %add3A_372, %add3A_373 : i32
      %dma_start3A_375 = arith.constant 0 : i32
      %dma_start3A_376 = tpu.memref_slice %arg9[%add3A_374, %dma_start3A_375] : memref<256x64xf32, #tpu.memory_space<vmem>> -> memref<1x64xf32, #tpu.memory_space<vmem>>
      %dma_start3A_377 = tpu.memref_squeeze %dma_start3A_376 : memref<1x64xf32, #tpu.memory_space<vmem>> -> memref<64xf32, #tpu.memory_space<vmem>>
      %dma_start3A_378 = arith.constant 0 : i32
      %dma_start3A_379 = tpu.memref_slice %arg5[%squeeze3A_368, %dma_start3A_378] : memref<1000000x64xf32, #tpu.memory_space<hbm>> -> memref<1x64xf32, #tpu.memory_space<hbm>>
      %dma_start3A_380 = tpu.memref_squeeze %dma_start3A_379 : memref<1x64xf32, #tpu.memory_space<hbm>> -> memref<64xf32, #tpu.memory_space<hbm>>
      %dma_start3A_381 = arith.constant 0 : i32
      %dma_start3A_382 = tpu.memref_slice %arg9[%add3A_374, %dma_start3A_381] : memref<256x64xf32, #tpu.memory_space<vmem>> -> memref<1x64xf32, #tpu.memory_space<vmem>>
      %dma_start3A_383 = tpu.memref_squeeze %dma_start3A_382 : memref<1x64xf32, #tpu.memory_space<vmem>> -> memref<64xf32, #tpu.memory_space<vmem>>
      %dma_start3A_384 = arith.constant 0 : i32
      %dma_start3A_385 = tpu.memref_slice %arg5[%squeeze3A_368, %dma_start3A_384] : memref<1000000x64xf32, #tpu.memory_space<hbm>> -> memref<1x64xf32, #tpu.memory_space<hbm>>
      %dma_start3A_386 = tpu.memref_squeeze %dma_start3A_385 : memref<1x64xf32, #tpu.memory_space<hbm>> -> memref<64xf32, #tpu.memory_space<hbm>>
      tpu.enqueue_dma source(%dma_start3A_386 : memref<64xf32, #tpu.memory_space<hbm>>) target(%dma_start3A_383 : memref<64xf32, #tpu.memory_space<vmem>>) target_semaphore(%arg13 : memref<!tpu.dma_semaphore, #tpu.memory_space<semaphore_mem>>)
      %slice3A_387 = vector.extract_strided_slice %get3A_147 {offsets = [12], sizes = [1], strides = [1]} : vector<16xi32> to vector<1xi32>
      %squeeze3A_388 = vector.extract %slice3A_387[0] : i32 from vector<1xi32>
      %mul3A_389 = arith.constant 32 : i32
      %mul3A_390 = arith.muli %scan3A_142, %mul3A_389 : i32
      %add3A_391 = arith.constant 0 : i32
      %add3A_392 = arith.addi %mul3A_390, %add3A_391 : i32
      %add3A_393 = arith.constant 12 : i32
      %add3A_394 = arith.addi %add3A_392, %add3A_393 : i32
      %dma_start3A_395 = arith.constant 0 : i32
      %dma_start3A_396 = tpu.memref_slice %arg9[%add3A_394, %dma_start3A_395] : memref<256x64xf32, #tpu.memory_space<vmem>> -> memref<1x64xf32, #tpu.memory_space<vmem>>
      %dma_start3A_397 = tpu.memref_squeeze %dma_start3A_396 : memref<1x64xf32, #tpu.memory_space<vmem>> -> memref<64xf32, #tpu.memory_space<vmem>>
      %dma_start3A_398 = arith.constant 0 : i32
      %dma_start3A_399 = tpu.memref_slice %arg5[%squeeze3A_388, %dma_start3A_398] : memref<1000000x64xf32, #tpu.memory_space<hbm>> -> memref<1x64xf32, #tpu.memory_space<hbm>>
      %dma_start3A_400 = tpu.memref_squeeze %dma_start3A_399 : memref<1x64xf32, #tpu.memory_space<hbm>> -> memref<64xf32, #tpu.memory_space<hbm>>
      %dma_start3A_401 = arith.constant 0 : i32
      %dma_start3A_402 = tpu.memref_slice %arg9[%add3A_394, %dma_start3A_401] : memref<256x64xf32, #tpu.memory_space<vmem>> -> memref<1x64xf32, #tpu.memory_space<vmem>>
      %dma_start3A_403 = tpu.memref_squeeze %dma_start3A_402 : memref<1x64xf32, #tpu.memory_space<vmem>> -> memref<64xf32, #tpu.memory_space<vmem>>
      %dma_start3A_404 = arith.constant 0 : i32
      %dma_start3A_405 = tpu.memref_slice %arg5[%squeeze3A_388, %dma_start3A_404] : memref<1000000x64xf32, #tpu.memory_space<hbm>> -> memref<1x64xf32, #tpu.memory_space<hbm>>
      %dma_start3A_406 = tpu.memref_squeeze %dma_start3A_405 : memref<1x64xf32, #tpu.memory_space<hbm>> -> memref<64xf32, #tpu.memory_space<hbm>>
      tpu.enqueue_dma source(%dma_start3A_406 : memref<64xf32, #tpu.memory_space<hbm>>) target(%dma_start3A_403 : memref<64xf32, #tpu.memory_space<vmem>>) target_semaphore(%arg13 : memref<!tpu.dma_semaphore, #tpu.memory_space<semaphore_mem>>)
      %slice3A_407 = vector.extract_strided_slice %get3A_147 {offsets = [13], sizes = [1], strides = [1]} : vector<16xi32> to vector<1xi32>
      %squeeze3A_408 = vector.extract %slice3A_407[0] : i32 from vector<1xi32>
      %mul3A_409 = arith.constant 32 : i32
      %mul3A_410 = arith.muli %scan3A_142, %mul3A_409 : i32
      %add3A_411 = arith.constant 0 : i32
      %add3A_412 = arith.addi %mul3A_410, %add3A_411 : i32
      %add3A_413 = arith.constant 13 : i32
      %add3A_414 = arith.addi %add3A_412, %add3A_413 : i32
      %dma_start3A_415 = arith.constant 0 : i32
      %dma_start3A_416 = tpu.memref_slice %arg9[%add3A_414, %dma_start3A_415] : memref<256x64xf32, #tpu.memory_space<vmem>> -> memref<1x64xf32, #tpu.memory_space<vmem>>
      %dma_start3A_417 = tpu.memref_squeeze %dma_start3A_416 : memref<1x64xf32, #tpu.memory_space<vmem>> -> memref<64xf32, #tpu.memory_space<vmem>>
      %dma_start3A_418 = arith.constant 0 : i32
      %dma_start3A_419 = tpu.memref_slice %arg5[%squeeze3A_408, %dma_start3A_418] : memref<1000000x64xf32, #tpu.memory_space<hbm>> -> memref<1x64xf32, #tpu.memory_space<hbm>>
      %dma_start3A_420 = tpu.memref_squeeze %dma_start3A_419 : memref<1x64xf32, #tpu.memory_space<hbm>> -> memref<64xf32, #tpu.memory_space<hbm>>
      %dma_start3A_421 = arith.constant 0 : i32
      %dma_start3A_422 = tpu.memref_slice %arg9[%add3A_414, %dma_start3A_421] : memref<256x64xf32, #tpu.memory_space<vmem>> -> memref<1x64xf32, #tpu.memory_space<vmem>>
      %dma_start3A_423 = tpu.memref_squeeze %dma_start3A_422 : memref<1x64xf32, #tpu.memory_space<vmem>> -> memref<64xf32, #tpu.memory_space<vmem>>
      %dma_start3A_424 = arith.constant 0 : i32
      %dma_start3A_425 = tpu.memref_slice %arg5[%squeeze3A_408, %dma_start3A_424] : memref<1000000x64xf32, #tpu.memory_space<hbm>> -> memref<1x64xf32, #tpu.memory_space<hbm>>
      %dma_start3A_426 = tpu.memref_squeeze %dma_start3A_425 : memref<1x64xf32, #tpu.memory_space<hbm>> -> memref<64xf32, #tpu.memory_space<hbm>>
      tpu.enqueue_dma source(%dma_start3A_426 : memref<64xf32, #tpu.memory_space<hbm>>) target(%dma_start3A_423 : memref<64xf32, #tpu.memory_space<vmem>>) target_semaphore(%arg13 : memref<!tpu.dma_semaphore, #tpu.memory_space<semaphore_mem>>)
      %slice3A_427 = vector.extract_strided_slice %get3A_147 {offsets = [14], sizes = [1], strides = [1]} : vector<16xi32> to vector<1xi32>
      %squeeze3A_428 = vector.extract %slice3A_427[0] : i32 from vector<1xi32>
      %mul3A_429 = arith.constant 32 : i32
      %mul3A_430 = arith.muli %scan3A_142, %mul3A_429 : i32
      %add3A_431 = arith.constant 0 : i32
      %add3A_432 = arith.addi %mul3A_430, %add3A_431 : i32
      %add3A_433 = arith.constant 14 : i32
      %add3A_434 = arith.addi %add3A_432, %add3A_433 : i32
      %dma_start3A_435 = arith.constant 0 : i32
      %dma_start3A_436 = tpu.memref_slice %arg9[%add3A_434, %dma_start3A_435] : memref<256x64xf32, #tpu.memory_space<vmem>> -> memref<1x64xf32, #tpu.memory_space<vmem>>
      %dma_start3A_437 = tpu.memref_squeeze %dma_start3A_436 : memref<1x64xf32, #tpu.memory_space<vmem>> -> memref<64xf32, #tpu.memory_space<vmem>>
      %dma_start3A_438 = arith.constant 0 : i32
      %dma_start3A_439 = tpu.memref_slice %arg5[%squeeze3A_428, %dma_start3A_438] : memref<1000000x64xf32, #tpu.memory_space<hbm>> -> memref<1x64xf32, #tpu.memory_space<hbm>>
      %dma_start3A_440 = tpu.memref_squeeze %dma_start3A_439 : memref<1x64xf32, #tpu.memory_space<hbm>> -> memref<64xf32, #tpu.memory_space<hbm>>
      %dma_start3A_441 = arith.constant 0 : i32
      %dma_start3A_442 = tpu.memref_slice %arg9[%add3A_434, %dma_start3A_441] : memref<256x64xf32, #tpu.memory_space<vmem>> -> memref<1x64xf32, #tpu.memory_space<vmem>>
      %dma_start3A_443 = tpu.memref_squeeze %dma_start3A_442 : memref<1x64xf32, #tpu.memory_space<vmem>> -> memref<64xf32, #tpu.memory_space<vmem>>
      %dma_start3A_444 = arith.constant 0 : i32
      %dma_start3A_445 = tpu.memref_slice %arg5[%squeeze3A_428, %dma_start3A_444] : memref<1000000x64xf32, #tpu.memory_space<hbm>> -> memref<1x64xf32, #tpu.memory_space<hbm>>
      %dma_start3A_446 = tpu.memref_squeeze %dma_start3A_445 : memref<1x64xf32, #tpu.memory_space<hbm>> -> memref<64xf32, #tpu.memory_space<hbm>>
      tpu.enqueue_dma source(%dma_start3A_446 : memref<64xf32, #tpu.memory_space<hbm>>) target(%dma_start3A_443 : memref<64xf32, #tpu.memory_space<vmem>>) target_semaphore(%arg13 : memref<!tpu.dma_semaphore, #tpu.memory_space<semaphore_mem>>)
      %slice3A_447 = vector.extract_strided_slice %get3A_147 {offsets = [15], sizes = [1], strides = [1]} : vector<16xi32> to vector<1xi32>
      %squeeze3A_448 = vector.extract %slice3A_447[0] : i32 from vector<1xi32>
      %mul3A_449 = arith.constant 32 : i32
      %mul3A_450 = arith.muli %scan3A_142, %mul3A_449 : i32
      %add3A_451 = arith.constant 0 : i32
      %add3A_452 = arith.addi %mul3A_450, %add3A_451 : i32
      %add3A_453 = arith.constant 15 : i32
      %add3A_454 = arith.addi %add3A_452, %add3A_453 : i32
      %dma_start3A_455 = arith.constant 0 : i32
      %dma_start3A_456 = tpu.memref_slice %arg9[%add3A_454, %dma_start3A_455] : memref<256x64xf32, #tpu.memory_space<vmem>> -> memref<1x64xf32, #tpu.memory_space<vmem>>
      %dma_start3A_457 = tpu.memref_squeeze %dma_start3A_456 : memref<1x64xf32, #tpu.memory_space<vmem>> -> memref<64xf32, #tpu.memory_space<vmem>>
      %dma_start3A_458 = arith.constant 0 : i32
      %dma_start3A_459 = tpu.memref_slice %arg5[%squeeze3A_448, %dma_start3A_458] : memref<1000000x64xf32, #tpu.memory_space<hbm>> -> memref<1x64xf32, #tpu.memory_space<hbm>>
      %dma_start3A_460 = tpu.memref_squeeze %dma_start3A_459 : memref<1x64xf32, #tpu.memory_space<hbm>> -> memref<64xf32, #tpu.memory_space<hbm>>
      %dma_start3A_461 = arith.constant 0 : i32
      %dma_start3A_462 = tpu.memref_slice %arg9[%add3A_454, %dma_start3A_461] : memref<256x64xf32, #tpu.memory_space<vmem>> -> memref<1x64xf32, #tpu.memory_space<vmem>>
      %dma_start3A_463 = tpu.memref_squeeze %dma_start3A_462 : memref<1x64xf32, #tpu.memory_space<vmem>> -> memref<64xf32, #tpu.memory_space<vmem>>
      %dma_start3A_464 = arith.constant 0 : i32
      %dma_start3A_465 = tpu.memref_slice %arg5[%squeeze3A_448, %dma_start3A_464] : memref<1000000x64xf32, #tpu.memory_space<hbm>> -> memref<1x64xf32, #tpu.memory_space<hbm>>
      %dma_start3A_466 = tpu.memref_squeeze %dma_start3A_465 : memref<1x64xf32, #tpu.memory_space<hbm>> -> memref<64xf32, #tpu.memory_space<hbm>>
      tpu.enqueue_dma source(%dma_start3A_466 : memref<64xf32, #tpu.memory_space<hbm>>) target(%dma_start3A_463 : memref<64xf32, #tpu.memory_space<vmem>>) target_semaphore(%arg13 : memref<!tpu.dma_semaphore, #tpu.memory_space<semaphore_mem>>)
      %add3A_467 = arith.constant 8 : i32
      %add3A_468 = arith.addi %add3A_467, %scan3A_142 : i32
      %get3A_469 = arith.index_cast %add3A_468 : i32 to index
      %get3A_470 = arith.constant 16 : index
      %get3A_471 = tpu.vector_load %arg8[%get3A_469, %get3A_470] {strides = array<i32>} : memref<16x32xi32, #tpu.memory_space<vmem>>, vector<16xi32>,
      %slice3A_472 = vector.extract_strided_slice %get3A_471 {offsets = [0], sizes = [1], strides = [1]} : vector<16xi32> to vector<1xi32>
      %squeeze3A_473 = vector.extract %slice3A_472[0] : i32 from vector<1xi32>
      %mul3A_474 = arith.constant 32 : i32
      %mul3A_475 = arith.muli %scan3A_142, %mul3A_474 : i32
      %add3A_476 = arith.constant 16 : i32
      %add3A_477 = arith.addi %mul3A_475, %add3A_476 : i32
      %add3A_478 = arith.constant 0 : i32
      %add3A_479 = arith.addi %add3A_477, %add3A_478 : i32
      %dma_start3A_480 = arith.constant 0 : i32
      %dma_start3A_481 = tpu.memref_slice %arg9[%add3A_479, %dma_start3A_480] : memref<256x64xf32, #tpu.memory_space<vmem>> -> memref<1x64xf32, #tpu.memory_space<vmem>>
      %dma_start3A_482 = tpu.memref_squeeze %dma_start3A_481 : memref<1x64xf32, #tpu.memory_space<vmem>> -> memref<64xf32, #tpu.memory_space<vmem>>
      %dma_start3A_483 = arith.constant 0 : i32
      %dma_start3A_484 = tpu.memref_slice %arg5[%squeeze3A_473, %dma_start3A_483] : memref<1000000x64xf32, #tpu.memory_space<hbm>> -> memref<1x64xf32, #tpu.memory_space<hbm>>
      %dma_start3A_485 = tpu.memref_squeeze %dma_start3A_484 : memref<1x64xf32, #tpu.memory_space<hbm>> -> memref<64xf32, #tpu.memory_space<hbm>>
      %dma_start3A_486 = arith.constant 0 : i32
      %dma_start3A_487 = tpu.memref_slice %arg9[%add3A_479, %dma_start3A_486] : memref<256x64xf32, #tpu.memory_space<vmem>> -> memref<1x64xf32, #tpu.memory_space<vmem>>
      %dma_start3A_488 = tpu.memref_squeeze %dma_start3A_487 : memref<1x64xf32, #tpu.memory_space<vmem>> -> memref<64xf32, #tpu.memory_space<vmem>>
      %dma_start3A_489 = arith.constant 0 : i32
      %dma_start3A_490 = tpu.memref_slice %arg5[%squeeze3A_473, %dma_start3A_489] : memref<1000000x64xf32, #tpu.memory_space<hbm>> -> memref<1x64xf32, #tpu.memory_space<hbm>>
      %dma_start3A_491 = tpu.memref_squeeze %dma_start3A_490 : memref<1x64xf32, #tpu.memory_space<hbm>> -> memref<64xf32, #tpu.memory_space<hbm>>
      tpu.enqueue_dma source(%dma_start3A_491 : memref<64xf32, #tpu.memory_space<hbm>>) target(%dma_start3A_488 : memref<64xf32, #tpu.memory_space<vmem>>) target_semaphore(%arg13 : memref<!tpu.dma_semaphore, #tpu.memory_space<semaphore_mem>>)
      %slice3A_492 = vector.extract_strided_slice %get3A_471 {offsets = [1], sizes = [1], strides = [1]} : vector<16xi32> to vector<1xi32>
      %squeeze3A_493 = vector.extract %slice3A_492[0] : i32 from vector<1xi32>
      %mul3A_494 = arith.constant 32 : i32
      %mul3A_495 = arith.muli %scan3A_142, %mul3A_494 : i32
      %add3A_496 = arith.constant 16 : i32
      %add3A_497 = arith.addi %mul3A_495, %add3A_496 : i32
      %add3A_498 = arith.constant 1 : i32
      %add3A_499 = arith.addi %add3A_497, %add3A_498 : i32
      %dma_start3A_500 = arith.constant 0 : i32
      %dma_start3A_501 = tpu.memref_slice %arg9[%add3A_499, %dma_start3A_500] : memref<256x64xf32, #tpu.memory_space<vmem>> -> memref<1x64xf32, #tpu.memory_space<vmem>>
      %dma_start3A_502 = tpu.memref_squeeze %dma_start3A_501 : memref<1x64xf32, #tpu.memory_space<vmem>> -> memref<64xf32, #tpu.memory_space<vmem>>
      %dma_start3A_503 = arith.constant 0 : i32
      %dma_start3A_504 = tpu.memref_slice %arg5[%squeeze3A_493, %dma_start3A_503] : memref<1000000x64xf32, #tpu.memory_space<hbm>> -> memref<1x64xf32, #tpu.memory_space<hbm>>
      %dma_start3A_505 = tpu.memref_squeeze %dma_start3A_504 : memref<1x64xf32, #tpu.memory_space<hbm>> -> memref<64xf32, #tpu.memory_space<hbm>>
      %dma_start3A_506 = arith.constant 0 : i32
      %dma_start3A_507 = tpu.memref_slice %arg9[%add3A_499, %dma_start3A_506] : memref<256x64xf32, #tpu.memory_space<vmem>> -> memref<1x64xf32, #tpu.memory_space<vmem>>
      %dma_start3A_508 = tpu.memref_squeeze %dma_start3A_507 : memref<1x64xf32, #tpu.memory_space<vmem>> -> memref<64xf32, #tpu.memory_space<vmem>>
      %dma_start3A_509 = arith.constant 0 : i32
      %dma_start3A_510 = tpu.memref_slice %arg5[%squeeze3A_493, %dma_start3A_509] : memref<1000000x64xf32, #tpu.memory_space<hbm>> -> memref<1x64xf32, #tpu.memory_space<hbm>>
      %dma_start3A_511 = tpu.memref_squeeze %dma_start3A_510 : memref<1x64xf32, #tpu.memory_space<hbm>> -> memref<64xf32, #tpu.memory_space<hbm>>
      tpu.enqueue_dma source(%dma_start3A_511 : memref<64xf32, #tpu.memory_space<hbm>>) target(%dma_start3A_508 : memref<64xf32, #tpu.memory_space<vmem>>) target_semaphore(%arg13 : memref<!tpu.dma_semaphore, #tpu.memory_space<semaphore_mem>>)
      %slice3A_512 = vector.extract_strided_slice %get3A_471 {offsets = [2], sizes = [1], strides = [1]} : vector<16xi32> to vector<1xi32>
      %squeeze3A_513 = vector.extract %slice3A_512[0] : i32 from vector<1xi32>
      %mul3A_514 = arith.constant 32 : i32
      %mul3A_515 = arith.muli %scan3A_142, %mul3A_514 : i32
      %add3A_516 = arith.constant 16 : i32
      %add3A_517 = arith.addi %mul3A_515, %add3A_516 : i32
      %add3A_518 = arith.constant 2 : i32
      %add3A_519 = arith.addi %add3A_517, %add3A_518 : i32
      %dma_start3A_520 = arith.constant 0 : i32
      %dma_start3A_521 = tpu.memref_slice %arg9[%add3A_519, %dma_start3A_520] : memref<256x64xf32, #tpu.memory_space<vmem>> -> memref<1x64xf32, #tpu.memory_space<vmem>>
      %dma_start3A_522 = tpu.memref_squeeze %dma_start3A_521 : memref<1x64xf32, #tpu.memory_space<vmem>> -> memref<64xf32, #tpu.memory_space<vmem>>
      %dma_start3A_523 = arith.constant 0 : i32
      %dma_start3A_524 = tpu.memref_slice %arg5[%squeeze3A_513, %dma_start3A_523] : memref<1000000x64xf32, #tpu.memory_space<hbm>> -> memref<1x64xf32, #tpu.memory_space<hbm>>
      %dma_start3A_525 = tpu.memref_squeeze %dma_start3A_524 : memref<1x64xf32, #tpu.memory_space<hbm>> -> memref<64xf32, #tpu.memory_space<hbm>>
      %dma_start3A_526 = arith.constant 0 : i32
      %dma_start3A_527 = tpu.memref_slice %arg9[%add3A_519, %dma_start3A_526] : memref<256x64xf32, #tpu.memory_space<vmem>> -> memref<1x64xf32, #tpu.memory_space<vmem>>
      %dma_start3A_528 = tpu.memref_squeeze %dma_start3A_527 : memref<1x64xf32, #tpu.memory_space<vmem>> -> memref<64xf32, #tpu.memory_space<vmem>>
      %dma_start3A_529 = arith.constant 0 : i32
      %dma_start3A_530 = tpu.memref_slice %arg5[%squeeze3A_513, %dma_start3A_529] : memref<1000000x64xf32, #tpu.memory_space<hbm>> -> memref<1x64xf32, #tpu.memory_space<hbm>>
      %dma_start3A_531 = tpu.memref_squeeze %dma_start3A_530 : memref<1x64xf32, #tpu.memory_space<hbm>> -> memref<64xf32, #tpu.memory_space<hbm>>
      tpu.enqueue_dma source(%dma_start3A_531 : memref<64xf32, #tpu.memory_space<hbm>>) target(%dma_start3A_528 : memref<64xf32, #tpu.memory_space<vmem>>) target_semaphore(%arg13 : memref<!tpu.dma_semaphore, #tpu.memory_space<semaphore_mem>>)
      %slice3A_532 = vector.extract_strided_slice %get3A_471 {offsets = [3], sizes = [1], strides = [1]} : vector<16xi32> to vector<1xi32>
      %squeeze3A_533 = vector.extract %slice3A_532[0] : i32 from vector<1xi32>
      %mul3A_534 = arith.constant 32 : i32
      %mul3A_535 = arith.muli %scan3A_142, %mul3A_534 : i32
      %add3A_536 = arith.constant 16 : i32
      %add3A_537 = arith.addi %mul3A_535, %add3A_536 : i32
      %add3A_538 = arith.constant 3 : i32
      %add3A_539 = arith.addi %add3A_537, %add3A_538 : i32
      %dma_start3A_540 = arith.constant 0 : i32
      %dma_start3A_541 = tpu.memref_slice %arg9[%add3A_539, %dma_start3A_540] : memref<256x64xf32, #tpu.memory_space<vmem>> -> memref<1x64xf32, #tpu.memory_space<vmem>>
      %dma_start3A_542 = tpu.memref_squeeze %dma_start3A_541 : memref<1x64xf32, #tpu.memory_space<vmem>> -> memref<64xf32, #tpu.memory_space<vmem>>
      %dma_start3A_543 = arith.constant 0 : i32
      %dma_start3A_544 = tpu.memref_slice %arg5[%squeeze3A_533, %dma_start3A_543] : memref<1000000x64xf32, #tpu.memory_space<hbm>> -> memref<1x64xf32, #tpu.memory_space<hbm>>
      %dma_start3A_545 = tpu.memref_squeeze %dma_start3A_544 : memref<1x64xf32, #tpu.memory_space<hbm>> -> memref<64xf32, #tpu.memory_space<hbm>>
      %dma_start3A_546 = arith.constant 0 : i32
      %dma_start3A_547 = tpu.memref_slice %arg9[%add3A_539, %dma_start3A_546] : memref<256x64xf32, #tpu.memory_space<vmem>> -> memref<1x64xf32, #tpu.memory_space<vmem>>
      %dma_start3A_548 = tpu.memref_squeeze %dma_start3A_547 : memref<1x64xf32, #tpu.memory_space<vmem>> -> memref<64xf32, #tpu.memory_space<vmem>>
      %dma_start3A_549 = arith.constant 0 : i32
      %dma_start3A_550 = tpu.memref_slice %arg5[%squeeze3A_533, %dma_start3A_549] : memref<1000000x64xf32, #tpu.memory_space<hbm>> -> memref<1x64xf32, #tpu.memory_space<hbm>>
      %dma_start3A_551 = tpu.memref_squeeze %dma_start3A_550 : memref<1x64xf32, #tpu.memory_space<hbm>> -> memref<64xf32, #tpu.memory_space<hbm>>
      tpu.enqueue_dma source(%dma_start3A_551 : memref<64xf32, #tpu.memory_space<hbm>>) target(%dma_start3A_548 : memref<64xf32, #tpu.memory_space<vmem>>) target_semaphore(%arg13 : memref<!tpu.dma_semaphore, #tpu.memory_space<semaphore_mem>>)
      %slice3A_552 = vector.extract_strided_slice %get3A_471 {offsets = [4], sizes = [1], strides = [1]} : vector<16xi32> to vector<1xi32>
      %squeeze3A_553 = vector.extract %slice3A_552[0] : i32 from vector<1xi32>
      %mul3A_554 = arith.constant 32 : i32
      %mul3A_555 = arith.muli %scan3A_142, %mul3A_554 : i32
      %add3A_556 = arith.constant 16 : i32
      %add3A_557 = arith.addi %mul3A_555, %add3A_556 : i32
      %add3A_558 = arith.constant 4 : i32
      %add3A_559 = arith.addi %add3A_557, %add3A_558 : i32
      %dma_start3A_560 = arith.constant 0 : i32
      %dma_start3A_561 = tpu.memref_slice %arg9[%add3A_559, %dma_start3A_560] : memref<256x64xf32, #tpu.memory_space<vmem>> -> memref<1x64xf32, #tpu.memory_space<vmem>>
      %dma_start3A_562 = tpu.memref_squeeze %dma_start3A_561 : memref<1x64xf32, #tpu.memory_space<vmem>> -> memref<64xf32, #tpu.memory_space<vmem>>
      %dma_start3A_563 = arith.constant 0 : i32
      %dma_start3A_564 = tpu.memref_slice %arg5[%squeeze3A_553, %dma_start3A_563] : memref<1000000x64xf32, #tpu.memory_space<hbm>> -> memref<1x64xf32, #tpu.memory_space<hbm>>
      %dma_start3A_565 = tpu.memref_squeeze %dma_start3A_564 : memref<1x64xf32, #tpu.memory_space<hbm>> -> memref<64xf32, #tpu.memory_space<hbm>>
      %dma_start3A_566 = arith.constant 0 : i32
      %dma_start3A_567 = tpu.memref_slice %arg9[%add3A_559, %dma_start3A_566] : memref<256x64xf32, #tpu.memory_space<vmem>> -> memref<1x64xf32, #tpu.memory_space<vmem>>
      %dma_start3A_568 = tpu.memref_squeeze %dma_start3A_567 : memref<1x64xf32, #tpu.memory_space<vmem>> -> memref<64xf32, #tpu.memory_space<vmem>>
      %dma_start3A_569 = arith.constant 0 : i32
      %dma_start3A_570 = tpu.memref_slice %arg5[%squeeze3A_553, %dma_start3A_569] : memref<1000000x64xf32, #tpu.memory_space<hbm>> -> memref<1x64xf32, #tpu.memory_space<hbm>>
      %dma_start3A_571 = tpu.memref_squeeze %dma_start3A_570 : memref<1x64xf32, #tpu.memory_space<hbm>> -> memref<64xf32, #tpu.memory_space<hbm>>
      tpu.enqueue_dma source(%dma_start3A_571 : memref<64xf32, #tpu.memory_space<hbm>>) target(%dma_start3A_568 : memref<64xf32, #tpu.memory_space<vmem>>) target_semaphore(%arg13 : memref<!tpu.dma_semaphore, #tpu.memory_space<semaphore_mem>>)
      %slice3A_572 = vector.extract_strided_slice %get3A_471 {offsets = [5], sizes = [1], strides = [1]} : vector<16xi32> to vector<1xi32>
      %squeeze3A_573 = vector.extract %slice3A_572[0] : i32 from vector<1xi32>
      %mul3A_574 = arith.constant 32 : i32
      %mul3A_575 = arith.muli %scan3A_142, %mul3A_574 : i32
      %add3A_576 = arith.constant 16 : i32
      %add3A_577 = arith.addi %mul3A_575, %add3A_576 : i32
      %add3A_578 = arith.constant 5 : i32
      %add3A_579 = arith.addi %add3A_577, %add3A_578 : i32
      %dma_start3A_580 = arith.constant 0 : i32
      %dma_start3A_581 = tpu.memref_slice %arg9[%add3A_579, %dma_start3A_580] : memref<256x64xf32, #tpu.memory_space<vmem>> -> memref<1x64xf32, #tpu.memory_space<vmem>>
      %dma_start3A_582 = tpu.memref_squeeze %dma_start3A_581 : memref<1x64xf32, #tpu.memory_space<vmem>> -> memref<64xf32, #tpu.memory_space<vmem>>
      %dma_start3A_583 = arith.constant 0 : i32
      %dma_start3A_584 = tpu.memref_slice %arg5[%squeeze3A_573, %dma_start3A_583] : memref<1000000x64xf32, #tpu.memory_space<hbm>> -> memref<1x64xf32, #tpu.memory_space<hbm>>
      %dma_start3A_585 = tpu.memref_squeeze %dma_start3A_584 : memref<1x64xf32, #tpu.memory_space<hbm>> -> memref<64xf32, #tpu.memory_space<hbm>>
      %dma_start3A_586 = arith.constant 0 : i32
      %dma_start3A_587 = tpu.memref_slice %arg9[%add3A_579, %dma_start3A_586] : memref<256x64xf32, #tpu.memory_space<vmem>> -> memref<1x64xf32, #tpu.memory_space<vmem>>
      %dma_start3A_588 = tpu.memref_squeeze %dma_start3A_587 : memref<1x64xf32, #tpu.memory_space<vmem>> -> memref<64xf32, #tpu.memory_space<vmem>>
      %dma_start3A_589 = arith.constant 0 : i32
      %dma_start3A_590 = tpu.memref_slice %arg5[%squeeze3A_573, %dma_start3A_589] : memref<1000000x64xf32, #tpu.memory_space<hbm>> -> memref<1x64xf32, #tpu.memory_space<hbm>>
      %dma_start3A_591 = tpu.memref_squeeze %dma_start3A_590 : memref<1x64xf32, #tpu.memory_space<hbm>> -> memref<64xf32, #tpu.memory_space<hbm>>
      tpu.enqueue_dma source(%dma_start3A_591 : memref<64xf32, #tpu.memory_space<hbm>>) target(%dma_start3A_588 : memref<64xf32, #tpu.memory_space<vmem>>) target_semaphore(%arg13 : memref<!tpu.dma_semaphore, #tpu.memory_space<semaphore_mem>>)
      %slice3A_592 = vector.extract_strided_slice %get3A_471 {offsets = [6], sizes = [1], strides = [1]} : vector<16xi32> to vector<1xi32>
      %squeeze3A_593 = vector.extract %slice3A_592[0] : i32 from vector<1xi32>
      %mul3A_594 = arith.constant 32 : i32
      %mul3A_595 = arith.muli %scan3A_142, %mul3A_594 : i32
      %add3A_596 = arith.constant 16 : i32
      %add3A_597 = arith.addi %mul3A_595, %add3A_596 : i32
      %add3A_598 = arith.constant 6 : i32
      %add3A_599 = arith.addi %add3A_597, %add3A_598 : i32
      %dma_start3A_600 = arith.constant 0 : i32
      %dma_start3A_601 = tpu.memref_slice %arg9[%add3A_599, %dma_start3A_600] : memref<256x64xf32, #tpu.memory_space<vmem>> -> memref<1x64xf32, #tpu.memory_space<vmem>>
      %dma_start3A_602 = tpu.memref_squeeze %dma_start3A_601 : memref<1x64xf32, #tpu.memory_space<vmem>> -> memref<64xf32, #tpu.memory_space<vmem>>
      %dma_start3A_603 = arith.constant 0 : i32
      %dma_start3A_604 = tpu.memref_slice %arg5[%squeeze3A_593, %dma_start3A_603] : memref<1000000x64xf32, #tpu.memory_space<hbm>> -> memref<1x64xf32, #tpu.memory_space<hbm>>
      %dma_start3A_605 = tpu.memref_squeeze %dma_start3A_604 : memref<1x64xf32, #tpu.memory_space<hbm>> -> memref<64xf32, #tpu.memory_space<hbm>>
      %dma_start3A_606 = arith.constant 0 : i32
      %dma_start3A_607 = tpu.memref_slice %arg9[%add3A_599, %dma_start3A_606] : memref<256x64xf32, #tpu.memory_space<vmem>> -> memref<1x64xf32, #tpu.memory_space<vmem>>
      %dma_start3A_608 = tpu.memref_squeeze %dma_start3A_607 : memref<1x64xf32, #tpu.memory_space<vmem>> -> memref<64xf32, #tpu.memory_space<vmem>>
      %dma_start3A_609 = arith.constant 0 : i32
      %dma_start3A_610 = tpu.memref_slice %arg5[%squeeze3A_593, %dma_start3A_609] : memref<1000000x64xf32, #tpu.memory_space<hbm>> -> memref<1x64xf32, #tpu.memory_space<hbm>>
      %dma_start3A_611 = tpu.memref_squeeze %dma_start3A_610 : memref<1x64xf32, #tpu.memory_space<hbm>> -> memref<64xf32, #tpu.memory_space<hbm>>
      tpu.enqueue_dma source(%dma_start3A_611 : memref<64xf32, #tpu.memory_space<hbm>>) target(%dma_start3A_608 : memref<64xf32, #tpu.memory_space<vmem>>) target_semaphore(%arg13 : memref<!tpu.dma_semaphore, #tpu.memory_space<semaphore_mem>>)
      %slice3A_612 = vector.extract_strided_slice %get3A_471 {offsets = [7], sizes = [1], strides = [1]} : vector<16xi32> to vector<1xi32>
      %squeeze3A_613 = vector.extract %slice3A_612[0] : i32 from vector<1xi32>
      %mul3A_614 = arith.constant 32 : i32
      %mul3A_615 = arith.muli %scan3A_142, %mul3A_614 : i32
      %add3A_616 = arith.constant 16 : i32
      %add3A_617 = arith.addi %mul3A_615, %add3A_616 : i32
      %add3A_618 = arith.constant 7 : i32
      %add3A_619 = arith.addi %add3A_617, %add3A_618 : i32
      %dma_start3A_620 = arith.constant 0 : i32
      %dma_start3A_621 = tpu.memref_slice %arg9[%add3A_619, %dma_start3A_620] : memref<256x64xf32, #tpu.memory_space<vmem>> -> memref<1x64xf32, #tpu.memory_space<vmem>>
      %dma_start3A_622 = tpu.memref_squeeze %dma_start3A_621 : memref<1x64xf32, #tpu.memory_space<vmem>> -> memref<64xf32, #tpu.memory_space<vmem>>
      %dma_start3A_623 = arith.constant 0 : i32
      %dma_start3A_624 = tpu.memref_slice %arg5[%squeeze3A_613, %dma_start3A_623] : memref<1000000x64xf32, #tpu.memory_space<hbm>> -> memref<1x64xf32, #tpu.memory_space<hbm>>
      %dma_start3A_625 = tpu.memref_squeeze %dma_start3A_624 : memref<1x64xf32, #tpu.memory_space<hbm>> -> memref<64xf32, #tpu.memory_space<hbm>>
      %dma_start3A_626 = arith.constant 0 : i32
      %dma_start3A_627 = tpu.memref_slice %arg9[%add3A_619, %dma_start3A_626] : memref<256x64xf32, #tpu.memory_space<vmem>> -> memref<1x64xf32, #tpu.memory_space<vmem>>
      %dma_start3A_628 = tpu.memref_squeeze %dma_start3A_627 : memref<1x64xf32, #tpu.memory_space<vmem>> -> memref<64xf32, #tpu.memory_space<vmem>>
      %dma_start3A_629 = arith.constant 0 : i32
      %dma_start3A_630 = tpu.memref_slice %arg5[%squeeze3A_613, %dma_start3A_629] : memref<1000000x64xf32, #tpu.memory_space<hbm>> -> memref<1x64xf32, #tpu.memory_space<hbm>>
      %dma_start3A_631 = tpu.memref_squeeze %dma_start3A_630 : memref<1x64xf32, #tpu.memory_space<hbm>> -> memref<64xf32, #tpu.memory_space<hbm>>
      tpu.enqueue_dma source(%dma_start3A_631 : memref<64xf32, #tpu.memory_space<hbm>>) target(%dma_start3A_628 : memref<64xf32, #tpu.memory_space<vmem>>) target_semaphore(%arg13 : memref<!tpu.dma_semaphore, #tpu.memory_space<semaphore_mem>>)
      %slice3A_632 = vector.extract_strided_slice %get3A_471 {offsets = [8], sizes = [1], strides = [1]} : vector<16xi32> to vector<1xi32>
      %squeeze3A_633 = vector.extract %slice3A_632[0] : i32 from vector<1xi32>
      %mul3A_634 = arith.constant 32 : i32
      %mul3A_635 = arith.muli %scan3A_142, %mul3A_634 : i32
      %add3A_636 = arith.constant 16 : i32
      %add3A_637 = arith.addi %mul3A_635, %add3A_636 : i32
      %add3A_638 = arith.constant 8 : i32
      %add3A_639 = arith.addi %add3A_637, %add3A_638 : i32
      %dma_start3A_640 = arith.constant 0 : i32
      %dma_start3A_641 = tpu.memref_slice %arg9[%add3A_639, %dma_start3A_640] : memref<256x64xf32, #tpu.memory_space<vmem>> -> memref<1x64xf32, #tpu.memory_space<vmem>>
      %dma_start3A_642 = tpu.memref_squeeze %dma_start3A_641 : memref<1x64xf32, #tpu.memory_space<vmem>> -> memref<64xf32, #tpu.memory_space<vmem>>
      %dma_start3A_643 = arith.constant 0 : i32
      %dma_start3A_644 = tpu.memref_slice %arg5[%squeeze3A_633, %dma_start3A_643] : memref<1000000x64xf32, #tpu.memory_space<hbm>> -> memref<1x64xf32, #tpu.memory_space<hbm>>
      %dma_start3A_645 = tpu.memref_squeeze %dma_start3A_644 : memref<1x64xf32, #tpu.memory_space<hbm>> -> memref<64xf32, #tpu.memory_space<hbm>>
      %dma_start3A_646 = arith.constant 0 : i32
      %dma_start3A_647 = tpu.memref_slice %arg9[%add3A_639, %dma_start3A_646] : memref<256x64xf32, #tpu.memory_space<vmem>> -> memref<1x64xf32, #tpu.memory_space<vmem>>
      %dma_start3A_648 = tpu.memref_squeeze %dma_start3A_647 : memref<1x64xf32, #tpu.memory_space<vmem>> -> memref<64xf32, #tpu.memory_space<vmem>>
      %dma_start3A_649 = arith.constant 0 : i32
      %dma_start3A_650 = tpu.memref_slice %arg5[%squeeze3A_633, %dma_start3A_649] : memref<1000000x64xf32, #tpu.memory_space<hbm>> -> memref<1x64xf32, #tpu.memory_space<hbm>>
      %dma_start3A_651 = tpu.memref_squeeze %dma_start3A_650 : memref<1x64xf32, #tpu.memory_space<hbm>> -> memref<64xf32, #tpu.memory_space<hbm>>
      tpu.enqueue_dma source(%dma_start3A_651 : memref<64xf32, #tpu.memory_space<hbm>>) target(%dma_start3A_648 : memref<64xf32, #tpu.memory_space<vmem>>) target_semaphore(%arg13 : memref<!tpu.dma_semaphore, #tpu.memory_space<semaphore_mem>>)
      %slice3A_652 = vector.extract_strided_slice %get3A_471 {offsets = [9], sizes = [1], strides = [1]} : vector<16xi32> to vector<1xi32>
      %squeeze3A_653 = vector.extract %slice3A_652[0] : i32 from vector<1xi32>
      %mul3A_654 = arith.constant 32 : i32
      %mul3A_655 = arith.muli %scan3A_142, %mul3A_654 : i32
      %add3A_656 = arith.constant 16 : i32
      %add3A_657 = arith.addi %mul3A_655, %add3A_656 : i32
      %add3A_658 = arith.constant 9 : i32
      %add3A_659 = arith.addi %add3A_657, %add3A_658 : i32
      %dma_start3A_660 = arith.constant 0 : i32
      %dma_start3A_661 = tpu.memref_slice %arg9[%add3A_659, %dma_start3A_660] : memref<256x64xf32, #tpu.memory_space<vmem>> -> memref<1x64xf32, #tpu.memory_space<vmem>>
      %dma_start3A_662 = tpu.memref_squeeze %dma_start3A_661 : memref<1x64xf32, #tpu.memory_space<vmem>> -> memref<64xf32, #tpu.memory_space<vmem>>
      %dma_start3A_663 = arith.constant 0 : i32
      %dma_start3A_664 = tpu.memref_slice %arg5[%squeeze3A_653, %dma_start3A_663] : memref<1000000x64xf32, #tpu.memory_space<hbm>> -> memref<1x64xf32, #tpu.memory_space<hbm>>
      %dma_start3A_665 = tpu.memref_squeeze %dma_start3A_664 : memref<1x64xf32, #tpu.memory_space<hbm>> -> memref<64xf32, #tpu.memory_space<hbm>>
      %dma_start3A_666 = arith.constant 0 : i32
      %dma_start3A_667 = tpu.memref_slice %arg9[%add3A_659, %dma_start3A_666] : memref<256x64xf32, #tpu.memory_space<vmem>> -> memref<1x64xf32, #tpu.memory_space<vmem>>
      %dma_start3A_668 = tpu.memref_squeeze %dma_start3A_667 : memref<1x64xf32, #tpu.memory_space<vmem>> -> memref<64xf32, #tpu.memory_space<vmem>>
      %dma_start3A_669 = arith.constant 0 : i32
      %dma_start3A_670 = tpu.memref_slice %arg5[%squeeze3A_653, %dma_start3A_669] : memref<1000000x64xf32, #tpu.memory_space<hbm>> -> memref<1x64xf32, #tpu.memory_space<hbm>>
      %dma_start3A_671 = tpu.memref_squeeze %dma_start3A_670 : memref<1x64xf32, #tpu.memory_space<hbm>> -> memref<64xf32, #tpu.memory_space<hbm>>
      tpu.enqueue_dma source(%dma_start3A_671 : memref<64xf32, #tpu.memory_space<hbm>>) target(%dma_start3A_668 : memref<64xf32, #tpu.memory_space<vmem>>) target_semaphore(%arg13 : memref<!tpu.dma_semaphore, #tpu.memory_space<semaphore_mem>>)
      %slice3A_672 = vector.extract_strided_slice %get3A_471 {offsets = [10], sizes = [1], strides = [1]} : vector<16xi32> to vector<1xi32>
      %squeeze3A_673 = vector.extract %slice3A_672[0] : i32 from vector<1xi32>
      %mul3A_674 = arith.constant 32 : i32
      %mul3A_675 = arith.muli %scan3A_142, %mul3A_674 : i32
      %add3A_676 = arith.constant 16 : i32
      %add3A_677 = arith.addi %mul3A_675, %add3A_676 : i32
      %add3A_678 = arith.constant 10 : i32
      %add3A_679 = arith.addi %add3A_677, %add3A_678 : i32
      %dma_start3A_680 = arith.constant 0 : i32
      %dma_start3A_681 = tpu.memref_slice %arg9[%add3A_679, %dma_start3A_680] : memref<256x64xf32, #tpu.memory_space<vmem>> -> memref<1x64xf32, #tpu.memory_space<vmem>>
      %dma_start3A_682 = tpu.memref_squeeze %dma_start3A_681 : memref<1x64xf32, #tpu.memory_space<vmem>> -> memref<64xf32, #tpu.memory_space<vmem>>
      %dma_start3A_683 = arith.constant 0 : i32
      %dma_start3A_684 = tpu.memref_slice %arg5[%squeeze3A_673, %dma_start3A_683] : memref<1000000x64xf32, #tpu.memory_space<hbm>> -> memref<1x64xf32, #tpu.memory_space<hbm>>
      %dma_start3A_685 = tpu.memref_squeeze %dma_start3A_684 : memref<1x64xf32, #tpu.memory_space<hbm>> -> memref<64xf32, #tpu.memory_space<hbm>>
      %dma_start3A_686 = arith.constant 0 : i32
      %dma_start3A_687 = tpu.memref_slice %arg9[%add3A_679, %dma_start3A_686] : memref<256x64xf32, #tpu.memory_space<vmem>> -> memref<1x64xf32, #tpu.memory_space<vmem>>
      %dma_start3A_688 = tpu.memref_squeeze %dma_start3A_687 : memref<1x64xf32, #tpu.memory_space<vmem>> -> memref<64xf32, #tpu.memory_space<vmem>>
      %dma_start3A_689 = arith.constant 0 : i32
      %dma_start3A_690 = tpu.memref_slice %arg5[%squeeze3A_673, %dma_start3A_689] : memref<1000000x64xf32, #tpu.memory_space<hbm>> -> memref<1x64xf32, #tpu.memory_space<hbm>>
      %dma_start3A_691 = tpu.memref_squeeze %dma_start3A_690 : memref<1x64xf32, #tpu.memory_space<hbm>> -> memref<64xf32, #tpu.memory_space<hbm>>
      tpu.enqueue_dma source(%dma_start3A_691 : memref<64xf32, #tpu.memory_space<hbm>>) target(%dma_start3A_688 : memref<64xf32, #tpu.memory_space<vmem>>) target_semaphore(%arg13 : memref<!tpu.dma_semaphore, #tpu.memory_space<semaphore_mem>>)
      %slice3A_692 = vector.extract_strided_slice %get3A_471 {offsets = [11], sizes = [1], strides = [1]} : vector<16xi32> to vector<1xi32>
      %squeeze3A_693 = vector.extract %slice3A_692[0] : i32 from vector<1xi32>
      %mul3A_694 = arith.constant 32 : i32
      %mul3A_695 = arith.muli %scan3A_142, %mul3A_694 : i32
      %add3A_696 = arith.constant 16 : i32
      %add3A_697 = arith.addi %mul3A_695, %add3A_696 : i32
      %add3A_698 = arith.constant 11 : i32
      %add3A_699 = arith.addi %add3A_697, %add3A_698 : i32
      %dma_start3A_700 = arith.constant 0 : i32
      %dma_start3A_701 = tpu.memref_slice %arg9[%add3A_699, %dma_start3A_700] : memref<256x64xf32, #tpu.memory_space<vmem>> -> memref<1x64xf32, #tpu.memory_space<vmem>>
      %dma_start3A_702 = tpu.memref_squeeze %dma_start3A_701 : memref<1x64xf32, #tpu.memory_space<vmem>> -> memref<64xf32, #tpu.memory_space<vmem>>
      %dma_start3A_703 = arith.constant 0 : i32
      %dma_start3A_704 = tpu.memref_slice %arg5[%squeeze3A_693, %dma_start3A_703] : memref<1000000x64xf32, #tpu.memory_space<hbm>> -> memref<1x64xf32, #tpu.memory_space<hbm>>
      %dma_start3A_705 = tpu.memref_squeeze %dma_start3A_704 : memref<1x64xf32, #tpu.memory_space<hbm>> -> memref<64xf32, #tpu.memory_space<hbm>>
      %dma_start3A_706 = arith.constant 0 : i32
      %dma_start3A_707 = tpu.memref_slice %arg9[%add3A_699, %dma_start3A_706] : memref<256x64xf32, #tpu.memory_space<vmem>> -> memref<1x64xf32, #tpu.memory_space<vmem>>
      %dma_start3A_708 = tpu.memref_squeeze %dma_start3A_707 : memref<1x64xf32, #tpu.memory_space<vmem>> -> memref<64xf32, #tpu.memory_space<vmem>>
      %dma_start3A_709 = arith.constant 0 : i32
      %dma_start3A_710 = tpu.memref_slice %arg5[%squeeze3A_693, %dma_start3A_709] : memref<1000000x64xf32, #tpu.memory_space<hbm>> -> memref<1x64xf32, #tpu.memory_space<hbm>>
      %dma_start3A_711 = tpu.memref_squeeze %dma_start3A_710 : memref<1x64xf32, #tpu.memory_space<hbm>> -> memref<64xf32, #tpu.memory_space<hbm>>
      tpu.enqueue_dma source(%dma_start3A_711 : memref<64xf32, #tpu.memory_space<hbm>>) target(%dma_start3A_708 : memref<64xf32, #tpu.memory_space<vmem>>) target_semaphore(%arg13 : memref<!tpu.dma_semaphore, #tpu.memory_space<semaphore_mem>>)
      %slice3A_712 = vector.extract_strided_slice %get3A_471 {offsets = [12], sizes = [1], strides = [1]} : vector<16xi32> to vector<1xi32>
      %squeeze3A_713 = vector.extract %slice3A_712[0] : i32 from vector<1xi32>
      %mul3A_714 = arith.constant 32 : i32
      %mul3A_715 = arith.muli %scan3A_142, %mul3A_714 : i32
      %add3A_716 = arith.constant 16 : i32
      %add3A_717 = arith.addi %mul3A_715, %add3A_716 : i32
      %add3A_718 = arith.constant 12 : i32
      %add3A_719 = arith.addi %add3A_717, %add3A_718 : i32
      %dma_start3A_720 = arith.constant 0 : i32
      %dma_start3A_721 = tpu.memref_slice %arg9[%add3A_719, %dma_start3A_720] : memref<256x64xf32, #tpu.memory_space<vmem>> -> memref<1x64xf32, #tpu.memory_space<vmem>>
      %dma_start3A_722 = tpu.memref_squeeze %dma_start3A_721 : memref<1x64xf32, #tpu.memory_space<vmem>> -> memref<64xf32, #tpu.memory_space<vmem>>
      %dma_start3A_723 = arith.constant 0 : i32
      %dma_start3A_724 = tpu.memref_slice %arg5[%squeeze3A_713, %dma_start3A_723] : memref<1000000x64xf32, #tpu.memory_space<hbm>> -> memref<1x64xf32, #tpu.memory_space<hbm>>
      %dma_start3A_725 = tpu.memref_squeeze %dma_start3A_724 : memref<1x64xf32, #tpu.memory_space<hbm>> -> memref<64xf32, #tpu.memory_space<hbm>>
      %dma_start3A_726 = arith.constant 0 : i32
      %dma_start3A_727 = tpu.memref_slice %arg9[%add3A_719, %dma_start3A_726] : memref<256x64xf32, #tpu.memory_space<vmem>> -> memref<1x64xf32, #tpu.memory_space<vmem>>
      %dma_start3A_728 = tpu.memref_squeeze %dma_start3A_727 : memref<1x64xf32, #tpu.memory_space<vmem>> -> memref<64xf32, #tpu.memory_space<vmem>>
      %dma_start3A_729 = arith.constant 0 : i32
      %dma_start3A_730 = tpu.memref_slice %arg5[%squeeze3A_713, %dma_start3A_729] : memref<1000000x64xf32, #tpu.memory_space<hbm>> -> memref<1x64xf32, #tpu.memory_space<hbm>>
      %dma_start3A_731 = tpu.memref_squeeze %dma_start3A_730 : memref<1x64xf32, #tpu.memory_space<hbm>> -> memref<64xf32, #tpu.memory_space<hbm>>
      tpu.enqueue_dma source(%dma_start3A_731 : memref<64xf32, #tpu.memory_space<hbm>>) target(%dma_start3A_728 : memref<64xf32, #tpu.memory_space<vmem>>) target_semaphore(%arg13 : memref<!tpu.dma_semaphore, #tpu.memory_space<semaphore_mem>>)
      %slice3A_732 = vector.extract_strided_slice %get3A_471 {offsets = [13], sizes = [1], strides = [1]} : vector<16xi32> to vector<1xi32>
      %squeeze3A_733 = vector.extract %slice3A_732[0] : i32 from vector<1xi32>
      %mul3A_734 = arith.constant 32 : i32
      %mul3A_735 = arith.muli %scan3A_142, %mul3A_734 : i32
      %add3A_736 = arith.constant 16 : i32
      %add3A_737 = arith.addi %mul3A_735, %add3A_736 : i32
      %add3A_738 = arith.constant 13 : i32
      %add3A_739 = arith.addi %add3A_737, %add3A_738 : i32
      %dma_start3A_740 = arith.constant 0 : i32
      %dma_start3A_741 = tpu.memref_slice %arg9[%add3A_739, %dma_start3A_740] : memref<256x64xf32, #tpu.memory_space<vmem>> -> memref<1x64xf32, #tpu.memory_space<vmem>>
      %dma_start3A_742 = tpu.memref_squeeze %dma_start3A_741 : memref<1x64xf32, #tpu.memory_space<vmem>> -> memref<64xf32, #tpu.memory_space<vmem>>
      %dma_start3A_743 = arith.constant 0 : i32
      %dma_start3A_744 = tpu.memref_slice %arg5[%squeeze3A_733, %dma_start3A_743] : memref<1000000x64xf32, #tpu.memory_space<hbm>> -> memref<1x64xf32, #tpu.memory_space<hbm>>
      %dma_start3A_745 = tpu.memref_squeeze %dma_start3A_744 : memref<1x64xf32, #tpu.memory_space<hbm>> -> memref<64xf32, #tpu.memory_space<hbm>>
      %dma_start3A_746 = arith.constant 0 : i32
      %dma_start3A_747 = tpu.memref_slice %arg9[%add3A_739, %dma_start3A_746] : memref<256x64xf32, #tpu.memory_space<vmem>> -> memref<1x64xf32, #tpu.memory_space<vmem>>
      %dma_start3A_748 = tpu.memref_squeeze %dma_start3A_747 : memref<1x64xf32, #tpu.memory_space<vmem>> -> memref<64xf32, #tpu.memory_space<vmem>>
      %dma_start3A_749 = arith.constant 0 : i32
      %dma_start3A_750 = tpu.memref_slice %arg5[%squeeze3A_733, %dma_start3A_749] : memref<1000000x64xf32, #tpu.memory_space<hbm>> -> memref<1x64xf32, #tpu.memory_space<hbm>>
      %dma_start3A_751 = tpu.memref_squeeze %dma_start3A_750 : memref<1x64xf32, #tpu.memory_space<hbm>> -> memref<64xf32, #tpu.memory_space<hbm>>
      tpu.enqueue_dma source(%dma_start3A_751 : memref<64xf32, #tpu.memory_space<hbm>>) target(%dma_start3A_748 : memref<64xf32, #tpu.memory_space<vmem>>) target_semaphore(%arg13 : memref<!tpu.dma_semaphore, #tpu.memory_space<semaphore_mem>>)
      %slice3A_752 = vector.extract_strided_slice %get3A_471 {offsets = [14], sizes = [1], strides = [1]} : vector<16xi32> to vector<1xi32>
      %squeeze3A_753 = vector.extract %slice3A_752[0] : i32 from vector<1xi32>
      %mul3A_754 = arith.constant 32 : i32
      %mul3A_755 = arith.muli %scan3A_142, %mul3A_754 : i32
      %add3A_756 = arith.constant 16 : i32
      %add3A_757 = arith.addi %mul3A_755, %add3A_756 : i32
      %add3A_758 = arith.constant 14 : i32
      %add3A_759 = arith.addi %add3A_757, %add3A_758 : i32
      %dma_start3A_760 = arith.constant 0 : i32
      %dma_start3A_761 = tpu.memref_slice %arg9[%add3A_759, %dma_start3A_760] : memref<256x64xf32, #tpu.memory_space<vmem>> -> memref<1x64xf32, #tpu.memory_space<vmem>>
      %dma_start3A_762 = tpu.memref_squeeze %dma_start3A_761 : memref<1x64xf32, #tpu.memory_space<vmem>> -> memref<64xf32, #tpu.memory_space<vmem>>
      %dma_start3A_763 = arith.constant 0 : i32
      %dma_start3A_764 = tpu.memref_slice %arg5[%squeeze3A_753, %dma_start3A_763] : memref<1000000x64xf32, #tpu.memory_space<hbm>> -> memref<1x64xf32, #tpu.memory_space<hbm>>
      %dma_start3A_765 = tpu.memref_squeeze %dma_start3A_764 : memref<1x64xf32, #tpu.memory_space<hbm>> -> memref<64xf32, #tpu.memory_space<hbm>>
      %dma_start3A_766 = arith.constant 0 : i32
      %dma_start3A_767 = tpu.memref_slice %arg9[%add3A_759, %dma_start3A_766] : memref<256x64xf32, #tpu.memory_space<vmem>> -> memref<1x64xf32, #tpu.memory_space<vmem>>
      %dma_start3A_768 = tpu.memref_squeeze %dma_start3A_767 : memref<1x64xf32, #tpu.memory_space<vmem>> -> memref<64xf32, #tpu.memory_space<vmem>>
      %dma_start3A_769 = arith.constant 0 : i32
      %dma_start3A_770 = tpu.memref_slice %arg5[%squeeze3A_753, %dma_start3A_769] : memref<1000000x64xf32, #tpu.memory_space<hbm>> -> memref<1x64xf32, #tpu.memory_space<hbm>>
      %dma_start3A_771 = tpu.memref_squeeze %dma_start3A_770 : memref<1x64xf32, #tpu.memory_space<hbm>> -> memref<64xf32, #tpu.memory_space<hbm>>
      tpu.enqueue_dma source(%dma_start3A_771 : memref<64xf32, #tpu.memory_space<hbm>>) target(%dma_start3A_768 : memref<64xf32, #tpu.memory_space<vmem>>) target_semaphore(%arg13 : memref<!tpu.dma_semaphore, #tpu.memory_space<semaphore_mem>>)
      %slice3A_772 = vector.extract_strided_slice %get3A_471 {offsets = [15], sizes = [1], strides = [1]} : vector<16xi32> to vector<1xi32>
      %squeeze3A_773 = vector.extract %slice3A_772[0] : i32 from vector<1xi32>
      %mul3A_774 = arith.constant 32 : i32
      %mul3A_775 = arith.muli %scan3A_142, %mul3A_774 : i32
      %add3A_776 = arith.constant 16 : i32
      %add3A_777 = arith.addi %mul3A_775, %add3A_776 : i32
      %add3A_778 = arith.constant 15 : i32
      %add3A_779 = arith.addi %add3A_777, %add3A_778 : i32
      %dma_start3A_780 = arith.constant 0 : i32
      %dma_start3A_781 = tpu.memref_slice %arg9[%add3A_779, %dma_start3A_780] : memref<256x64xf32, #tpu.memory_space<vmem>> -> memref<1x64xf32, #tpu.memory_space<vmem>>
      %dma_start3A_782 = tpu.memref_squeeze %dma_start3A_781 : memref<1x64xf32, #tpu.memory_space<vmem>> -> memref<64xf32, #tpu.memory_space<vmem>>
      %dma_start3A_783 = arith.constant 0 : i32
      %dma_start3A_784 = tpu.memref_slice %arg5[%squeeze3A_773, %dma_start3A_783] : memref<1000000x64xf32, #tpu.memory_space<hbm>> -> memref<1x64xf32, #tpu.memory_space<hbm>>
      %dma_start3A_785 = tpu.memref_squeeze %dma_start3A_784 : memref<1x64xf32, #tpu.memory_space<hbm>> -> memref<64xf32, #tpu.memory_space<hbm>>
      %dma_start3A_786 = arith.constant 0 : i32
      %dma_start3A_787 = tpu.memref_slice %arg9[%add3A_779, %dma_start3A_786] : memref<256x64xf32, #tpu.memory_space<vmem>> -> memref<1x64xf32, #tpu.memory_space<vmem>>
      %dma_start3A_788 = tpu.memref_squeeze %dma_start3A_787 : memref<1x64xf32, #tpu.memory_space<vmem>> -> memref<64xf32, #tpu.memory_space<vmem>>
      %dma_start3A_789 = arith.constant 0 : i32
      %dma_start3A_790 = tpu.memref_slice %arg5[%squeeze3A_773, %dma_start3A_789] : memref<1000000x64xf32, #tpu.memory_space<hbm>> -> memref<1x64xf32, #tpu.memory_space<hbm>>
      %dma_start3A_791 = tpu.memref_squeeze %dma_start3A_790 : memref<1x64xf32, #tpu.memory_space<hbm>> -> memref<64xf32, #tpu.memory_space<hbm>>
      tpu.enqueue_dma source(%dma_start3A_791 : memref<64xf32, #tpu.memory_space<hbm>>) target(%dma_start3A_788 : memref<64xf32, #tpu.memory_space<vmem>>) target_semaphore(%arg13 : memref<!tpu.dma_semaphore, #tpu.memory_space<semaphore_mem>>)
    }
    %scan3A_127 = arith.constant 8 : i32
    "tpu.region"() ({
      %run_scoped3A = tpu.sem_alloc : memref<!tpu.dma_semaphore, #tpu.memory_space<semaphore_mem>>
      %dma_start3A = arith.constant 256 : i32
      %dma_start3A_142 = arith.constant 0 : i32
      %dma_start3A_143 = tpu.memref_slice %arg4[%add3A, %dma_start3A, %dma_start3A_142] : memref<32x512x64xf32, #tpu.memory_space<hbm>> -> memref<1x256x64xf32, #tpu.memory_space<hbm>>
      %dma_start3A_144 = tpu.memref_squeeze %dma_start3A_143 : memref<1x256x64xf32, #tpu.memory_space<hbm>> -> memref<256x64xf32, #tpu.memory_space<hbm>>
      %dma_start3A_145 = arith.constant 256 : i32
      %dma_start3A_146 = arith.constant 0 : i32
      %dma_start3A_147 = tpu.memref_slice %arg4[%add3A, %dma_start3A_145, %dma_start3A_146] : memref<32x512x64xf32, #tpu.memory_space<hbm>> -> memref<1x256x64xf32, #tpu.memory_space<hbm>>
      %dma_start3A_148 = tpu.memref_squeeze %dma_start3A_147 : memref<1x256x64xf32, #tpu.memory_space<hbm>> -> memref<256x64xf32, #tpu.memory_space<hbm>>
      tpu.enqueue_dma source(%dma_start3A_148 : memref<256x64xf32, #tpu.memory_space<hbm>>) target(%arg10 : memref<256x64xf32, #tpu.memory_space<vmem>>) target_semaphore(%run_scoped3A : memref<!tpu.dma_semaphore, #tpu.memory_space<semaphore_mem>>)
      %dma_wait3A_149 = arith.constant 256 : i32
      %dma_wait3A_150 = arith.constant 0 : i32
      %dma_wait3A_151 = tpu.memref_slice %arg4[%add3A, %dma_wait3A_149, %dma_wait3A_150] : memref<32x512x64xf32, #tpu.memory_space<hbm>> -> memref<1x256x64xf32, #tpu.memory_space<hbm>>
      %dma_wait3A_152 = tpu.memref_squeeze %dma_wait3A_151 : memref<1x256x64xf32, #tpu.memory_space<hbm>> -> memref<256x64xf32, #tpu.memory_space<hbm>>
      %dma_wait3A_153 = arith.constant 256 : i32
      %dma_wait3A_154 = arith.constant 0 : i32
      %dma_wait3A_155 = tpu.memref_slice %arg4[%add3A, %dma_wait3A_153, %dma_wait3A_154] : memref<32x512x64xf32, #tpu.memory_space<hbm>> -> memref<1x256x64xf32, #tpu.memory_space<hbm>>
      %dma_wait3A_156 = tpu.memref_squeeze %dma_wait3A_155 : memref<1x256x64xf32, #tpu.memory_space<hbm>> -> memref<256x64xf32, #tpu.memory_space<hbm>>
      tpu.wait_dma2 semaphore(%run_scoped3A : memref<!tpu.dma_semaphore, #tpu.memory_space<semaphore_mem>>) src(%dma_wait3A_156 : memref<256x64xf32, #tpu.memory_space<hbm>>) dst(%arg10 : memref<256x64xf32, #tpu.memory_space<vmem>>)
      tpu.yield
    }) : () -> ()
    %dma_wait3A_128 = arith.constant 256 : i32
    %dma_wait3A_129 = arith.constant 0 : i32
    %dma_wait3A_130 = tpu.memref_slice %arg4[%add3A, %dma_wait3A_128, %dma_wait3A_129] : memref<32x512x64xf32, #tpu.memory_space<hbm>> -> memref<1x256x64xf32, #tpu.memory_space<hbm>>
    %dma_wait3A_131 = tpu.memref_squeeze %dma_wait3A_130 : memref<1x256x64xf32, #tpu.memory_space<hbm>> -> memref<256x64xf32, #tpu.memory_space<hbm>>
    %dma_wait3A_132 = arith.constant 256 : i32
    %dma_wait3A_133 = arith.constant 0 : i32
    %dma_wait3A_134 = tpu.memref_slice %arg4[%add3A, %dma_wait3A_132, %dma_wait3A_133] : memref<32x512x64xf32, #tpu.memory_space<hbm>> -> memref<1x256x64xf32, #tpu.memory_space<hbm>>
    %dma_wait3A_135 = tpu.memref_squeeze %dma_wait3A_134 : memref<1x256x64xf32, #tpu.memory_space<hbm>> -> memref<256x64xf32, #tpu.memory_space<hbm>>
    tpu.wait_dma2 semaphore(%arg13 : memref<!tpu.dma_semaphore, #tpu.memory_space<semaphore_mem>>) src(%dma_wait3A_135 : memref<256x64xf32, #tpu.memory_space<hbm>>) dst(%arg9 : memref<256x64xf32, #tpu.memory_space<vmem>>)
    %scan3A_136 = arith.constant 0 : i32
    %scan3A_137 = arith.constant 0 : i32
    %scan3A_138 = arith.constant 16 : i32
    %scan3A_139 = arith.addi %scan3A_137, %scan3A_138 : i32
    %scan3A_140 = arith.constant 1 : i32
    scf.for %scan3A_142 = %scan3A_137 to %scan3A_139 step %scan3A_140  : i32 {
      %mul3A_143 = arith.constant 16 : i32
      %mul3A_144 = arith.muli %scan3A_142, %mul3A_143 : i32
      %add3A_145 = vector.broadcast %mul3A_144 : i32 to vector<16xi32>
      %add3A_146 = arith.addi %add3A_145, %iota3A : vector<16xi32>
      %broadcast_in_dim3A_147 = arith.constant 0.000000e+00 : f32
      %broadcast_in_dim3A_148 = vector.broadcast %broadcast_in_dim3A_147 : f32 to vector<16xf32>
      %broadcast_in_dim3A_149 = arith.constant 0 : i32
      %broadcast_in_dim3A_150 = vector.broadcast %broadcast_in_dim3A_149 : i32 to vector<16xi32>
      %gather3A = tpu.vector_load_idx %arg9[%add3A_146, %broadcast_in_dim3A_150] : memref<256x64xf32, #tpu.memory_space<vmem>>[vector<16xi32>, vector<16xi32>], vector<16xf32>,
      %mul3A_151 = arith.mulf %gather3A, %gather3A : vector<16xf32>
      %add3A_152 = arith.addf %broadcast_in_dim3A_148, %mul3A_151 : vector<16xf32>
      %broadcast_in_dim3A_153 = arith.constant 1 : i32
      %broadcast_in_dim3A_154 = vector.broadcast %broadcast_in_dim3A_153 : i32 to vector<16xi32>
      %gather3A_155 = tpu.vector_load_idx %arg9[%add3A_146, %broadcast_in_dim3A_154] : memref<256x64xf32, #tpu.memory_space<vmem>>[vector<16xi32>, vector<16xi32>], vector<16xf32>,
      %mul3A_156 = arith.mulf %gather3A_155, %gather3A_155 : vector<16xf32>
      %add3A_157 = arith.addf %add3A_152, %mul3A_156 : vector<16xf32>
      %broadcast_in_dim3A_158 = arith.constant 2 : i32
      %broadcast_in_dim3A_159 = vector.broadcast %broadcast_in_dim3A_158 : i32 to vector<16xi32>
      %gather3A_160 = tpu.vector_load_idx %arg9[%add3A_146, %broadcast_in_dim3A_159] : memref<256x64xf32, #tpu.memory_space<vmem>>[vector<16xi32>, vector<16xi32>], vector<16xf32>,
      %mul3A_161 = arith.mulf %gather3A_160, %gather3A_160 : vector<16xf32>
      %add3A_162 = arith.addf %add3A_157, %mul3A_161 : vector<16xf32>
      %broadcast_in_dim3A_163 = arith.constant 3 : i32
      %broadcast_in_dim3A_164 = vector.broadcast %broadcast_in_dim3A_163 : i32 to vector<16xi32>
      %gather3A_165 = tpu.vector_load_idx %arg9[%add3A_146, %broadcast_in_dim3A_164] : memref<256x64xf32, #tpu.memory_space<vmem>>[vector<16xi32>, vector<16xi32>], vector<16xf32>,
      %mul3A_166 = arith.mulf %gather3A_165, %gather3A_165 : vector<16xf32>
      %add3A_167 = arith.addf %add3A_162, %mul3A_166 : vector<16xf32>
      %broadcast_in_dim3A_168 = arith.constant 4 : i32
      %broadcast_in_dim3A_169 = vector.broadcast %broadcast_in_dim3A_168 : i32 to vector<16xi32>
      %gather3A_170 = tpu.vector_load_idx %arg9[%add3A_146, %broadcast_in_dim3A_169] : memref<256x64xf32, #tpu.memory_space<vmem>>[vector<16xi32>, vector<16xi32>], vector<16xf32>,
      %mul3A_171 = arith.mulf %gather3A_170, %gather3A_170 : vector<16xf32>
      %add3A_172 = arith.addf %add3A_167, %mul3A_171 : vector<16xf32>
      %broadcast_in_dim3A_173 = arith.constant 5 : i32
      %broadcast_in_dim3A_174 = vector.broadcast %broadcast_in_dim3A_173 : i32 to vector<16xi32>
      %gather3A_175 = tpu.vector_load_idx %arg9[%add3A_146, %broadcast_in_dim3A_174] : memref<256x64xf32, #tpu.memory_space<vmem>>[vector<16xi32>, vector<16xi32>], vector<16xf32>,
      %mul3A_176 = arith.mulf %gather3A_175, %gather3A_175 : vector<16xf32>
      %add3A_177 = arith.addf %add3A_172, %mul3A_176 : vector<16xf32>
      %broadcast_in_dim3A_178 = arith.constant 6 : i32
      %broadcast_in_dim3A_179 = vector.broadcast %broadcast_in_dim3A_178 : i32 to vector<16xi32>
      %gather3A_180 = tpu.vector_load_idx %arg9[%add3A_146, %broadcast_in_dim3A_179] : memref<256x64xf32, #tpu.memory_space<vmem>>[vector<16xi32>, vector<16xi32>], vector<16xf32>,
      %mul3A_181 = arith.mulf %gather3A_180, %gather3A_180 : vector<16xf32>
      %add3A_182 = arith.addf %add3A_177, %mul3A_181 : vector<16xf32>
      %broadcast_in_dim3A_183 = arith.constant 7 : i32
      %broadcast_in_dim3A_184 = vector.broadcast %broadcast_in_dim3A_183 : i32 to vector<16xi32>
      %gather3A_185 = tpu.vector_load_idx %arg9[%add3A_146, %broadcast_in_dim3A_184] : memref<256x64xf32, #tpu.memory_space<vmem>>[vector<16xi32>, vector<16xi32>], vector<16xf32>,
      %mul3A_186 = arith.mulf %gather3A_185, %gather3A_185 : vector<16xf32>
      %add3A_187 = arith.addf %add3A_182, %mul3A_186 : vector<16xf32>
      %broadcast_in_dim3A_188 = arith.constant 8 : i32
      %broadcast_in_dim3A_189 = vector.broadcast %broadcast_in_dim3A_188 : i32 to vector<16xi32>
      %gather3A_190 = tpu.vector_load_idx %arg9[%add3A_146, %broadcast_in_dim3A_189] : memref<256x64xf32, #tpu.memory_space<vmem>>[vector<16xi32>, vector<16xi32>], vector<16xf32>,
      %mul3A_191 = arith.mulf %gather3A_190, %gather3A_190 : vector<16xf32>
      %add3A_192 = arith.addf %add3A_187, %mul3A_191 : vector<16xf32>
      %broadcast_in_dim3A_193 = arith.constant 9 : i32
      %broadcast_in_dim3A_194 = vector.broadcast %broadcast_in_dim3A_193 : i32 to vector<16xi32>
      %gather3A_195 = tpu.vector_load_idx %arg9[%add3A_146, %broadcast_in_dim3A_194] : memref<256x64xf32, #tpu.memory_space<vmem>>[vector<16xi32>, vector<16xi32>], vector<16xf32>,
      %mul3A_196 = arith.mulf %gather3A_195, %gather3A_195 : vector<16xf32>
      %add3A_197 = arith.addf %add3A_192, %mul3A_196 : vector<16xf32>
      %broadcast_in_dim3A_198 = arith.constant 10 : i32
      %broadcast_in_dim3A_199 = vector.broadcast %broadcast_in_dim3A_198 : i32 to vector<16xi32>
      %gather3A_200 = tpu.vector_load_idx %arg9[%add3A_146, %broadcast_in_dim3A_199] : memref<256x64xf32, #tpu.memory_space<vmem>>[vector<16xi32>, vector<16xi32>], vector<16xf32>,
      %mul3A_201 = arith.mulf %gather3A_200, %gather3A_200 : vector<16xf32>
      %add3A_202 = arith.addf %add3A_197, %mul3A_201 : vector<16xf32>
      %broadcast_in_dim3A_203 = arith.constant 11 : i32
      %broadcast_in_dim3A_204 = vector.broadcast %broadcast_in_dim3A_203 : i32 to vector<16xi32>
      %gather3A_205 = tpu.vector_load_idx %arg9[%add3A_146, %broadcast_in_dim3A_204] : memref<256x64xf32, #tpu.memory_space<vmem>>[vector<16xi32>, vector<16xi32>], vector<16xf32>,
      %mul3A_206 = arith.mulf %gather3A_205, %gather3A_205 : vector<16xf32>
      %add3A_207 = arith.addf %add3A_202, %mul3A_206 : vector<16xf32>
      %broadcast_in_dim3A_208 = arith.constant 12 : i32
      %broadcast_in_dim3A_209 = vector.broadcast %broadcast_in_dim3A_208 : i32 to vector<16xi32>
      %gather3A_210 = tpu.vector_load_idx %arg9[%add3A_146, %broadcast_in_dim3A_209] : memref<256x64xf32, #tpu.memory_space<vmem>>[vector<16xi32>, vector<16xi32>], vector<16xf32>,
      %mul3A_211 = arith.mulf %gather3A_210, %gather3A_210 : vector<16xf32>
      %add3A_212 = arith.addf %add3A_207, %mul3A_211 : vector<16xf32>
      %broadcast_in_dim3A_213 = arith.constant 13 : i32
      %broadcast_in_dim3A_214 = vector.broadcast %broadcast_in_dim3A_213 : i32 to vector<16xi32>
      %gather3A_215 = tpu.vector_load_idx %arg9[%add3A_146, %broadcast_in_dim3A_214] : memref<256x64xf32, #tpu.memory_space<vmem>>[vector<16xi32>, vector<16xi32>], vector<16xf32>,
      %mul3A_216 = arith.mulf %gather3A_215, %gather3A_215 : vector<16xf32>
      %add3A_217 = arith.addf %add3A_212, %mul3A_216 : vector<16xf32>
      %broadcast_in_dim3A_218 = arith.constant 14 : i32
      %broadcast_in_dim3A_219 = vector.broadcast %broadcast_in_dim3A_218 : i32 to vector<16xi32>
      %gather3A_220 = tpu.vector_load_idx %arg9[%add3A_146, %broadcast_in_dim3A_219] : memref<256x64xf32, #tpu.memory_space<vmem>>[vector<16xi32>, vector<16xi32>], vector<16xf32>,
      %mul3A_221 = arith.mulf %gather3A_220, %gather3A_220 : vector<16xf32>
      %add3A_222 = arith.addf %add3A_217, %mul3A_221 : vector<16xf32>
      %broadcast_in_dim3A_223 = arith.constant 15 : i32
      %broadcast_in_dim3A_224 = vector.broadcast %broadcast_in_dim3A_223 : i32 to vector<16xi32>
      %gather3A_225 = tpu.vector_load_idx %arg9[%add3A_146, %broadcast_in_dim3A_224] : memref<256x64xf32, #tpu.memory_space<vmem>>[vector<16xi32>, vector<16xi32>], vector<16xf32>,
      %mul3A_226 = arith.mulf %gather3A_225, %gather3A_225 : vector<16xf32>
      %add3A_227 = arith.addf %add3A_222, %mul3A_226 : vector<16xf32>
      %broadcast_in_dim3A_228 = arith.constant 16 : i32
      %broadcast_in_dim3A_229 = vector.broadcast %broadcast_in_dim3A_228 : i32 to vector<16xi32>
      %gather3A_230 = tpu.vector_load_idx %arg9[%add3A_146, %broadcast_in_dim3A_229] : memref<256x64xf32, #tpu.memory_space<vmem>>[vector<16xi32>, vector<16xi32>], vector<16xf32>,
      %mul3A_231 = arith.mulf %gather3A_230, %gather3A_230 : vector<16xf32>
      %add3A_232 = arith.addf %add3A_227, %mul3A_231 : vector<16xf32>
      %broadcast_in_dim3A_233 = arith.constant 17 : i32
      %broadcast_in_dim3A_234 = vector.broadcast %broadcast_in_dim3A_233 : i32 to vector<16xi32>
      %gather3A_235 = tpu.vector_load_idx %arg9[%add3A_146, %broadcast_in_dim3A_234] : memref<256x64xf32, #tpu.memory_space<vmem>>[vector<16xi32>, vector<16xi32>], vector<16xf32>,
      %mul3A_236 = arith.mulf %gather3A_235, %gather3A_235 : vector<16xf32>
      %add3A_237 = arith.addf %add3A_232, %mul3A_236 : vector<16xf32>
      %broadcast_in_dim3A_238 = arith.constant 18 : i32
      %broadcast_in_dim3A_239 = vector.broadcast %broadcast_in_dim3A_238 : i32 to vector<16xi32>
      %gather3A_240 = tpu.vector_load_idx %arg9[%add3A_146, %broadcast_in_dim3A_239] : memref<256x64xf32, #tpu.memory_space<vmem>>[vector<16xi32>, vector<16xi32>], vector<16xf32>,
      %mul3A_241 = arith.mulf %gather3A_240, %gather3A_240 : vector<16xf32>
      %add3A_242 = arith.addf %add3A_237, %mul3A_241 : vector<16xf32>
      %broadcast_in_dim3A_243 = arith.constant 19 : i32
      %broadcast_in_dim3A_244 = vector.broadcast %broadcast_in_dim3A_243 : i32 to vector<16xi32>
      %gather3A_245 = tpu.vector_load_idx %arg9[%add3A_146, %broadcast_in_dim3A_244] : memref<256x64xf32, #tpu.memory_space<vmem>>[vector<16xi32>, vector<16xi32>], vector<16xf32>,
      %mul3A_246 = arith.mulf %gather3A_245, %gather3A_245 : vector<16xf32>
      %add3A_247 = arith.addf %add3A_242, %mul3A_246 : vector<16xf32>
      %broadcast_in_dim3A_248 = arith.constant 20 : i32
      %broadcast_in_dim3A_249 = vector.broadcast %broadcast_in_dim3A_248 : i32 to vector<16xi32>
      %gather3A_250 = tpu.vector_load_idx %arg9[%add3A_146, %broadcast_in_dim3A_249] : memref<256x64xf32, #tpu.memory_space<vmem>>[vector<16xi32>, vector<16xi32>], vector<16xf32>,
      %mul3A_251 = arith.mulf %gather3A_250, %gather3A_250 : vector<16xf32>
      %add3A_252 = arith.addf %add3A_247, %mul3A_251 : vector<16xf32>
      %broadcast_in_dim3A_253 = arith.constant 21 : i32
      %broadcast_in_dim3A_254 = vector.broadcast %broadcast_in_dim3A_253 : i32 to vector<16xi32>
      %gather3A_255 = tpu.vector_load_idx %arg9[%add3A_146, %broadcast_in_dim3A_254] : memref<256x64xf32, #tpu.memory_space<vmem>>[vector<16xi32>, vector<16xi32>], vector<16xf32>,
      %mul3A_256 = arith.mulf %gather3A_255, %gather3A_255 : vector<16xf32>
      %add3A_257 = arith.addf %add3A_252, %mul3A_256 : vector<16xf32>
      %broadcast_in_dim3A_258 = arith.constant 22 : i32
      %broadcast_in_dim3A_259 = vector.broadcast %broadcast_in_dim3A_258 : i32 to vector<16xi32>
      %gather3A_260 = tpu.vector_load_idx %arg9[%add3A_146, %broadcast_in_dim3A_259] : memref<256x64xf32, #tpu.memory_space<vmem>>[vector<16xi32>, vector<16xi32>], vector<16xf32>,
      %mul3A_261 = arith.mulf %gather3A_260, %gather3A_260 : vector<16xf32>
      %add3A_262 = arith.addf %add3A_257, %mul3A_261 : vector<16xf32>
      %broadcast_in_dim3A_263 = arith.constant 23 : i32
      %broadcast_in_dim3A_264 = vector.broadcast %broadcast_in_dim3A_263 : i32 to vector<16xi32>
      %gather3A_265 = tpu.vector_load_idx %arg9[%add3A_146, %broadcast_in_dim3A_264] : memref<256x64xf32, #tpu.memory_space<vmem>>[vector<16xi32>, vector<16xi32>], vector<16xf32>,
      %mul3A_266 = arith.mulf %gather3A_265, %gather3A_265 : vector<16xf32>
      %add3A_267 = arith.addf %add3A_262, %mul3A_266 : vector<16xf32>
      %broadcast_in_dim3A_268 = arith.constant 24 : i32
      %broadcast_in_dim3A_269 = vector.broadcast %broadcast_in_dim3A_268 : i32 to vector<16xi32>
      %gather3A_270 = tpu.vector_load_idx %arg9[%add3A_146, %broadcast_in_dim3A_269] : memref<256x64xf32, #tpu.memory_space<vmem>>[vector<16xi32>, vector<16xi32>], vector<16xf32>,
      %mul3A_271 = arith.mulf %gather3A_270, %gather3A_270 : vector<16xf32>
      %add3A_272 = arith.addf %add3A_267, %mul3A_271 : vector<16xf32>
      %broadcast_in_dim3A_273 = arith.constant 25 : i32
      %broadcast_in_dim3A_274 = vector.broadcast %broadcast_in_dim3A_273 : i32 to vector<16xi32>
      %gather3A_275 = tpu.vector_load_idx %arg9[%add3A_146, %broadcast_in_dim3A_274] : memref<256x64xf32, #tpu.memory_space<vmem>>[vector<16xi32>, vector<16xi32>], vector<16xf32>,
      %mul3A_276 = arith.mulf %gather3A_275, %gather3A_275 : vector<16xf32>
      %add3A_277 = arith.addf %add3A_272, %mul3A_276 : vector<16xf32>
      %broadcast_in_dim3A_278 = arith.constant 26 : i32
      %broadcast_in_dim3A_279 = vector.broadcast %broadcast_in_dim3A_278 : i32 to vector<16xi32>
      %gather3A_280 = tpu.vector_load_idx %arg9[%add3A_146, %broadcast_in_dim3A_279] : memref<256x64xf32, #tpu.memory_space<vmem>>[vector<16xi32>, vector<16xi32>], vector<16xf32>,
      %mul3A_281 = arith.mulf %gather3A_280, %gather3A_280 : vector<16xf32>
      %add3A_282 = arith.addf %add3A_277, %mul3A_281 : vector<16xf32>
      %broadcast_in_dim3A_283 = arith.constant 27 : i32
      %broadcast_in_dim3A_284 = vector.broadcast %broadcast_in_dim3A_283 : i32 to vector<16xi32>
      %gather3A_285 = tpu.vector_load_idx %arg9[%add3A_146, %broadcast_in_dim3A_284] : memref<256x64xf32, #tpu.memory_space<vmem>>[vector<16xi32>, vector<16xi32>], vector<16xf32>,
      %mul3A_286 = arith.mulf %gather3A_285, %gather3A_285 : vector<16xf32>
      %add3A_287 = arith.addf %add3A_282, %mul3A_286 : vector<16xf32>
      %broadcast_in_dim3A_288 = arith.constant 28 : i32
      %broadcast_in_dim3A_289 = vector.broadcast %broadcast_in_dim3A_288 : i32 to vector<16xi32>
      %gather3A_290 = tpu.vector_load_idx %arg9[%add3A_146, %broadcast_in_dim3A_289] : memref<256x64xf32, #tpu.memory_space<vmem>>[vector<16xi32>, vector<16xi32>], vector<16xf32>,
      %mul3A_291 = arith.mulf %gather3A_290, %gather3A_290 : vector<16xf32>
      %add3A_292 = arith.addf %add3A_287, %mul3A_291 : vector<16xf32>
      %broadcast_in_dim3A_293 = arith.constant 29 : i32
      %broadcast_in_dim3A_294 = vector.broadcast %broadcast_in_dim3A_293 : i32 to vector<16xi32>
      %gather3A_295 = tpu.vector_load_idx %arg9[%add3A_146, %broadcast_in_dim3A_294] : memref<256x64xf32, #tpu.memory_space<vmem>>[vector<16xi32>, vector<16xi32>], vector<16xf32>,
      %mul3A_296 = arith.mulf %gather3A_295, %gather3A_295 : vector<16xf32>
      %add3A_297 = arith.addf %add3A_292, %mul3A_296 : vector<16xf32>
      %broadcast_in_dim3A_298 = arith.constant 30 : i32
      %broadcast_in_dim3A_299 = vector.broadcast %broadcast_in_dim3A_298 : i32 to vector<16xi32>
      %gather3A_300 = tpu.vector_load_idx %arg9[%add3A_146, %broadcast_in_dim3A_299] : memref<256x64xf32, #tpu.memory_space<vmem>>[vector<16xi32>, vector<16xi32>], vector<16xf32>,
      %mul3A_301 = arith.mulf %gather3A_300, %gather3A_300 : vector<16xf32>
      %add3A_302 = arith.addf %add3A_297, %mul3A_301 : vector<16xf32>
      %broadcast_in_dim3A_303 = arith.constant 31 : i32
      %broadcast_in_dim3A_304 = vector.broadcast %broadcast_in_dim3A_303 : i32 to vector<16xi32>
      %gather3A_305 = tpu.vector_load_idx %arg9[%add3A_146, %broadcast_in_dim3A_304] : memref<256x64xf32, #tpu.memory_space<vmem>>[vector<16xi32>, vector<16xi32>], vector<16xf32>,
      %mul3A_306 = arith.mulf %gather3A_305, %gather3A_305 : vector<16xf32>
      %add3A_307 = arith.addf %add3A_302, %mul3A_306 : vector<16xf32>
      %broadcast_in_dim3A_308 = arith.constant 32 : i32
      %broadcast_in_dim3A_309 = vector.broadcast %broadcast_in_dim3A_308 : i32 to vector<16xi32>
      %gather3A_310 = tpu.vector_load_idx %arg9[%add3A_146, %broadcast_in_dim3A_309] : memref<256x64xf32, #tpu.memory_space<vmem>>[vector<16xi32>, vector<16xi32>], vector<16xf32>,
      %mul3A_311 = arith.mulf %gather3A_310, %gather3A_310 : vector<16xf32>
      %add3A_312 = arith.addf %add3A_307, %mul3A_311 : vector<16xf32>
      %broadcast_in_dim3A_313 = arith.constant 33 : i32
      %broadcast_in_dim3A_314 = vector.broadcast %broadcast_in_dim3A_313 : i32 to vector<16xi32>
      %gather3A_315 = tpu.vector_load_idx %arg9[%add3A_146, %broadcast_in_dim3A_314] : memref<256x64xf32, #tpu.memory_space<vmem>>[vector<16xi32>, vector<16xi32>], vector<16xf32>,
      %mul3A_316 = arith.mulf %gather3A_315, %gather3A_315 : vector<16xf32>
      %add3A_317 = arith.addf %add3A_312, %mul3A_316 : vector<16xf32>
      %broadcast_in_dim3A_318 = arith.constant 34 : i32
      %broadcast_in_dim3A_319 = vector.broadcast %broadcast_in_dim3A_318 : i32 to vector<16xi32>
      %gather3A_320 = tpu.vector_load_idx %arg9[%add3A_146, %broadcast_in_dim3A_319] : memref<256x64xf32, #tpu.memory_space<vmem>>[vector<16xi32>, vector<16xi32>], vector<16xf32>,
      %mul3A_321 = arith.mulf %gather3A_320, %gather3A_320 : vector<16xf32>
      %add3A_322 = arith.addf %add3A_317, %mul3A_321 : vector<16xf32>
      %broadcast_in_dim3A_323 = arith.constant 35 : i32
      %broadcast_in_dim3A_324 = vector.broadcast %broadcast_in_dim3A_323 : i32 to vector<16xi32>
      %gather3A_325 = tpu.vector_load_idx %arg9[%add3A_146, %broadcast_in_dim3A_324] : memref<256x64xf32, #tpu.memory_space<vmem>>[vector<16xi32>, vector<16xi32>], vector<16xf32>,
      %mul3A_326 = arith.mulf %gather3A_325, %gather3A_325 : vector<16xf32>
      %add3A_327 = arith.addf %add3A_322, %mul3A_326 : vector<16xf32>
      %broadcast_in_dim3A_328 = arith.constant 36 : i32
      %broadcast_in_dim3A_329 = vector.broadcast %broadcast_in_dim3A_328 : i32 to vector<16xi32>
      %gather3A_330 = tpu.vector_load_idx %arg9[%add3A_146, %broadcast_in_dim3A_329] : memref<256x64xf32, #tpu.memory_space<vmem>>[vector<16xi32>, vector<16xi32>], vector<16xf32>,
      %mul3A_331 = arith.mulf %gather3A_330, %gather3A_330 : vector<16xf32>
      %add3A_332 = arith.addf %add3A_327, %mul3A_331 : vector<16xf32>
      %broadcast_in_dim3A_333 = arith.constant 37 : i32
      %broadcast_in_dim3A_334 = vector.broadcast %broadcast_in_dim3A_333 : i32 to vector<16xi32>
      %gather3A_335 = tpu.vector_load_idx %arg9[%add3A_146, %broadcast_in_dim3A_334] : memref<256x64xf32, #tpu.memory_space<vmem>>[vector<16xi32>, vector<16xi32>], vector<16xf32>,
      %mul3A_336 = arith.mulf %gather3A_335, %gather3A_335 : vector<16xf32>
      %add3A_337 = arith.addf %add3A_332, %mul3A_336 : vector<16xf32>
      %broadcast_in_dim3A_338 = arith.constant 38 : i32
      %broadcast_in_dim3A_339 = vector.broadcast %broadcast_in_dim3A_338 : i32 to vector<16xi32>
      %gather3A_340 = tpu.vector_load_idx %arg9[%add3A_146, %broadcast_in_dim3A_339] : memref<256x64xf32, #tpu.memory_space<vmem>>[vector<16xi32>, vector<16xi32>], vector<16xf32>,
      %mul3A_341 = arith.mulf %gather3A_340, %gather3A_340 : vector<16xf32>
      %add3A_342 = arith.addf %add3A_337, %mul3A_341 : vector<16xf32>
      %broadcast_in_dim3A_343 = arith.constant 39 : i32
      %broadcast_in_dim3A_344 = vector.broadcast %broadcast_in_dim3A_343 : i32 to vector<16xi32>
      %gather3A_345 = tpu.vector_load_idx %arg9[%add3A_146, %broadcast_in_dim3A_344] : memref<256x64xf32, #tpu.memory_space<vmem>>[vector<16xi32>, vector<16xi32>], vector<16xf32>,
      %mul3A_346 = arith.mulf %gather3A_345, %gather3A_345 : vector<16xf32>
      %add3A_347 = arith.addf %add3A_342, %mul3A_346 : vector<16xf32>
      %broadcast_in_dim3A_348 = arith.constant 40 : i32
      %broadcast_in_dim3A_349 = vector.broadcast %broadcast_in_dim3A_348 : i32 to vector<16xi32>
      %gather3A_350 = tpu.vector_load_idx %arg9[%add3A_146, %broadcast_in_dim3A_349] : memref<256x64xf32, #tpu.memory_space<vmem>>[vector<16xi32>, vector<16xi32>], vector<16xf32>,
      %mul3A_351 = arith.mulf %gather3A_350, %gather3A_350 : vector<16xf32>
      %add3A_352 = arith.addf %add3A_347, %mul3A_351 : vector<16xf32>
      %broadcast_in_dim3A_353 = arith.constant 41 : i32
      %broadcast_in_dim3A_354 = vector.broadcast %broadcast_in_dim3A_353 : i32 to vector<16xi32>
      %gather3A_355 = tpu.vector_load_idx %arg9[%add3A_146, %broadcast_in_dim3A_354] : memref<256x64xf32, #tpu.memory_space<vmem>>[vector<16xi32>, vector<16xi32>], vector<16xf32>,
      %mul3A_356 = arith.mulf %gather3A_355, %gather3A_355 : vector<16xf32>
      %add3A_357 = arith.addf %add3A_352, %mul3A_356 : vector<16xf32>
      %broadcast_in_dim3A_358 = arith.constant 42 : i32
      %broadcast_in_dim3A_359 = vector.broadcast %broadcast_in_dim3A_358 : i32 to vector<16xi32>
      %gather3A_360 = tpu.vector_load_idx %arg9[%add3A_146, %broadcast_in_dim3A_359] : memref<256x64xf32, #tpu.memory_space<vmem>>[vector<16xi32>, vector<16xi32>], vector<16xf32>,
      %mul3A_361 = arith.mulf %gather3A_360, %gather3A_360 : vector<16xf32>
      %add3A_362 = arith.addf %add3A_357, %mul3A_361 : vector<16xf32>
      %broadcast_in_dim3A_363 = arith.constant 43 : i32
      %broadcast_in_dim3A_364 = vector.broadcast %broadcast_in_dim3A_363 : i32 to vector<16xi32>
      %gather3A_365 = tpu.vector_load_idx %arg9[%add3A_146, %broadcast_in_dim3A_364] : memref<256x64xf32, #tpu.memory_space<vmem>>[vector<16xi32>, vector<16xi32>], vector<16xf32>,
      %mul3A_366 = arith.mulf %gather3A_365, %gather3A_365 : vector<16xf32>
      %add3A_367 = arith.addf %add3A_362, %mul3A_366 : vector<16xf32>
      %broadcast_in_dim3A_368 = arith.constant 44 : i32
      %broadcast_in_dim3A_369 = vector.broadcast %broadcast_in_dim3A_368 : i32 to vector<16xi32>
      %gather3A_370 = tpu.vector_load_idx %arg9[%add3A_146, %broadcast_in_dim3A_369] : memref<256x64xf32, #tpu.memory_space<vmem>>[vector<16xi32>, vector<16xi32>], vector<16xf32>,
      %mul3A_371 = arith.mulf %gather3A_370, %gather3A_370 : vector<16xf32>
      %add3A_372 = arith.addf %add3A_367, %mul3A_371 : vector<16xf32>
      %broadcast_in_dim3A_373 = arith.constant 45 : i32
      %broadcast_in_dim3A_374 = vector.broadcast %broadcast_in_dim3A_373 : i32 to vector<16xi32>
      %gather3A_375 = tpu.vector_load_idx %arg9[%add3A_146, %broadcast_in_dim3A_374] : memref<256x64xf32, #tpu.memory_space<vmem>>[vector<16xi32>, vector<16xi32>], vector<16xf32>,
      %mul3A_376 = arith.mulf %gather3A_375, %gather3A_375 : vector<16xf32>
      %add3A_377 = arith.addf %add3A_372, %mul3A_376 : vector<16xf32>
      %broadcast_in_dim3A_378 = arith.constant 46 : i32
      %broadcast_in_dim3A_379 = vector.broadcast %broadcast_in_dim3A_378 : i32 to vector<16xi32>
      %gather3A_380 = tpu.vector_load_idx %arg9[%add3A_146, %broadcast_in_dim3A_379] : memref<256x64xf32, #tpu.memory_space<vmem>>[vector<16xi32>, vector<16xi32>], vector<16xf32>,
      %mul3A_381 = arith.mulf %gather3A_380, %gather3A_380 : vector<16xf32>
      %add3A_382 = arith.addf %add3A_377, %mul3A_381 : vector<16xf32>
      %broadcast_in_dim3A_383 = arith.constant 47 : i32
      %broadcast_in_dim3A_384 = vector.broadcast %broadcast_in_dim3A_383 : i32 to vector<16xi32>
      %gather3A_385 = tpu.vector_load_idx %arg9[%add3A_146, %broadcast_in_dim3A_384] : memref<256x64xf32, #tpu.memory_space<vmem>>[vector<16xi32>, vector<16xi32>], vector<16xf32>,
      %mul3A_386 = arith.mulf %gather3A_385, %gather3A_385 : vector<16xf32>
      %add3A_387 = arith.addf %add3A_382, %mul3A_386 : vector<16xf32>
      %broadcast_in_dim3A_388 = arith.constant 48 : i32
      %broadcast_in_dim3A_389 = vector.broadcast %broadcast_in_dim3A_388 : i32 to vector<16xi32>
      %gather3A_390 = tpu.vector_load_idx %arg9[%add3A_146, %broadcast_in_dim3A_389] : memref<256x64xf32, #tpu.memory_space<vmem>>[vector<16xi32>, vector<16xi32>], vector<16xf32>,
      %mul3A_391 = arith.mulf %gather3A_390, %gather3A_390 : vector<16xf32>
      %add3A_392 = arith.addf %add3A_387, %mul3A_391 : vector<16xf32>
      %broadcast_in_dim3A_393 = arith.constant 49 : i32
      %broadcast_in_dim3A_394 = vector.broadcast %broadcast_in_dim3A_393 : i32 to vector<16xi32>
      %gather3A_395 = tpu.vector_load_idx %arg9[%add3A_146, %broadcast_in_dim3A_394] : memref<256x64xf32, #tpu.memory_space<vmem>>[vector<16xi32>, vector<16xi32>], vector<16xf32>,
      %mul3A_396 = arith.mulf %gather3A_395, %gather3A_395 : vector<16xf32>
      %add3A_397 = arith.addf %add3A_392, %mul3A_396 : vector<16xf32>
      %broadcast_in_dim3A_398 = arith.constant 50 : i32
      %broadcast_in_dim3A_399 = vector.broadcast %broadcast_in_dim3A_398 : i32 to vector<16xi32>
      %gather3A_400 = tpu.vector_load_idx %arg9[%add3A_146, %broadcast_in_dim3A_399] : memref<256x64xf32, #tpu.memory_space<vmem>>[vector<16xi32>, vector<16xi32>], vector<16xf32>,
      %mul3A_401 = arith.mulf %gather3A_400, %gather3A_400 : vector<16xf32>
      %add3A_402 = arith.addf %add3A_397, %mul3A_401 : vector<16xf32>
      %broadcast_in_dim3A_403 = arith.constant 51 : i32
      %broadcast_in_dim3A_404 = vector.broadcast %broadcast_in_dim3A_403 : i32 to vector<16xi32>
      %gather3A_405 = tpu.vector_load_idx %arg9[%add3A_146, %broadcast_in_dim3A_404] : memref<256x64xf32, #tpu.memory_space<vmem>>[vector<16xi32>, vector<16xi32>], vector<16xf32>,
      %mul3A_406 = arith.mulf %gather3A_405, %gather3A_405 : vector<16xf32>
      %add3A_407 = arith.addf %add3A_402, %mul3A_406 : vector<16xf32>
      %broadcast_in_dim3A_408 = arith.constant 52 : i32
      %broadcast_in_dim3A_409 = vector.broadcast %broadcast_in_dim3A_408 : i32 to vector<16xi32>
      %gather3A_410 = tpu.vector_load_idx %arg9[%add3A_146, %broadcast_in_dim3A_409] : memref<256x64xf32, #tpu.memory_space<vmem>>[vector<16xi32>, vector<16xi32>], vector<16xf32>,
      %mul3A_411 = arith.mulf %gather3A_410, %gather3A_410 : vector<16xf32>
      %add3A_412 = arith.addf %add3A_407, %mul3A_411 : vector<16xf32>
      %broadcast_in_dim3A_413 = arith.constant 53 : i32
      %broadcast_in_dim3A_414 = vector.broadcast %broadcast_in_dim3A_413 : i32 to vector<16xi32>
      %gather3A_415 = tpu.vector_load_idx %arg9[%add3A_146, %broadcast_in_dim3A_414] : memref<256x64xf32, #tpu.memory_space<vmem>>[vector<16xi32>, vector<16xi32>], vector<16xf32>,
      %mul3A_416 = arith.mulf %gather3A_415, %gather3A_415 : vector<16xf32>
      %add3A_417 = arith.addf %add3A_412, %mul3A_416 : vector<16xf32>
      %broadcast_in_dim3A_418 = arith.constant 54 : i32
      %broadcast_in_dim3A_419 = vector.broadcast %broadcast_in_dim3A_418 : i32 to vector<16xi32>
      %gather3A_420 = tpu.vector_load_idx %arg9[%add3A_146, %broadcast_in_dim3A_419] : memref<256x64xf32, #tpu.memory_space<vmem>>[vector<16xi32>, vector<16xi32>], vector<16xf32>,
      %mul3A_421 = arith.mulf %gather3A_420, %gather3A_420 : vector<16xf32>
      %add3A_422 = arith.addf %add3A_417, %mul3A_421 : vector<16xf32>
      %broadcast_in_dim3A_423 = arith.constant 55 : i32
      %broadcast_in_dim3A_424 = vector.broadcast %broadcast_in_dim3A_423 : i32 to vector<16xi32>
      %gather3A_425 = tpu.vector_load_idx %arg9[%add3A_146, %broadcast_in_dim3A_424] : memref<256x64xf32, #tpu.memory_space<vmem>>[vector<16xi32>, vector<16xi32>], vector<16xf32>,
      %mul3A_426 = arith.mulf %gather3A_425, %gather3A_425 : vector<16xf32>
      %add3A_427 = arith.addf %add3A_422, %mul3A_426 : vector<16xf32>
      %broadcast_in_dim3A_428 = arith.constant 56 : i32
      %broadcast_in_dim3A_429 = vector.broadcast %broadcast_in_dim3A_428 : i32 to vector<16xi32>
      %gather3A_430 = tpu.vector_load_idx %arg9[%add3A_146, %broadcast_in_dim3A_429] : memref<256x64xf32, #tpu.memory_space<vmem>>[vector<16xi32>, vector<16xi32>], vector<16xf32>,
      %mul3A_431 = arith.mulf %gather3A_430, %gather3A_430 : vector<16xf32>
      %add3A_432 = arith.addf %add3A_427, %mul3A_431 : vector<16xf32>
      %broadcast_in_dim3A_433 = arith.constant 57 : i32
      %broadcast_in_dim3A_434 = vector.broadcast %broadcast_in_dim3A_433 : i32 to vector<16xi32>
      %gather3A_435 = tpu.vector_load_idx %arg9[%add3A_146, %broadcast_in_dim3A_434] : memref<256x64xf32, #tpu.memory_space<vmem>>[vector<16xi32>, vector<16xi32>], vector<16xf32>,
      %mul3A_436 = arith.mulf %gather3A_435, %gather3A_435 : vector<16xf32>
      %add3A_437 = arith.addf %add3A_432, %mul3A_436 : vector<16xf32>
      %broadcast_in_dim3A_438 = arith.constant 58 : i32
      %broadcast_in_dim3A_439 = vector.broadcast %broadcast_in_dim3A_438 : i32 to vector<16xi32>
      %gather3A_440 = tpu.vector_load_idx %arg9[%add3A_146, %broadcast_in_dim3A_439] : memref<256x64xf32, #tpu.memory_space<vmem>>[vector<16xi32>, vector<16xi32>], vector<16xf32>,
      %mul3A_441 = arith.mulf %gather3A_440, %gather3A_440 : vector<16xf32>
      %add3A_442 = arith.addf %add3A_437, %mul3A_441 : vector<16xf32>
      %broadcast_in_dim3A_443 = arith.constant 59 : i32
      %broadcast_in_dim3A_444 = vector.broadcast %broadcast_in_dim3A_443 : i32 to vector<16xi32>
      %gather3A_445 = tpu.vector_load_idx %arg9[%add3A_146, %broadcast_in_dim3A_444] : memref<256x64xf32, #tpu.memory_space<vmem>>[vector<16xi32>, vector<16xi32>], vector<16xf32>,
      %mul3A_446 = arith.mulf %gather3A_445, %gather3A_445 : vector<16xf32>
      %add3A_447 = arith.addf %add3A_442, %mul3A_446 : vector<16xf32>
      %broadcast_in_dim3A_448 = arith.constant 60 : i32
      %broadcast_in_dim3A_449 = vector.broadcast %broadcast_in_dim3A_448 : i32 to vector<16xi32>
      %gather3A_450 = tpu.vector_load_idx %arg9[%add3A_146, %broadcast_in_dim3A_449] : memref<256x64xf32, #tpu.memory_space<vmem>>[vector<16xi32>, vector<16xi32>], vector<16xf32>,
      %mul3A_451 = arith.mulf %gather3A_450, %gather3A_450 : vector<16xf32>
      %add3A_452 = arith.addf %add3A_447, %mul3A_451 : vector<16xf32>
      %broadcast_in_dim3A_453 = arith.constant 61 : i32
      %broadcast_in_dim3A_454 = vector.broadcast %broadcast_in_dim3A_453 : i32 to vector<16xi32>
      %gather3A_455 = tpu.vector_load_idx %arg9[%add3A_146, %broadcast_in_dim3A_454] : memref<256x64xf32, #tpu.memory_space<vmem>>[vector<16xi32>, vector<16xi32>], vector<16xf32>,
      %mul3A_456 = arith.mulf %gather3A_455, %gather3A_455 : vector<16xf32>
      %add3A_457 = arith.addf %add3A_452, %mul3A_456 : vector<16xf32>
      %broadcast_in_dim3A_458 = arith.constant 62 : i32
      %broadcast_in_dim3A_459 = vector.broadcast %broadcast_in_dim3A_458 : i32 to vector<16xi32>
      %gather3A_460 = tpu.vector_load_idx %arg9[%add3A_146, %broadcast_in_dim3A_459] : memref<256x64xf32, #tpu.memory_space<vmem>>[vector<16xi32>, vector<16xi32>], vector<16xf32>,
      %mul3A_461 = arith.mulf %gather3A_460, %gather3A_460 : vector<16xf32>
      %add3A_462 = arith.addf %add3A_457, %mul3A_461 : vector<16xf32>
      %broadcast_in_dim3A_463 = arith.constant 63 : i32
      %broadcast_in_dim3A_464 = vector.broadcast %broadcast_in_dim3A_463 : i32 to vector<16xi32>
      %gather3A_465 = tpu.vector_load_idx %arg9[%add3A_146, %broadcast_in_dim3A_464] : memref<256x64xf32, #tpu.memory_space<vmem>>[vector<16xi32>, vector<16xi32>], vector<16xf32>,
      %mul3A_466 = arith.mulf %gather3A_465, %gather3A_465 : vector<16xf32>
      %add3A_467 = arith.addf %add3A_462, %mul3A_466 : vector<16xf32>
      %mul3A_468 = arith.constant 5.000000e-01 : f32
      %mul3A_469 = vector.broadcast %mul3A_468 : f32 to vector<16xf32>
      %mul3A_470 = arith.mulf %mul3A_469, %add3A_467 : vector<16xf32>
      %add3A_471 = vector.broadcast %add3A_103 : f32 to vector<16xf32>
      %add3A_472 = arith.addf %add3A_471, %mul3A_470 : vector<16xf32>
      %add3A_473 = arith.constant 256 : i32
      %add3A_474 = arith.addi %add3A_473, %mul3A_144 : i32
      %swap3A = arith.index_cast %add3A_474 : i32 to index
      %swap3A_475 = tpu.vector_load %arg12[%swap3A] {strides = array<i32>} : memref<512xf32, #tpu.memory_space<vmem>>, vector<16xf32>,
      tpu.vector_store %arg12[%swap3A], %add3A_472 {strides = array<i32>} : memref<512xf32, #tpu.memory_space<vmem>>, vector<16xf32>,
      %add3A_476 = arith.constant 0 : i32
      %add3A_477 = arith.addi %mul3A_144, %add3A_476 : i32
      %get3A_478 = arith.index_cast %add3A_477 : i32 to index
      %get3A_479 = arith.constant 0 : index
      %get3A_480 = tpu.vector_load %arg9[%get3A_478, %get3A_479] {strides = array<i32>} : memref<256x64xf32, #tpu.memory_space<vmem>>, vector<16xf32>,
      %get3A_481 = arith.index_cast %add3A_477 : i32 to index
      %get3A_482 = arith.constant 0 : index
      %get3A_483 = tpu.vector_load %arg10[%get3A_481, %get3A_482] {strides = array<i32>} : memref<256x64xf32, #tpu.memory_space<vmem>>, vector<16xf32>,
      %mul3A_484 = arith.mulf %get3A_483, %exp3A : vector<16xf32>
      %add3A_485 = arith.addf %get3A_480, %mul3A_484 : vector<16xf32>
      %swap3A_486 = arith.index_cast %add3A_477 : i32 to index
      %swap3A_487 = arith.constant 0 : index
      %swap3A_488 = tpu.vector_load %arg9[%swap3A_486, %swap3A_487] {strides = array<i32>} : memref<256x64xf32, #tpu.memory_space<vmem>>, vector<16xf32>,
      tpu.vector_store %arg9[%swap3A_486, %swap3A_487], %add3A_485 {strides = array<i32>} : memref<256x64xf32, #tpu.memory_space<vmem>>, vector<16xf32>,
      %get3A_489 = arith.index_cast %add3A_477 : i32 to index
      %get3A_490 = arith.constant 16 : index
      %get3A_491 = tpu.vector_load %arg9[%get3A_489, %get3A_490] {strides = array<i32>} : memref<256x64xf32, #tpu.memory_space<vmem>>, vector<16xf32>,
      %get3A_492 = arith.index_cast %add3A_477 : i32 to index
      %get3A_493 = arith.constant 16 : index
      %get3A_494 = tpu.vector_load %arg10[%get3A_492, %get3A_493] {strides = array<i32>} : memref<256x64xf32, #tpu.memory_space<vmem>>, vector<16xf32>,
      %mul3A_495 = arith.mulf %get3A_494, %exp3A_16 : vector<16xf32>
      %add3A_496 = arith.addf %get3A_491, %mul3A_495 : vector<16xf32>
      %swap3A_497 = arith.index_cast %add3A_477 : i32 to index
      %swap3A_498 = arith.constant 16 : index
      %swap3A_499 = tpu.vector_load %arg9[%swap3A_497, %swap3A_498] {strides = array<i32>} : memref<256x64xf32, #tpu.memory_space<vmem>>, vector<16xf32>,
      tpu.vector_store %arg9[%swap3A_497, %swap3A_498], %add3A_496 {strides = array<i32>} : memref<256x64xf32, #tpu.memory_space<vmem>>, vector<16xf32>,
      %get3A_500 = arith.index_cast %add3A_477 : i32 to index
      %get3A_501 = arith.constant 32 : index
      %get3A_502 = tpu.vector_load %arg9[%get3A_500, %get3A_501] {strides = array<i32>} : memref<256x64xf32, #tpu.memory_space<vmem>>, vector<16xf32>,
      %get3A_503 = arith.index_cast %add3A_477 : i32 to index
      %get3A_504 = arith.constant 32 : index
      %get3A_505 = tpu.vector_load %arg10[%get3A_503, %get3A_504] {strides = array<i32>} : memref<256x64xf32, #tpu.memory_space<vmem>>, vector<16xf32>,
      %mul3A_506 = arith.mulf %get3A_505, %exp3A_31 : vector<16xf32>
      %add3A_507 = arith.addf %get3A_502, %mul3A_506 : vector<16xf32>
      %swap3A_508 = arith.index_cast %add3A_477 : i32 to index
      %swap3A_509 = arith.constant 32 : index
      %swap3A_510 = tpu.vector_load %arg9[%swap3A_508, %swap3A_509] {strides = array<i32>} : memref<256x64xf32, #tpu.memory_space<vmem>>, vector<16xf32>,
      tpu.vector_store %arg9[%swap3A_508, %swap3A_509], %add3A_507 {strides = array<i32>} : memref<256x64xf32, #tpu.memory_space<vmem>>, vector<16xf32>,
      %get3A_511 = arith.index_cast %add3A_477 : i32 to index
      %get3A_512 = arith.constant 48 : index
      %get3A_513 = tpu.vector_load %arg9[%get3A_511, %get3A_512] {strides = array<i32>} : memref<256x64xf32, #tpu.memory_space<vmem>>, vector<16xf32>,
      %get3A_514 = arith.index_cast %add3A_477 : i32 to index
      %get3A_515 = arith.constant 48 : index
      %get3A_516 = tpu.vector_load %arg10[%get3A_514, %get3A_515] {strides = array<i32>} : memref<256x64xf32, #tpu.memory_space<vmem>>, vector<16xf32>,
      %mul3A_517 = arith.mulf %get3A_516, %exp3A_46 : vector<16xf32>
      %add3A_518 = arith.addf %get3A_513, %mul3A_517 : vector<16xf32>
      %swap3A_519 = arith.index_cast %add3A_477 : i32 to index
      %swap3A_520 = arith.constant 48 : index
      %swap3A_521 = tpu.vector_load %arg9[%swap3A_519, %swap3A_520] {strides = array<i32>} : memref<256x64xf32, #tpu.memory_space<vmem>>, vector<16xf32>,
      tpu.vector_store %arg9[%swap3A_519, %swap3A_520], %add3A_518 {strides = array<i32>} : memref<256x64xf32, #tpu.memory_space<vmem>>, vector<16xf32>,
      %add3A_522 = arith.constant 1 : i32
      %add3A_523 = arith.addi %mul3A_144, %add3A_522 : i32
      %get3A_524 = arith.index_cast %add3A_523 : i32 to index
      %get3A_525 = arith.constant 0 : index
      %get3A_526 = tpu.vector_load %arg9[%get3A_524, %get3A_525] {strides = array<i32>} : memref<256x64xf32, #tpu.memory_space<vmem>>, vector<16xf32>,
      %get3A_527 = arith.index_cast %add3A_523 : i32 to index
      %get3A_528 = arith.constant 0 : index
      %get3A_529 = tpu.vector_load %arg10[%get3A_527, %get3A_528] {strides = array<i32>} : memref<256x64xf32, #tpu.memory_space<vmem>>, vector<16xf32>,
      %mul3A_530 = arith.mulf %get3A_529, %exp3A : vector<16xf32>
      %add3A_531 = arith.addf %get3A_526, %mul3A_530 : vector<16xf32>
      %swap3A_532 = arith.index_cast %add3A_523 : i32 to index
      %swap3A_533 = arith.constant 0 : index
      %swap3A_534 = tpu.vector_load %arg9[%swap3A_532, %swap3A_533] {strides = array<i32>} : memref<256x64xf32, #tpu.memory_space<vmem>>, vector<16xf32>,
      tpu.vector_store %arg9[%swap3A_532, %swap3A_533], %add3A_531 {strides = array<i32>} : memref<256x64xf32, #tpu.memory_space<vmem>>, vector<16xf32>,
      %get3A_535 = arith.index_cast %add3A_523 : i32 to index
      %get3A_536 = arith.constant 16 : index
      %get3A_537 = tpu.vector_load %arg9[%get3A_535, %get3A_536] {strides = array<i32>} : memref<256x64xf32, #tpu.memory_space<vmem>>, vector<16xf32>,
      %get3A_538 = arith.index_cast %add3A_523 : i32 to index
      %get3A_539 = arith.constant 16 : index
      %get3A_540 = tpu.vector_load %arg10[%get3A_538, %get3A_539] {strides = array<i32>} : memref<256x64xf32, #tpu.memory_space<vmem>>, vector<16xf32>,
      %mul3A_541 = arith.mulf %get3A_540, %exp3A_16 : vector<16xf32>
      %add3A_542 = arith.addf %get3A_537, %mul3A_541 : vector<16xf32>
      %swap3A_543 = arith.index_cast %add3A_523 : i32 to index
      %swap3A_544 = arith.constant 16 : index
      %swap3A_545 = tpu.vector_load %arg9[%swap3A_543, %swap3A_544] {strides = array<i32>} : memref<256x64xf32, #tpu.memory_space<vmem>>, vector<16xf32>,
      tpu.vector_store %arg9[%swap3A_543, %swap3A_544], %add3A_542 {strides = array<i32>} : memref<256x64xf32, #tpu.memory_space<vmem>>, vector<16xf32>,
      %get3A_546 = arith.index_cast %add3A_523 : i32 to index
      %get3A_547 = arith.constant 32 : index
      %get3A_548 = tpu.vector_load %arg9[%get3A_546, %get3A_547] {strides = array<i32>} : memref<256x64xf32, #tpu.memory_space<vmem>>, vector<16xf32>,
      %get3A_549 = arith.index_cast %add3A_523 : i32 to index
      %get3A_550 = arith.constant 32 : index
      %get3A_551 = tpu.vector_load %arg10[%get3A_549, %get3A_550] {strides = array<i32>} : memref<256x64xf32, #tpu.memory_space<vmem>>, vector<16xf32>,
      %mul3A_552 = arith.mulf %get3A_551, %exp3A_31 : vector<16xf32>
      %add3A_553 = arith.addf %get3A_548, %mul3A_552 : vector<16xf32>
      %swap3A_554 = arith.index_cast %add3A_523 : i32 to index
      %swap3A_555 = arith.constant 32 : index
      %swap3A_556 = tpu.vector_load %arg9[%swap3A_554, %swap3A_555] {strides = array<i32>} : memref<256x64xf32, #tpu.memory_space<vmem>>, vector<16xf32>,
      tpu.vector_store %arg9[%swap3A_554, %swap3A_555], %add3A_553 {strides = array<i32>} : memref<256x64xf32, #tpu.memory_space<vmem>>, vector<16xf32>,
      %get3A_557 = arith.index_cast %add3A_523 : i32 to index
      %get3A_558 = arith.constant 48 : index
      %get3A_559 = tpu.vector_load %arg9[%get3A_557, %get3A_558] {strides = array<i32>} : memref<256x64xf32, #tpu.memory_space<vmem>>, vector<16xf32>,
      %get3A_560 = arith.index_cast %add3A_523 : i32 to index
      %get3A_561 = arith.constant 48 : index
      %get3A_562 = tpu.vector_load %arg10[%get3A_560, %get3A_561] {strides = array<i32>} : memref<256x64xf32, #tpu.memory_space<vmem>>, vector<16xf32>,
      %mul3A_563 = arith.mulf %get3A_562, %exp3A_46 : vector<16xf32>
      %add3A_564 = arith.addf %get3A_559, %mul3A_563 : vector<16xf32>
      %swap3A_565 = arith.index_cast %add3A_523 : i32 to index
      %swap3A_566 = arith.constant 48 : index
      %swap3A_567 = tpu.vector_load %arg9[%swap3A_565, %swap3A_566] {strides = array<i32>} : memref<256x64xf32, #tpu.memory_space<vmem>>, vector<16xf32>,
      tpu.vector_store %arg9[%swap3A_565, %swap3A_566], %add3A_564 {strides = array<i32>} : memref<256x64xf32, #tpu.memory_space<vmem>>, vector<16xf32>,
      %add3A_568 = arith.constant 2 : i32
      %add3A_569 = arith.addi %mul3A_144, %add3A_568 : i32
      %get3A_570 = arith.index_cast %add3A_569 : i32 to index
      %get3A_571 = arith.constant 0 : index
      %get3A_572 = tpu.vector_load %arg9[%get3A_570, %get3A_571] {strides = array<i32>} : memref<256x64xf32, #tpu.memory_space<vmem>>, vector<16xf32>,
      %get3A_573 = arith.index_cast %add3A_569 : i32 to index
      %get3A_574 = arith.constant 0 : index
      %get3A_575 = tpu.vector_load %arg10[%get3A_573, %get3A_574] {strides = array<i32>} : memref<256x64xf32, #tpu.memory_space<vmem>>, vector<16xf32>,
      %mul3A_576 = arith.mulf %get3A_575, %exp3A : vector<16xf32>
      %add3A_577 = arith.addf %get3A_572, %mul3A_576 : vector<16xf32>
      %swap3A_578 = arith.index_cast %add3A_569 : i32 to index
      %swap3A_579 = arith.constant 0 : index
      %swap3A_580 = tpu.vector_load %arg9[%swap3A_578, %swap3A_579] {strides = array<i32>} : memref<256x64xf32, #tpu.memory_space<vmem>>, vector<16xf32>,
      tpu.vector_store %arg9[%swap3A_578, %swap3A_579], %add3A_577 {strides = array<i32>} : memref<256x64xf32, #tpu.memory_space<vmem>>, vector<16xf32>,
      %get3A_581 = arith.index_cast %add3A_569 : i32 to index
      %get3A_582 = arith.constant 16 : index
      %get3A_583 = tpu.vector_load %arg9[%get3A_581, %get3A_582] {strides = array<i32>} : memref<256x64xf32, #tpu.memory_space<vmem>>, vector<16xf32>,
      %get3A_584 = arith.index_cast %add3A_569 : i32 to index
      %get3A_585 = arith.constant 16 : index
      %get3A_586 = tpu.vector_load %arg10[%get3A_584, %get3A_585] {strides = array<i32>} : memref<256x64xf32, #tpu.memory_space<vmem>>, vector<16xf32>,
      %mul3A_587 = arith.mulf %get3A_586, %exp3A_16 : vector<16xf32>
      %add3A_588 = arith.addf %get3A_583, %mul3A_587 : vector<16xf32>
      %swap3A_589 = arith.index_cast %add3A_569 : i32 to index
      %swap3A_590 = arith.constant 16 : index
      %swap3A_591 = tpu.vector_load %arg9[%swap3A_589, %swap3A_590] {strides = array<i32>} : memref<256x64xf32, #tpu.memory_space<vmem>>, vector<16xf32>,
      tpu.vector_store %arg9[%swap3A_589, %swap3A_590], %add3A_588 {strides = array<i32>} : memref<256x64xf32, #tpu.memory_space<vmem>>, vector<16xf32>,
      %get3A_592 = arith.index_cast %add3A_569 : i32 to index
      %get3A_593 = arith.constant 32 : index
      %get3A_594 = tpu.vector_load %arg9[%get3A_592, %get3A_593] {strides = array<i32>} : memref<256x64xf32, #tpu.memory_space<vmem>>, vector<16xf32>,
      %get3A_595 = arith.index_cast %add3A_569 : i32 to index
      %get3A_596 = arith.constant 32 : index
      %get3A_597 = tpu.vector_load %arg10[%get3A_595, %get3A_596] {strides = array<i32>} : memref<256x64xf32, #tpu.memory_space<vmem>>, vector<16xf32>,
      %mul3A_598 = arith.mulf %get3A_597, %exp3A_31 : vector<16xf32>
      %add3A_599 = arith.addf %get3A_594, %mul3A_598 : vector<16xf32>
      %swap3A_600 = arith.index_cast %add3A_569 : i32 to index
      %swap3A_601 = arith.constant 32 : index
      %swap3A_602 = tpu.vector_load %arg9[%swap3A_600, %swap3A_601] {strides = array<i32>} : memref<256x64xf32, #tpu.memory_space<vmem>>, vector<16xf32>,
      tpu.vector_store %arg9[%swap3A_600, %swap3A_601], %add3A_599 {strides = array<i32>} : memref<256x64xf32, #tpu.memory_space<vmem>>, vector<16xf32>,
      %get3A_603 = arith.index_cast %add3A_569 : i32 to index
      %get3A_604 = arith.constant 48 : index
      %get3A_605 = tpu.vector_load %arg9[%get3A_603, %get3A_604] {strides = array<i32>} : memref<256x64xf32, #tpu.memory_space<vmem>>, vector<16xf32>,
      %get3A_606 = arith.index_cast %add3A_569 : i32 to index
      %get3A_607 = arith.constant 48 : index
      %get3A_608 = tpu.vector_load %arg10[%get3A_606, %get3A_607] {strides = array<i32>} : memref<256x64xf32, #tpu.memory_space<vmem>>, vector<16xf32>,
      %mul3A_609 = arith.mulf %get3A_608, %exp3A_46 : vector<16xf32>
      %add3A_610 = arith.addf %get3A_605, %mul3A_609 : vector<16xf32>
      %swap3A_611 = arith.index_cast %add3A_569 : i32 to index
      %swap3A_612 = arith.constant 48 : index
      %swap3A_613 = tpu.vector_load %arg9[%swap3A_611, %swap3A_612] {strides = array<i32>} : memref<256x64xf32, #tpu.memory_space<vmem>>, vector<16xf32>,
      tpu.vector_store %arg9[%swap3A_611, %swap3A_612], %add3A_610 {strides = array<i32>} : memref<256x64xf32, #tpu.memory_space<vmem>>, vector<16xf32>,
      %add3A_614 = arith.constant 3 : i32
      %add3A_615 = arith.addi %mul3A_144, %add3A_614 : i32
      %get3A_616 = arith.index_cast %add3A_615 : i32 to index
      %get3A_617 = arith.constant 0 : index
      %get3A_618 = tpu.vector_load %arg9[%get3A_616, %get3A_617] {strides = array<i32>} : memref<256x64xf32, #tpu.memory_space<vmem>>, vector<16xf32>,
      %get3A_619 = arith.index_cast %add3A_615 : i32 to index
      %get3A_620 = arith.constant 0 : index
      %get3A_621 = tpu.vector_load %arg10[%get3A_619, %get3A_620] {strides = array<i32>} : memref<256x64xf32, #tpu.memory_space<vmem>>, vector<16xf32>,
      %mul3A_622 = arith.mulf %get3A_621, %exp3A : vector<16xf32>
      %add3A_623 = arith.addf %get3A_618, %mul3A_622 : vector<16xf32>
      %swap3A_624 = arith.index_cast %add3A_615 : i32 to index
      %swap3A_625 = arith.constant 0 : index
      %swap3A_626 = tpu.vector_load %arg9[%swap3A_624, %swap3A_625] {strides = array<i32>} : memref<256x64xf32, #tpu.memory_space<vmem>>, vector<16xf32>,
      tpu.vector_store %arg9[%swap3A_624, %swap3A_625], %add3A_623 {strides = array<i32>} : memref<256x64xf32, #tpu.memory_space<vmem>>, vector<16xf32>,
      %get3A_627 = arith.index_cast %add3A_615 : i32 to index
      %get3A_628 = arith.constant 16 : index
      %get3A_629 = tpu.vector_load %arg9[%get3A_627, %get3A_628] {strides = array<i32>} : memref<256x64xf32, #tpu.memory_space<vmem>>, vector<16xf32>,
      %get3A_630 = arith.index_cast %add3A_615 : i32 to index
      %get3A_631 = arith.constant 16 : index
      %get3A_632 = tpu.vector_load %arg10[%get3A_630, %get3A_631] {strides = array<i32>} : memref<256x64xf32, #tpu.memory_space<vmem>>, vector<16xf32>,
      %mul3A_633 = arith.mulf %get3A_632, %exp3A_16 : vector<16xf32>
      %add3A_634 = arith.addf %get3A_629, %mul3A_633 : vector<16xf32>
      %swap3A_635 = arith.index_cast %add3A_615 : i32 to index
      %swap3A_636 = arith.constant 16 : index
      %swap3A_637 = tpu.vector_load %arg9[%swap3A_635, %swap3A_636] {strides = array<i32>} : memref<256x64xf32, #tpu.memory_space<vmem>>, vector<16xf32>,
      tpu.vector_store %arg9[%swap3A_635, %swap3A_636], %add3A_634 {strides = array<i32>} : memref<256x64xf32, #tpu.memory_space<vmem>>, vector<16xf32>,
      %get3A_638 = arith.index_cast %add3A_615 : i32 to index
      %get3A_639 = arith.constant 32 : index
      %get3A_640 = tpu.vector_load %arg9[%get3A_638, %get3A_639] {strides = array<i32>} : memref<256x64xf32, #tpu.memory_space<vmem>>, vector<16xf32>,
      %get3A_641 = arith.index_cast %add3A_615 : i32 to index
      %get3A_642 = arith.constant 32 : index
      %get3A_643 = tpu.vector_load %arg10[%get3A_641, %get3A_642] {strides = array<i32>} : memref<256x64xf32, #tpu.memory_space<vmem>>, vector<16xf32>,
      %mul3A_644 = arith.mulf %get3A_643, %exp3A_31 : vector<16xf32>
      %add3A_645 = arith.addf %get3A_640, %mul3A_644 : vector<16xf32>
      %swap3A_646 = arith.index_cast %add3A_615 : i32 to index
      %swap3A_647 = arith.constant 32 : index
      %swap3A_648 = tpu.vector_load %arg9[%swap3A_646, %swap3A_647] {strides = array<i32>} : memref<256x64xf32, #tpu.memory_space<vmem>>, vector<16xf32>,
      tpu.vector_store %arg9[%swap3A_646, %swap3A_647], %add3A_645 {strides = array<i32>} : memref<256x64xf32, #tpu.memory_space<vmem>>, vector<16xf32>,
      %get3A_649 = arith.index_cast %add3A_615 : i32 to index
      %get3A_650 = arith.constant 48 : index
      %get3A_651 = tpu.vector_load %arg9[%get3A_649, %get3A_650] {strides = array<i32>} : memref<256x64xf32, #tpu.memory_space<vmem>>, vector<16xf32>,
      %get3A_652 = arith.index_cast %add3A_615 : i32 to index
      %get3A_653 = arith.constant 48 : index
      %get3A_654 = tpu.vector_load %arg10[%get3A_652, %get3A_653] {strides = array<i32>} : memref<256x64xf32, #tpu.memory_space<vmem>>, vector<16xf32>,
      %mul3A_655 = arith.mulf %get3A_654, %exp3A_46 : vector<16xf32>
      %add3A_656 = arith.addf %get3A_651, %mul3A_655 : vector<16xf32>
      %swap3A_657 = arith.index_cast %add3A_615 : i32 to index
      %swap3A_658 = arith.constant 48 : index
      %swap3A_659 = tpu.vector_load %arg9[%swap3A_657, %swap3A_658] {strides = array<i32>} : memref<256x64xf32, #tpu.memory_space<vmem>>, vector<16xf32>,
      tpu.vector_store %arg9[%swap3A_657, %swap3A_658], %add3A_656 {strides = array<i32>} : memref<256x64xf32, #tpu.memory_space<vmem>>, vector<16xf32>,
      %add3A_660 = arith.constant 4 : i32
      %add3A_661 = arith.addi %mul3A_144, %add3A_660 : i32
      %get3A_662 = arith.index_cast %add3A_661 : i32 to index
      %get3A_663 = arith.constant 0 : index
      %get3A_664 = tpu.vector_load %arg9[%get3A_662, %get3A_663] {strides = array<i32>} : memref<256x64xf32, #tpu.memory_space<vmem>>, vector<16xf32>,
      %get3A_665 = arith.index_cast %add3A_661 : i32 to index
      %get3A_666 = arith.constant 0 : index
      %get3A_667 = tpu.vector_load %arg10[%get3A_665, %get3A_666] {strides = array<i32>} : memref<256x64xf32, #tpu.memory_space<vmem>>, vector<16xf32>,
      %mul3A_668 = arith.mulf %get3A_667, %exp3A : vector<16xf32>
      %add3A_669 = arith.addf %get3A_664, %mul3A_668 : vector<16xf32>
      %swap3A_670 = arith.index_cast %add3A_661 : i32 to index
      %swap3A_671 = arith.constant 0 : index
      %swap3A_672 = tpu.vector_load %arg9[%swap3A_670, %swap3A_671] {strides = array<i32>} : memref<256x64xf32, #tpu.memory_space<vmem>>, vector<16xf32>,
      tpu.vector_store %arg9[%swap3A_670, %swap3A_671], %add3A_669 {strides = array<i32>} : memref<256x64xf32, #tpu.memory_space<vmem>>, vector<16xf32>,
      %get3A_673 = arith.index_cast %add3A_661 : i32 to index
      %get3A_674 = arith.constant 16 : index
      %get3A_675 = tpu.vector_load %arg9[%get3A_673, %get3A_674] {strides = array<i32>} : memref<256x64xf32, #tpu.memory_space<vmem>>, vector<16xf32>,
      %get3A_676 = arith.index_cast %add3A_661 : i32 to index
      %get3A_677 = arith.constant 16 : index
      %get3A_678 = tpu.vector_load %arg10[%get3A_676, %get3A_677] {strides = array<i32>} : memref<256x64xf32, #tpu.memory_space<vmem>>, vector<16xf32>,
      %mul3A_679 = arith.mulf %get3A_678, %exp3A_16 : vector<16xf32>
      %add3A_680 = arith.addf %get3A_675, %mul3A_679 : vector<16xf32>
      %swap3A_681 = arith.index_cast %add3A_661 : i32 to index
      %swap3A_682 = arith.constant 16 : index
      %swap3A_683 = tpu.vector_load %arg9[%swap3A_681, %swap3A_682] {strides = array<i32>} : memref<256x64xf32, #tpu.memory_space<vmem>>, vector<16xf32>,
      tpu.vector_store %arg9[%swap3A_681, %swap3A_682], %add3A_680 {strides = array<i32>} : memref<256x64xf32, #tpu.memory_space<vmem>>, vector<16xf32>,
      %get3A_684 = arith.index_cast %add3A_661 : i32 to index
      %get3A_685 = arith.constant 32 : index
      %get3A_686 = tpu.vector_load %arg9[%get3A_684, %get3A_685] {strides = array<i32>} : memref<256x64xf32, #tpu.memory_space<vmem>>, vector<16xf32>,
      %get3A_687 = arith.index_cast %add3A_661 : i32 to index
      %get3A_688 = arith.constant 32 : index
      %get3A_689 = tpu.vector_load %arg10[%get3A_687, %get3A_688] {strides = array<i32>} : memref<256x64xf32, #tpu.memory_space<vmem>>, vector<16xf32>,
      %mul3A_690 = arith.mulf %get3A_689, %exp3A_31 : vector<16xf32>
      %add3A_691 = arith.addf %get3A_686, %mul3A_690 : vector<16xf32>
      %swap3A_692 = arith.index_cast %add3A_661 : i32 to index
      %swap3A_693 = arith.constant 32 : index
      %swap3A_694 = tpu.vector_load %arg9[%swap3A_692, %swap3A_693] {strides = array<i32>} : memref<256x64xf32, #tpu.memory_space<vmem>>, vector<16xf32>,
      tpu.vector_store %arg9[%swap3A_692, %swap3A_693], %add3A_691 {strides = array<i32>} : memref<256x64xf32, #tpu.memory_space<vmem>>, vector<16xf32>,
      %get3A_695 = arith.index_cast %add3A_661 : i32 to index
      %get3A_696 = arith.constant 48 : index
      %get3A_697 = tpu.vector_load %arg9[%get3A_695, %get3A_696] {strides = array<i32>} : memref<256x64xf32, #tpu.memory_space<vmem>>, vector<16xf32>,
      %get3A_698 = arith.index_cast %add3A_661 : i32 to index
      %get3A_699 = arith.constant 48 : index
      %get3A_700 = tpu.vector_load %arg10[%get3A_698, %get3A_699] {strides = array<i32>} : memref<256x64xf32, #tpu.memory_space<vmem>>, vector<16xf32>,
      %mul3A_701 = arith.mulf %get3A_700, %exp3A_46 : vector<16xf32>
      %add3A_702 = arith.addf %get3A_697, %mul3A_701 : vector<16xf32>
      %swap3A_703 = arith.index_cast %add3A_661 : i32 to index
      %swap3A_704 = arith.constant 48 : index
      %swap3A_705 = tpu.vector_load %arg9[%swap3A_703, %swap3A_704] {strides = array<i32>} : memref<256x64xf32, #tpu.memory_space<vmem>>, vector<16xf32>,
      tpu.vector_store %arg9[%swap3A_703, %swap3A_704], %add3A_702 {strides = array<i32>} : memref<256x64xf32, #tpu.memory_space<vmem>>, vector<16xf32>,
      %add3A_706 = arith.constant 5 : i32
      %add3A_707 = arith.addi %mul3A_144, %add3A_706 : i32
      %get3A_708 = arith.index_cast %add3A_707 : i32 to index
      %get3A_709 = arith.constant 0 : index
      %get3A_710 = tpu.vector_load %arg9[%get3A_708, %get3A_709] {strides = array<i32>} : memref<256x64xf32, #tpu.memory_space<vmem>>, vector<16xf32>,
      %get3A_711 = arith.index_cast %add3A_707 : i32 to index
      %get3A_712 = arith.constant 0 : index
      %get3A_713 = tpu.vector_load %arg10[%get3A_711, %get3A_712] {strides = array<i32>} : memref<256x64xf32, #tpu.memory_space<vmem>>, vector<16xf32>,
      %mul3A_714 = arith.mulf %get3A_713, %exp3A : vector<16xf32>
      %add3A_715 = arith.addf %get3A_710, %mul3A_714 : vector<16xf32>
      %swap3A_716 = arith.index_cast %add3A_707 : i32 to index
      %swap3A_717 = arith.constant 0 : index
      %swap3A_718 = tpu.vector_load %arg9[%swap3A_716, %swap3A_717] {strides = array<i32>} : memref<256x64xf32, #tpu.memory_space<vmem>>, vector<16xf32>,
      tpu.vector_store %arg9[%swap3A_716, %swap3A_717], %add3A_715 {strides = array<i32>} : memref<256x64xf32, #tpu.memory_space<vmem>>, vector<16xf32>,
      %get3A_719 = arith.index_cast %add3A_707 : i32 to index
      %get3A_720 = arith.constant 16 : index
      %get3A_721 = tpu.vector_load %arg9[%get3A_719, %get3A_720] {strides = array<i32>} : memref<256x64xf32, #tpu.memory_space<vmem>>, vector<16xf32>,
      %get3A_722 = arith.index_cast %add3A_707 : i32 to index
      %get3A_723 = arith.constant 16 : index
      %get3A_724 = tpu.vector_load %arg10[%get3A_722, %get3A_723] {strides = array<i32>} : memref<256x64xf32, #tpu.memory_space<vmem>>, vector<16xf32>,
      %mul3A_725 = arith.mulf %get3A_724, %exp3A_16 : vector<16xf32>
      %add3A_726 = arith.addf %get3A_721, %mul3A_725 : vector<16xf32>
      %swap3A_727 = arith.index_cast %add3A_707 : i32 to index
      %swap3A_728 = arith.constant 16 : index
      %swap3A_729 = tpu.vector_load %arg9[%swap3A_727, %swap3A_728] {strides = array<i32>} : memref<256x64xf32, #tpu.memory_space<vmem>>, vector<16xf32>,
      tpu.vector_store %arg9[%swap3A_727, %swap3A_728], %add3A_726 {strides = array<i32>} : memref<256x64xf32, #tpu.memory_space<vmem>>, vector<16xf32>,
      %get3A_730 = arith.index_cast %add3A_707 : i32 to index
      %get3A_731 = arith.constant 32 : index
      %get3A_732 = tpu.vector_load %arg9[%get3A_730, %get3A_731] {strides = array<i32>} : memref<256x64xf32, #tpu.memory_space<vmem>>, vector<16xf32>,
      %get3A_733 = arith.index_cast %add3A_707 : i32 to index
      %get3A_734 = arith.constant 32 : index
      %get3A_735 = tpu.vector_load %arg10[%get3A_733, %get3A_734] {strides = array<i32>} : memref<256x64xf32, #tpu.memory_space<vmem>>, vector<16xf32>,
      %mul3A_736 = arith.mulf %get3A_735, %exp3A_31 : vector<16xf32>
      %add3A_737 = arith.addf %get3A_732, %mul3A_736 : vector<16xf32>
      %swap3A_738 = arith.index_cast %add3A_707 : i32 to index
      %swap3A_739 = arith.constant 32 : index
      %swap3A_740 = tpu.vector_load %arg9[%swap3A_738, %swap3A_739] {strides = array<i32>} : memref<256x64xf32, #tpu.memory_space<vmem>>, vector<16xf32>,
      tpu.vector_store %arg9[%swap3A_738, %swap3A_739], %add3A_737 {strides = array<i32>} : memref<256x64xf32, #tpu.memory_space<vmem>>, vector<16xf32>,
      %get3A_741 = arith.index_cast %add3A_707 : i32 to index
      %get3A_742 = arith.constant 48 : index
      %get3A_743 = tpu.vector_load %arg9[%get3A_741, %get3A_742] {strides = array<i32>} : memref<256x64xf32, #tpu.memory_space<vmem>>, vector<16xf32>,
      %get3A_744 = arith.index_cast %add3A_707 : i32 to index
      %get3A_745 = arith.constant 48 : index
      %get3A_746 = tpu.vector_load %arg10[%get3A_744, %get3A_745] {strides = array<i32>} : memref<256x64xf32, #tpu.memory_space<vmem>>, vector<16xf32>,
      %mul3A_747 = arith.mulf %get3A_746, %exp3A_46 : vector<16xf32>
      %add3A_748 = arith.addf %get3A_743, %mul3A_747 : vector<16xf32>
      %swap3A_749 = arith.index_cast %add3A_707 : i32 to index
      %swap3A_750 = arith.constant 48 : index
      %swap3A_751 = tpu.vector_load %arg9[%swap3A_749, %swap3A_750] {strides = array<i32>} : memref<256x64xf32, #tpu.memory_space<vmem>>, vector<16xf32>,
      tpu.vector_store %arg9[%swap3A_749, %swap3A_750], %add3A_748 {strides = array<i32>} : memref<256x64xf32, #tpu.memory_space<vmem>>, vector<16xf32>,
      %add3A_752 = arith.constant 6 : i32
      %add3A_753 = arith.addi %mul3A_144, %add3A_752 : i32
      %get3A_754 = arith.index_cast %add3A_753 : i32 to index
      %get3A_755 = arith.constant 0 : index
      %get3A_756 = tpu.vector_load %arg9[%get3A_754, %get3A_755] {strides = array<i32>} : memref<256x64xf32, #tpu.memory_space<vmem>>, vector<16xf32>,
      %get3A_757 = arith.index_cast %add3A_753 : i32 to index
      %get3A_758 = arith.constant 0 : index
      %get3A_759 = tpu.vector_load %arg10[%get3A_757, %get3A_758] {strides = array<i32>} : memref<256x64xf32, #tpu.memory_space<vmem>>, vector<16xf32>,
      %mul3A_760 = arith.mulf %get3A_759, %exp3A : vector<16xf32>
      %add3A_761 = arith.addf %get3A_756, %mul3A_760 : vector<16xf32>
      %swap3A_762 = arith.index_cast %add3A_753 : i32 to index
      %swap3A_763 = arith.constant 0 : index
      %swap3A_764 = tpu.vector_load %arg9[%swap3A_762, %swap3A_763] {strides = array<i32>} : memref<256x64xf32, #tpu.memory_space<vmem>>, vector<16xf32>,
      tpu.vector_store %arg9[%swap3A_762, %swap3A_763], %add3A_761 {strides = array<i32>} : memref<256x64xf32, #tpu.memory_space<vmem>>, vector<16xf32>,
      %get3A_765 = arith.index_cast %add3A_753 : i32 to index
      %get3A_766 = arith.constant 16 : index
      %get3A_767 = tpu.vector_load %arg9[%get3A_765, %get3A_766] {strides = array<i32>} : memref<256x64xf32, #tpu.memory_space<vmem>>, vector<16xf32>,
      %get3A_768 = arith.index_cast %add3A_753 : i32 to index
      %get3A_769 = arith.constant 16 : index
      %get3A_770 = tpu.vector_load %arg10[%get3A_768, %get3A_769] {strides = array<i32>} : memref<256x64xf32, #tpu.memory_space<vmem>>, vector<16xf32>,
      %mul3A_771 = arith.mulf %get3A_770, %exp3A_16 : vector<16xf32>
      %add3A_772 = arith.addf %get3A_767, %mul3A_771 : vector<16xf32>
      %swap3A_773 = arith.index_cast %add3A_753 : i32 to index
      %swap3A_774 = arith.constant 16 : index
      %swap3A_775 = tpu.vector_load %arg9[%swap3A_773, %swap3A_774] {strides = array<i32>} : memref<256x64xf32, #tpu.memory_space<vmem>>, vector<16xf32>,
      tpu.vector_store %arg9[%swap3A_773, %swap3A_774], %add3A_772 {strides = array<i32>} : memref<256x64xf32, #tpu.memory_space<vmem>>, vector<16xf32>,
      %get3A_776 = arith.index_cast %add3A_753 : i32 to index
      %get3A_777 = arith.constant 32 : index
      %get3A_778 = tpu.vector_load %arg9[%get3A_776, %get3A_777] {strides = array<i32>} : memref<256x64xf32, #tpu.memory_space<vmem>>, vector<16xf32>,
      %get3A_779 = arith.index_cast %add3A_753 : i32 to index
      %get3A_780 = arith.constant 32 : index
      %get3A_781 = tpu.vector_load %arg10[%get3A_779, %get3A_780] {strides = array<i32>} : memref<256x64xf32, #tpu.memory_space<vmem>>, vector<16xf32>,
      %mul3A_782 = arith.mulf %get3A_781, %exp3A_31 : vector<16xf32>
      %add3A_783 = arith.addf %get3A_778, %mul3A_782 : vector<16xf32>
      %swap3A_784 = arith.index_cast %add3A_753 : i32 to index
      %swap3A_785 = arith.constant 32 : index
      %swap3A_786 = tpu.vector_load %arg9[%swap3A_784, %swap3A_785] {strides = array<i32>} : memref<256x64xf32, #tpu.memory_space<vmem>>, vector<16xf32>,
      tpu.vector_store %arg9[%swap3A_784, %swap3A_785], %add3A_783 {strides = array<i32>} : memref<256x64xf32, #tpu.memory_space<vmem>>, vector<16xf32>,
      %get3A_787 = arith.index_cast %add3A_753 : i32 to index
      %get3A_788 = arith.constant 48 : index
      %get3A_789 = tpu.vector_load %arg9[%get3A_787, %get3A_788] {strides = array<i32>} : memref<256x64xf32, #tpu.memory_space<vmem>>, vector<16xf32>,
      %get3A_790 = arith.index_cast %add3A_753 : i32 to index
      %get3A_791 = arith.constant 48 : index
      %get3A_792 = tpu.vector_load %arg10[%get3A_790, %get3A_791] {strides = array<i32>} : memref<256x64xf32, #tpu.memory_space<vmem>>, vector<16xf32>,
      %mul3A_793 = arith.mulf %get3A_792, %exp3A_46 : vector<16xf32>
      %add3A_794 = arith.addf %get3A_789, %mul3A_793 : vector<16xf32>
      %swap3A_795 = arith.index_cast %add3A_753 : i32 to index
      %swap3A_796 = arith.constant 48 : index
      %swap3A_797 = tpu.vector_load %arg9[%swap3A_795, %swap3A_796] {strides = array<i32>} : memref<256x64xf32, #tpu.memory_space<vmem>>, vector<16xf32>,
      tpu.vector_store %arg9[%swap3A_795, %swap3A_796], %add3A_794 {strides = array<i32>} : memref<256x64xf32, #tpu.memory_space<vmem>>, vector<16xf32>,
      %add3A_798 = arith.constant 7 : i32
      %add3A_799 = arith.addi %mul3A_144, %add3A_798 : i32
      %get3A_800 = arith.index_cast %add3A_799 : i32 to index
      %get3A_801 = arith.constant 0 : index
      %get3A_802 = tpu.vector_load %arg9[%get3A_800, %get3A_801] {strides = array<i32>} : memref<256x64xf32, #tpu.memory_space<vmem>>, vector<16xf32>,
      %get3A_803 = arith.index_cast %add3A_799 : i32 to index
      %get3A_804 = arith.constant 0 : index
      %get3A_805 = tpu.vector_load %arg10[%get3A_803, %get3A_804] {strides = array<i32>} : memref<256x64xf32, #tpu.memory_space<vmem>>, vector<16xf32>,
      %mul3A_806 = arith.mulf %get3A_805, %exp3A : vector<16xf32>
      %add3A_807 = arith.addf %get3A_802, %mul3A_806 : vector<16xf32>
      %swap3A_808 = arith.index_cast %add3A_799 : i32 to index
      %swap3A_809 = arith.constant 0 : index
      %swap3A_810 = tpu.vector_load %arg9[%swap3A_808, %swap3A_809] {strides = array<i32>} : memref<256x64xf32, #tpu.memory_space<vmem>>, vector<16xf32>,
      tpu.vector_store %arg9[%swap3A_808, %swap3A_809], %add3A_807 {strides = array<i32>} : memref<256x64xf32, #tpu.memory_space<vmem>>, vector<16xf32>,
      %get3A_811 = arith.index_cast %add3A_799 : i32 to index
      %get3A_812 = arith.constant 16 : index
      %get3A_813 = tpu.vector_load %arg9[%get3A_811, %get3A_812] {strides = array<i32>} : memref<256x64xf32, #tpu.memory_space<vmem>>, vector<16xf32>,
      %get3A_814 = arith.index_cast %add3A_799 : i32 to index
      %get3A_815 = arith.constant 16 : index
      %get3A_816 = tpu.vector_load %arg10[%get3A_814, %get3A_815] {strides = array<i32>} : memref<256x64xf32, #tpu.memory_space<vmem>>, vector<16xf32>,
      %mul3A_817 = arith.mulf %get3A_816, %exp3A_16 : vector<16xf32>
      %add3A_818 = arith.addf %get3A_813, %mul3A_817 : vector<16xf32>
      %swap3A_819 = arith.index_cast %add3A_799 : i32 to index
      %swap3A_820 = arith.constant 16 : index
      %swap3A_821 = tpu.vector_load %arg9[%swap3A_819, %swap3A_820] {strides = array<i32>} : memref<256x64xf32, #tpu.memory_space<vmem>>, vector<16xf32>,
      tpu.vector_store %arg9[%swap3A_819, %swap3A_820], %add3A_818 {strides = array<i32>} : memref<256x64xf32, #tpu.memory_space<vmem>>, vector<16xf32>,
      %get3A_822 = arith.index_cast %add3A_799 : i32 to index
      %get3A_823 = arith.constant 32 : index
      %get3A_824 = tpu.vector_load %arg9[%get3A_822, %get3A_823] {strides = array<i32>} : memref<256x64xf32, #tpu.memory_space<vmem>>, vector<16xf32>,
      %get3A_825 = arith.index_cast %add3A_799 : i32 to index
      %get3A_826 = arith.constant 32 : index
      %get3A_827 = tpu.vector_load %arg10[%get3A_825, %get3A_826] {strides = array<i32>} : memref<256x64xf32, #tpu.memory_space<vmem>>, vector<16xf32>,
      %mul3A_828 = arith.mulf %get3A_827, %exp3A_31 : vector<16xf32>
      %add3A_829 = arith.addf %get3A_824, %mul3A_828 : vector<16xf32>
      %swap3A_830 = arith.index_cast %add3A_799 : i32 to index
      %swap3A_831 = arith.constant 32 : index
      %swap3A_832 = tpu.vector_load %arg9[%swap3A_830, %swap3A_831] {strides = array<i32>} : memref<256x64xf32, #tpu.memory_space<vmem>>, vector<16xf32>,
      tpu.vector_store %arg9[%swap3A_830, %swap3A_831], %add3A_829 {strides = array<i32>} : memref<256x64xf32, #tpu.memory_space<vmem>>, vector<16xf32>,
      %get3A_833 = arith.index_cast %add3A_799 : i32 to index
      %get3A_834 = arith.constant 48 : index
      %get3A_835 = tpu.vector_load %arg9[%get3A_833, %get3A_834] {strides = array<i32>} : memref<256x64xf32, #tpu.memory_space<vmem>>, vector<16xf32>,
      %get3A_836 = arith.index_cast %add3A_799 : i32 to index
      %get3A_837 = arith.constant 48 : index
      %get3A_838 = tpu.vector_load %arg10[%get3A_836, %get3A_837] {strides = array<i32>} : memref<256x64xf32, #tpu.memory_space<vmem>>, vector<16xf32>,
      %mul3A_839 = arith.mulf %get3A_838, %exp3A_46 : vector<16xf32>
      %add3A_840 = arith.addf %get3A_835, %mul3A_839 : vector<16xf32>
      %swap3A_841 = arith.index_cast %add3A_799 : i32 to index
      %swap3A_842 = arith.constant 48 : index
      %swap3A_843 = tpu.vector_load %arg9[%swap3A_841, %swap3A_842] {strides = array<i32>} : memref<256x64xf32, #tpu.memory_space<vmem>>, vector<16xf32>,
      tpu.vector_store %arg9[%swap3A_841, %swap3A_842], %add3A_840 {strides = array<i32>} : memref<256x64xf32, #tpu.memory_space<vmem>>, vector<16xf32>,
      %add3A_844 = arith.constant 8 : i32
      %add3A_845 = arith.addi %mul3A_144, %add3A_844 : i32
      %get3A_846 = arith.index_cast %add3A_845 : i32 to index
      %get3A_847 = arith.constant 0 : index
      %get3A_848 = tpu.vector_load %arg9[%get3A_846, %get3A_847] {strides = array<i32>} : memref<256x64xf32, #tpu.memory_space<vmem>>, vector<16xf32>,
      %get3A_849 = arith.index_cast %add3A_845 : i32 to index
      %get3A_850 = arith.constant 0 : index
      %get3A_851 = tpu.vector_load %arg10[%get3A_849, %get3A_850] {strides = array<i32>} : memref<256x64xf32, #tpu.memory_space<vmem>>, vector<16xf32>,
      %mul3A_852 = arith.mulf %get3A_851, %exp3A : vector<16xf32>
      %add3A_853 = arith.addf %get3A_848, %mul3A_852 : vector<16xf32>
      %swap3A_854 = arith.index_cast %add3A_845 : i32 to index
      %swap3A_855 = arith.constant 0 : index
      %swap3A_856 = tpu.vector_load %arg9[%swap3A_854, %swap3A_855] {strides = array<i32>} : memref<256x64xf32, #tpu.memory_space<vmem>>, vector<16xf32>,
      tpu.vector_store %arg9[%swap3A_854, %swap3A_855], %add3A_853 {strides = array<i32>} : memref<256x64xf32, #tpu.memory_space<vmem>>, vector<16xf32>,
      %get3A_857 = arith.index_cast %add3A_845 : i32 to index
      %get3A_858 = arith.constant 16 : index
      %get3A_859 = tpu.vector_load %arg9[%get3A_857, %get3A_858] {strides = array<i32>} : memref<256x64xf32, #tpu.memory_space<vmem>>, vector<16xf32>,
      %get3A_860 = arith.index_cast %add3A_845 : i32 to index
      %get3A_861 = arith.constant 16 : index
      %get3A_862 = tpu.vector_load %arg10[%get3A_860, %get3A_861] {strides = array<i32>} : memref<256x64xf32, #tpu.memory_space<vmem>>, vector<16xf32>,
      %mul3A_863 = arith.mulf %get3A_862, %exp3A_16 : vector<16xf32>
      %add3A_864 = arith.addf %get3A_859, %mul3A_863 : vector<16xf32>
      %swap3A_865 = arith.index_cast %add3A_845 : i32 to index
      %swap3A_866 = arith.constant 16 : index
      %swap3A_867 = tpu.vector_load %arg9[%swap3A_865, %swap3A_866] {strides = array<i32>} : memref<256x64xf32, #tpu.memory_space<vmem>>, vector<16xf32>,
      tpu.vector_store %arg9[%swap3A_865, %swap3A_866], %add3A_864 {strides = array<i32>} : memref<256x64xf32, #tpu.memory_space<vmem>>, vector<16xf32>,
      %get3A_868 = arith.index_cast %add3A_845 : i32 to index
      %get3A_869 = arith.constant 32 : index
      %get3A_870 = tpu.vector_load %arg9[%get3A_868, %get3A_869] {strides = array<i32>} : memref<256x64xf32, #tpu.memory_space<vmem>>, vector<16xf32>,
      %get3A_871 = arith.index_cast %add3A_845 : i32 to index
      %get3A_872 = arith.constant 32 : index
      %get3A_873 = tpu.vector_load %arg10[%get3A_871, %get3A_872] {strides = array<i32>} : memref<256x64xf32, #tpu.memory_space<vmem>>, vector<16xf32>,
      %mul3A_874 = arith.mulf %get3A_873, %exp3A_31 : vector<16xf32>
      %add3A_875 = arith.addf %get3A_870, %mul3A_874 : vector<16xf32>
      %swap3A_876 = arith.index_cast %add3A_845 : i32 to index
      %swap3A_877 = arith.constant 32 : index
      %swap3A_878 = tpu.vector_load %arg9[%swap3A_876, %swap3A_877] {strides = array<i32>} : memref<256x64xf32, #tpu.memory_space<vmem>>, vector<16xf32>,
      tpu.vector_store %arg9[%swap3A_876, %swap3A_877], %add3A_875 {strides = array<i32>} : memref<256x64xf32, #tpu.memory_space<vmem>>, vector<16xf32>,
      %get3A_879 = arith.index_cast %add3A_845 : i32 to index
      %get3A_880 = arith.constant 48 : index
      %get3A_881 = tpu.vector_load %arg9[%get3A_879, %get3A_880] {strides = array<i32>} : memref<256x64xf32, #tpu.memory_space<vmem>>, vector<16xf32>,
      %get3A_882 = arith.index_cast %add3A_845 : i32 to index
      %get3A_883 = arith.constant 48 : index
      %get3A_884 = tpu.vector_load %arg10[%get3A_882, %get3A_883] {strides = array<i32>} : memref<256x64xf32, #tpu.memory_space<vmem>>, vector<16xf32>,
      %mul3A_885 = arith.mulf %get3A_884, %exp3A_46 : vector<16xf32>
      %add3A_886 = arith.addf %get3A_881, %mul3A_885 : vector<16xf32>
      %swap3A_887 = arith.index_cast %add3A_845 : i32 to index
      %swap3A_888 = arith.constant 48 : index
      %swap3A_889 = tpu.vector_load %arg9[%swap3A_887, %swap3A_888] {strides = array<i32>} : memref<256x64xf32, #tpu.memory_space<vmem>>, vector<16xf32>,
      tpu.vector_store %arg9[%swap3A_887, %swap3A_888], %add3A_886 {strides = array<i32>} : memref<256x64xf32, #tpu.memory_space<vmem>>, vector<16xf32>,
      %add3A_890 = arith.constant 9 : i32
      %add3A_891 = arith.addi %mul3A_144, %add3A_890 : i32
      %get3A_892 = arith.index_cast %add3A_891 : i32 to index
      %get3A_893 = arith.constant 0 : index
      %get3A_894 = tpu.vector_load %arg9[%get3A_892, %get3A_893] {strides = array<i32>} : memref<256x64xf32, #tpu.memory_space<vmem>>, vector<16xf32>,
      %get3A_895 = arith.index_cast %add3A_891 : i32 to index
      %get3A_896 = arith.constant 0 : index
      %get3A_897 = tpu.vector_load %arg10[%get3A_895, %get3A_896] {strides = array<i32>} : memref<256x64xf32, #tpu.memory_space<vmem>>, vector<16xf32>,
      %mul3A_898 = arith.mulf %get3A_897, %exp3A : vector<16xf32>
      %add3A_899 = arith.addf %get3A_894, %mul3A_898 : vector<16xf32>
      %swap3A_900 = arith.index_cast %add3A_891 : i32 to index
      %swap3A_901 = arith.constant 0 : index
      %swap3A_902 = tpu.vector_load %arg9[%swap3A_900, %swap3A_901] {strides = array<i32>} : memref<256x64xf32, #tpu.memory_space<vmem>>, vector<16xf32>,
      tpu.vector_store %arg9[%swap3A_900, %swap3A_901], %add3A_899 {strides = array<i32>} : memref<256x64xf32, #tpu.memory_space<vmem>>, vector<16xf32>,
      %get3A_903 = arith.index_cast %add3A_891 : i32 to index
      %get3A_904 = arith.constant 16 : index
      %get3A_905 = tpu.vector_load %arg9[%get3A_903, %get3A_904] {strides = array<i32>} : memref<256x64xf32, #tpu.memory_space<vmem>>, vector<16xf32>,
      %get3A_906 = arith.index_cast %add3A_891 : i32 to index
      %get3A_907 = arith.constant 16 : index
      %get3A_908 = tpu.vector_load %arg10[%get3A_906, %get3A_907] {strides = array<i32>} : memref<256x64xf32, #tpu.memory_space<vmem>>, vector<16xf32>,
      %mul3A_909 = arith.mulf %get3A_908, %exp3A_16 : vector<16xf32>
      %add3A_910 = arith.addf %get3A_905, %mul3A_909 : vector<16xf32>
      %swap3A_911 = arith.index_cast %add3A_891 : i32 to index
      %swap3A_912 = arith.constant 16 : index
      %swap3A_913 = tpu.vector_load %arg9[%swap3A_911, %swap3A_912] {strides = array<i32>} : memref<256x64xf32, #tpu.memory_space<vmem>>, vector<16xf32>,
      tpu.vector_store %arg9[%swap3A_911, %swap3A_912], %add3A_910 {strides = array<i32>} : memref<256x64xf32, #tpu.memory_space<vmem>>, vector<16xf32>,
      %get3A_914 = arith.index_cast %add3A_891 : i32 to index
      %get3A_915 = arith.constant 32 : index
      %get3A_916 = tpu.vector_load %arg9[%get3A_914, %get3A_915] {strides = array<i32>} : memref<256x64xf32, #tpu.memory_space<vmem>>, vector<16xf32>,
      %get3A_917 = arith.index_cast %add3A_891 : i32 to index
      %get3A_918 = arith.constant 32 : index
      %get3A_919 = tpu.vector_load %arg10[%get3A_917, %get3A_918] {strides = array<i32>} : memref<256x64xf32, #tpu.memory_space<vmem>>, vector<16xf32>,
      %mul3A_920 = arith.mulf %get3A_919, %exp3A_31 : vector<16xf32>
      %add3A_921 = arith.addf %get3A_916, %mul3A_920 : vector<16xf32>
      %swap3A_922 = arith.index_cast %add3A_891 : i32 to index
      %swap3A_923 = arith.constant 32 : index
      %swap3A_924 = tpu.vector_load %arg9[%swap3A_922, %swap3A_923] {strides = array<i32>} : memref<256x64xf32, #tpu.memory_space<vmem>>, vector<16xf32>,
      tpu.vector_store %arg9[%swap3A_922, %swap3A_923], %add3A_921 {strides = array<i32>} : memref<256x64xf32, #tpu.memory_space<vmem>>, vector<16xf32>,
      %get3A_925 = arith.index_cast %add3A_891 : i32 to index
      %get3A_926 = arith.constant 48 : index
      %get3A_927 = tpu.vector_load %arg9[%get3A_925, %get3A_926] {strides = array<i32>} : memref<256x64xf32, #tpu.memory_space<vmem>>, vector<16xf32>,
      %get3A_928 = arith.index_cast %add3A_891 : i32 to index
      %get3A_929 = arith.constant 48 : index
      %get3A_930 = tpu.vector_load %arg10[%get3A_928, %get3A_929] {strides = array<i32>} : memref<256x64xf32, #tpu.memory_space<vmem>>, vector<16xf32>,
      %mul3A_931 = arith.mulf %get3A_930, %exp3A_46 : vector<16xf32>
      %add3A_932 = arith.addf %get3A_927, %mul3A_931 : vector<16xf32>
      %swap3A_933 = arith.index_cast %add3A_891 : i32 to index
      %swap3A_934 = arith.constant 48 : index
      %swap3A_935 = tpu.vector_load %arg9[%swap3A_933, %swap3A_934] {strides = array<i32>} : memref<256x64xf32, #tpu.memory_space<vmem>>, vector<16xf32>,
      tpu.vector_store %arg9[%swap3A_933, %swap3A_934], %add3A_932 {strides = array<i32>} : memref<256x64xf32, #tpu.memory_space<vmem>>, vector<16xf32>,
      %add3A_936 = arith.constant 10 : i32
      %add3A_937 = arith.addi %mul3A_144, %add3A_936 : i32
      %get3A_938 = arith.index_cast %add3A_937 : i32 to index
      %get3A_939 = arith.constant 0 : index
      %get3A_940 = tpu.vector_load %arg9[%get3A_938, %get3A_939] {strides = array<i32>} : memref<256x64xf32, #tpu.memory_space<vmem>>, vector<16xf32>,
      %get3A_941 = arith.index_cast %add3A_937 : i32 to index
      %get3A_942 = arith.constant 0 : index
      %get3A_943 = tpu.vector_load %arg10[%get3A_941, %get3A_942] {strides = array<i32>} : memref<256x64xf32, #tpu.memory_space<vmem>>, vector<16xf32>,
      %mul3A_944 = arith.mulf %get3A_943, %exp3A : vector<16xf32>
      %add3A_945 = arith.addf %get3A_940, %mul3A_944 : vector<16xf32>
      %swap3A_946 = arith.index_cast %add3A_937 : i32 to index
      %swap3A_947 = arith.constant 0 : index
      %swap3A_948 = tpu.vector_load %arg9[%swap3A_946, %swap3A_947] {strides = array<i32>} : memref<256x64xf32, #tpu.memory_space<vmem>>, vector<16xf32>,
      tpu.vector_store %arg9[%swap3A_946, %swap3A_947], %add3A_945 {strides = array<i32>} : memref<256x64xf32, #tpu.memory_space<vmem>>, vector<16xf32>,
      %get3A_949 = arith.index_cast %add3A_937 : i32 to index
      %get3A_950 = arith.constant 16 : index
      %get3A_951 = tpu.vector_load %arg9[%get3A_949, %get3A_950] {strides = array<i32>} : memref<256x64xf32, #tpu.memory_space<vmem>>, vector<16xf32>,
      %get3A_952 = arith.index_cast %add3A_937 : i32 to index
      %get3A_953 = arith.constant 16 : index
      %get3A_954 = tpu.vector_load %arg10[%get3A_952, %get3A_953] {strides = array<i32>} : memref<256x64xf32, #tpu.memory_space<vmem>>, vector<16xf32>,
      %mul3A_955 = arith.mulf %get3A_954, %exp3A_16 : vector<16xf32>
      %add3A_956 = arith.addf %get3A_951, %mul3A_955 : vector<16xf32>
      %swap3A_957 = arith.index_cast %add3A_937 : i32 to index
      %swap3A_958 = arith.constant 16 : index
      %swap3A_959 = tpu.vector_load %arg9[%swap3A_957, %swap3A_958] {strides = array<i32>} : memref<256x64xf32, #tpu.memory_space<vmem>>, vector<16xf32>,
      tpu.vector_store %arg9[%swap3A_957, %swap3A_958], %add3A_956 {strides = array<i32>} : memref<256x64xf32, #tpu.memory_space<vmem>>, vector<16xf32>,
      %get3A_960 = arith.index_cast %add3A_937 : i32 to index
      %get3A_961 = arith.constant 32 : index
      %get3A_962 = tpu.vector_load %arg9[%get3A_960, %get3A_961] {strides = array<i32>} : memref<256x64xf32, #tpu.memory_space<vmem>>, vector<16xf32>,
      %get3A_963 = arith.index_cast %add3A_937 : i32 to index
      %get3A_964 = arith.constant 32 : index
      %get3A_965 = tpu.vector_load %arg10[%get3A_963, %get3A_964] {strides = array<i32>} : memref<256x64xf32, #tpu.memory_space<vmem>>, vector<16xf32>,
      %mul3A_966 = arith.mulf %get3A_965, %exp3A_31 : vector<16xf32>
      %add3A_967 = arith.addf %get3A_962, %mul3A_966 : vector<16xf32>
      %swap3A_968 = arith.index_cast %add3A_937 : i32 to index
      %swap3A_969 = arith.constant 32 : index
      %swap3A_970 = tpu.vector_load %arg9[%swap3A_968, %swap3A_969] {strides = array<i32>} : memref<256x64xf32, #tpu.memory_space<vmem>>, vector<16xf32>,
      tpu.vector_store %arg9[%swap3A_968, %swap3A_969], %add3A_967 {strides = array<i32>} : memref<256x64xf32, #tpu.memory_space<vmem>>, vector<16xf32>,
      %get3A_971 = arith.index_cast %add3A_937 : i32 to index
      %get3A_972 = arith.constant 48 : index
      %get3A_973 = tpu.vector_load %arg9[%get3A_971, %get3A_972] {strides = array<i32>} : memref<256x64xf32, #tpu.memory_space<vmem>>, vector<16xf32>,
      %get3A_974 = arith.index_cast %add3A_937 : i32 to index
      %get3A_975 = arith.constant 48 : index
      %get3A_976 = tpu.vector_load %arg10[%get3A_974, %get3A_975] {strides = array<i32>} : memref<256x64xf32, #tpu.memory_space<vmem>>, vector<16xf32>,
      %mul3A_977 = arith.mulf %get3A_976, %exp3A_46 : vector<16xf32>
      %add3A_978 = arith.addf %get3A_973, %mul3A_977 : vector<16xf32>
      %swap3A_979 = arith.index_cast %add3A_937 : i32 to index
      %swap3A_980 = arith.constant 48 : index
      %swap3A_981 = tpu.vector_load %arg9[%swap3A_979, %swap3A_980] {strides = array<i32>} : memref<256x64xf32, #tpu.memory_space<vmem>>, vector<16xf32>,
      tpu.vector_store %arg9[%swap3A_979, %swap3A_980], %add3A_978 {strides = array<i32>} : memref<256x64xf32, #tpu.memory_space<vmem>>, vector<16xf32>,
      %add3A_982 = arith.constant 11 : i32
      %add3A_983 = arith.addi %mul3A_144, %add3A_982 : i32
      %get3A_984 = arith.index_cast %add3A_983 : i32 to index
      %get3A_985 = arith.constant 0 : index
      %get3A_986 = tpu.vector_load %arg9[%get3A_984, %get3A_985] {strides = array<i32>} : memref<256x64xf32, #tpu.memory_space<vmem>>, vector<16xf32>,
      %get3A_987 = arith.index_cast %add3A_983 : i32 to index
      %get3A_988 = arith.constant 0 : index
      %get3A_989 = tpu.vector_load %arg10[%get3A_987, %get3A_988] {strides = array<i32>} : memref<256x64xf32, #tpu.memory_space<vmem>>, vector<16xf32>,
      %mul3A_990 = arith.mulf %get3A_989, %exp3A : vector<16xf32>
      %add3A_991 = arith.addf %get3A_986, %mul3A_990 : vector<16xf32>
      %swap3A_992 = arith.index_cast %add3A_983 : i32 to index
      %swap3A_993 = arith.constant 0 : index
      %swap3A_994 = tpu.vector_load %arg9[%swap3A_992, %swap3A_993] {strides = array<i32>} : memref<256x64xf32, #tpu.memory_space<vmem>>, vector<16xf32>,
      tpu.vector_store %arg9[%swap3A_992, %swap3A_993], %add3A_991 {strides = array<i32>} : memref<256x64xf32, #tpu.memory_space<vmem>>, vector<16xf32>,
      %get3A_995 = arith.index_cast %add3A_983 : i32 to index
      %get3A_996 = arith.constant 16 : index
      %get3A_997 = tpu.vector_load %arg9[%get3A_995, %get3A_996] {strides = array<i32>} : memref<256x64xf32, #tpu.memory_space<vmem>>, vector<16xf32>,
      %get3A_998 = arith.index_cast %add3A_983 : i32 to index
      %get3A_999 = arith.constant 16 : index
      %get3A_1000 = tpu.vector_load %arg10[%get3A_998, %get3A_999] {strides = array<i32>} : memref<256x64xf32, #tpu.memory_space<vmem>>, vector<16xf32>,
      %mul3A_1001 = arith.mulf %get3A_1000, %exp3A_16 : vector<16xf32>
      %add3A_1002 = arith.addf %get3A_997, %mul3A_1001 : vector<16xf32>
      %swap3A_1003 = arith.index_cast %add3A_983 : i32 to index
      %swap3A_1004 = arith.constant 16 : index
      %swap3A_1005 = tpu.vector_load %arg9[%swap3A_1003, %swap3A_1004] {strides = array<i32>} : memref<256x64xf32, #tpu.memory_space<vmem>>, vector<16xf32>,
      tpu.vector_store %arg9[%swap3A_1003, %swap3A_1004], %add3A_1002 {strides = array<i32>} : memref<256x64xf32, #tpu.memory_space<vmem>>, vector<16xf32>,
      %get3A_1006 = arith.index_cast %add3A_983 : i32 to index
      %get3A_1007 = arith.constant 32 : index
      %get3A_1008 = tpu.vector_load %arg9[%get3A_1006, %get3A_1007] {strides = array<i32>} : memref<256x64xf32, #tpu.memory_space<vmem>>, vector<16xf32>,
      %get3A_1009 = arith.index_cast %add3A_983 : i32 to index
      %get3A_1010 = arith.constant 32 : index
      %get3A_1011 = tpu.vector_load %arg10[%get3A_1009, %get3A_1010] {strides = array<i32>} : memref<256x64xf32, #tpu.memory_space<vmem>>, vector<16xf32>,
      %mul3A_1012 = arith.mulf %get3A_1011, %exp3A_31 : vector<16xf32>
      %add3A_1013 = arith.addf %get3A_1008, %mul3A_1012 : vector<16xf32>
      %swap3A_1014 = arith.index_cast %add3A_983 : i32 to index
      %swap3A_1015 = arith.constant 32 : index
      %swap3A_1016 = tpu.vector_load %arg9[%swap3A_1014, %swap3A_1015] {strides = array<i32>} : memref<256x64xf32, #tpu.memory_space<vmem>>, vector<16xf32>,
      tpu.vector_store %arg9[%swap3A_1014, %swap3A_1015], %add3A_1013 {strides = array<i32>} : memref<256x64xf32, #tpu.memory_space<vmem>>, vector<16xf32>,
      %get3A_1017 = arith.index_cast %add3A_983 : i32 to index
      %get3A_1018 = arith.constant 48 : index
      %get3A_1019 = tpu.vector_load %arg9[%get3A_1017, %get3A_1018] {strides = array<i32>} : memref<256x64xf32, #tpu.memory_space<vmem>>, vector<16xf32>,
      %get3A_1020 = arith.index_cast %add3A_983 : i32 to index
      %get3A_1021 = arith.constant 48 : index
      %get3A_1022 = tpu.vector_load %arg10[%get3A_1020, %get3A_1021] {strides = array<i32>} : memref<256x64xf32, #tpu.memory_space<vmem>>, vector<16xf32>,
      %mul3A_1023 = arith.mulf %get3A_1022, %exp3A_46 : vector<16xf32>
      %add3A_1024 = arith.addf %get3A_1019, %mul3A_1023 : vector<16xf32>
      %swap3A_1025 = arith.index_cast %add3A_983 : i32 to index
      %swap3A_1026 = arith.constant 48 : index
      %swap3A_1027 = tpu.vector_load %arg9[%swap3A_1025, %swap3A_1026] {strides = array<i32>} : memref<256x64xf32, #tpu.memory_space<vmem>>, vector<16xf32>,
      tpu.vector_store %arg9[%swap3A_1025, %swap3A_1026], %add3A_1024 {strides = array<i32>} : memref<256x64xf32, #tpu.memory_space<vmem>>, vector<16xf32>,
      %add3A_1028 = arith.constant 12 : i32
      %add3A_1029 = arith.addi %mul3A_144, %add3A_1028 : i32
      %get3A_1030 = arith.index_cast %add3A_1029 : i32 to index
      %get3A_1031 = arith.constant 0 : index
      %get3A_1032 = tpu.vector_load %arg9[%get3A_1030, %get3A_1031] {strides = array<i32>} : memref<256x64xf32, #tpu.memory_space<vmem>>, vector<16xf32>,
      %get3A_1033 = arith.index_cast %add3A_1029 : i32 to index
      %get3A_1034 = arith.constant 0 : index
      %get3A_1035 = tpu.vector_load %arg10[%get3A_1033, %get3A_1034] {strides = array<i32>} : memref<256x64xf32, #tpu.memory_space<vmem>>, vector<16xf32>,
      %mul3A_1036 = arith.mulf %get3A_1035, %exp3A : vector<16xf32>
      %add3A_1037 = arith.addf %get3A_1032, %mul3A_1036 : vector<16xf32>
      %swap3A_1038 = arith.index_cast %add3A_1029 : i32 to index
      %swap3A_1039 = arith.constant 0 : index
      %swap3A_1040 = tpu.vector_load %arg9[%swap3A_1038, %swap3A_1039] {strides = array<i32>} : memref<256x64xf32, #tpu.memory_space<vmem>>, vector<16xf32>,
      tpu.vector_store %arg9[%swap3A_1038, %swap3A_1039], %add3A_1037 {strides = array<i32>} : memref<256x64xf32, #tpu.memory_space<vmem>>, vector<16xf32>,
      %get3A_1041 = arith.index_cast %add3A_1029 : i32 to index
      %get3A_1042 = arith.constant 16 : index
      %get3A_1043 = tpu.vector_load %arg9[%get3A_1041, %get3A_1042] {strides = array<i32>} : memref<256x64xf32, #tpu.memory_space<vmem>>, vector<16xf32>,
      %get3A_1044 = arith.index_cast %add3A_1029 : i32 to index
      %get3A_1045 = arith.constant 16 : index
      %get3A_1046 = tpu.vector_load %arg10[%get3A_1044, %get3A_1045] {strides = array<i32>} : memref<256x64xf32, #tpu.memory_space<vmem>>, vector<16xf32>,
      %mul3A_1047 = arith.mulf %get3A_1046, %exp3A_16 : vector<16xf32>
      %add3A_1048 = arith.addf %get3A_1043, %mul3A_1047 : vector<16xf32>
      %swap3A_1049 = arith.index_cast %add3A_1029 : i32 to index
      %swap3A_1050 = arith.constant 16 : index
      %swap3A_1051 = tpu.vector_load %arg9[%swap3A_1049, %swap3A_1050] {strides = array<i32>} : memref<256x64xf32, #tpu.memory_space<vmem>>, vector<16xf32>,
      tpu.vector_store %arg9[%swap3A_1049, %swap3A_1050], %add3A_1048 {strides = array<i32>} : memref<256x64xf32, #tpu.memory_space<vmem>>, vector<16xf32>,
      %get3A_1052 = arith.index_cast %add3A_1029 : i32 to index
      %get3A_1053 = arith.constant 32 : index
      %get3A_1054 = tpu.vector_load %arg9[%get3A_1052, %get3A_1053] {strides = array<i32>} : memref<256x64xf32, #tpu.memory_space<vmem>>, vector<16xf32>,
      %get3A_1055 = arith.index_cast %add3A_1029 : i32 to index
      %get3A_1056 = arith.constant 32 : index
      %get3A_1057 = tpu.vector_load %arg10[%get3A_1055, %get3A_1056] {strides = array<i32>} : memref<256x64xf32, #tpu.memory_space<vmem>>, vector<16xf32>,
      %mul3A_1058 = arith.mulf %get3A_1057, %exp3A_31 : vector<16xf32>
      %add3A_1059 = arith.addf %get3A_1054, %mul3A_1058 : vector<16xf32>
      %swap3A_1060 = arith.index_cast %add3A_1029 : i32 to index
      %swap3A_1061 = arith.constant 32 : index
      %swap3A_1062 = tpu.vector_load %arg9[%swap3A_1060, %swap3A_1061] {strides = array<i32>} : memref<256x64xf32, #tpu.memory_space<vmem>>, vector<16xf32>,
      tpu.vector_store %arg9[%swap3A_1060, %swap3A_1061], %add3A_1059 {strides = array<i32>} : memref<256x64xf32, #tpu.memory_space<vmem>>, vector<16xf32>,
      %get3A_1063 = arith.index_cast %add3A_1029 : i32 to index
      %get3A_1064 = arith.constant 48 : index
      %get3A_1065 = tpu.vector_load %arg9[%get3A_1063, %get3A_1064] {strides = array<i32>} : memref<256x64xf32, #tpu.memory_space<vmem>>, vector<16xf32>,
      %get3A_1066 = arith.index_cast %add3A_1029 : i32 to index
      %get3A_1067 = arith.constant 48 : index
      %get3A_1068 = tpu.vector_load %arg10[%get3A_1066, %get3A_1067] {strides = array<i32>} : memref<256x64xf32, #tpu.memory_space<vmem>>, vector<16xf32>,
      %mul3A_1069 = arith.mulf %get3A_1068, %exp3A_46 : vector<16xf32>
      %add3A_1070 = arith.addf %get3A_1065, %mul3A_1069 : vector<16xf32>
      %swap3A_1071 = arith.index_cast %add3A_1029 : i32 to index
      %swap3A_1072 = arith.constant 48 : index
      %swap3A_1073 = tpu.vector_load %arg9[%swap3A_1071, %swap3A_1072] {strides = array<i32>} : memref<256x64xf32, #tpu.memory_space<vmem>>, vector<16xf32>,
      tpu.vector_store %arg9[%swap3A_1071, %swap3A_1072], %add3A_1070 {strides = array<i32>} : memref<256x64xf32, #tpu.memory_space<vmem>>, vector<16xf32>,
      %add3A_1074 = arith.constant 13 : i32
      %add3A_1075 = arith.addi %mul3A_144, %add3A_1074 : i32
      %get3A_1076 = arith.index_cast %add3A_1075 : i32 to index
      %get3A_1077 = arith.constant 0 : index
      %get3A_1078 = tpu.vector_load %arg9[%get3A_1076, %get3A_1077] {strides = array<i32>} : memref<256x64xf32, #tpu.memory_space<vmem>>, vector<16xf32>,
      %get3A_1079 = arith.index_cast %add3A_1075 : i32 to index
      %get3A_1080 = arith.constant 0 : index
      %get3A_1081 = tpu.vector_load %arg10[%get3A_1079, %get3A_1080] {strides = array<i32>} : memref<256x64xf32, #tpu.memory_space<vmem>>, vector<16xf32>,
      %mul3A_1082 = arith.mulf %get3A_1081, %exp3A : vector<16xf32>
      %add3A_1083 = arith.addf %get3A_1078, %mul3A_1082 : vector<16xf32>
      %swap3A_1084 = arith.index_cast %add3A_1075 : i32 to index
      %swap3A_1085 = arith.constant 0 : index
      %swap3A_1086 = tpu.vector_load %arg9[%swap3A_1084, %swap3A_1085] {strides = array<i32>} : memref<256x64xf32, #tpu.memory_space<vmem>>, vector<16xf32>,
      tpu.vector_store %arg9[%swap3A_1084, %swap3A_1085], %add3A_1083 {strides = array<i32>} : memref<256x64xf32, #tpu.memory_space<vmem>>, vector<16xf32>,
      %get3A_1087 = arith.index_cast %add3A_1075 : i32 to index
      %get3A_1088 = arith.constant 16 : index
      %get3A_1089 = tpu.vector_load %arg9[%get3A_1087, %get3A_1088] {strides = array<i32>} : memref<256x64xf32, #tpu.memory_space<vmem>>, vector<16xf32>,
      %get3A_1090 = arith.index_cast %add3A_1075 : i32 to index
      %get3A_1091 = arith.constant 16 : index
      %get3A_1092 = tpu.vector_load %arg10[%get3A_1090, %get3A_1091] {strides = array<i32>} : memref<256x64xf32, #tpu.memory_space<vmem>>, vector<16xf32>,
      %mul3A_1093 = arith.mulf %get3A_1092, %exp3A_16 : vector<16xf32>
      %add3A_1094 = arith.addf %get3A_1089, %mul3A_1093 : vector<16xf32>
      %swap3A_1095 = arith.index_cast %add3A_1075 : i32 to index
      %swap3A_1096 = arith.constant 16 : index
      %swap3A_1097 = tpu.vector_load %arg9[%swap3A_1095, %swap3A_1096] {strides = array<i32>} : memref<256x64xf32, #tpu.memory_space<vmem>>, vector<16xf32>,
      tpu.vector_store %arg9[%swap3A_1095, %swap3A_1096], %add3A_1094 {strides = array<i32>} : memref<256x64xf32, #tpu.memory_space<vmem>>, vector<16xf32>,
      %get3A_1098 = arith.index_cast %add3A_1075 : i32 to index
      %get3A_1099 = arith.constant 32 : index
      %get3A_1100 = tpu.vector_load %arg9[%get3A_1098, %get3A_1099] {strides = array<i32>} : memref<256x64xf32, #tpu.memory_space<vmem>>, vector<16xf32>,
      %get3A_1101 = arith.index_cast %add3A_1075 : i32 to index
      %get3A_1102 = arith.constant 32 : index
      %get3A_1103 = tpu.vector_load %arg10[%get3A_1101, %get3A_1102] {strides = array<i32>} : memref<256x64xf32, #tpu.memory_space<vmem>>, vector<16xf32>,
      %mul3A_1104 = arith.mulf %get3A_1103, %exp3A_31 : vector<16xf32>
      %add3A_1105 = arith.addf %get3A_1100, %mul3A_1104 : vector<16xf32>
      %swap3A_1106 = arith.index_cast %add3A_1075 : i32 to index
      %swap3A_1107 = arith.constant 32 : index
      %swap3A_1108 = tpu.vector_load %arg9[%swap3A_1106, %swap3A_1107] {strides = array<i32>} : memref<256x64xf32, #tpu.memory_space<vmem>>, vector<16xf32>,
      tpu.vector_store %arg9[%swap3A_1106, %swap3A_1107], %add3A_1105 {strides = array<i32>} : memref<256x64xf32, #tpu.memory_space<vmem>>, vector<16xf32>,
      %get3A_1109 = arith.index_cast %add3A_1075 : i32 to index
      %get3A_1110 = arith.constant 48 : index
      %get3A_1111 = tpu.vector_load %arg9[%get3A_1109, %get3A_1110] {strides = array<i32>} : memref<256x64xf32, #tpu.memory_space<vmem>>, vector<16xf32>,
      %get3A_1112 = arith.index_cast %add3A_1075 : i32 to index
      %get3A_1113 = arith.constant 48 : index
      %get3A_1114 = tpu.vector_load %arg10[%get3A_1112, %get3A_1113] {strides = array<i32>} : memref<256x64xf32, #tpu.memory_space<vmem>>, vector<16xf32>,
      %mul3A_1115 = arith.mulf %get3A_1114, %exp3A_46 : vector<16xf32>
      %add3A_1116 = arith.addf %get3A_1111, %mul3A_1115 : vector<16xf32>
      %swap3A_1117 = arith.index_cast %add3A_1075 : i32 to index
      %swap3A_1118 = arith.constant 48 : index
      %swap3A_1119 = tpu.vector_load %arg9[%swap3A_1117, %swap3A_1118] {strides = array<i32>} : memref<256x64xf32, #tpu.memory_space<vmem>>, vector<16xf32>,
      tpu.vector_store %arg9[%swap3A_1117, %swap3A_1118], %add3A_1116 {strides = array<i32>} : memref<256x64xf32, #tpu.memory_space<vmem>>, vector<16xf32>,
      %add3A_1120 = arith.constant 14 : i32
      %add3A_1121 = arith.addi %mul3A_144, %add3A_1120 : i32
      %get3A_1122 = arith.index_cast %add3A_1121 : i32 to index
      %get3A_1123 = arith.constant 0 : index
      %get3A_1124 = tpu.vector_load %arg9[%get3A_1122, %get3A_1123] {strides = array<i32>} : memref<256x64xf32, #tpu.memory_space<vmem>>, vector<16xf32>,
      %get3A_1125 = arith.index_cast %add3A_1121 : i32 to index
      %get3A_1126 = arith.constant 0 : index
      %get3A_1127 = tpu.vector_load %arg10[%get3A_1125, %get3A_1126] {strides = array<i32>} : memref<256x64xf32, #tpu.memory_space<vmem>>, vector<16xf32>,
      %mul3A_1128 = arith.mulf %get3A_1127, %exp3A : vector<16xf32>
      %add3A_1129 = arith.addf %get3A_1124, %mul3A_1128 : vector<16xf32>
      %swap3A_1130 = arith.index_cast %add3A_1121 : i32 to index
      %swap3A_1131 = arith.constant 0 : index
      %swap3A_1132 = tpu.vector_load %arg9[%swap3A_1130, %swap3A_1131] {strides = array<i32>} : memref<256x64xf32, #tpu.memory_space<vmem>>, vector<16xf32>,
      tpu.vector_store %arg9[%swap3A_1130, %swap3A_1131], %add3A_1129 {strides = array<i32>} : memref<256x64xf32, #tpu.memory_space<vmem>>, vector<16xf32>,
      %get3A_1133 = arith.index_cast %add3A_1121 : i32 to index
      %get3A_1134 = arith.constant 16 : index
      %get3A_1135 = tpu.vector_load %arg9[%get3A_1133, %get3A_1134] {strides = array<i32>} : memref<256x64xf32, #tpu.memory_space<vmem>>, vector<16xf32>,
      %get3A_1136 = arith.index_cast %add3A_1121 : i32 to index
      %get3A_1137 = arith.constant 16 : index
      %get3A_1138 = tpu.vector_load %arg10[%get3A_1136, %get3A_1137] {strides = array<i32>} : memref<256x64xf32, #tpu.memory_space<vmem>>, vector<16xf32>,
      %mul3A_1139 = arith.mulf %get3A_1138, %exp3A_16 : vector<16xf32>
      %add3A_1140 = arith.addf %get3A_1135, %mul3A_1139 : vector<16xf32>
      %swap3A_1141 = arith.index_cast %add3A_1121 : i32 to index
      %swap3A_1142 = arith.constant 16 : index
      %swap3A_1143 = tpu.vector_load %arg9[%swap3A_1141, %swap3A_1142] {strides = array<i32>} : memref<256x64xf32, #tpu.memory_space<vmem>>, vector<16xf32>,
      tpu.vector_store %arg9[%swap3A_1141, %swap3A_1142], %add3A_1140 {strides = array<i32>} : memref<256x64xf32, #tpu.memory_space<vmem>>, vector<16xf32>,
      %get3A_1144 = arith.index_cast %add3A_1121 : i32 to index
      %get3A_1145 = arith.constant 32 : index
      %get3A_1146 = tpu.vector_load %arg9[%get3A_1144, %get3A_1145] {strides = array<i32>} : memref<256x64xf32, #tpu.memory_space<vmem>>, vector<16xf32>,
      %get3A_1147 = arith.index_cast %add3A_1121 : i32 to index
      %get3A_1148 = arith.constant 32 : index
      %get3A_1149 = tpu.vector_load %arg10[%get3A_1147, %get3A_1148] {strides = array<i32>} : memref<256x64xf32, #tpu.memory_space<vmem>>, vector<16xf32>,
      %mul3A_1150 = arith.mulf %get3A_1149, %exp3A_31 : vector<16xf32>
      %add3A_1151 = arith.addf %get3A_1146, %mul3A_1150 : vector<16xf32>
      %swap3A_1152 = arith.index_cast %add3A_1121 : i32 to index
      %swap3A_1153 = arith.constant 32 : index
      %swap3A_1154 = tpu.vector_load %arg9[%swap3A_1152, %swap3A_1153] {strides = array<i32>} : memref<256x64xf32, #tpu.memory_space<vmem>>, vector<16xf32>,
      tpu.vector_store %arg9[%swap3A_1152, %swap3A_1153], %add3A_1151 {strides = array<i32>} : memref<256x64xf32, #tpu.memory_space<vmem>>, vector<16xf32>,
      %get3A_1155 = arith.index_cast %add3A_1121 : i32 to index
      %get3A_1156 = arith.constant 48 : index
      %get3A_1157 = tpu.vector_load %arg9[%get3A_1155, %get3A_1156] {strides = array<i32>} : memref<256x64xf32, #tpu.memory_space<vmem>>, vector<16xf32>,
      %get3A_1158 = arith.index_cast %add3A_1121 : i32 to index
      %get3A_1159 = arith.constant 48 : index
      %get3A_1160 = tpu.vector_load %arg10[%get3A_1158, %get3A_1159] {strides = array<i32>} : memref<256x64xf32, #tpu.memory_space<vmem>>, vector<16xf32>,
      %mul3A_1161 = arith.mulf %get3A_1160, %exp3A_46 : vector<16xf32>
      %add3A_1162 = arith.addf %get3A_1157, %mul3A_1161 : vector<16xf32>
      %swap3A_1163 = arith.index_cast %add3A_1121 : i32 to index
      %swap3A_1164 = arith.constant 48 : index
      %swap3A_1165 = tpu.vector_load %arg9[%swap3A_1163, %swap3A_1164] {strides = array<i32>} : memref<256x64xf32, #tpu.memory_space<vmem>>, vector<16xf32>,
      tpu.vector_store %arg9[%swap3A_1163, %swap3A_1164], %add3A_1162 {strides = array<i32>} : memref<256x64xf32, #tpu.memory_space<vmem>>, vector<16xf32>,
      %add3A_1166 = arith.constant 15 : i32
      %add3A_1167 = arith.addi %mul3A_144, %add3A_1166 : i32
      %get3A_1168 = arith.index_cast %add3A_1167 : i32 to index
      %get3A_1169 = arith.constant 0 : index
      %get3A_1170 = tpu.vector_load %arg9[%get3A_1168, %get3A_1169] {strides = array<i32>} : memref<256x64xf32, #tpu.memory_space<vmem>>, vector<16xf32>,
      %get3A_1171 = arith.index_cast %add3A_1167 : i32 to index
      %get3A_1172 = arith.constant 0 : index
      %get3A_1173 = tpu.vector_load %arg10[%get3A_1171, %get3A_1172] {strides = array<i32>} : memref<256x64xf32, #tpu.memory_space<vmem>>, vector<16xf32>,
      %mul3A_1174 = arith.mulf %get3A_1173, %exp3A : vector<16xf32>
      %add3A_1175 = arith.addf %get3A_1170, %mul3A_1174 : vector<16xf32>
      %swap3A_1176 = arith.index_cast %add3A_1167 : i32 to index
      %swap3A_1177 = arith.constant 0 : index
      %swap3A_1178 = tpu.vector_load %arg9[%swap3A_1176, %swap3A_1177] {strides = array<i32>} : memref<256x64xf32, #tpu.memory_space<vmem>>, vector<16xf32>,
      tpu.vector_store %arg9[%swap3A_1176, %swap3A_1177], %add3A_1175 {strides = array<i32>} : memref<256x64xf32, #tpu.memory_space<vmem>>, vector<16xf32>,
      %get3A_1179 = arith.index_cast %add3A_1167 : i32 to index
      %get3A_1180 = arith.constant 16 : index
      %get3A_1181 = tpu.vector_load %arg9[%get3A_1179, %get3A_1180] {strides = array<i32>} : memref<256x64xf32, #tpu.memory_space<vmem>>, vector<16xf32>,
      %get3A_1182 = arith.index_cast %add3A_1167 : i32 to index
      %get3A_1183 = arith.constant 16 : index
      %get3A_1184 = tpu.vector_load %arg10[%get3A_1182, %get3A_1183] {strides = array<i32>} : memref<256x64xf32, #tpu.memory_space<vmem>>, vector<16xf32>,
      %mul3A_1185 = arith.mulf %get3A_1184, %exp3A_16 : vector<16xf32>
      %add3A_1186 = arith.addf %get3A_1181, %mul3A_1185 : vector<16xf32>
      %swap3A_1187 = arith.index_cast %add3A_1167 : i32 to index
      %swap3A_1188 = arith.constant 16 : index
      %swap3A_1189 = tpu.vector_load %arg9[%swap3A_1187, %swap3A_1188] {strides = array<i32>} : memref<256x64xf32, #tpu.memory_space<vmem>>, vector<16xf32>,
      tpu.vector_store %arg9[%swap3A_1187, %swap3A_1188], %add3A_1186 {strides = array<i32>} : memref<256x64xf32, #tpu.memory_space<vmem>>, vector<16xf32>,
      %get3A_1190 = arith.index_cast %add3A_1167 : i32 to index
      %get3A_1191 = arith.constant 32 : index
      %get3A_1192 = tpu.vector_load %arg9[%get3A_1190, %get3A_1191] {strides = array<i32>} : memref<256x64xf32, #tpu.memory_space<vmem>>, vector<16xf32>,
      %get3A_1193 = arith.index_cast %add3A_1167 : i32 to index
      %get3A_1194 = arith.constant 32 : index
      %get3A_1195 = tpu.vector_load %arg10[%get3A_1193, %get3A_1194] {strides = array<i32>} : memref<256x64xf32, #tpu.memory_space<vmem>>, vector<16xf32>,
      %mul3A_1196 = arith.mulf %get3A_1195, %exp3A_31 : vector<16xf32>
      %add3A_1197 = arith.addf %get3A_1192, %mul3A_1196 : vector<16xf32>
      %swap3A_1198 = arith.index_cast %add3A_1167 : i32 to index
      %swap3A_1199 = arith.constant 32 : index
      %swap3A_1200 = tpu.vector_load %arg9[%swap3A_1198, %swap3A_1199] {strides = array<i32>} : memref<256x64xf32, #tpu.memory_space<vmem>>, vector<16xf32>,
      tpu.vector_store %arg9[%swap3A_1198, %swap3A_1199], %add3A_1197 {strides = array<i32>} : memref<256x64xf32, #tpu.memory_space<vmem>>, vector<16xf32>,
      %get3A_1201 = arith.index_cast %add3A_1167 : i32 to index
      %get3A_1202 = arith.constant 48 : index
      %get3A_1203 = tpu.vector_load %arg9[%get3A_1201, %get3A_1202] {strides = array<i32>} : memref<256x64xf32, #tpu.memory_space<vmem>>, vector<16xf32>,
      %get3A_1204 = arith.index_cast %add3A_1167 : i32 to index
      %get3A_1205 = arith.constant 48 : index
      %get3A_1206 = tpu.vector_load %arg10[%get3A_1204, %get3A_1205] {strides = array<i32>} : memref<256x64xf32, #tpu.memory_space<vmem>>, vector<16xf32>,
      %mul3A_1207 = arith.mulf %get3A_1206, %exp3A_46 : vector<16xf32>
      %add3A_1208 = arith.addf %get3A_1203, %mul3A_1207 : vector<16xf32>
      %swap3A_1209 = arith.index_cast %add3A_1167 : i32 to index
      %swap3A_1210 = arith.constant 48 : index
      %swap3A_1211 = tpu.vector_load %arg9[%swap3A_1209, %swap3A_1210] {strides = array<i32>} : memref<256x64xf32, #tpu.memory_space<vmem>>, vector<16xf32>,
      tpu.vector_store %arg9[%swap3A_1209, %swap3A_1210], %add3A_1208 {strides = array<i32>} : memref<256x64xf32, #tpu.memory_space<vmem>>, vector<16xf32>,
    }
    %scan3A_141 = arith.constant 16 : i32
    "tpu.region"() ({
      %run_scoped3A = tpu.sem_alloc : memref<!tpu.dma_semaphore, #tpu.memory_space<semaphore_mem>>
      %dma_start3A = arith.constant 256 : i32
      %dma_start3A_142 = arith.constant 0 : i32
      %dma_start3A_143 = tpu.memref_slice %arg6[%add3A, %dma_start3A, %dma_start3A_142] : memref<32x512x64xf32, #tpu.memory_space<hbm>> -> memref<1x256x64xf32, #tpu.memory_space<hbm>>
      %dma_start3A_144 = tpu.memref_squeeze %dma_start3A_143 : memref<1x256x64xf32, #tpu.memory_space<hbm>> -> memref<256x64xf32, #tpu.memory_space<hbm>>
      %dma_start3A_145 = arith.constant 256 : i32
      %dma_start3A_146 = arith.constant 0 : i32
      %dma_start3A_147 = tpu.memref_slice %arg6[%add3A, %dma_start3A_145, %dma_start3A_146] : memref<32x512x64xf32, #tpu.memory_space<hbm>> -> memref<1x256x64xf32, #tpu.memory_space<hbm>>
      %dma_start3A_148 = tpu.memref_squeeze %dma_start3A_147 : memref<1x256x64xf32, #tpu.memory_space<hbm>> -> memref<256x64xf32, #tpu.memory_space<hbm>>
      tpu.enqueue_dma source(%arg9 : memref<256x64xf32, #tpu.memory_space<vmem>>) target(%dma_start3A_148 : memref<256x64xf32, #tpu.memory_space<hbm>>) target_semaphore(%run_scoped3A : memref<!tpu.dma_semaphore, #tpu.memory_space<semaphore_mem>>)
      %dma_wait3A_149 = arith.constant 256 : i32
      %dma_wait3A_150 = arith.constant 0 : i32
      %dma_wait3A_151 = tpu.memref_slice %arg6[%add3A, %dma_wait3A_149, %dma_wait3A_150] : memref<32x512x64xf32, #tpu.memory_space<hbm>> -> memref<1x256x64xf32, #tpu.memory_space<hbm>>
      %dma_wait3A_152 = tpu.memref_squeeze %dma_wait3A_151 : memref<1x256x64xf32, #tpu.memory_space<hbm>> -> memref<256x64xf32, #tpu.memory_space<hbm>>
      %dma_wait3A_153 = arith.constant 256 : i32
      %dma_wait3A_154 = arith.constant 0 : i32
      %dma_wait3A_155 = tpu.memref_slice %arg6[%add3A, %dma_wait3A_153, %dma_wait3A_154] : memref<32x512x64xf32, #tpu.memory_space<hbm>> -> memref<1x256x64xf32, #tpu.memory_space<hbm>>
      %dma_wait3A_156 = tpu.memref_squeeze %dma_wait3A_155 : memref<1x256x64xf32, #tpu.memory_space<hbm>> -> memref<256x64xf32, #tpu.memory_space<hbm>>
      tpu.wait_dma2 semaphore(%run_scoped3A : memref<!tpu.dma_semaphore, #tpu.memory_space<semaphore_mem>>) src(%arg9 : memref<256x64xf32, #tpu.memory_space<vmem>>) dst(%dma_wait3A_156 : memref<256x64xf32, #tpu.memory_space<hbm>>)
      tpu.yield
    }) : () -> ()
    "tpu.region"() ({
      %run_scoped3A = tpu.sem_alloc : memref<!tpu.dma_semaphore, #tpu.memory_space<semaphore_mem>>
      %dma_start3A = arith.constant 0 : i32
      %dma_start3A_142 = tpu.memref_slice %arg7[%add3A, %dma_start3A] : memref<32x512xf32, #tpu.memory_space<hbm>> -> memref<1x512xf32, #tpu.memory_space<hbm>>
      %dma_start3A_143 = tpu.memref_squeeze %dma_start3A_142 : memref<1x512xf32, #tpu.memory_space<hbm>> -> memref<512xf32, #tpu.memory_space<hbm>>
      %dma_start3A_144 = arith.constant 0 : i32
      %dma_start3A_145 = tpu.memref_slice %arg7[%add3A, %dma_start3A_144] : memref<32x512xf32, #tpu.memory_space<hbm>> -> memref<1x512xf32, #tpu.memory_space<hbm>>
      %dma_start3A_146 = tpu.memref_squeeze %dma_start3A_145 : memref<1x512xf32, #tpu.memory_space<hbm>> -> memref<512xf32, #tpu.memory_space<hbm>>
      tpu.enqueue_dma source(%arg12 : memref<512xf32, #tpu.memory_space<vmem>>) target(%dma_start3A_146 : memref<512xf32, #tpu.memory_space<hbm>>) target_semaphore(%run_scoped3A : memref<!tpu.dma_semaphore, #tpu.memory_space<semaphore_mem>>)
      %dma_wait3A_147 = arith.constant 0 : i32
      %dma_wait3A_148 = tpu.memref_slice %arg7[%add3A, %dma_wait3A_147] : memref<32x512xf32, #tpu.memory_space<hbm>> -> memref<1x512xf32, #tpu.memory_space<hbm>>
      %dma_wait3A_149 = tpu.memref_squeeze %dma_wait3A_148 : memref<1x512xf32, #tpu.memory_space<hbm>> -> memref<512xf32, #tpu.memory_space<hbm>>
      %dma_wait3A_150 = arith.constant 0 : i32
      %dma_wait3A_151 = tpu.memref_slice %arg7[%add3A, %dma_wait3A_150] : memref<32x512xf32, #tpu.memory_space<hbm>> -> memref<1x512xf32, #tpu.memory_space<hbm>>
      %dma_wait3A_152 = tpu.memref_squeeze %dma_wait3A_151 : memref<1x512xf32, #tpu.memory_space<hbm>> -> memref<512xf32, #tpu.memory_space<hbm>>
      tpu.wait_dma2 semaphore(%run_scoped3A : memref<!tpu.dma_semaphore, #tpu.memory_space<semaphore_mem>>) src(%arg12 : memref<512xf32, #tpu.memory_space<vmem>>) dst(%dma_wait3A_152 : memref<512xf32, #tpu.memory_space<hbm>>)
      tpu.yield
    }) : () -> ()
    return
  }
}

</mosaic_0001>

<sc_bundles>
// kernel: kernel.3.cloned.1.call-start
scs
__scs_entry_jumppad:
0x0: {  	(pc) =	sbr.rel $0x88, $3  }
0x1: {  	(tag) =	ssettag $0x0;
	lr =	simm.s32 $0x1  }
0x2: {  	[smem:$0x3F9D] =	sst lr;
	_ =	strace $0xD0000000  }
0x3: {  	_ = 	snop  }
0x4: {  	_ = 	snop  }
0x5: {  	_ = 	snop  }
0x6: {  	_ = 	snop  }
0x7: {  	_ = 	snop  }
__scs_overlays_trampoline_lowered:
0x8: {  	[smem:$0x3FAC] =	sst s0  }
0x9: {  	[smem:$0x3FAD] =	sst s1  }
0xa: {  	[smem:$0x3FAE] =	sst s2  }
0xb: {  	[smem:$0x3FAF] =	sst s3  }
0xc: {  	[smem:$0x3FB0] =	sst s4  }
0xd: {  	[smem:$0x3FB1] =	sst s5  }
0xe: {  	[smem:$0x3FB2] =	sst s6  }
0xf: {  	[smem:$0x3FB3] =	sst s7  }
0x10: {  	[smem:$0x3FB4] =	sst s8  }
0x11: {  	[smem:$0x3FB5] =	sst s9;
	s0 =	simm.s32 @!p0 $0x0  }
0x12: {  	s1 =	sld [smem:$0x3F9B];
	s0 =	simm.s32 @p0 $0x1  }
0x13: {  	[smem:$0x3FB6] =	sst s0;
	s0 =	simm.s32 @!p1 $0x0  }
0x14: {  	s2 =	sld [smem:$0x3F9A];
	s0 =	simm.s32 @p1 $0x1  }
0x15: {  	[smem:$0x3FB7] =	sst s0;
	s0 =	simm.s32 @!p2 $0x0  }
0x16: {  	s3 =	sld [smem:$0x3FDB];
	s0 =	simm.s32 @p2 $0x1  }
0x17: {  	s4 =	simm.s32 $0x1BF5;
	[smem:$0x3FB9] =	sst s0  }
0x18: {  	s0 =	sld [smem:$0x3F9C];
	_ =	swait.ge [sflag:s4], $0x0  }
0x19: {  	s7 =	sld [smem:$0x3F9D]  }
0x1a: {  	s8 =	sadd.s32 $0xFFFFE003, lr  }
0x1b: {  	s9 =	sadd.s32 $0xFFFFFEF7, lr;
	s5 =	simm.s32 $0xFFFFFFFF;
	p2 =	slt.u32 s8, $0xFFFFF086  }
0x1c: {  	p1 =	slt.u32 s9, $0xF7A;
	s5 =	simm.s32 @!p2 $0x0  }
0x1d: {  	s5 =	simm.s32 @p1 $0x1;
	p0 =	seq.s32 s7, s2  }
0x1e: {  	s7 =	smul.u32 @!p0 $0xF7A, s2;
	p2 =	seq.s32 @!p0 s5, $0x0  }
0x1f: {  	s9 =	smul.u32 $0xF7A, s1;
	s8 =	simm.s32 @!p0 $0x1BF5;
	p2 =	por !p2, p0  }
0x20: {  	[sflag:s8] =	ssyncset.s32 @!p0 $0xFFFFF086;
	s6 =	sadd.s32 @!p0 s3, s7;
	s7 =	simm.s32 @!p0 $0x108  }
0x21: {  	s3 =	sadd.s32 s3, s9;
	s6 =	sadd.s32 @!p0 $0x88, s6;
	s7 =	simm.s32 @p2 $0x1082  }
0x22: {  	[simem:s7], [sflag:s8] =	dma.local @!p0 [hbm:s6], $0xF7A  }
0x23: {  	s9 =	sor.u32 $0xD0000000, s2;
	s6 =	simm.s32 $0x108;
	_ =	swait.ge @!p0 [sflag:s8], $0x0  }
0x24: {  	s3 =	sadd.s32 $0x88, s3;
	s6 =	simm.s32 @!p1 $0x1082;
	[sflag:s4] =	ssyncset.s32 $0xFFFFF086  }
0x25: {  	[simem:s6], [sflag:s4] =	dma.local [hbm:s3], $0xF7A  }
0x26: {  	[smem:$0x3F9D] =	sst s1;
	(tag) =	ssettag s2;
	_ =	strace s9  }
0x27: {  	s1 =	sld [smem:$0x3FAD]  }
0x28: {  	s2 =	sld [smem:$0x3FAE]  }
0x29: {  	s4 =	sld [smem:$0x3FB0]  }
0x2a: {  	p0 =	seq.s32 s5, $0x0;
	s5 =	sld [smem:$0x3FB1]  }
0x2b: {  	s6 =	sld [smem:$0x3FB2]  }
0x2c: {  	s7 =	sld [smem:$0x3FB3]  }
0x2d: {  	s3 =	simm.s32 $0x108;
	s8 =	sld [smem:$0x3FB4]  }
0x2e: {  	s3 =	simm.s32 @!p0 $0x1082;
	s9 =	sld [smem:$0x3FB5]  }
0x2f: {  	lr =	sadd.s32 s0, s3;
	s0 =	sld [smem:$0x3FAC]  }
0x30: {  	s3 =	sld [smem:$0x3FAF]  }
0x31: {  	[smem:$0x3FB8] =	sst s10  }
0x32: {  	s10 =	sld [smem:$0x3FB6];
	_ =	sdelay $0x3  }
0x33: {  	p0 =	seq.s32 s10, $0x1;
	s10 =	sld [smem:$0x3FB8];
	_ =	sdelay $0x3  }
0x34: {  	[smem:$0x3FB8] =	sst s10  }
0x35: {  	s10 =	sld [smem:$0x3FB7];
	_ =	sdelay $0x3  }
0x36: {  	p1 =	seq.s32 s10, $0x1;
	s10 =	sld [smem:$0x3FB8];
	_ =	sdelay $0x3  }
0x37: {  	[smem:$0x3FB8] =	sst s10  }
0x38: {  	s10 =	sld [smem:$0x3FB9]  }
0x39: {  	_ = 	snop;
	(pc) =	sbr.ind lr, $3  }
0x3a: {  	_ = 	snop  }
0x3b: {  	_ = 	snop  }
0x3c: {  	p2 =	seq.s32 s10, $0x1;
	s10 =	sld [smem:$0x3FB8]  }
0x3d: {  	_ =	shalt  }
0x3e: {  	_ =	shalt  }
0x3f: {  	_ =	shalt  }
0x40: {  	_ =	shalt  }
0x41: {  	_ =	shalt  }
0x42: {  	_ =	shalt  }
0x43: {  	_ =	shalt  }
0x44: {  	_ =	shalt  }
0x45: {  	_ =	shalt  }
0x46: {  	_ =	shalt  }
0x47: {  	_ =	shalt  }
0x48: {  	_ =	shalt  }
0x49: {  	_ =	shalt  }
0x4a: {  	_ =	shalt  }
0x4b: {  	_ =	shalt  }
0x4c: {  	_ =	shalt  }
0x4d: {  	_ =	shalt  }
0x4e: {  	_ =	shalt  }
0x4f: {  	_ =	shalt  }
0x50: {  	_ =	shalt  }
0x51: {  	_ =	shalt  }
0x52: {  	_ =	shalt  }
0x53: {  	_ =	shalt  }
0x54: {  	_ =	shalt  }
0x55: {  	_ =	shalt  }
0x56: {  	_ =	shalt  }
0x57: {  	_ =	shalt  }
0x58: {  	_ =	shalt  }
0x59: {  	_ =	shalt  }
0x5a: {  	_ =	shalt  }
0x5b: {  	_ =	shalt  }
0x5c: {  	_ =	shalt  }
0x5d: {  	_ =	shalt  }
0x5e: {  	_ =	shalt  }
0x5f: {  	_ =	shalt  }
0x60: {  	_ =	shalt  }
0x61: {  	_ =	shalt  }
0x62: {  	_ =	shalt  }
0x63: {  	_ =	shalt  }
0x64: {  	_ =	shalt  }
0x65: {  	_ =	shalt  }
0x66: {  	_ =	shalt  }
0x67: {  	_ =	shalt  }
0x68: {  	_ =	shalt  }
0x69: {  	_ =	shalt  }
0x6a: {  	_ =	shalt  }
0x6b: {  	_ =	shalt  }
0x6c: {  	_ =	shalt  }
0x6d: {  	_ =	shalt  }
0x6e: {  	_ =	shalt  }
0x6f: {  	_ =	shalt  }
0x70: {  	_ =	shalt  }
0x71: {  	_ =	shalt  }
0x72: {  	_ =	shalt  }
0x73: {  	_ =	shalt  }
0x74: {  	_ =	shalt  }
0x75: {  	_ =	shalt  }
0x76: {  	_ =	shalt  }
0x77: {  	_ =	shalt  }
0x78: {  	_ =	shalt  }
0x79: {  	_ =	shalt  }
0x7a: {  	_ =	shalt  }
0x7b: {  	_ =	shalt  }
0x7c: {  	_ =	shalt  }
0x7d: {  	_ =	shalt  }
0x7e: {  	_ =	shalt  }
0x7f: {  	_ =	shalt  }
0x80: {  	_ =	shalt  }
0x81: {  	_ =	shalt  }
0x82: {  	_ =	shalt  }
0x83: {  	_ =	shalt  }
0x84: {  	_ =	shalt  }
0x85: {  	_ =	shalt  }
0x86: {  	_ =	shalt  }
0x87: {  	_ =	shalt  }
.Lfunc_end0:
.L_simem_size_0:
called_computation_lowered:
.L_overlay_start_0:
0x88: {  	s2 =	sld [smem:$0x3FD9]  }
0x89: {  	s3 =	sld [smem:$0x3FFE];
	_ =	sdelay $0x1  }
0x8a: {  	s1 =	srdreg.scid  }
0x8b: {  	s0 =	sand.u32 $0x1, s1  }
0x8c: {  	s14 =	sshll.u32 s0, $0xA;
	s2 =	sadd.s32 s3, s2  }
0x8d: {  	s2 =	sadd.s32 s2, s14  }
0x8e: {  	[smem:$0x3FC4] =	sst s2  }
0x8f: {  	_ = 	snop  }
0x90: {  	s2 =	sld [smem:$0x3FD0];
	_ =	sdelay $0x2  }
0x91: {  	s4 =	simm.s32 $0xA;
	s5 =	simm.s32 $0x10;
	s15 =	sld [smem:$0x3FC7]  }
0x92: {  	[smem:s5], [sflag:s4] =	dma.local [hbm:s2], $0x1  }
0x93: {  	_ =	swait.eq [sflag:s4], $0x1  }
0x94: {  	[sflag:s4] =	ssyncset.done $0x0  }
0x95: {  	s16 =	sld [smem:$0x10];
	[sflag:s4] =	ssyncadd.s32 $0xFFFFFFFF  }
0x96: {  	s17 =	sld [smem:$0x11];
	(tm) =	ssettm $0x1  }
0x97: {  	s18 =	sld [smem:$0x3FFB];
	_ =	sdelay $0x3  }
0x98: {  	_ =	strace s18  }
0x99: {  	s5 =	sld [smem:$0x3FFC];
	_ =	sdelay $0x3  }
0x9a: {  	_ =	strace s5  }
0x9b: {  	s5 =	sld [smem:$0x3FFD];
	_ =	sdelay $0x3  }
0x9c: {  	_ =	strace s5  }
0x9d: {  	_ =	strace $0x8FFFFFFF  }
0x9e: {  	s19 =	sld [smem:$0x3FDB];
	_ =	sdelay $0x1  }
0x9f: {  	s6 =	simm.s32 $_scs_section_size  }
0xa0: {  	s7 =	simm.s32 $_size__tile_overlayer_lowered;
	s8 =	simm.s32 $_tile_overlayer_lowered  }
0xa1: {  	s22 =	simm.s32 $0x1BFF;
	s21 =	sshll.u32 s8, $0x1;
	s5 =	sadd.s32 s6, s19  }
0xa2: {  	s9 =	simm.s32 $0x0;
	s20 =	sshll.u32 s7, $0x1;
	s7 =	sadd.s32 s21, s5  }
0xa3: {  	[timem:s9], [sflag:s22] =	dma.local [hbm:s7], s20  }
0xa4: {  	_ =	swait.ge [sflag:s22], s20  }
0xa5: {  	s6 =	ssub.s32 $0x0, s20;
	[sflag:s22] =	ssyncset.done $0x0  }
0xa6: {  	[sflag:s22] =	ssyncadd.s32 s6;
	_ =	sdelay $0x1  }
0xa7: {  	s23 =	simm.s32 $0x1B8B  }
0xa8: {  	_ =	swait.ge [sflag:s23], $0x1  }
0xa9: {  	[sflag:s23] =	ssyncset.done $0x0  }
0xaa: {  	s25 =	simm.s32 $0x1B8E;
	s24 =	sld [smem:$0x3FFE];
	[sflag:s23] =	ssyncadd.s32 $0xFFFFFFFF  }
0xab: {  	s26 =	simm.s32 $execute0_lowered;
	[smem:$0x3FD2] =	sst s25  }
0xac: {  	s7 =	sshll.u32 s26, $0x1;
	_ =	strace $0x80000046;
	[dreg:$0x1] =	wrdreg $0xFFFFFFFF  }
0xad: {  	s28 =	simm.s32 $_size_execute0_lowered;
	s5 =	sadd.s32 s5, s7;
	[dreg:$0x0] =	wrdreg $0x0  }
0xae: {  	s7 =	sshll.u32 s28, $0x1;
	[dreg:$0x2] =	wrdreg s5  }
0xaf: {  	[dreg:$0x3] =	wrdreg s7  }
0xb0: {  	[dreg:$0x4] =	wrdreg $0xC0  }
0xb1: {  	_ =	task [dreg:s9], $0x5FFFF  }
0xb2: {  	[dreg:$0x1] =	wrdreg $0xFFFFFFFF  }
0xb3: {  	[dreg:$0x0] =	wrdreg $0x60  }
0xb4: {  	[dreg:$0x2] =	wrdreg s16  }
0xb5: {  	[dreg:$0x3] =	wrdreg s15  }
0xb6: {  	[dreg:$0x4] =	wrdreg s24  }
0xb7: {  	[dreg:$0x5] =	wrdreg s17  }
0xb8: {  	[dreg:$0x6] =	wrdreg $0x9  }
0xb9: {  	_ =	task.clear_ibuf [dreg:s9], $0x7FFFF;
	_ =	strace $0x90000046  }
0xba: {  	s29 =	simm.s32 $0x9;
	_ =	strace $0x80000048  }
0xbb: {  	_ =	swait.ge [sflag:s29], $0x1  }
0xbc: {  	[sflag:s29] =	ssyncadd.s32 $0xFFFFFFFF  }
0xbd: {  	_ =	strace $0x90000048  }
0xbe: {  	_ =	sfence  }
0xbf: {  	s30 =	sld [smem:$0x0];
	_ =	sdelay $0x2  }
0xc0: {  	s31 =	sshll.u32 s1, $0xD;
	s1 =	sshrl.u32 s1, $0x2  }
0xc1: {  	s3 =	sand.u32 $0x4000, s31;
	s1 =	sadd.s32 s1, s30  }
0xc2: {  	s0 =	sor.u32 s3, s0;
	s1 =	sshll.u32 s1, $0x11  }
0xc3: {  	s0 =	sor.u32 s1, s0  }
0xc4: {  	s0 =	sadd.s32 $0x8F2B, s0  }
0xc5: {  	[sflag:s0] =	ssyncadd.remote.s32 $0x1  }
0xc6: {  	_ =	sfence.sel $0xFFFF  }
0xc7: {  	[dreg:$0x0] =	wrdreg $0xFFFFFFFF;
	(pc) =	sbr.abs _section_cstart, $3  }
0xc8: {  	[dreg:$0x1] =	wrdreg $0xFFFFFFFF  }
0xc9: {  	_ =	task.clear_ibuf [dreg:s9], $0x2FFFF;
	_ =	strace $0x9FFFFFFF  }
0xca: {  	(tm) =	ssettm $0x7FFFFFFF  }
0xcb: {  	_ =	shalt  }
tec
execute0_lowered:
.L_overlay_start_1:
0x0: {  	(tag) =	ssettag $0x1  }
0x1: {  	s0 =	rddreg [dreg:$0x0]  }
0x2: {  	s1 =	rddreg [dreg:$0x2]  }
0x3: {  	s2 =	rddreg [dreg:$0x3];
	s3 =	simm.s32 $0x0  }
0x4: {  	s4 =	srdreg.scid;
	s10 =	stileid.u32;
	s15 =	simm.s32 $0x1  }
0x5: {  	s16 =	simm.s32 $0x800;
	s20 =	simm.s32 $0x0;
	[smem:$0x7FF] =	sst s3  }
0x6: {  	s8 =	sadd.s32 $0x600, s1;
	s5 =	sand.u32 $0x1, s4;
	s6 =	sshll.u32 s10, $0x1  }
0x7: {  	s4 =	sadd.s32 $0x40600, s1;
	s1 =	sadd.s32 $0xF82A00, s1;
	s10 =	sshll.u32 s10, $0x7  }
0x8: {  	_ =	strace $0x80000047;
	s7 =	ssub.s32 $0x2, s5;
	s9 =	sor.u32 s5, s6  }
0x9: {  	s10 =	sand.u32 $0x600, s10;
	s26 =	sshrl.u32 s7, $0x1;
	s6 =	sshll.u32 s9, $0x8  }
0xa: {  	s28 =	sshll.u32 s9, $0xD;
	s9 =	sshll.u32 s9, $0x4;
	s0 =	sadd.s32 s0, s6  }
0xb: {  	s2 =	sadd.s32 s2, s10;
	s29 =	sadd.s32 s8, s28;
	[dreg:$0x5] =	wrdreg s0  }
0xc: {  	s11 =	ssub.s32 s7, s26;
	s30 =	sadd.s32 s1, s28;
	[dreg:$0x6] =	wrdreg s29  }
0xd: {  	s12 =	sand.u32 $0x70, s9;
	[dreg:$0x7] =	wrdreg s30;
	s0 =	sor.u32 $0x1000, s28  }
0xe: {  	v0 =	vlaneseq.u32;
	s10 =	sadd.s32 s12, s2;
	s11 =	smax.u32 s11, $0x1;
	s31 =	sadd.s32 s8, s0  }
0xf: {  	v0 =	vmul.u32 $0x80, v0;
	s12 =	simm.s32 $0x2;
	s9 =	sadd.s32 s1, s0;
	[dreg:$0x8] =	wrdreg s31  }
.LBB2_1:
0x10: {  	s0 =	rddreg [dreg:$0x5]  }
0x11: {  	[tilespmem:s3], [sflag:$0x2] =	stream.linear.gather [hbm4b:s0+s3], $0x800, $0x38;
	[tilespmem:$0x10A80] =	vst v63  }
0x12: {  	_ =	swait.ge [sflag:s12], $0x800  }
0x13: {  	[sflag:s12] =	ssyncset.done $0x0  }
0x14: {  	[sflag:s12] =	ssyncadd.s32 $0xFFFFF800  }
0x15: {  	s1 =	simm.s32 $0x10800;
	s31 =	rddreg [dreg:$0x1]  }
0x16: {  	[tilespmem:s1], [sflag:$0x2] =	stream.linear.gather [hbm4b:s31+s3], $0x80, $0x38;
	[tilespmem:$0x10A80] =	vst v63  }
0x17: {  	_ =	swait.ge [sflag:s12], $0x80  }
0x18: {  	[sflag:s12] =	ssyncset.done $0x0  }
0x19: {  	s22 =	simm.s32 $0x10;
	[sflag:s12] =	ssyncadd.s32 $0xFFFFFF80  }
0x1a: {  	v1 =	vld [tilespmem:s22+$0xFFFFFFF0];
	_ =	sdelay $0x4  }
0x1b: {  	v1 =	vshll.u32 v1, $0x4  }
0x1c: {  	(v2sf) =	vpush v1, $0x0  }
0x1d: {  	(v2sf) =	vpush v1, $0x1  }
0x1e: {  	(v2sf) =	vpush v1, $0x2;
	_ =	sdelay $0x1  }
0x1f: {  	(v2sf) =	vpush v1, $0x3  }
0x20: {  	(v2sf) =	vpush v1, $0x4  }
0x21: {  	v2 =	vld [tilespmem:$0x10800]  }
0x22: {  	v3 =	vld [tilespmem:$0x10810];
	(v2sf) =	vpush v1, $0x5  }
0x23: {  	v4 =	vld [tilespmem:$0x10820]  }
0x24: {  	s23 =	simm.s32 $0x4000;
	s21 =	simm.s32 $0x0;
	v5 =	vld [tilespmem:$0x10830];
	(v2sf) =	vpush v1, $0x6  }
.LBB2_2:
0x25: {  	p0 =	sne.s32 s23, $0x1C000  }
0x26: {  	s13 =	sadd.s32 $0x880, s21;
	s17 =	sadd.s32 $0x900, s21;
	(v2sf) =	vpush v1, $0x7;
	s24 =	smov.u32 s23  }
0x27: {  	s23 =	sadd.s32 $0x4000, s23;
	s1 =	sadd.s32 $0xA80, s21;
	s26 =	sadd.s32 $0xD00, s21  }
0x28: {  	s2 =	sadd.s32 $0xB00, s21;
	s0 =	sadd.s32 $0xB80, s21;
	s31 =	sadd.s32 $0xC00, s21;
	(v2sf) =	vpush v1, $0x8  }
0x29: {  	s18 =	sadd.s32 $0x800, s21;
	s30 =	sadd.s32 $0xC80, s21;
	s25 =	sadd.s32 $0xE00, s21  }
0x2a: {  	s19 =	sadd.s32 $0x980, s21;
	s29 =	sadd.s32 $0xD80, s21;
	s28 =	spop (v2sf);
	(v2sf) =	vpush v1, $0x9  }
0x2b: {  	s14 =	sadd.s32 $0xA00, s21;
	s28 =	sand.u32 $0x1FFFFFF0, s28;
	s5 =	spop (v2sf)  }
0x2c: {  	s6 =	sadd.s32 s4, s28;
	s28 =	sadd.s32 $0xE80, s21;
	s7 =	spop (v2sf);
	(v2sf) =	vpush v1, $0xA  }
0x2d: {  	[tilespmem:s18], [sflag:$0x1] =	stream.linear.gather [hbm4b:s6+s3], $0x80, $0x38;
	[tilespmem:$0x10A80] =	vst v63  }
0x2e: {  	s5 =	sand.u32 $0x1FFFFFF0, s5;
	s6 =	sand.u32 $0x1FFFFFF0, s7;
	s7 =	spop (v2sf);
	(v2sf) =	vpush v1, $0xB  }
0x2f: {  	s5 =	sadd.s32 s4, s5;
	s7 =	sand.u32 $0x1FFFFFF0, s7;
	s18 =	spop (v2sf)  }
0x30: {  	[tilespmem:s13], [sflag:$0x1] =	stream.linear.gather [hbm4b:s5+s3], $0x80, $0x38;
	(v2sf) =	vpush v1, $0xC;
	[tilespmem:$0x10A80] =	vst v63  }
0x31: {  	s5 =	sadd.s32 s4, s6;
	s6 =	sand.u32 $0x1FFFFFF0, s18;
	s13 =	spop (v2sf)  }
0x32: {  	[tilespmem:s17], [sflag:$0x1] =	stream.linear.gather [hbm4b:s5+s3], $0x80, $0x38;
	(v2sf) =	vpush v1, $0xD;
	[tilespmem:$0x10A80] =	vst v63  }
0x33: {  	s5 =	sadd.s32 s4, s7;
	s7 =	sand.u32 $0x1FFFFFF0, s13;
	s13 =	spop (v2sf)  }
0x34: {  	[tilespmem:s19], [sflag:$0x1] =	stream.linear.gather [hbm4b:s5+s3], $0x80, $0x38;
	(v2sf) =	vpush v1, $0xE;
	[tilespmem:$0x10A80] =	vst v63  }
0x35: {  	s5 =	sadd.s32 s4, s6;
	s6 =	sand.u32 $0x1FFFFFF0, s13;
	s13 =	spop (v2sf)  }
0x36: {  	[tilespmem:s14], [sflag:$0x1] =	stream.linear.gather [hbm4b:s5+s3], $0x80, $0x38;
	(v2sf) =	vpush v1, $0xF;
	[tilespmem:$0x10A80] =	vst v63  }
0x37: {  	s5 =	sadd.s32 s4, s7;
	s7 =	sand.u32 $0x1FFFFFF0, s13;
	s13 =	spop (v2sf)  }
0x38: {  	[tilespmem:s1], [sflag:$0x1] =	stream.linear.gather [hbm4b:s5+s3], $0x80, $0x38;
	[tilespmem:$0x10A80] =	vst v63  }
0x39: {  	s1 =	sadd.s32 s4, s6;
	s5 =	sand.u32 $0x1FFFFFF0, s13;
	s6 =	spop (v2sf)  }
0x3a: {  	[tilespmem:s2], [sflag:$0x1] =	stream.linear.gather [hbm4b:s1+s3], $0x80, $0x38;
	[tilespmem:$0x10A80] =	vst v63  }
0x3b: {  	s1 =	sadd.s32 s4, s7;
	s2 =	sand.u32 $0x1FFFFFF0, s6;
	s6 =	spop (v2sf)  }
0x3c: {  	[tilespmem:s0], [sflag:$0x1] =	stream.linear.gather [hbm4b:s1+s3], $0x80, $0x38;
	[tilespmem:$0x10A80] =	vst v63  }
0x3d: {  	s0 =	sadd.s32 s4, s5;
	s1 =	sand.u32 $0x1FFFFFF0, s6;
	s5 =	spop (v2sf)  }
0x3e: {  	[tilespmem:s31], [sflag:$0x1] =	stream.linear.gather [hbm4b:s0+s3], $0x80, $0x38;
	[tilespmem:$0x10A80] =	vst v63  }
0x3f: {  	s0 =	sadd.s32 s4, s2;
	s2 =	sand.u32 $0x1FFFFFF0, s5;
	s5 =	spop (v2sf)  }
0x40: {  	[tilespmem:s30], [sflag:$0x1] =	stream.linear.gather [hbm4b:s0+s3], $0x80, $0x38;
	[tilespmem:$0x10A80] =	vst v63  }
0x41: {  	s0 =	sadd.s32 s4, s1;
	s1 =	sand.u32 $0x1FFFFFF0, s5;
	s5 =	spop (v2sf)  }
0x42: {  	[tilespmem:s26], [sflag:$0x1] =	stream.linear.gather [hbm4b:s0+s3], $0x80, $0x38;
	[tilespmem:$0x10A80] =	vst v63  }
0x43: {  	s0 =	sadd.s32 s4, s2;
	s2 =	sand.u32 $0x1FFFFFF0, s5;
	s5 =	spop (v2sf)  }
0x44: {  	[tilespmem:s29], [sflag:$0x1] =	stream.linear.gather [hbm4b:s0+s3], $0x80, $0x38;
	[tilespmem:$0x10A80] =	vst v63  }
0x45: {  	s0 =	sadd.s32 s4, s1;
	s1 =	sand.u32 $0x1FFFFFF0, s5;
	s5 =	spop (v2sf)  }
0x46: {  	[tilespmem:s25], [sflag:$0x1] =	stream.linear.gather [hbm4b:s0+s3], $0x80, $0x38;
	[tilespmem:$0x10A80] =	vst v63  }
0x47: {  	s0 =	sadd.s32 s4, s2;
	s2 =	sadd.s32 $0xF00, s21  }
0x48: {  	[tilespmem:s28], [sflag:$0x1] =	stream.linear.gather [hbm4b:s0+s3], $0x80, $0x38;
	[tilespmem:$0x10A80] =	vst v63  }
0x49: {  	s5 =	sand.u32 $0x1FFFFFF0, s5;
	s0 =	sadd.s32 s4, s1;
	s1 =	sadd.s32 $0xF80, s21  }
0x4a: {  	[tilespmem:s2], [sflag:$0x1] =	stream.linear.gather [hbm4b:s0+s3], $0x80, $0x38;
	[tilespmem:$0x10A80] =	vst v63  }
0x4b: {  	s0 =	sadd.s32 s4, s5  }
0x4c: {  	[tilespmem:s1], [sflag:$0x1] =	stream.linear.gather [hbm4b:s0+s3], $0x80, $0x38;
	[tilespmem:$0x10A80] =	vst v63  }
0x4d: {  	v1 =	vld [tilespmem:s22+$0x0];
	_ =	sdelay $0x4  }
0x4e: {  	v1 =	vshll.u32 v1, $0x4  }
0x4f: {  	(v2sf) =	vpush v1, $0x0  }
0x50: {  	(v2sf) =	vpush v1, $0x1  }
0x51: {  	(v2sf) =	vpush v1, $0x2;
	_ =	sdelay $0x1  }
0x52: {  	(v2sf) =	vpush v1, $0x3;
	_ =	sdelay $0x1  }
0x53: {  	(v2sf) =	vpush v1, $0x4;
	_ =	sdelay $0x1  }
0x54: {  	(v2sf) =	vpush v1, $0x5;
	_ =	sdelay $0x1  }
0x55: {  	s22 =	sadd.s32 $0x80, s22;
	(v2sf) =	vpush v1, $0x6  }
0x56: {  	s26 =	sadd.s32 $0x1680, s21;
	s25 =	sadd.s32 $0x1780, s21;
	s28 =	sadd.s32 $0x1600, s21  }
0x57: {  	s31 =	sadd.s32 $0x1480, s21;
	s30 =	sadd.s32 $0x1500, s21;
	s29 =	sadd.s32 $0x1580, s21;
	(v2sf) =	vpush v1, $0x7  }
0x58: {  	s2 =	sadd.s32 $0x1380, s21;
	s1 =	sadd.s32 $0x1300, s21;
	s0 =	sadd.s32 $0x1400, s21  }
0x59: {  	s7 =	sadd.s32 $0x1280, s21;
	s6 =	sadd.s32 $0x1200, s21;
	s5 =	sadd.s32 $0x1180, s21;
	(v2sf) =	vpush v1, $0x8  }
0x5a: {  	s14 =	sadd.s32 $0x1100, s21;
	s13 =	sadd.s32 $0x1080, s21;
	s17 =	spop (v2sf)  }
0x5b: {  	s18 =	sadd.s32 $0x1000, s21;
	s17 =	sand.u32 $0x1FFFFFF0, s17;
	s19 =	spop (v2sf);
	(v2sf) =	vpush v1, $0x9  }
0x5c: {  	s17 =	sadd.s32 s4, s17;
	s19 =	sand.u32 $0x1FFFFFF0, s19;
	s8 =	spop (v2sf)  }
0x5d: {  	[tilespmem:s18], [sflag:$0x1] =	stream.linear.gather [hbm4b:s17+s3], $0x80, $0x38;
	(v2sf) =	vpush v1, $0xA;
	[tilespmem:$0x10A80] =	vst v63  }
0x5e: {  	s17 =	sadd.s32 s4, s19;
	s8 =	sand.u32 $0x1FFFFFF0, s8;
	s18 =	spop (v2sf)  }
0x5f: {  	[tilespmem:s13], [sflag:$0x1] =	stream.linear.gather [hbm4b:s17+s3], $0x80, $0x38;
	(v2sf) =	vpush v1, $0xB;
	[tilespmem:$0x10A80] =	vst v63  }
0x60: {  	s8 =	sadd.s32 s4, s8;
	s13 =	sand.u32 $0x1FFFFFF0, s18;
	s17 =	spop (v2sf)  }
0x61: {  	[tilespmem:s14], [sflag:$0x1] =	stream.linear.gather [hbm4b:s8+s3], $0x80, $0x38;
	(v2sf) =	vpush v1, $0xC;
	[tilespmem:$0x10A80] =	vst v63  }
0x62: {  	s8 =	sadd.s32 s4, s13;
	s13 =	sand.u32 $0x1FFFFFF0, s17;
	s14 =	spop (v2sf)  }
0x63: {  	[tilespmem:s5], [sflag:$0x1] =	stream.linear.gather [hbm4b:s8+s3], $0x80, $0x38;
	(v2sf) =	vpush v1, $0xD;
	[tilespmem:$0x10A80] =	vst v63  }
0x64: {  	s5 =	sadd.s32 s4, s13;
	s8 =	sand.u32 $0x1FFFFFF0, s14;
	s13 =	spop (v2sf)  }
0x65: {  	[tilespmem:s6], [sflag:$0x1] =	stream.linear.gather [hbm4b:s5+s3], $0x80, $0x38;
	(v2sf) =	vpush v1, $0xE;
	[tilespmem:$0x10A80] =	vst v63  }
0x66: {  	s5 =	sadd.s32 s4, s8;
	s6 =	sand.u32 $0x1FFFFFF0, s13;
	s8 =	spop (v2sf)  }
0x67: {  	[tilespmem:s7], [sflag:$0x1] =	stream.linear.gather [hbm4b:s5+s3], $0x80, $0x38;
	(v2sf) =	vpush v1, $0xF;
	[tilespmem:$0x10A80] =	vst v63  }
0x68: {  	s5 =	sadd.s32 s4, s6;
	s6 =	sand.u32 $0x1FFFFFF0, s8;
	s7 =	spop (v2sf)  }
0x69: {  	[tilespmem:s1], [sflag:$0x1] =	stream.linear.gather [hbm4b:s5+s3], $0x80, $0x38;
	[tilespmem:$0x10A80] =	vst v63  }
0x6a: {  	s1 =	sadd.s32 s4, s6;
	s5 =	sand.u32 $0x1FFFFFF0, s7;
	s6 =	spop (v2sf)  }
0x6b: {  	[tilespmem:s2], [sflag:$0x1] =	stream.linear.gather [hbm4b:s1+s3], $0x80, $0x38;
	[tilespmem:$0x10A80] =	vst v63  }
0x6c: {  	s1 =	sadd.s32 s4, s5;
	s2 =	sand.u32 $0x1FFFFFF0, s6;
	s5 =	spop (v2sf)  }
0x6d: {  	[tilespmem:s0], [sflag:$0x1] =	stream.linear.gather [hbm4b:s1+s3], $0x80, $0x38;
	[tilespmem:$0x10A80] =	vst v63  }
0x6e: {  	s0 =	sadd.s32 s4, s2;
	s1 =	sand.u32 $0x1FFFFFF0, s5;
	s2 =	spop (v2sf)  }
0x6f: {  	[tilespmem:s31], [sflag:$0x1] =	stream.linear.gather [hbm4b:s0+s3], $0x80, $0x38;
	[tilespmem:$0x10A80] =	vst v63  }
0x70: {  	s0 =	sadd.s32 s4, s1;
	s1 =	sand.u32 $0x1FFFFFF0, s2;
	s2 =	spop (v2sf)  }
0x71: {  	[tilespmem:s30], [sflag:$0x1] =	stream.linear.gather [hbm4b:s0+s3], $0x80, $0x38;
	[tilespmem:$0x10A80] =	vst v63  }
0x72: {  	s0 =	sadd.s32 s4, s1;
	s1 =	sand.u32 $0x1FFFFFF0, s2;
	s2 =	spop (v2sf)  }
0x73: {  	[tilespmem:s29], [sflag:$0x1] =	stream.linear.gather [hbm4b:s0+s3], $0x80, $0x38;
	[tilespmem:$0x10A80] =	vst v63  }
0x74: {  	s0 =	sadd.s32 s4, s1;
	s1 =	sand.u32 $0x1FFFFFF0, s2;
	s2 =	spop (v2sf)  }
0x75: {  	[tilespmem:s28], [sflag:$0x1] =	stream.linear.gather [hbm4b:s0+s3], $0x80, $0x38;
	[tilespmem:$0x10A80] =	vst v63  }
0x76: {  	s0 =	sadd.s32 s4, s1;
	s1 =	sand.u32 $0x1FFFFFF0, s2;
	s2 =	spop (v2sf)  }
0x77: {  	[tilespmem:s26], [sflag:$0x1] =	stream.linear.gather [hbm4b:s0+s3], $0x80, $0x38;
	[tilespmem:$0x10A80] =	vst v63  }
0x78: {  	s1 =	sadd.s32 s4, s1;
	s0 =	sadd.s32 $0x1700, s21;
	s2 =	sand.u32 $0x1FFFFFF0, s2  }
0x79: {  	[tilespmem:s0], [sflag:$0x1] =	stream.linear.gather [hbm4b:s1+s3], $0x80, $0x38;
	[tilespmem:$0x10A80] =	vst v63  }
0x7a: {  	s0 =	sadd.s32 s4, s2  }
0x7b: {  	[tilespmem:s25], [sflag:$0x1] =	stream.linear.gather [hbm4b:s0+s3], $0x80, $0x38;
	[tilespmem:$0x10A80] =	vst v63  }
0x7c: {  	v1 =	vld [tilespmem:s22+$0xFFFFFFF0];
	_ =	sdelay $0x4  }
0x7d: {  	v1 =	vshll.u32 v1, $0x4  }
0x7e: {  	(v2sf) =	vpush v1, $0x0  }
0x7f: {  	(v2sf) =	vpush v1, $0x1  }
0x80: {  	(v2sf) =	vpush v1, $0x2;
	_ =	sdelay $0x1  }
0x81: {  	(v2sf) =	vpush v1, $0x3  }
0x82: {  	(v2sf) =	vpush v1, $0x4  }
.Ltmp0:
0x83: {  	(pc) =	sbr.rel @p0 .LBB2_2-.Ltmp0, $3  }
0x84: {  	(v2sf) =	vpush v1, $0x5;
	_ =	sdelay $0x1  }
0x85: {  	(v2sf) =	vpush v1, $0x6  }
0x86: {  	s21 =	sshra.s32 s24, $0x2  }
0x87: {  	_ = 	snop  }
0x88: {  	s2 =	sadd.s32 $0x880, s21;
	s5 =	sadd.s32 $0x900, s21  }
0x89: {  	(v2sf) =	vpush v1, $0x7;
	s6 =	sadd.s32 $0xA80, s21;
	s1 =	sadd.s32 $0xD00, s21;
	s7 =	sadd.s32 $0xB00, s21  }
0x8a: {  	s8 =	sadd.s32 $0xB80, s21;
	s13 =	sadd.s32 $0xC00, s21;
	s14 =	sadd.s32 $0x800, s21  }
0x8b: {  	s17 =	sadd.s32 $0xC80, s21;
	s0 =	sadd.s32 $0xE00, s21;
	(v2sf) =	vpush v1, $0x8;
	s18 =	spop (v2sf)  }
0x8c: {  	s19 =	sadd.s32 $0x980, s21;
	s23 =	sadd.s32 $0xD80, s21;
	s18 =	sand.u32 $0x1FFFFFF0, s18  }
0x8d: {  	s24 =	sadd.s32 $0xA00, s21;
	(v2sf) =	vpush v1, $0x9;
	s25 =	spop (v2sf);
	s18 =	sadd.s32 s4, s18  }
0x8e: {  	[tilespmem:s14], [sflag:$0x1] =	stream.linear.gather [hbm4b:s18+s3], $0x80, $0x38;
	[tilespmem:$0x10A80] =	vst v63  }
0x8f: {  	s26 =	spop (v2sf);
	(v2sf) =	vpush v1, $0xA;
	s25 =	sand.u32 $0x1FFFFFF0, s25;
	s14 =	sadd.s32 $0xE80, s21  }
0x90: {  	s18 =	sand.u32 $0x1FFFFFF0, s26;
	s25 =	sadd.s32 s4, s25;
	s26 =	spop (v2sf)  }
0x91: {  	(v2sf) =	vpush v1, $0xB;
	[tilespmem:s2], [sflag:$0x1] =	stream.linear.gather [hbm4b:s25+s3], $0x80, $0x38;
	[tilespmem:$0x10A80] =	vst v63  }
0x92: {  	s18 =	sadd.s32 s4, s18;
	s28 =	sand.u32 $0x1FFFFFF0, s26;
	s29 =	spop (v2sf)  }
0x93: {  	(v2sf) =	vpush v1, $0xC;
	[tilespmem:s5], [sflag:$0x1] =	stream.linear.gather [hbm4b:s18+s3], $0x80, $0x38;
	[tilespmem:$0x10A80] =	vst v63  }
0x94: {  	s30 =	sand.u32 $0x1FFFFFF0, s29;
	s2 =	sadd.s32 s4, s28;
	s31 =	spop (v2sf)  }
0x95: {  	(v2sf) =	vpush v1, $0xD;
	[tilespmem:s19], [sflag:$0x1] =	stream.linear.gather [hbm4b:s2+s3], $0x80, $0x38;
	[tilespmem:$0x10A80] =	vst v63  }
0x96: {  	s5 =	sadd.s32 s4, s30;
	s19 =	sand.u32 $0x1FFFFFF0, s31;
	s25 =	spop (v2sf)  }
0x97: {  	(v2sf) =	vpush v1, $0xE;
	[tilespmem:s24], [sflag:$0x1] =	stream.linear.gather [hbm4b:s5+s3], $0x80, $0x38;
	[tilespmem:$0x10A80] =	vst v63  }
0x98: {  	s26 =	sand.u32 $0x1FFFFFF0, s25;
	s2 =	sadd.s32 s4, s19;
	s28 =	spop (v2sf)  }
0x99: {  	(v2sf) =	vpush v1, $0xF;
	[tilespmem:s6], [sflag:$0x1] =	stream.linear.gather [hbm4b:s2+s3], $0x80, $0x38;
	[tilespmem:$0x10A80] =	vst v63  }
0x9a: {  	s5 =	sadd.s32 s4, s26;
	s29 =	sand.u32 $0x1FFFFFF0, s28;
	s30 =	spop (v2sf)  }
0x9b: {  	[tilespmem:s7], [sflag:$0x1] =	stream.linear.gather [hbm4b:s5+s3], $0x80, $0x38;
	[tilespmem:$0x10A80] =	vst v63  }
0x9c: {  	s31 =	sand.u32 $0x1FFFFFF0, s30;
	s2 =	sadd.s32 s4, s29;
	s7 =	spop (v2sf)  }
0x9d: {  	[tilespmem:s8], [sflag:$0x1] =	stream.linear.gather [hbm4b:s2+s3], $0x80, $0x38;
	[tilespmem:$0x10A80] =	vst v63  }
0x9e: {  	s5 =	sadd.s32 s4, s31;
	s8 =	sand.u32 $0x1FFFFFF0, s7;
	s18 =	spop (v2sf)  }
0x9f: {  	[tilespmem:s13], [sflag:$0x1] =	stream.linear.gather [hbm4b:s5+s3], $0x80, $0x38;
	[tilespmem:$0x10A80] =	vst v63  }
0xa0: {  	s19 =	sand.u32 $0x1FFFFFF0, s18;
	s2 =	sadd.s32 s4, s8;
	s24 =	spop (v2sf)  }
0xa1: {  	[tilespmem:s17], [sflag:$0x1] =	stream.linear.gather [hbm4b:s2+s3], $0x80, $0x38;
	[tilespmem:$0x10A80] =	vst v63  }
0xa2: {  	s5 =	sadd.s32 s4, s19;
	s25 =	sand.u32 $0x1FFFFFF0, s24;
	s26 =	spop (v2sf)  }
0xa3: {  	[tilespmem:s1], [sflag:$0x1] =	stream.linear.gather [hbm4b:s5+s3], $0x80, $0x38;
	[tilespmem:$0x10A80] =	vst v63  }
0xa4: {  	s28 =	sand.u32 $0x1FFFFFF0, s26;
	s2 =	sadd.s32 s4, s25;
	s29 =	spop (v2sf)  }
0xa5: {  	[tilespmem:s23], [sflag:$0x1] =	stream.linear.gather [hbm4b:s2+s3], $0x80, $0x38;
	[tilespmem:$0x10A80] =	vst v63  }
0xa6: {  	s30 =	sand.u32 $0x1FFFFFF0, s29;
	s31 =	spop (v2sf);
	s1 =	sadd.s32 s4, s28  }
0xa7: {  	[tilespmem:s0], [sflag:$0x1] =	stream.linear.gather [hbm4b:s1+s3], $0x80, $0x38;
	[tilespmem:$0x10A80] =	vst v63  }
0xa8: {  	s6 =	sand.u32 $0x1FFFFFF0, s31;
	s2 =	sadd.s32 s4, s30;
	s7 =	spop (v2sf)  }
0xa9: {  	[tilespmem:s14], [sflag:$0x1] =	stream.linear.gather [hbm4b:s2+s3], $0x80, $0x38;
	[tilespmem:$0x10A80] =	vst v63  }
0xaa: {  	s8 =	sadd.s32 $0xF00, s21;
	s0 =	sadd.s32 s4, s6;
	s1 =	sand.u32 $0x1FFFFFF0, s7  }
0xab: {  	[tilespmem:s8], [sflag:$0x1] =	stream.linear.gather [hbm4b:s0+s3], $0x80, $0x38;
	[tilespmem:$0x10A80] =	vst v63  }
0xac: {  	s13 =	sadd.s32 $0xF80, s21;
	s1 =	sadd.s32 s4, s1  }
0xad: {  	[tilespmem:s13], [sflag:$0x1] =	stream.linear.gather [hbm4b:s1+s3], $0x80, $0x38;
	[tilespmem:$0x10A80] =	vst v63  }
0xae: {  	v1 =	vld [tilespmem:s22+$0x0];
	_ =	sdelay $0x4  }
0xaf: {  	v6 =	vshll.u32 v1, $0x4  }
0xb0: {  	(v2sf) =	vpush v6, $0x0  }
0xb1: {  	(v2sf) =	vpush v6, $0x1  }
0xb2: {  	(v2sf) =	vpush v6, $0x2;
	_ =	sdelay $0x1  }
0xb3: {  	v1 =	vmul.f32 $1.442695020e+00, v2;
	(v2sf) =	vpush v6, $0x3;
	_ =	sdelay $0x1  }
0xb4: {  	(erf) = vpow2.f32 v1;
	v1 =	vmul.f32 $1.442695020e+00, v3;
	(v2sf) =	vpush v6, $0x4;
	_ =	sdelay $0x1  }
0xb5: {  	(erf) = vpow2.f32 v1;
	(v2sf) =	vpush v6, $0x5  }
0xb6: {  	v1 =	vmul.f32 $1.442695020e+00, v4  }
0xb7: {  	v7 =	vmul.f32 $1.442695020e+00, v5;
	(v2sf) =	vpush v6, $0x6  }
0xb8: {  	(erf) = vpow2.f32 v1  }
0xb9: {  	s24 =	sadd.s32 $0x1500, s21;
	(erf) = vpow2.f32 v7;
	(v2sf) =	vpush v6, $0x7  }
0xba: {  	s25 =	sadd.s32 $0x1480, s21;
	s26 =	sadd.s32 $0x1400, s21;
	s17 =	sadd.s32 $0x1000, s21  }
0xbb: {  	s28 =	sadd.s32 $0x1380, s21;
	s5 =	sadd.s32 $0x1280, s21;
	s6 =	sadd.s32 $0x1080, s21;
	(v2sf) =	vpush v6, $0x8  }
0xbc: {  	s7 =	sadd.s32 $0x1100, s21;
	s2 =	sadd.s32 $0x1200, s21;
	v1 =	vpop (erf);
	s14 =	spop (v2sf)  }
0xbd: {  	v8 =	vadd.f32 v2, v2;
	s1 =	sadd.s32 $0x1180, s21;
	v7 =	vmul.f32 v1, v1;
	(v2sf) =	vpush v6, $0x9;
	s8 =	sand.u32 $0x1FFFFFF0, s14;
	s18 =	spop (v2sf)  }
0xbe: {  	v2 =	vpop (erf);
	(v2sf) =	vpush v6, $0xA;
	s8 =	sadd.s32 s4, s8;
	s14 =	sand.u32 $0x1FFFFFF0, s18;
	s19 =	spop (v2sf)  }
0xbf: {  	v9 =	vadd.f32 v3, v3;
	v7 =	vsub.f32 v7, v8;
	v61 =	vmul.f32 v2, v2;
	[tilespmem:s17], [sflag:$0x1] =	stream.linear.gather [hbm4b:s8+s3], $0x80, $0x38;
	[tilespmem:$0x10A80] =	vst v63  }
0xc0: {  	(v2sf) =	vpush v6, $0xB;
	s29 =	sadd.s32 s4, s14;
	s30 =	sand.u32 $0x1FFFFFF0, s19;
	s31 =	spop (v2sf)  }
0xc1: {  	v3 =	vpop (erf);
	v7 =	vadd.f32 $-1.000000000e+00, v7;
	v8 =	vsub.f32 v61, v9;
	[tilespmem:s6], [sflag:$0x1] =	stream.linear.gather [hbm4b:s29+s3], $0x80, $0x38;
	[tilespmem:$0x10A80] =	vst v63  }
0xc2: {  	v10 =	vadd.f32 v4, v4;
	v5 =	vadd.f32 v5, v5;
	v62 =	vmul.f32 v3, v3;
	v4 =	vpop (erf);
	s8 =	sadd.s32 s4, s30;
	s13 =	sand.u32 $0x1FFFFFF0, s31;
	s14 =	spop (v2sf)  }
0xc3: {  	v11 =	vmul.f32 v4, v4;
	v7 =	vmul.f32 $5.000000000e-01, v7;
	v8 =	vadd.f32 $-1.000000000e+00, v8;
	[tilespmem:s7], [sflag:$0x1] =	stream.linear.gather [hbm4b:s8+s3], $0x80, $0x38;
	[tilespmem:$0x10A80] =	vst v63  }
0xc4: {  	v9 =	vsub.f32 v62, v10;
	(v2sf) =	vpush v6, $0xC;
	s17 =	sadd.s32 s4, s13;
	s18 =	sand.u32 $0x1FFFFFF0, s14;
	s19 =	spop (v2sf)  }
0xc5: {  	v5 =	vsub.f32 v11, v5;
	v7 =	vadd.f32 $0.0e+00, v7;
	[tilespmem:s1], [sflag:$0x1] =	stream.linear.gather [hbm4b:s17+s3], $0x80, $0x38;
	[tilespmem:$0x10A80] =	vst v63  }
0xc6: {  	v8 =	vmul.f32 $5.000000000e-01, v8;
	(v2sf) =	vpush v6, $0xD;
	v9 =	vadd.f32 $-1.000000000e+00, v9;
	s29 =	sadd.s32 s4, s18;
	s30 =	sand.u32 $0x1FFFFFF0, s19;
	s31 =	spop (v2sf)  }
0xc7: {  	(v2sf) =	vpush v6, $0xE;
	[tilespmem:s2], [sflag:$0x1] =	stream.linear.gather [hbm4b:s29+s3], $0x80, $0x38;
	[tilespmem:$0x10A80] =	vst v63  }
0xc8: {  	v5 =	vadd.f32 $-1.000000000e+00, v5;
	v7 =	vadd.f32 v8, v7;
	v63 =	vmul.f32 $5.000000000e-01, v9;
	s8 =	sadd.s32 s4, s30;
	s13 =	sand.u32 $0x1FFFFFF0, s31;
	s14 =	spop (v2sf)  }
0xc9: {  	[tilespmem:s5], [sflag:$0x1] =	stream.linear.gather [hbm4b:s8+s3], $0x80, $0x38;
	[tilespmem:$0x10A80] =	vst v63  }
0xca: {  	s0 =	sadd.s32 $0x1300, s21;
	v5 =	vmul.f32 $5.000000000e-01, v5;
	v7 =	vadd.f32 v63, v7;
	s19 =	spop (v2sf);
	s17 =	sadd.s32 s4, s13  }
0xcb: {  	[tilespmem:s0], [sflag:$0x1] =	stream.linear.gather [hbm4b:s17+s3], $0x80, $0x38;
	[tilespmem:$0x10A80] =	vst v63  }
0xcc: {  	s23 =	sadd.s32 $0x1580, s21;
	(v2sf) =	vpush v6, $0xF;
	s18 =	sand.u32 $0x1FFFFFF0, s14;
	v5 =	vadd.f32 v5, v7;
	s31 =	spop (v2sf)  }
0xcd: {  	s30 =	sand.u32 $0x1FFFFFF0, s19;
	s29 =	sadd.s32 s4, s18;
	s5 =	spop (v2sf)  }
0xce: {  	(v2sf) =	vpush v5, $0x0;
	[tilespmem:s28], [sflag:$0x1] =	stream.linear.gather [hbm4b:s29+s3], $0x80, $0x38;
	[tilespmem:$0x10A80] =	vst v63  }
0xcf: {  	s1 =	sadd.s32 s4, s30;
	s2 =	sand.u32 $0x1FFFFFF0, s31;
	(v2sf) =	vpush v5, $0x1;
	s8 =	spop (v2sf)  }
0xd0: {  	(v2sf) =	vpush v5, $0x2;
	[tilespmem:s26], [sflag:$0x1] =	stream.linear.gather [hbm4b:s1+s3], $0x80, $0x38;
	[tilespmem:$0x10A80] =	vst v63  }
0xd1: {  	s22 =	sadd.s32 $0x1600, s21;
	s6 =	sadd.s32 s4, s2;
	s7 =	sand.u32 $0x1FFFFFF0, s5  }
0xd2: {  	[tilespmem:s25], [sflag:$0x1] =	stream.linear.gather [hbm4b:s6+s3], $0x80, $0x38;
	[tilespmem:$0x10A80] =	vst v63  }
0xd3: {  	s13 =	sadd.s32 s4, s7;
	s14 =	sand.u32 $0x1FFFFFF0, s8;
	s17 =	spop (v2sf);
	(v2sf) =	vpush v5, $0x3  }
0xd4: {  	[tilespmem:s24], [sflag:$0x1] =	stream.linear.gather [hbm4b:s13+s3], $0x80, $0x38;
	[tilespmem:$0x10A80] =	vst v63  }
0xd5: {  	s18 =	sadd.s32 s4, s14;
	s19 =	sand.u32 $0x1FFFFFF0, s17;
	s24 =	spop (v2sf);
	(v2sf) =	vpush v5, $0x4  }
0xd6: {  	[tilespmem:s23], [sflag:$0x1] =	stream.linear.gather [hbm4b:s18+s3], $0x80, $0x38;
	[tilespmem:$0x10A80] =	vst v63  }
0xd7: {  	s25 =	sadd.s32 s4, s19;
	(v2sf) =	vpush v5, $0x5;
	s26 =	sand.u32 $0x1FFFFFF0, s24;
	s28 =	spop (v2sf)  }
0xd8: {  	[tilespmem:s22], [sflag:$0x1] =	stream.linear.gather [hbm4b:s25+s3], $0x80, $0x38;
	[tilespmem:$0x10A80] =	vst v63  }
0xd9: {  	s29 =	sadd.s32 $0x1680, s21;
	(v2sf) =	vpush v5, $0x6;
	s1 =	sadd.s32 s4, s26;
	s2 =	sand.u32 $0x1FFFFFF0, s28  }
0xda: {  	[tilespmem:s29], [sflag:$0x1] =	stream.linear.gather [hbm4b:s1+s3], $0x80, $0x38;
	[tilespmem:$0x10A80] =	vst v63  }
0xdb: {  	s31 =	sadd.s32 $0x1700, s21;
	s30 =	spop (v2sf);
	s2 =	sadd.s32 s4, s2;
	(v2sf) =	vpush v5, $0x7  }
0xdc: {  	[tilespmem:s31], [sflag:$0x1] =	stream.linear.gather [hbm4b:s2+s3], $0x80, $0x38;
	[tilespmem:$0x10A80] =	vst v63  }
0xdd: {  	s2 =	spop (v2sf);
	(v2sf) =	vpush v5, $0x8  }
0xde: {  	s17 =	sadd.s32 $0x1780, s21;
	s0 =	sand.u32 $0x1FFFFFF0, s30;
	s5 =	spop (v2sf)  }
0xdf: {  	s0 =	sadd.s32 s4, s0;
	(v2sf) =	vpush v5, $0x9;
	s1 =	sadd.f32 s5, s2;
	s6 =	spop (v2sf)  }
0xe0: {  	(v2sf) =	vpush v5, $0xA;
	[tilespmem:s17], [sflag:$0x1] =	stream.linear.gather [hbm4b:s0+s3], $0x80, $0x38;
	[tilespmem:$0x10A80] =	vst v63  }
0xe1: {  	s1 =	sadd.f32 s1, s6  }
0xe2: {  	s7 =	spop (v2sf)  }
0xe3: {  	(v2sf) =	vpush v5, $0xB;
	s1 =	sadd.f32 s1, s7  }
0xe4: {  	s8 =	spop (v2sf)  }
0xe5: {  	(v2sf) =	vpush v5, $0xC;
	s1 =	sadd.f32 s1, s8  }
0xe6: {  	(v2sf) =	vpush v5, $0xD;
	s13 =	spop (v2sf)  }
0xe7: {  	(v2sf) =	vpush v5, $0xE;
	s1 =	sadd.f32 s1, s13  }
0xe8: {  	s14 =	spop (v2sf);
	(v2sf) =	vpush v5, $0xF  }
0xe9: {  	s18 =	sadd.f32 s1, s14  }
0xea: {  	s19 =	spop (v2sf)  }
0xeb: {  	s0 =	sadd.f32 s18, s19  }
0xec: {  	s21 =	spop (v2sf)  }
0xed: {  	s0 =	sadd.f32 s0, s21  }
0xee: {  	s30 =	rddreg [dreg:$0x6];
	s31 =	simm.s32 $0x8800;
	s22 =	spop (v2sf)  }
0xef: {  	s21 =	simm.s32 $0x0;
	s23 =	spop (v2sf);
	s0 =	sadd.f32 s0, s22  }
0xf0: {  	[tilespmem:s31], [sflag:$0x2] =	stream.linear.gather [hbm4b:s30+s21], $0x8000, $0x38;
	[tilespmem:$0x10A80] =	vst v63  }
0xf1: {  	s0 =	sadd.f32 s0, s23  }
0xf2: {  	s24 =	spop (v2sf)  }
0xf3: {  	s0 =	sadd.f32 s0, s24  }
0xf4: {  	s25 =	spop (v2sf)  }
0xf5: {  	s26 =	spop (v2sf);
	s0 =	sadd.f32 s0, s25  }
0xf6: {  	s28 =	spop (v2sf)  }
0xf7: {  	s29 =	spop (v2sf);
	s0 =	sadd.f32 s0, s26  }
0xf8: {  	_ =	swait.ge [sflag:s12], $0x8000  }
0xf9: {  	[sflag:s12] =	ssyncset.done $0x0;
	s0 =	sadd.f32 s0, s28  }
0xfa: {  	[sflag:s12] =	ssyncadd.s32 $0xFFFF8000  }
0xfb: {  	_ =	swait.ge [sflag:s15], $0x8000;
	s0 =	sadd.f32 s0, s29  }
0xfc: {  	s22 =	simm.s32 $0x10880;
	[sflag:s15] =	ssyncset.done $0x0  }
0xfd: {  	s23 =	simm.s32 $0xC00;
	s24 =	simm.s32 $0x8C00;
	[sflag:s15] =	ssyncadd.s32 $0xFFFF8000;
	v5 =	vmov s0  }
.LBB2_4:
0xfe: {  	v6 =	vmov s21  }
0xff: {  	v6 =	vshll.u32 v6, $0x7  }
0x100: {  	v6 =	vor.u32 v0, v6  }
0x101: {  	v7 =	vor.u32 $0x1, v6;
	_ =	sdelay $0x1  }
0x102: {  	v8 =	vor.u32 $0x2, v6;
	_ =	sdelay $0x1  }
0x103: {  	v10 =	vor.u32 $0x3, v6;
	v9 =	vld.idx.msk [tilespmem:v6+s16+$0x0], $0xffff  }
0x104: {  	v7 =	vld.idx.msk [tilespmem:v7+s16+$0x0], $0xffff  }
0x105: {  	v11 =	vor.u32 $0x4, v6  }
0x106: {  	v8 =	vld.idx.msk [tilespmem:v8+s16+$0x0], $0xffff  }
0x107: {  	v12 =	vor.u32 $0x5, v6  }
0x108: {  	v10 =	vld.idx.msk [tilespmem:v10+s16+$0x0], $0xffff  }
0x109: {  	v13 =	vor.u32 $0x6, v6;
	v9 =	vmul.f32 v9, v9;
	v7 =	vmul.f32 v7, v7  }
0x10a: {  	v11 =	vld.idx.msk [tilespmem:v11+s16+$0x0], $0xffff  }
0x10b: {  	v43 =	vor.u32 $0x7, v6;
	v8 =	vmul.f32 v8, v8;
	v7 =	vadd.f32 v7, v9  }
0x10c: {  	v12 =	vld.idx.msk [tilespmem:v12+s16+$0x0], $0xffff  }
0x10d: {  	v45 =	vor.u32 $0x8, v6;
	v44 =	vmul.f32 v10, v10;
	v7 =	vadd.f32 v8, v7  }
0x10e: {  	v13 =	vld.idx.msk [tilespmem:v13+s16+$0x0], $0xffff  }
0x10f: {  	v47 =	vor.u32 $0x9, v6;
	v46 =	vmul.f32 v11, v11;
	v7 =	vadd.f32 v44, v7  }
0x110: {  	v9 =	vld.idx.msk [tilespmem:v43+s16+$0x0], $0xffff  }
0x111: {  	v49 =	vor.u32 $0xA, v6;
	v48 =	vmul.f32 v12, v12;
	v7 =	vadd.f32 v46, v7  }
0x112: {  	v10 =	vld.idx.msk [tilespmem:v45+s16+$0x0], $0xffff  }
0x113: {  	v51 =	vor.u32 $0xB, v6;
	v50 =	vmul.f32 v13, v13;
	v7 =	vadd.f32 v48, v7  }
0x114: {  	v11 =	vld.idx.msk [tilespmem:v47+s16+$0x0], $0xffff  }
0x115: {  	v53 =	vor.u32 $0xC, v6;
	v52 =	vmul.f32 v9, v9;
	v7 =	vadd.f32 v50, v7  }
0x116: {  	v12 =	vld.idx.msk [tilespmem:v49+s16+$0x0], $0xffff  }
0x117: {  	v55 =	vor.u32 $0xD, v6;
	v54 =	vmul.f32 v10, v10;
	v7 =	vadd.f32 v52, v7  }
0x118: {  	v13 =	vld.idx.msk [tilespmem:v51+s16+$0x0], $0xffff  }
0x119: {  	v57 =	vor.u32 $0xE, v6;
	v56 =	vmul.f32 v11, v11;
	v7 =	vadd.f32 v54, v7  }
0x11a: {  	v9 =	vld.idx.msk [tilespmem:v53+s16+$0x0], $0xffff  }
0x11b: {  	v59 =	vor.u32 $0xF, v6;
	v58 =	vmul.f32 v12, v12;
	v7 =	vadd.f32 v56, v7  }
0x11c: {  	v10 =	vld.idx.msk [tilespmem:v55+s16+$0x0], $0xffff  }
0x11d: {  	v61 =	vor.u32 $0x10, v6;
	v60 =	vmul.f32 v13, v13;
	v7 =	vadd.f32 v58, v7  }
0x11e: {  	v11 =	vld.idx.msk [tilespmem:v57+s16+$0x0], $0xffff  }
0x11f: {  	v63 =	vor.u32 $0x11, v6;
	v62 =	vmul.f32 v9, v9;
	v7 =	vadd.f32 v60, v7  }
0x120: {  	v12 =	vld.idx.msk [tilespmem:v59+s16+$0x0], $0xffff  }
0x121: {  	v17 =	vor.u32 $0x12, v6;
	v16 =	vmul.f32 v10, v10;
	v7 =	vadd.f32 v62, v7  }
0x122: {  	v13 =	vld.idx.msk [tilespmem:v61+s16+$0x0], $0xffff  }
0x123: {  	v19 =	vor.u32 $0x13, v6;
	v18 =	vmul.f32 v11, v11;
	v7 =	vadd.f32 v16, v7  }
0x124: {  	v9 =	vld.idx.msk [tilespmem:v63+s16+$0x0], $0xffff  }
0x125: {  	v21 =	vor.u32 $0x14, v6;
	v20 =	vmul.f32 v12, v12;
	v7 =	vadd.f32 v18, v7  }
0x126: {  	v10 =	vld.idx.msk [tilespmem:v17+s16+$0x0], $0xffff  }
0x127: {  	v23 =	vor.u32 $0x15, v6;
	v22 =	vmul.f32 v13, v13;
	v7 =	vadd.f32 v20, v7  }
0x128: {  	v11 =	vld.idx.msk [tilespmem:v19+s16+$0x0], $0xffff  }
0x129: {  	v25 =	vor.u32 $0x16, v6;
	v24 =	vmul.f32 v9, v9;
	v7 =	vadd.f32 v22, v7  }
0x12a: {  	v12 =	vld.idx.msk [tilespmem:v21+s16+$0x0], $0xffff  }
0x12b: {  	v27 =	vor.u32 $0x17, v6;
	v26 =	vmul.f32 v10, v10;
	v7 =	vadd.f32 v24, v7  }
0x12c: {  	v13 =	vld.idx.msk [tilespmem:v23+s16+$0x0], $0xffff  }
0x12d: {  	v29 =	vor.u32 $0x18, v6;
	v28 =	vmul.f32 v11, v11;
	v7 =	vadd.f32 v26, v7  }
0x12e: {  	v9 =	vld.idx.msk [tilespmem:v25+s16+$0x0], $0xffff  }
0x12f: {  	v31 =	vor.u32 $0x19, v6;
	v30 =	vmul.f32 v12, v12;
	v7 =	vadd.f32 v28, v7  }
0x130: {  	v10 =	vld.idx.msk [tilespmem:v27+s16+$0x0], $0xffff  }
0x131: {  	v33 =	vor.u32 $0x1A, v6;
	v32 =	vmul.f32 v13, v13;
	v7 =	vadd.f32 v30, v7  }
0x132: {  	v11 =	vld.idx.msk [tilespmem:v29+s16+$0x0], $0xffff  }
0x133: {  	v35 =	vor.u32 $0x1B, v6;
	v34 =	vmul.f32 v9, v9;
	v7 =	vadd.f32 v32, v7  }
0x134: {  	v12 =	vld.idx.msk [tilespmem:v31+s16+$0x0], $0xffff  }
0x135: {  	v37 =	vor.u32 $0x1C, v6;
	v36 =	vmul.f32 v10, v10;
	v7 =	vadd.f32 v34, v7  }
0x136: {  	v13 =	vld.idx.msk [tilespmem:v33+s16+$0x0], $0xffff  }
0x137: {  	v39 =	vor.u32 $0x1D, v6;
	v38 =	vmul.f32 v11, v11;
	v7 =	vadd.f32 v36, v7  }
0x138: {  	v9 =	vld.idx.msk [tilespmem:v35+s16+$0x0], $0xffff  }
0x139: {  	v41 =	vor.u32 $0x1E, v6;
	v40 =	vmul.f32 v12, v12;
	v7 =	vadd.f32 v38, v7  }
0x13a: {  	v10 =	vld.idx.msk [tilespmem:v37+s16+$0x0], $0xffff  }
0x13b: {  	v43 =	vor.u32 $0x1F, v6;
	v42 =	vmul.f32 v13, v13;
	v7 =	vadd.f32 v40, v7  }
0x13c: {  	v11 =	vld.idx.msk [tilespmem:v39+s16+$0x0], $0xffff  }
0x13d: {  	v45 =	vor.u32 $0x20, v6;
	v44 =	vmul.f32 v9, v9;
	v7 =	vadd.f32 v42, v7  }
0x13e: {  	v12 =	vld.idx.msk [tilespmem:v41+s16+$0x0], $0xffff  }
0x13f: {  	v47 =	vor.u32 $0x21, v6;
	v46 =	vmul.f32 v10, v10;
	v7 =	vadd.f32 v44, v7  }
0x140: {  	v13 =	vld.idx.msk [tilespmem:v43+s16+$0x0], $0xffff  }
0x141: {  	v49 =	vor.u32 $0x22, v6;
	v48 =	vmul.f32 v11, v11;
	v7 =	vadd.f32 v46, v7  }
0x142: {  	v9 =	vld.idx.msk [tilespmem:v45+s16+$0x0], $0xffff  }
0x143: {  	v51 =	vor.u32 $0x23, v6;
	v50 =	vmul.f32 v12, v12;
	v7 =	vadd.f32 v48, v7  }
0x144: {  	v10 =	vld.idx.msk [tilespmem:v47+s16+$0x0], $0xffff  }
0x145: {  	v53 =	vor.u32 $0x24, v6;
	v52 =	vmul.f32 v13, v13;
	v7 =	vadd.f32 v50, v7  }
0x146: {  	v11 =	vld.idx.msk [tilespmem:v49+s16+$0x0], $0xffff  }
0x147: {  	v55 =	vor.u32 $0x25, v6;
	v54 =	vmul.f32 v9, v9;
	v7 =	vadd.f32 v52, v7  }
0x148: {  	v12 =	vld.idx.msk [tilespmem:v51+s16+$0x0], $0xffff  }
0x149: {  	v57 =	vor.u32 $0x26, v6;
	v56 =	vmul.f32 v10, v10;
	v7 =	vadd.f32 v54, v7  }
0x14a: {  	v13 =	vld.idx.msk [tilespmem:v53+s16+$0x0], $0xffff  }
0x14b: {  	v59 =	vor.u32 $0x27, v6;
	v58 =	vmul.f32 v11, v11;
	v7 =	vadd.f32 v56, v7  }
0x14c: {  	v9 =	vld.idx.msk [tilespmem:v55+s16+$0x0], $0xffff  }
0x14d: {  	v61 =	vor.u32 $0x28, v6;
	v60 =	vmul.f32 v12, v12;
	v7 =	vadd.f32 v58, v7  }
0x14e: {  	v10 =	vld.idx.msk [tilespmem:v57+s16+$0x0], $0xffff  }
0x14f: {  	v63 =	vor.u32 $0x29, v6;
	v62 =	vmul.f32 v13, v13;
	v7 =	vadd.f32 v60, v7  }
0x150: {  	v11 =	vld.idx.msk [tilespmem:v59+s16+$0x0], $0xffff  }
0x151: {  	v17 =	vor.u32 $0x2A, v6;
	v16 =	vmul.f32 v9, v9;
	v7 =	vadd.f32 v62, v7  }
0x152: {  	v12 =	vld.idx.msk [tilespmem:v61+s16+$0x0], $0xffff  }
0x153: {  	v19 =	vor.u32 $0x2B, v6;
	v18 =	vmul.f32 v10, v10;
	v7 =	vadd.f32 v16, v7  }
0x154: {  	v13 =	vld.idx.msk [tilespmem:v63+s16+$0x0], $0xffff  }
0x155: {  	v21 =	vor.u32 $0x2C, v6;
	v20 =	vmul.f32 v11, v11;
	v7 =	vadd.f32 v18, v7  }
0x156: {  	v9 =	vld.idx.msk [tilespmem:v17+s16+$0x0], $0xffff  }
0x157: {  	v23 =	vor.u32 $0x2D, v6;
	v22 =	vmul.f32 v12, v12;
	v7 =	vadd.f32 v20, v7  }
0x158: {  	v10 =	vld.idx.msk [tilespmem:v19+s16+$0x0], $0xffff  }
0x159: {  	v25 =	vor.u32 $0x2E, v6;
	v24 =	vmul.f32 v13, v13;
	v7 =	vadd.f32 v22, v7  }
0x15a: {  	v11 =	vld.idx.msk [tilespmem:v21+s16+$0x0], $0xffff  }
0x15b: {  	v27 =	vor.u32 $0x2F, v6;
	v26 =	vmul.f32 v9, v9;
	v7 =	vadd.f32 v24, v7  }
0x15c: {  	v12 =	vld.idx.msk [tilespmem:v23+s16+$0x0], $0xffff  }
0x15d: {  	v29 =	vor.u32 $0x30, v6;
	v28 =	vmul.f32 v10, v10;
	v7 =	vadd.f32 v26, v7  }
0x15e: {  	v13 =	vld.idx.msk [tilespmem:v25+s16+$0x0], $0xffff  }
0x15f: {  	v31 =	vor.u32 $0x31, v6;
	v30 =	vmul.f32 v11, v11;
	v7 =	vadd.f32 v28, v7  }
0x160: {  	v9 =	vld.idx.msk [tilespmem:v27+s16+$0x0], $0xffff  }
0x161: {  	v33 =	vor.u32 $0x32, v6;
	v32 =	vmul.f32 v12, v12;
	v7 =	vadd.f32 v30, v7  }
0x162: {  	v10 =	vld.idx.msk [tilespmem:v29+s16+$0x0], $0xffff  }
0x163: {  	v35 =	vor.u32 $0x33, v6;
	v34 =	vmul.f32 v13, v13;
	v7 =	vadd.f32 v32, v7  }
0x164: {  	v11 =	vld.idx.msk [tilespmem:v31+s16+$0x0], $0xffff  }
0x165: {  	v37 =	vor.u32 $0x34, v6;
	v36 =	vmul.f32 v9, v9;
	v7 =	vadd.f32 v34, v7  }
0x166: {  	v12 =	vld.idx.msk [tilespmem:v33+s16+$0x0], $0xffff  }
0x167: {  	v39 =	vor.u32 $0x35, v6;
	v38 =	vmul.f32 v10, v10;
	v7 =	vadd.f32 v36, v7  }
0x168: {  	v13 =	vld.idx.msk [tilespmem:v35+s16+$0x0], $0xffff  }
0x169: {  	v41 =	vor.u32 $0x36, v6;
	v40 =	vmul.f32 v11, v11;
	v7 =	vadd.f32 v38, v7  }
0x16a: {  	v9 =	vld.idx.msk [tilespmem:v37+s16+$0x0], $0xffff  }
0x16b: {  	v43 =	vor.u32 $0x37, v6;
	v42 =	vmul.f32 v12, v12;
	v7 =	vadd.f32 v40, v7  }
0x16c: {  	v10 =	vld.idx.msk [tilespmem:v39+s16+$0x0], $0xffff  }
0x16d: {  	v45 =	vor.u32 $0x38, v6;
	v44 =	vmul.f32 v13, v13;
	v7 =	vadd.f32 v42, v7  }
0x16e: {  	v11 =	vld.idx.msk [tilespmem:v41+s16+$0x0], $0xffff  }
0x16f: {  	v47 =	vor.u32 $0x39, v6;
	v46 =	vmul.f32 v9, v9;
	v7 =	vadd.f32 v44, v7  }
0x170: {  	v12 =	vld.idx.msk [tilespmem:v43+s16+$0x0], $0xffff  }
0x171: {  	v49 =	vor.u32 $0x3A, v6;
	v48 =	vmul.f32 v10, v10;
	v7 =	vadd.f32 v46, v7  }
0x172: {  	v13 =	vld.idx.msk [tilespmem:v45+s16+$0x0], $0xffff  }
0x173: {  	v51 =	vor.u32 $0x3B, v6;
	v50 =	vmul.f32 v11, v11;
	v7 =	vadd.f32 v48, v7  }
0x174: {  	v9 =	vld.idx.msk [tilespmem:v47+s16+$0x0], $0xffff  }
0x175: {  	v53 =	vor.u32 $0x3C, v6;
	v52 =	vmul.f32 v12, v12;
	v7 =	vadd.f32 v50, v7  }
0x176: {  	v10 =	vld.idx.msk [tilespmem:v49+s16+$0x0], $0xffff  }
0x177: {  	v55 =	vor.u32 $0x3D, v6;
	v54 =	vmul.f32 v13, v13;
	v7 =	vadd.f32 v52, v7  }
0x178: {  	v11 =	vld.idx.msk [tilespmem:v51+s16+$0x0], $0xffff  }
0x179: {  	v57 =	vor.u32 $0x3E, v6;
	v56 =	vmul.f32 v9, v9;
	v7 =	vadd.f32 v54, v7  }
0x17a: {  	v12 =	vld.idx.msk [tilespmem:v53+s16+$0x0], $0xffff  }
0x17b: {  	v6 =	vor.u32 $0x3F, v6;
	v58 =	vmul.f32 v10, v10;
	v7 =	vadd.f32 v56, v7  }
0x17c: {  	v59 =	vld.idx.msk [tilespmem:v55+s16+$0x0], $0xffff  }
0x17d: {  	v60 =	vmul.f32 v11, v11;
	v7 =	vadd.f32 v58, v7  }
0x17e: {  	v9 =	vld.idx.msk [tilespmem:v57+s16+$0x0], $0xffff  }
0x17f: {  	v61 =	vmul.f32 v12, v12;
	v7 =	vadd.f32 v60, v7  }
0x180: {  	v6 =	vld.idx.msk [tilespmem:v6+s16+$0x0], $0xffff  }
0x181: {  	v62 =	vmul.f32 v59, v59;
	v7 =	vadd.f32 v61, v7;
	_ =	sdelay $0x1  }
0x182: {  	v63 =	vmul.f32 v9, v9;
	v7 =	vadd.f32 v62, v7;
	_ =	sdelay $0x1  }
0x183: {  	v6 =	vmul.f32 v6, v6;
	v7 =	vadd.f32 v63, v7;
	_ =	sdelay $0x1  }
0x184: {  	v6 =	vadd.f32 v6, v7;
	_ =	sdelay $0x1  }
0x185: {  	v6 =	vmul.f32 $5.000000000e-01, v6;
	_ =	sdelay $0x1  }
0x186: {  	v6 =	vadd.f32 v6, v5;
	_ =	sdelay $0x1  }
0x187: {  	[tilespmem:s22+$0x0] =	vst v6  }
0x188: {  	v6 =	vld [tilespmem:s24+$0xFFFFFC00];
	_ =	sdelay $0x1  }
0x189: {  	v7 =	vld [tilespmem:s23+$0xFFFFFC00];
	_ =	sdelay $0x2  }
0x18a: {  	v6 =	vmul.f32 v6, v1;
	_ =	sdelay $0x1  }
0x18b: {  	v6 =	vadd.f32 v6, v7;
	_ =	sdelay $0x1  }
0x18c: {  	[tilespmem:s23+$0xFFFFFC00] =	vst v6  }
0x18d: {  	v6 =	vld [tilespmem:s24+$0xFFFFFC10];
	_ =	sdelay $0x1  }
0x18e: {  	v7 =	vld [tilespmem:s23+$0xFFFFFC10];
	_ =	sdelay $0x2  }
0x18f: {  	v6 =	vmul.f32 v6, v2;
	_ =	sdelay $0x1  }
0x190: {  	v6 =	vadd.f32 v6, v7;
	_ =	sdelay $0x1  }
0x191: {  	[tilespmem:s23+$0xFFFFFC10] =	vst v6  }
0x192: {  	v6 =	vld [tilespmem:s24+$0xFFFFFC20];
	_ =	sdelay $0x1  }
0x193: {  	v7 =	vld [tilespmem:s23+$0xFFFFFC20];
	_ =	sdelay $0x2  }
0x194: {  	v6 =	vmul.f32 v6, v3;
	_ =	sdelay $0x1  }
0x195: {  	v6 =	vadd.f32 v6, v7;
	_ =	sdelay $0x1  }
0x196: {  	[tilespmem:s23+$0xFFFFFC20] =	vst v6  }
0x197: {  	v6 =	vld [tilespmem:s24+$0xFFFFFC30];
	_ =	sdelay $0x1  }
0x198: {  	v7 =	vld [tilespmem:s23+$0xFFFFFC30];
	_ =	sdelay $0x2  }
0x199: {  	v6 =	vmul.f32 v6, v4;
	_ =	sdelay $0x1  }
0x19a: {  	v6 =	vadd.f32 v6, v7;
	_ =	sdelay $0x1  }
0x19b: {  	[tilespmem:s23+$0xFFFFFC30] =	vst v6  }
0x19c: {  	v6 =	vld [tilespmem:s24+$0xFFFFFC80];
	_ =	sdelay $0x1  }
0x19d: {  	v7 =	vld [tilespmem:s23+$0xFFFFFC80];
	_ =	sdelay $0x2  }
0x19e: {  	v6 =	vmul.f32 v6, v1;
	_ =	sdelay $0x1  }
0x19f: {  	v6 =	vadd.f32 v6, v7;
	_ =	sdelay $0x1  }
0x1a0: {  	[tilespmem:s23+$0xFFFFFC80] =	vst v6  }
0x1a1: {  	v6 =	vld [tilespmem:s24+$0xFFFFFC90];
	_ =	sdelay $0x1  }
0x1a2: {  	v7 =	vld [tilespmem:s23+$0xFFFFFC90];
	_ =	sdelay $0x2  }
0x1a3: {  	v6 =	vmul.f32 v6, v2;
	_ =	sdelay $0x1  }
0x1a4: {  	v6 =	vadd.f32 v6, v7;
	_ =	sdelay $0x1  }
0x1a5: {  	[tilespmem:s23+$0xFFFFFC90] =	vst v6  }
0x1a6: {  	v6 =	vld [tilespmem:s24+$0xFFFFFCA0];
	_ =	sdelay $0x1  }
0x1a7: {  	v7 =	vld [tilespmem:s23+$0xFFFFFCA0];
	_ =	sdelay $0x2  }
0x1a8: {  	v6 =	vmul.f32 v6, v3;
	_ =	sdelay $0x1  }
0x1a9: {  	v6 =	vadd.f32 v6, v7;
	_ =	sdelay $0x1  }
0x1aa: {  	[tilespmem:s23+$0xFFFFFCA0] =	vst v6  }
0x1ab: {  	v6 =	vld [tilespmem:s24+$0xFFFFFCB0];
	_ =	sdelay $0x1  }
0x1ac: {  	v7 =	vld [tilespmem:s23+$0xFFFFFCB0];
	_ =	sdelay $0x2  }
0x1ad: {  	v6 =	vmul.f32 v6, v4;
	_ =	sdelay $0x1  }
0x1ae: {  	v6 =	vadd.f32 v6, v7;
	_ =	sdelay $0x1  }
0x1af: {  	[tilespmem:s23+$0xFFFFFCB0] =	vst v6  }
0x1b0: {  	v6 =	vld [tilespmem:s24+$0xFFFFFD00];
	_ =	sdelay $0x1  }
0x1b1: {  	v7 =	vld [tilespmem:s23+$0xFFFFFD00];
	_ =	sdelay $0x2  }
0x1b2: {  	v6 =	vmul.f32 v6, v1;
	_ =	sdelay $0x1  }
0x1b3: {  	v6 =	vadd.f32 v6, v7;
	_ =	sdelay $0x1  }
0x1b4: {  	[tilespmem:s23+$0xFFFFFD00] =	vst v6  }
0x1b5: {  	v6 =	vld [tilespmem:s24+$0xFFFFFD10];
	_ =	sdelay $0x1  }
0x1b6: {  	v7 =	vld [tilespmem:s23+$0xFFFFFD10];
	_ =	sdelay $0x2  }
0x1b7: {  	v6 =	vmul.f32 v6, v2;
	_ =	sdelay $0x1  }
0x1b8: {  	v6 =	vadd.f32 v6, v7;
	_ =	sdelay $0x1  }
0x1b9: {  	[tilespmem:s23+$0xFFFFFD10] =	vst v6  }
0x1ba: {  	v6 =	vld [tilespmem:s24+$0xFFFFFD20];
	_ =	sdelay $0x1  }
0x1bb: {  	v7 =	vld [tilespmem:s23+$0xFFFFFD20];
	_ =	sdelay $0x2  }
0x1bc: {  	v6 =	vmul.f32 v6, v3;
	_ =	sdelay $0x1  }
0x1bd: {  	v6 =	vadd.f32 v6, v7;
	_ =	sdelay $0x1  }
0x1be: {  	[tilespmem:s23+$0xFFFFFD20] =	vst v6  }
0x1bf: {  	v6 =	vld [tilespmem:s24+$0xFFFFFD30];
	_ =	sdelay $0x1  }
0x1c0: {  	v7 =	vld [tilespmem:s23+$0xFFFFFD30];
	_ =	sdelay $0x2  }
0x1c1: {  	v6 =	vmul.f32 v6, v4;
	_ =	sdelay $0x1  }
0x1c2: {  	v6 =	vadd.f32 v6, v7;
	_ =	sdelay $0x1  }
0x1c3: {  	[tilespmem:s23+$0xFFFFFD30] =	vst v6  }
0x1c4: {  	v6 =	vld [tilespmem:s24+$0xFFFFFD80];
	_ =	sdelay $0x1  }
0x1c5: {  	v7 =	vld [tilespmem:s23+$0xFFFFFD80];
	_ =	sdelay $0x2  }
0x1c6: {  	v6 =	vmul.f32 v6, v1;
	_ =	sdelay $0x1  }
0x1c7: {  	v6 =	vadd.f32 v6, v7;
	_ =	sdelay $0x1  }
0x1c8: {  	[tilespmem:s23+$0xFFFFFD80] =	vst v6  }
0x1c9: {  	v6 =	vld [tilespmem:s24+$0xFFFFFD90];
	_ =	sdelay $0x1  }
0x1ca: {  	v7 =	vld [tilespmem:s23+$0xFFFFFD90];
	_ =	sdelay $0x2  }
0x1cb: {  	v6 =	vmul.f32 v6, v2;
	_ =	sdelay $0x1  }
0x1cc: {  	v6 =	vadd.f32 v6, v7;
	_ =	sdelay $0x1  }
0x1cd: {  	[tilespmem:s23+$0xFFFFFD90] =	vst v6  }
0x1ce: {  	v6 =	vld [tilespmem:s24+$0xFFFFFDA0];
	_ =	sdelay $0x1  }
0x1cf: {  	v7 =	vld [tilespmem:s23+$0xFFFFFDA0];
	_ =	sdelay $0x2  }
0x1d0: {  	v6 =	vmul.f32 v6, v3;
	_ =	sdelay $0x1  }
0x1d1: {  	v6 =	vadd.f32 v6, v7;
	_ =	sdelay $0x1  }
0x1d2: {  	[tilespmem:s23+$0xFFFFFDA0] =	vst v6  }
0x1d3: {  	v6 =	vld [tilespmem:s24+$0xFFFFFDB0];
	_ =	sdelay $0x1  }
0x1d4: {  	v7 =	vld [tilespmem:s23+$0xFFFFFDB0];
	_ =	sdelay $0x2  }
0x1d5: {  	v6 =	vmul.f32 v6, v4;
	_ =	sdelay $0x1  }
0x1d6: {  	v6 =	vadd.f32 v6, v7;
	_ =	sdelay $0x1  }
0x1d7: {  	[tilespmem:s23+$0xFFFFFDB0] =	vst v6  }
0x1d8: {  	v6 =	vld [tilespmem:s24+$0xFFFFFE00];
	_ =	sdelay $0x1  }
0x1d9: {  	v7 =	vld [tilespmem:s23+$0xFFFFFE00];
	_ =	sdelay $0x2  }
0x1da: {  	v6 =	vmul.f32 v6, v1;
	_ =	sdelay $0x1  }
0x1db: {  	v6 =	vadd.f32 v6, v7;
	_ =	sdelay $0x1  }
0x1dc: {  	[tilespmem:s23+$0xFFFFFE00] =	vst v6  }
0x1dd: {  	v6 =	vld [tilespmem:s24+$0xFFFFFE10];
	_ =	sdelay $0x1  }
0x1de: {  	v7 =	vld [tilespmem:s23+$0xFFFFFE10];
	_ =	sdelay $0x2  }
0x1df: {  	v6 =	vmul.f32 v6, v2;
	_ =	sdelay $0x1  }
0x1e0: {  	v6 =	vadd.f32 v6, v7;
	_ =	sdelay $0x1  }
0x1e1: {  	[tilespmem:s23+$0xFFFFFE10] =	vst v6  }
0x1e2: {  	v6 =	vld [tilespmem:s24+$0xFFFFFE20];
	_ =	sdelay $0x1  }
0x1e3: {  	v7 =	vld [tilespmem:s23+$0xFFFFFE20];
	_ =	sdelay $0x2  }
0x1e4: {  	v6 =	vmul.f32 v6, v3;
	_ =	sdelay $0x1  }
0x1e5: {  	v6 =	vadd.f32 v6, v7;
	_ =	sdelay $0x1  }
0x1e6: {  	[tilespmem:s23+$0xFFFFFE20] =	vst v6  }
0x1e7: {  	v6 =	vld [tilespmem:s24+$0xFFFFFE30];
	_ =	sdelay $0x1  }
0x1e8: {  	v7 =	vld [tilespmem:s23+$0xFFFFFE30];
	_ =	sdelay $0x2  }
0x1e9: {  	v6 =	vmul.f32 v6, v4;
	_ =	sdelay $0x1  }
0x1ea: {  	v6 =	vadd.f32 v6, v7;
	_ =	sdelay $0x1  }
0x1eb: {  	[tilespmem:s23+$0xFFFFFE30] =	vst v6  }
0x1ec: {  	v6 =	vld [tilespmem:s24+$0xFFFFFE80];
	_ =	sdelay $0x1  }
0x1ed: {  	v7 =	vld [tilespmem:s23+$0xFFFFFE80];
	_ =	sdelay $0x2  }
0x1ee: {  	v6 =	vmul.f32 v6, v1;
	_ =	sdelay $0x1  }
0x1ef: {  	v6 =	vadd.f32 v6, v7;
	_ =	sdelay $0x1  }
0x1f0: {  	[tilespmem:s23+$0xFFFFFE80] =	vst v6  }
0x1f1: {  	v6 =	vld [tilespmem:s24+$0xFFFFFE90];
	_ =	sdelay $0x1  }
0x1f2: {  	v7 =	vld [tilespmem:s23+$0xFFFFFE90];
	_ =	sdelay $0x2  }
0x1f3: {  	v6 =	vmul.f32 v6, v2;
	_ =	sdelay $0x1  }
0x1f4: {  	v6 =	vadd.f32 v6, v7;
	_ =	sdelay $0x1  }
0x1f5: {  	[tilespmem:s23+$0xFFFFFE90] =	vst v6  }
0x1f6: {  	v6 =	vld [tilespmem:s24+$0xFFFFFEA0];
	_ =	sdelay $0x1  }
0x1f7: {  	v7 =	vld [tilespmem:s23+$0xFFFFFEA0];
	_ =	sdelay $0x2  }
0x1f8: {  	v6 =	vmul.f32 v6, v3;
	_ =	sdelay $0x1  }
0x1f9: {  	v6 =	vadd.f32 v6, v7;
	_ =	sdelay $0x1  }
0x1fa: {  	[tilespmem:s23+$0xFFFFFEA0] =	vst v6  }
0x1fb: {  	v6 =	vld [tilespmem:s24+$0xFFFFFEB0];
	_ =	sdelay $0x1  }
0x1fc: {  	v7 =	vld [tilespmem:s23+$0xFFFFFEB0];
	_ =	sdelay $0x2  }
0x1fd: {  	v6 =	vmul.f32 v6, v4;
	_ =	sdelay $0x1  }
0x1fe: {  	v6 =	vadd.f32 v6, v7;
	_ =	sdelay $0x1  }
0x1ff: {  	[tilespmem:s23+$0xFFFFFEB0] =	vst v6  }
0x200: {  	v6 =	vld [tilespmem:s24+$0xFFFFFF00];
	_ =	sdelay $0x1  }
0x201: {  	v7 =	vld [tilespmem:s23+$0xFFFFFF00];
	_ =	sdelay $0x2  }
0x202: {  	v6 =	vmul.f32 v6, v1;
	_ =	sdelay $0x1  }
0x203: {  	v6 =	vadd.f32 v6, v7;
	_ =	sdelay $0x1  }
0x204: {  	[tilespmem:s23+$0xFFFFFF00] =	vst v6  }
0x205: {  	v6 =	vld [tilespmem:s24+$0xFFFFFF10];
	_ =	sdelay $0x1  }
0x206: {  	v7 =	vld [tilespmem:s23+$0xFFFFFF10];
	_ =	sdelay $0x2  }
0x207: {  	v6 =	vmul.f32 v6, v2;
	_ =	sdelay $0x1  }
0x208: {  	v6 =	vadd.f32 v6, v7;
	_ =	sdelay $0x1  }
0x209: {  	[tilespmem:s23+$0xFFFFFF10] =	vst v6  }
0x20a: {  	v6 =	vld [tilespmem:s24+$0xFFFFFF20];
	_ =	sdelay $0x1  }
0x20b: {  	v7 =	vld [tilespmem:s23+$0xFFFFFF20];
	_ =	sdelay $0x2  }
0x20c: {  	v6 =	vmul.f32 v6, v3;
	_ =	sdelay $0x1  }
0x20d: {  	v6 =	vadd.f32 v6, v7;
	_ =	sdelay $0x1  }
0x20e: {  	[tilespmem:s23+$0xFFFFFF20] =	vst v6  }
0x20f: {  	v6 =	vld [tilespmem:s24+$0xFFFFFF30];
	_ =	sdelay $0x1  }
0x210: {  	v7 =	vld [tilespmem:s23+$0xFFFFFF30];
	_ =	sdelay $0x2  }
0x211: {  	v6 =	vmul.f32 v6, v4;
	_ =	sdelay $0x1  }
0x212: {  	v6 =	vadd.f32 v6, v7;
	_ =	sdelay $0x1  }
0x213: {  	[tilespmem:s23+$0xFFFFFF30] =	vst v6  }
0x214: {  	v6 =	vld [tilespmem:s24+$0xFFFFFF80];
	_ =	sdelay $0x1  }
0x215: {  	v7 =	vld [tilespmem:s23+$0xFFFFFF80];
	_ =	sdelay $0x2  }
0x216: {  	v6 =	vmul.f32 v6, v1;
	_ =	sdelay $0x1  }
0x217: {  	v6 =	vadd.f32 v6, v7;
	_ =	sdelay $0x1  }
0x218: {  	[tilespmem:s23+$0xFFFFFF80] =	vst v6  }
0x219: {  	v6 =	vld [tilespmem:s24+$0xFFFFFF90];
	_ =	sdelay $0x1  }
0x21a: {  	v7 =	vld [tilespmem:s23+$0xFFFFFF90];
	_ =	sdelay $0x2  }
0x21b: {  	v6 =	vmul.f32 v6, v2;
	_ =	sdelay $0x1  }
0x21c: {  	v6 =	vadd.f32 v6, v7;
	_ =	sdelay $0x1  }
0x21d: {  	[tilespmem:s23+$0xFFFFFF90] =	vst v6  }
0x21e: {  	v6 =	vld [tilespmem:s24+$0xFFFFFFA0];
	_ =	sdelay $0x1  }
0x21f: {  	v7 =	vld [tilespmem:s23+$0xFFFFFFA0];
	_ =	sdelay $0x2  }
0x220: {  	v6 =	vmul.f32 v6, v3;
	_ =	sdelay $0x1  }
0x221: {  	v6 =	vadd.f32 v6, v7;
	_ =	sdelay $0x1  }
0x222: {  	[tilespmem:s23+$0xFFFFFFA0] =	vst v6  }
0x223: {  	v6 =	vld [tilespmem:s24+$0xFFFFFFB0];
	_ =	sdelay $0x1  }
0x224: {  	v7 =	vld [tilespmem:s23+$0xFFFFFFB0];
	_ =	sdelay $0x2  }
0x225: {  	v6 =	vmul.f32 v6, v4;
	_ =	sdelay $0x1  }
0x226: {  	v6 =	vadd.f32 v6, v7;
	_ =	sdelay $0x1  }
0x227: {  	[tilespmem:s23+$0xFFFFFFB0] =	vst v6  }
0x228: {  	v6 =	vld [tilespmem:s24+$0x0];
	_ =	sdelay $0x1  }
0x229: {  	v7 =	vld [tilespmem:s23+$0x0];
	_ =	sdelay $0x2  }
0x22a: {  	v6 =	vmul.f32 v6, v1;
	_ =	sdelay $0x1  }
0x22b: {  	v6 =	vadd.f32 v6, v7;
	_ =	sdelay $0x1  }
0x22c: {  	[tilespmem:s23+$0x0] =	vst v6  }
0x22d: {  	v6 =	vld [tilespmem:s24+$0x10];
	_ =	sdelay $0x1  }
0x22e: {  	v7 =	vld [tilespmem:s23+$0x10];
	_ =	sdelay $0x2  }
0x22f: {  	v6 =	vmul.f32 v6, v2;
	_ =	sdelay $0x1  }
0x230: {  	v6 =	vadd.f32 v6, v7;
	_ =	sdelay $0x1  }
0x231: {  	[tilespmem:s23+$0x10] =	vst v6  }
0x232: {  	v6 =	vld [tilespmem:s24+$0x20];
	_ =	sdelay $0x1  }
0x233: {  	v7 =	vld [tilespmem:s23+$0x20];
	_ =	sdelay $0x2  }
0x234: {  	v6 =	vmul.f32 v6, v3;
	_ =	sdelay $0x1  }
0x235: {  	v6 =	vadd.f32 v6, v7;
	_ =	sdelay $0x1  }
0x236: {  	[tilespmem:s23+$0x20] =	vst v6  }
0x237: {  	v6 =	vld [tilespmem:s24+$0x30];
	_ =	sdelay $0x1  }
0x238: {  	v7 =	vld [tilespmem:s23+$0x30];
	_ =	sdelay $0x2  }
0x239: {  	v6 =	vmul.f32 v6, v4;
	_ =	sdelay $0x1  }
0x23a: {  	v6 =	vadd.f32 v6, v7;
	_ =	sdelay $0x1  }
0x23b: {  	[tilespmem:s23+$0x30] =	vst v6  }
0x23c: {  	v6 =	vld [tilespmem:s24+$0x80];
	_ =	sdelay $0x1  }
0x23d: {  	v7 =	vld [tilespmem:s23+$0x80];
	_ =	sdelay $0x2  }
0x23e: {  	v6 =	vmul.f32 v6, v1;
	_ =	sdelay $0x1  }
0x23f: {  	v6 =	vadd.f32 v6, v7;
	_ =	sdelay $0x1  }
0x240: {  	[tilespmem:s23+$0x80] =	vst v6  }
0x241: {  	v6 =	vld [tilespmem:s24+$0x90];
	_ =	sdelay $0x1  }
0x242: {  	v7 =	vld [tilespmem:s23+$0x90];
	_ =	sdelay $0x2  }
0x243: {  	v6 =	vmul.f32 v6, v2;
	_ =	sdelay $0x1  }
0x244: {  	v6 =	vadd.f32 v6, v7;
	_ =	sdelay $0x1  }
0x245: {  	[tilespmem:s23+$0x90] =	vst v6  }
0x246: {  	v6 =	vld [tilespmem:s24+$0xA0];
	_ =	sdelay $0x1  }
0x247: {  	v7 =	vld [tilespmem:s23+$0xA0];
	_ =	sdelay $0x2  }
0x248: {  	v6 =	vmul.f32 v6, v3;
	_ =	sdelay $0x1  }
0x249: {  	v6 =	vadd.f32 v6, v7;
	_ =	sdelay $0x1  }
0x24a: {  	[tilespmem:s23+$0xA0] =	vst v6  }
0x24b: {  	v6 =	vld [tilespmem:s24+$0xB0];
	_ =	sdelay $0x1  }
0x24c: {  	v7 =	vld [tilespmem:s23+$0xB0];
	_ =	sdelay $0x2  }
0x24d: {  	v6 =	vmul.f32 v6, v4;
	_ =	sdelay $0x1  }
0x24e: {  	v6 =	vadd.f32 v6, v7;
	_ =	sdelay $0x1  }
0x24f: {  	[tilespmem:s23+$0xB0] =	vst v6  }
0x250: {  	v6 =	vld [tilespmem:s24+$0x100];
	_ =	sdelay $0x1  }
0x251: {  	v7 =	vld [tilespmem:s23+$0x100];
	_ =	sdelay $0x2  }
0x252: {  	v6 =	vmul.f32 v6, v1;
	_ =	sdelay $0x1  }
0x253: {  	v6 =	vadd.f32 v6, v7;
	_ =	sdelay $0x1  }
0x254: {  	[tilespmem:s23+$0x100] =	vst v6  }
0x255: {  	v6 =	vld [tilespmem:s24+$0x110];
	_ =	sdelay $0x1  }
0x256: {  	v7 =	vld [tilespmem:s23+$0x110];
	_ =	sdelay $0x2  }
0x257: {  	v6 =	vmul.f32 v6, v2;
	_ =	sdelay $0x1  }
0x258: {  	v6 =	vadd.f32 v6, v7;
	_ =	sdelay $0x1  }
0x259: {  	[tilespmem:s23+$0x110] =	vst v6  }
0x25a: {  	v6 =	vld [tilespmem:s24+$0x120];
	_ =	sdelay $0x1  }
0x25b: {  	v7 =	vld [tilespmem:s23+$0x120];
	_ =	sdelay $0x2  }
0x25c: {  	v6 =	vmul.f32 v6, v3;
	_ =	sdelay $0x1  }
0x25d: {  	v6 =	vadd.f32 v6, v7;
	_ =	sdelay $0x1  }
0x25e: {  	[tilespmem:s23+$0x120] =	vst v6  }
0x25f: {  	v6 =	vld [tilespmem:s24+$0x130];
	_ =	sdelay $0x1  }
0x260: {  	v7 =	vld [tilespmem:s23+$0x130];
	_ =	sdelay $0x2  }
0x261: {  	v6 =	vmul.f32 v6, v4;
	_ =	sdelay $0x1  }
0x262: {  	v6 =	vadd.f32 v6, v7;
	_ =	sdelay $0x1  }
0x263: {  	[tilespmem:s23+$0x130] =	vst v6  }
0x264: {  	v6 =	vld [tilespmem:s24+$0x180];
	_ =	sdelay $0x1  }
0x265: {  	v7 =	vld [tilespmem:s23+$0x180];
	_ =	sdelay $0x2  }
0x266: {  	v6 =	vmul.f32 v6, v1;
	_ =	sdelay $0x1  }
0x267: {  	v6 =	vadd.f32 v6, v7;
	_ =	sdelay $0x1  }
0x268: {  	[tilespmem:s23+$0x180] =	vst v6  }
0x269: {  	v6 =	vld [tilespmem:s24+$0x190];
	_ =	sdelay $0x1  }
0x26a: {  	v7 =	vld [tilespmem:s23+$0x190];
	_ =	sdelay $0x2  }
0x26b: {  	v6 =	vmul.f32 v6, v2;
	_ =	sdelay $0x1  }
0x26c: {  	v6 =	vadd.f32 v6, v7;
	_ =	sdelay $0x1  }
0x26d: {  	[tilespmem:s23+$0x190] =	vst v6  }
0x26e: {  	v6 =	vld [tilespmem:s24+$0x1A0];
	_ =	sdelay $0x1  }
0x26f: {  	v7 =	vld [tilespmem:s23+$0x1A0];
	_ =	sdelay $0x2  }
0x270: {  	v6 =	vmul.f32 v6, v3;
	_ =	sdelay $0x1  }
0x271: {  	v6 =	vadd.f32 v6, v7;
	_ =	sdelay $0x1  }
0x272: {  	[tilespmem:s23+$0x1A0] =	vst v6  }
0x273: {  	v6 =	vld [tilespmem:s24+$0x1B0];
	_ =	sdelay $0x1  }
0x274: {  	v7 =	vld [tilespmem:s23+$0x1B0];
	_ =	sdelay $0x2  }
0x275: {  	v6 =	vmul.f32 v6, v4;
	_ =	sdelay $0x1  }
0x276: {  	v6 =	vadd.f32 v6, v7;
	_ =	sdelay $0x1  }
0x277: {  	[tilespmem:s23+$0x1B0] =	vst v6  }
0x278: {  	v6 =	vld [tilespmem:s24+$0x200];
	_ =	sdelay $0x1  }
0x279: {  	v7 =	vld [tilespmem:s23+$0x200];
	_ =	sdelay $0x2  }
0x27a: {  	v6 =	vmul.f32 v6, v1;
	_ =	sdelay $0x1  }
0x27b: {  	v6 =	vadd.f32 v6, v7;
	_ =	sdelay $0x1  }
0x27c: {  	[tilespmem:s23+$0x200] =	vst v6  }
0x27d: {  	v6 =	vld [tilespmem:s24+$0x210];
	_ =	sdelay $0x1  }
0x27e: {  	v7 =	vld [tilespmem:s23+$0x210];
	_ =	sdelay $0x2  }
0x27f: {  	v6 =	vmul.f32 v6, v2;
	_ =	sdelay $0x1  }
0x280: {  	v6 =	vadd.f32 v6, v7;
	_ =	sdelay $0x1  }
0x281: {  	[tilespmem:s23+$0x210] =	vst v6  }
0x282: {  	v6 =	vld [tilespmem:s24+$0x220];
	_ =	sdelay $0x1  }
0x283: {  	v7 =	vld [tilespmem:s23+$0x220];
	_ =	sdelay $0x2  }
0x284: {  	v6 =	vmul.f32 v6, v3;
	_ =	sdelay $0x1  }
0x285: {  	v6 =	vadd.f32 v6, v7;
	_ =	sdelay $0x1  }
0x286: {  	[tilespmem:s23+$0x220] =	vst v6  }
0x287: {  	v6 =	vld [tilespmem:s24+$0x230];
	_ =	sdelay $0x1  }
0x288: {  	v7 =	vld [tilespmem:s23+$0x230];
	_ =	sdelay $0x2  }
0x289: {  	v6 =	vmul.f32 v6, v4;
	_ =	sdelay $0x1  }
0x28a: {  	v6 =	vadd.f32 v6, v7;
	_ =	sdelay $0x1  }
0x28b: {  	[tilespmem:s23+$0x230] =	vst v6  }
0x28c: {  	v6 =	vld [tilespmem:s24+$0x280];
	_ =	sdelay $0x1  }
0x28d: {  	v7 =	vld [tilespmem:s23+$0x280];
	_ =	sdelay $0x2  }
0x28e: {  	v6 =	vmul.f32 v6, v1;
	_ =	sdelay $0x1  }
0x28f: {  	v6 =	vadd.f32 v6, v7;
	_ =	sdelay $0x1  }
0x290: {  	[tilespmem:s23+$0x280] =	vst v6  }
0x291: {  	v6 =	vld [tilespmem:s24+$0x290];
	_ =	sdelay $0x1  }
0x292: {  	v7 =	vld [tilespmem:s23+$0x290];
	_ =	sdelay $0x2  }
0x293: {  	v6 =	vmul.f32 v6, v2;
	_ =	sdelay $0x1  }
0x294: {  	v6 =	vadd.f32 v6, v7;
	_ =	sdelay $0x1  }
0x295: {  	[tilespmem:s23+$0x290] =	vst v6  }
0x296: {  	v6 =	vld [tilespmem:s24+$0x2A0];
	_ =	sdelay $0x1  }
0x297: {  	v7 =	vld [tilespmem:s23+$0x2A0];
	_ =	sdelay $0x2  }
0x298: {  	v6 =	vmul.f32 v6, v3;
	_ =	sdelay $0x1  }
0x299: {  	v6 =	vadd.f32 v6, v7;
	_ =	sdelay $0x1  }
0x29a: {  	[tilespmem:s23+$0x2A0] =	vst v6  }
0x29b: {  	v6 =	vld [tilespmem:s24+$0x2B0];
	_ =	sdelay $0x1  }
0x29c: {  	v7 =	vld [tilespmem:s23+$0x2B0];
	_ =	sdelay $0x2  }
0x29d: {  	v6 =	vmul.f32 v6, v4;
	_ =	sdelay $0x1  }
0x29e: {  	v6 =	vadd.f32 v6, v7;
	_ =	sdelay $0x1  }
0x29f: {  	[tilespmem:s23+$0x2B0] =	vst v6  }
0x2a0: {  	v6 =	vld [tilespmem:s24+$0x300];
	_ =	sdelay $0x1  }
0x2a1: {  	v7 =	vld [tilespmem:s23+$0x300];
	_ =	sdelay $0x2  }
0x2a2: {  	v6 =	vmul.f32 v6, v1;
	_ =	sdelay $0x1  }
0x2a3: {  	v6 =	vadd.f32 v6, v7;
	_ =	sdelay $0x1  }
0x2a4: {  	[tilespmem:s23+$0x300] =	vst v6  }
0x2a5: {  	v6 =	vld [tilespmem:s24+$0x310];
	_ =	sdelay $0x1  }
0x2a6: {  	v7 =	vld [tilespmem:s23+$0x310];
	_ =	sdelay $0x2  }
0x2a7: {  	v6 =	vmul.f32 v6, v2;
	_ =	sdelay $0x1  }
0x2a8: {  	v6 =	vadd.f32 v6, v7;
	_ =	sdelay $0x1  }
0x2a9: {  	[tilespmem:s23+$0x310] =	vst v6  }
0x2aa: {  	v6 =	vld [tilespmem:s24+$0x320];
	_ =	sdelay $0x1  }
0x2ab: {  	v7 =	vld [tilespmem:s23+$0x320];
	_ =	sdelay $0x2  }
0x2ac: {  	v6 =	vmul.f32 v6, v3;
	_ =	sdelay $0x1  }
0x2ad: {  	v6 =	vadd.f32 v6, v7;
	_ =	sdelay $0x1  }
0x2ae: {  	[tilespmem:s23+$0x320] =	vst v6  }
0x2af: {  	v6 =	vld [tilespmem:s24+$0x330];
	_ =	sdelay $0x1  }
0x2b0: {  	v7 =	vld [tilespmem:s23+$0x330];
	_ =	sdelay $0x2  }
0x2b1: {  	v6 =	vmul.f32 v6, v4;
	_ =	sdelay $0x1  }
0x2b2: {  	v6 =	vadd.f32 v6, v7;
	_ =	sdelay $0x1  }
0x2b3: {  	[tilespmem:s23+$0x330] =	vst v6  }
0x2b4: {  	v6 =	vld [tilespmem:s24+$0x380];
	_ =	sdelay $0x1  }
0x2b5: {  	v7 =	vld [tilespmem:s23+$0x380];
	_ =	sdelay $0x2  }
0x2b6: {  	v6 =	vmul.f32 v6, v1;
	_ =	sdelay $0x1  }
0x2b7: {  	v6 =	vadd.f32 v6, v7;
	_ =	sdelay $0x1  }
0x2b8: {  	[tilespmem:s23+$0x380] =	vst v6  }
0x2b9: {  	v6 =	vld [tilespmem:s24+$0x390];
	_ =	sdelay $0x1  }
0x2ba: {  	v7 =	vld [tilespmem:s23+$0x390];
	_ =	sdelay $0x2  }
0x2bb: {  	v6 =	vmul.f32 v6, v2;
	_ =	sdelay $0x1  }
0x2bc: {  	v6 =	vadd.f32 v6, v7;
	_ =	sdelay $0x1  }
0x2bd: {  	[tilespmem:s23+$0x390] =	vst v6  }
0x2be: {  	v6 =	vld [tilespmem:s24+$0x3A0];
	_ =	sdelay $0x1  }
0x2bf: {  	v7 =	vld [tilespmem:s23+$0x3A0];
	_ =	sdelay $0x2  }
0x2c0: {  	v6 =	vmul.f32 v6, v3;
	_ =	sdelay $0x1  }
0x2c1: {  	v6 =	vadd.f32 v6, v7;
	_ =	sdelay $0x1  }
0x2c2: {  	[tilespmem:s23+$0x3A0] =	vst v6  }
0x2c3: {  	v6 =	vld [tilespmem:s24+$0x3B0];
	_ =	sdelay $0x1  }
0x2c4: {  	v7 =	vld [tilespmem:s23+$0x3B0];
	_ =	sdelay $0x1  }
0x2c5: {  	p0 =	sne.s32 s21, $0xF0  }
.Ltmp1:
0x2c6: {  	v6 =	vmul.f32 v6, v4;
	(pc) =	sbr.rel @p0 .LBB2_4-.Ltmp1, $4  }
0x2c7: {  	_ = 	snop  }
0x2c8: {  	v6 =	vadd.f32 v6, v7  }
0x2c9: {  	s21 =	sadd.s32 $0x10, s21  }
0x2ca: {  	s22 =	sadd.s32 $0x10, s22;
	s24 =	sadd.s32 $0x800, s24;
	[tilespmem:s23+$0x3B0] =	vst v6;
	s23 =	sadd.s32 $0x800, s23  }
0x2cb: {  	s0 =	simm.s32 $0x0;
	s1 =	rddreg [dreg:$0x7]  }
0x2cc: {  	[hbm4b:s1+s0] =	stream.linear.scatter [tilespmem:s16], [sflag:$0x2], $0x8000, $0x38;
	[tilespmem:$0x10A80] =	vst v63  }
0x2cd: {  	_ =	swait.ge [sflag:s12], $0x8000  }
0x2ce: {  	[sflag:s12] =	ssyncset.done $0x0  }
0x2cf: {  	s22 =	simm.s32 $0x410;
	[sflag:s12] =	ssyncadd.s32 $0xFFFF8000  }
0x2d0: {  	v6 =	vld [tilespmem:s22+$0xFFFFFFF0];
	_ =	sdelay $0x4  }
0x2d1: {  	v6 =	vshll.u32 v6, $0x4  }
0x2d2: {  	(v2sf) =	vpush v6, $0x0  }
0x2d3: {  	(v2sf) =	vpush v6, $0x1  }
0x2d4: {  	(v2sf) =	vpush v6, $0x2;
	_ =	sdelay $0x1  }
0x2d5: {  	(v2sf) =	vpush v6, $0x3  }
0x2d6: {  	(v2sf) =	vpush v6, $0x4;
	_ =	sdelay $0x1  }
0x2d7: {  	(v2sf) =	vpush v6, $0x5;
	_ =	sdelay $0x1  }
0x2d8: {  	s23 =	simm.s32 $0x4000;
	s21 =	simm.s32 $0x0;
	(v2sf) =	vpush v6, $0x6  }
.LBB2_6:
0x2d9: {  	p0 =	sne.s32 s23, $0x1C000  }
0x2da: {  	s5 =	sadd.s32 $0x880, s21;
	s6 =	sadd.s32 $0x900, s21;
	(v2sf) =	vpush v6, $0x7;
	s24 =	smov.u32 s23  }
0x2db: {  	s23 =	sadd.s32 $0x4000, s23;
	s1 =	sadd.s32 $0xA80, s21;
	s26 =	sadd.s32 $0xD00, s21  }
0x2dc: {  	s2 =	sadd.s32 $0xB00, s21;
	s0 =	sadd.s32 $0xB80, s21;
	s31 =	sadd.s32 $0xC00, s21;
	(v2sf) =	vpush v6, $0x8  }
0x2dd: {  	s7 =	sadd.s32 $0x800, s21;
	s30 =	sadd.s32 $0xC80, s21;
	s25 =	sadd.s32 $0xE00, s21  }
0x2de: {  	s8 =	sadd.s32 $0x980, s21;
	s29 =	sadd.s32 $0xD80, s21;
	s13 =	spop (v2sf);
	(v2sf) =	vpush v6, $0x9  }
0x2df: {  	s14 =	sadd.s32 $0xA00, s21;
	s13 =	sand.u32 $0x1FFFFFF0, s13;
	s17 =	spop (v2sf)  }
0x2e0: {  	s28 =	sadd.s32 $0xE80, s21;
	s13 =	sadd.s32 s4, s13;
	s18 =	spop (v2sf);
	(v2sf) =	vpush v6, $0xA  }
0x2e1: {  	[tilespmem:s7], [sflag:$0x1] =	stream.linear.gather [hbm4b:s13+s3], $0x80, $0x38;
	[tilespmem:$0x10A80] =	vst v63  }
0x2e2: {  	s7 =	sand.u32 $0x1FFFFFF0, s17;
	s13 =	sand.u32 $0x1FFFFFF0, s18;
	s17 =	spop (v2sf);
	(v2sf) =	vpush v6, $0xB  }
0x2e3: {  	s7 =	sadd.s32 s4, s7;
	s17 =	sand.u32 $0x1FFFFFF0, s17;
	s18 =	spop (v2sf)  }
0x2e4: {  	[tilespmem:s5], [sflag:$0x1] =	stream.linear.gather [hbm4b:s7+s3], $0x80, $0x38;
	(v2sf) =	vpush v6, $0xC;
	[tilespmem:$0x10A80] =	vst v63  }
0x2e5: {  	s5 =	sadd.s32 s4, s13;
	s7 =	sand.u32 $0x1FFFFFF0, s18;
	s13 =	spop (v2sf)  }
0x2e6: {  	[tilespmem:s6], [sflag:$0x1] =	stream.linear.gather [hbm4b:s5+s3], $0x80, $0x38;
	(v2sf) =	vpush v6, $0xD;
	[tilespmem:$0x10A80] =	vst v63  }
0x2e7: {  	s5 =	sadd.s32 s4, s17;
	s6 =	sand.u32 $0x1FFFFFF0, s13;
	s13 =	spop (v2sf)  }
0x2e8: {  	[tilespmem:s8], [sflag:$0x1] =	stream.linear.gather [hbm4b:s5+s3], $0x80, $0x38;
	(v2sf) =	vpush v6, $0xE;
	[tilespmem:$0x10A80] =	vst v63  }
0x2e9: {  	s5 =	sadd.s32 s4, s7;
	s7 =	sand.u32 $0x1FFFFFF0, s13;
	s8 =	spop (v2sf)  }
0x2ea: {  	[tilespmem:s14], [sflag:$0x1] =	stream.linear.gather [hbm4b:s5+s3], $0x80, $0x38;
	(v2sf) =	vpush v6, $0xF;
	[tilespmem:$0x10A80] =	vst v63  }
0x2eb: {  	s5 =	sadd.s32 s4, s6;
	s6 =	sand.u32 $0x1FFFFFF0, s8;
	s8 =	spop (v2sf)  }
0x2ec: {  	[tilespmem:s1], [sflag:$0x1] =	stream.linear.gather [hbm4b:s5+s3], $0x80, $0x38;
	[tilespmem:$0x10A80] =	vst v63  }
0x2ed: {  	s1 =	sadd.s32 s4, s7;
	s5 =	sand.u32 $0x1FFFFFF0, s8;
	s7 =	spop (v2sf)  }
0x2ee: {  	[tilespmem:s2], [sflag:$0x1] =	stream.linear.gather [hbm4b:s1+s3], $0x80, $0x38;
	[tilespmem:$0x10A80] =	vst v63  }
0x2ef: {  	s1 =	sadd.s32 s4, s6;
	s2 =	sand.u32 $0x1FFFFFF0, s7;
	s6 =	spop (v2sf)  }
0x2f0: {  	[tilespmem:s0], [sflag:$0x1] =	stream.linear.gather [hbm4b:s1+s3], $0x80, $0x38;
	[tilespmem:$0x10A80] =	vst v63  }
0x2f1: {  	s0 =	sadd.s32 s4, s5;
	s1 =	sand.u32 $0x1FFFFFF0, s6;
	s5 =	spop (v2sf)  }
0x2f2: {  	[tilespmem:s31], [sflag:$0x1] =	stream.linear.gather [hbm4b:s0+s3], $0x80, $0x38;
	[tilespmem:$0x10A80] =	vst v63  }
0x2f3: {  	s0 =	sadd.s32 s4, s2;
	s2 =	sand.u32 $0x1FFFFFF0, s5;
	s5 =	spop (v2sf)  }
0x2f4: {  	[tilespmem:s30], [sflag:$0x1] =	stream.linear.gather [hbm4b:s0+s3], $0x80, $0x38;
	[tilespmem:$0x10A80] =	vst v63  }
0x2f5: {  	s0 =	sadd.s32 s4, s1;
	s1 =	sand.u32 $0x1FFFFFF0, s5;
	s5 =	spop (v2sf)  }
0x2f6: {  	[tilespmem:s26], [sflag:$0x1] =	stream.linear.gather [hbm4b:s0+s3], $0x80, $0x38;
	[tilespmem:$0x10A80] =	vst v63  }
0x2f7: {  	s0 =	sadd.s32 s4, s2;
	s2 =	sand.u32 $0x1FFFFFF0, s5;
	s5 =	spop (v2sf)  }
0x2f8: {  	[tilespmem:s29], [sflag:$0x1] =	stream.linear.gather [hbm4b:s0+s3], $0x80, $0x38;
	[tilespmem:$0x10A80] =	vst v63  }
0x2f9: {  	s0 =	sadd.s32 s4, s1;
	s1 =	sand.u32 $0x1FFFFFF0, s5;
	s5 =	spop (v2sf)  }
0x2fa: {  	[tilespmem:s25], [sflag:$0x1] =	stream.linear.gather [hbm4b:s0+s3], $0x80, $0x38;
	[tilespmem:$0x10A80] =	vst v63  }
0x2fb: {  	s0 =	sadd.s32 s4, s2;
	s2 =	sadd.s32 $0xF00, s21  }
0x2fc: {  	[tilespmem:s28], [sflag:$0x1] =	stream.linear.gather [hbm4b:s0+s3], $0x80, $0x38;
	[tilespmem:$0x10A80] =	vst v63  }
0x2fd: {  	s5 =	sand.u32 $0x1FFFFFF0, s5;
	s0 =	sadd.s32 s4, s1;
	s1 =	sadd.s32 $0xF80, s21  }
0x2fe: {  	[tilespmem:s2], [sflag:$0x1] =	stream.linear.gather [hbm4b:s0+s3], $0x80, $0x38;
	[tilespmem:$0x10A80] =	vst v63  }
0x2ff: {  	s0 =	sadd.s32 s4, s5  }
0x300: {  	[tilespmem:s1], [sflag:$0x1] =	stream.linear.gather [hbm4b:s0+s3], $0x80, $0x38;
	[tilespmem:$0x10A80] =	vst v63  }
0x301: {  	v6 =	vld [tilespmem:s22+$0x0];
	_ =	sdelay $0x4  }
0x302: {  	v6 =	vshll.u32 v6, $0x4  }
0x303: {  	(v2sf) =	vpush v6, $0x0  }
0x304: {  	(v2sf) =	vpush v6, $0x1  }
0x305: {  	(v2sf) =	vpush v6, $0x2;
	_ =	sdelay $0x1  }
0x306: {  	(v2sf) =	vpush v6, $0x3;
	_ =	sdelay $0x1  }
0x307: {  	(v2sf) =	vpush v6, $0x4;
	_ =	sdelay $0x1  }
0x308: {  	(v2sf) =	vpush v6, $0x5;
	_ =	sdelay $0x1  }
0x309: {  	s22 =	sadd.s32 $0x80, s22;
	(v2sf) =	vpush v6, $0x6  }
0x30a: {  	s26 =	sadd.s32 $0x1680, s21;
	s25 =	sadd.s32 $0x1780, s21;
	s28 =	sadd.s32 $0x1600, s21  }
0x30b: {  	s31 =	sadd.s32 $0x1480, s21;
	s30 =	sadd.s32 $0x1500, s21;
	s29 =	sadd.s32 $0x1580, s21;
	(v2sf) =	vpush v6, $0x7  }
0x30c: {  	s2 =	sadd.s32 $0x1380, s21;
	s1 =	sadd.s32 $0x1300, s21;
	s0 =	sadd.s32 $0x1400, s21  }
0x30d: {  	s7 =	sadd.s32 $0x1280, s21;
	s6 =	sadd.s32 $0x1200, s21;
	s5 =	sadd.s32 $0x1180, s21;
	(v2sf) =	vpush v6, $0x8  }
0x30e: {  	s13 =	sadd.s32 $0x1100, s21;
	s8 =	sadd.s32 $0x1080, s21;
	s14 =	spop (v2sf)  }
0x30f: {  	s17 =	sadd.s32 $0x1000, s21;
	s14 =	sand.u32 $0x1FFFFFF0, s14;
	s18 =	spop (v2sf);
	(v2sf) =	vpush v6, $0x9  }
0x310: {  	s14 =	sadd.s32 s4, s14;
	s18 =	sand.u32 $0x1FFFFFF0, s18;
	s19 =	spop (v2sf)  }
0x311: {  	[tilespmem:s17], [sflag:$0x1] =	stream.linear.gather [hbm4b:s14+s3], $0x80, $0x38;
	(v2sf) =	vpush v6, $0xA;
	[tilespmem:$0x10A80] =	vst v63  }
0x312: {  	s14 =	sadd.s32 s4, s18;
	s17 =	sand.u32 $0x1FFFFFF0, s19;
	s18 =	spop (v2sf)  }
0x313: {  	[tilespmem:s8], [sflag:$0x1] =	stream.linear.gather [hbm4b:s14+s3], $0x80, $0x38;
	(v2sf) =	vpush v6, $0xB;
	[tilespmem:$0x10A80] =	vst v63  }
0x314: {  	s8 =	sadd.s32 s4, s17;
	s14 =	sand.u32 $0x1FFFFFF0, s18;
	s17 =	spop (v2sf)  }
0x315: {  	[tilespmem:s13], [sflag:$0x1] =	stream.linear.gather [hbm4b:s8+s3], $0x80, $0x38;
	(v2sf) =	vpush v6, $0xC;
	[tilespmem:$0x10A80] =	vst v63  }
0x316: {  	s8 =	sadd.s32 s4, s14;
	s13 =	sand.u32 $0x1FFFFFF0, s17;
	s14 =	spop (v2sf)  }
0x317: {  	[tilespmem:s5], [sflag:$0x1] =	stream.linear.gather [hbm4b:s8+s3], $0x80, $0x38;
	(v2sf) =	vpush v6, $0xD;
	[tilespmem:$0x10A80] =	vst v63  }
0x318: {  	s5 =	sadd.s32 s4, s13;
	s8 =	sand.u32 $0x1FFFFFF0, s14;
	s13 =	spop (v2sf)  }
0x319: {  	[tilespmem:s6], [sflag:$0x1] =	stream.linear.gather [hbm4b:s5+s3], $0x80, $0x38;
	(v2sf) =	vpush v6, $0xE;
	[tilespmem:$0x10A80] =	vst v63  }
0x31a: {  	s5 =	sadd.s32 s4, s8;
	s6 =	sand.u32 $0x1FFFFFF0, s13;
	s8 =	spop (v2sf)  }
0x31b: {  	[tilespmem:s7], [sflag:$0x1] =	stream.linear.gather [hbm4b:s5+s3], $0x80, $0x38;
	(v2sf) =	vpush v6, $0xF;
	[tilespmem:$0x10A80] =	vst v63  }
0x31c: {  	s5 =	sadd.s32 s4, s6;
	s6 =	sand.u32 $0x1FFFFFF0, s8;
	s7 =	spop (v2sf)  }
0x31d: {  	[tilespmem:s1], [sflag:$0x1] =	stream.linear.gather [hbm4b:s5+s3], $0x80, $0x38;
	[tilespmem:$0x10A80] =	vst v63  }
0x31e: {  	s1 =	sadd.s32 s4, s6;
	s5 =	sand.u32 $0x1FFFFFF0, s7;
	s6 =	spop (v2sf)  }
0x31f: {  	[tilespmem:s2], [sflag:$0x1] =	stream.linear.gather [hbm4b:s1+s3], $0x80, $0x38;
	[tilespmem:$0x10A80] =	vst v63  }
0x320: {  	s1 =	sadd.s32 s4, s5;
	s2 =	sand.u32 $0x1FFFFFF0, s6;
	s5 =	spop (v2sf)  }
0x321: {  	[tilespmem:s0], [sflag:$0x1] =	stream.linear.gather [hbm4b:s1+s3], $0x80, $0x38;
	[tilespmem:$0x10A80] =	vst v63  }
0x322: {  	s0 =	sadd.s32 s4, s2;
	s1 =	sand.u32 $0x1FFFFFF0, s5;
	s2 =	spop (v2sf)  }
0x323: {  	[tilespmem:s31], [sflag:$0x1] =	stream.linear.gather [hbm4b:s0+s3], $0x80, $0x38;
	[tilespmem:$0x10A80] =	vst v63  }
0x324: {  	s0 =	sadd.s32 s4, s1;
	s1 =	sand.u32 $0x1FFFFFF0, s2;
	s2 =	spop (v2sf)  }
0x325: {  	[tilespmem:s30], [sflag:$0x1] =	stream.linear.gather [hbm4b:s0+s3], $0x80, $0x38;
	[tilespmem:$0x10A80] =	vst v63  }
0x326: {  	s0 =	sadd.s32 s4, s1;
	s1 =	sand.u32 $0x1FFFFFF0, s2;
	s2 =	spop (v2sf)  }
0x327: {  	[tilespmem:s29], [sflag:$0x1] =	stream.linear.gather [hbm4b:s0+s3], $0x80, $0x38;
	[tilespmem:$0x10A80] =	vst v63  }
0x328: {  	s0 =	sadd.s32 s4, s1;
	s1 =	sand.u32 $0x1FFFFFF0, s2;
	s2 =	spop (v2sf)  }
0x329: {  	[tilespmem:s28], [sflag:$0x1] =	stream.linear.gather [hbm4b:s0+s3], $0x80, $0x38;
	[tilespmem:$0x10A80] =	vst v63  }
0x32a: {  	s0 =	sadd.s32 s4, s1;
	s1 =	sand.u32 $0x1FFFFFF0, s2;
	s2 =	spop (v2sf)  }
0x32b: {  	[tilespmem:s26], [sflag:$0x1] =	stream.linear.gather [hbm4b:s0+s3], $0x80, $0x38;
	[tilespmem:$0x10A80] =	vst v63  }
0x32c: {  	s1 =	sadd.s32 s4, s1;
	s0 =	sadd.s32 $0x1700, s21;
	s2 =	sand.u32 $0x1FFFFFF0, s2  }
0x32d: {  	[tilespmem:s0], [sflag:$0x1] =	stream.linear.gather [hbm4b:s1+s3], $0x80, $0x38;
	[tilespmem:$0x10A80] =	vst v63  }
0x32e: {  	s0 =	sadd.s32 s4, s2  }
0x32f: {  	[tilespmem:s25], [sflag:$0x1] =	stream.linear.gather [hbm4b:s0+s3], $0x80, $0x38;
	[tilespmem:$0x10A80] =	vst v63  }
0x330: {  	v6 =	vld [tilespmem:s22+$0xFFFFFFF0];
	_ =	sdelay $0x4  }
0x331: {  	v6 =	vshll.u32 v6, $0x4  }
0x332: {  	(v2sf) =	vpush v6, $0x0  }
0x333: {  	(v2sf) =	vpush v6, $0x1  }
0x334: {  	(v2sf) =	vpush v6, $0x2;
	_ =	sdelay $0x1  }
0x335: {  	(v2sf) =	vpush v6, $0x3  }
0x336: {  	(v2sf) =	vpush v6, $0x4  }
.Ltmp2:
0x337: {  	(pc) =	sbr.rel @p0 .LBB2_6-.Ltmp2, $3  }
0x338: {  	(v2sf) =	vpush v6, $0x5;
	_ =	sdelay $0x1  }
0x339: {  	(v2sf) =	vpush v6, $0x6  }
0x33a: {  	s21 =	sshra.s32 s24, $0x2  }
0x33b: {  	_ = 	snop  }
0x33c: {  	s2 =	sadd.s32 $0x880, s21;
	s5 =	sadd.s32 $0x900, s21  }
0x33d: {  	(v2sf) =	vpush v6, $0x7;
	s6 =	sadd.s32 $0xA80, s21;
	s1 =	sadd.s32 $0xD00, s21;
	s7 =	sadd.s32 $0xB00, s21  }
0x33e: {  	s8 =	sadd.s32 $0xB80, s21;
	s13 =	sadd.s32 $0xC00, s21;
	s14 =	sadd.s32 $0x800, s21  }
0x33f: {  	s17 =	sadd.s32 $0xC80, s21;
	s0 =	sadd.s32 $0xE00, s21;
	(v2sf) =	vpush v6, $0x8;
	s18 =	spop (v2sf)  }
0x340: {  	s19 =	sadd.s32 $0x980, s21;
	s23 =	sadd.s32 $0xD80, s21;
	s18 =	sand.u32 $0x1FFFFFF0, s18  }
0x341: {  	s24 =	sadd.s32 $0xA00, s21;
	(v2sf) =	vpush v6, $0x9;
	s25 =	spop (v2sf);
	s18 =	sadd.s32 s4, s18  }
0x342: {  	[tilespmem:s14], [sflag:$0x1] =	stream.linear.gather [hbm4b:s18+s3], $0x80, $0x38;
	[tilespmem:$0x10A80] =	vst v63  }
0x343: {  	s29 =	spop (v2sf);
	(v2sf) =	vpush v6, $0xA;
	s25 =	sand.u32 $0x1FFFFFF0, s25;
	s14 =	sadd.s32 $0xE80, s21  }
0x344: {  	s18 =	sand.u32 $0x1FFFFFF0, s29;
	s25 =	sadd.s32 s4, s25;
	s26 =	spop (v2sf)  }
0x345: {  	(v2sf) =	vpush v6, $0xB;
	[tilespmem:s2], [sflag:$0x1] =	stream.linear.gather [hbm4b:s25+s3], $0x80, $0x38;
	[tilespmem:$0x10A80] =	vst v63  }
0x346: {  	s18 =	sadd.s32 s4, s18;
	s30 =	sand.u32 $0x1FFFFFF0, s26;
	s31 =	spop (v2sf)  }
0x347: {  	(v2sf) =	vpush v6, $0xC;
	[tilespmem:s5], [sflag:$0x1] =	stream.linear.gather [hbm4b:s18+s3], $0x80, $0x38;
	[tilespmem:$0x10A80] =	vst v63  }
0x348: {  	s25 =	sand.u32 $0x1FFFFFF0, s31;
	s2 =	sadd.s32 s4, s30;
	s26 =	spop (v2sf)  }
0x349: {  	(v2sf) =	vpush v6, $0xD;
	[tilespmem:s19], [sflag:$0x1] =	stream.linear.gather [hbm4b:s2+s3], $0x80, $0x38;
	[tilespmem:$0x10A80] =	vst v63  }
0x34a: {  	s5 =	sadd.s32 s4, s25;
	s28 =	sand.u32 $0x1FFFFFF0, s26;
	s29 =	spop (v2sf)  }
0x34b: {  	(v2sf) =	vpush v6, $0xE;
	[tilespmem:s24], [sflag:$0x1] =	stream.linear.gather [hbm4b:s5+s3], $0x80, $0x38;
	[tilespmem:$0x10A80] =	vst v63  }
0x34c: {  	s2 =	sadd.s32 s4, s28;
	s30 =	sand.u32 $0x1FFFFFF0, s29;
	s31 =	spop (v2sf)  }
0x34d: {  	(v2sf) =	vpush v6, $0xF;
	[tilespmem:s6], [sflag:$0x1] =	stream.linear.gather [hbm4b:s2+s3], $0x80, $0x38;
	[tilespmem:$0x10A80] =	vst v63  }
0x34e: {  	s5 =	sadd.s32 s4, s30;
	s19 =	sand.u32 $0x1FFFFFF0, s31;
	s24 =	spop (v2sf)  }
0x34f: {  	[tilespmem:s7], [sflag:$0x1] =	stream.linear.gather [hbm4b:s5+s3], $0x80, $0x38;
	[tilespmem:$0x10A80] =	vst v63  }
0x350: {  	s25 =	sand.u32 $0x1FFFFFF0, s24;
	s2 =	sadd.s32 s4, s19;
	s26 =	spop (v2sf)  }
0x351: {  	[tilespmem:s8], [sflag:$0x1] =	stream.linear.gather [hbm4b:s2+s3], $0x80, $0x38;
	[tilespmem:$0x10A80] =	vst v63  }
0x352: {  	s5 =	sadd.s32 s4, s25;
	s28 =	sand.u32 $0x1FFFFFF0, s26;
	s29 =	spop (v2sf)  }
0x353: {  	[tilespmem:s13], [sflag:$0x1] =	stream.linear.gather [hbm4b:s5+s3], $0x80, $0x38;
	[tilespmem:$0x10A80] =	vst v63  }
0x354: {  	s2 =	sadd.s32 s4, s28;
	s30 =	sand.u32 $0x1FFFFFF0, s29;
	s31 =	spop (v2sf)  }
0x355: {  	[tilespmem:s17], [sflag:$0x1] =	stream.linear.gather [hbm4b:s2+s3], $0x80, $0x38;
	[tilespmem:$0x10A80] =	vst v63  }
0x356: {  	s5 =	sadd.s32 s4, s30;
	s7 =	sand.u32 $0x1FFFFFF0, s31;
	s8 =	spop (v2sf)  }
0x357: {  	[tilespmem:s1], [sflag:$0x1] =	stream.linear.gather [hbm4b:s5+s3], $0x80, $0x38;
	[tilespmem:$0x10A80] =	vst v63  }
0x358: {  	s13 =	sand.u32 $0x1FFFFFF0, s8;
	s2 =	sadd.s32 s4, s7;
	s17 =	spop (v2sf)  }
0x359: {  	[tilespmem:s23], [sflag:$0x1] =	stream.linear.gather [hbm4b:s2+s3], $0x80, $0x38;
	[tilespmem:$0x10A80] =	vst v63  }
0x35a: {  	s18 =	sand.u32 $0x1FFFFFF0, s17;
	s19 =	spop (v2sf);
	s1 =	sadd.s32 s4, s13  }
0x35b: {  	[tilespmem:s0], [sflag:$0x1] =	stream.linear.gather [hbm4b:s1+s3], $0x80, $0x38;
	[tilespmem:$0x10A80] =	vst v63  }
0x35c: {  	s23 =	sand.u32 $0x1FFFFFF0, s19;
	s2 =	sadd.s32 s4, s18;
	s24 =	spop (v2sf)  }
0x35d: {  	[tilespmem:s14], [sflag:$0x1] =	stream.linear.gather [hbm4b:s2+s3], $0x80, $0x38;
	[tilespmem:$0x10A80] =	vst v63  }
0x35e: {  	s25 =	sadd.s32 $0xF00, s21;
	s0 =	sadd.s32 s4, s23;
	s1 =	sand.u32 $0x1FFFFFF0, s24  }
0x35f: {  	[tilespmem:s25], [sflag:$0x1] =	stream.linear.gather [hbm4b:s0+s3], $0x80, $0x38;
	[tilespmem:$0x10A80] =	vst v63  }
0x360: {  	s26 =	sadd.s32 $0xF80, s21;
	s1 =	sadd.s32 s4, s1  }
0x361: {  	[tilespmem:s26], [sflag:$0x1] =	stream.linear.gather [hbm4b:s1+s3], $0x80, $0x38;
	[tilespmem:$0x10A80] =	vst v63  }
0x362: {  	v6 =	vld [tilespmem:s22+$0x0];
	_ =	sdelay $0x4  }
0x363: {  	v6 =	vshll.u32 v6, $0x4  }
0x364: {  	(v2sf) =	vpush v6, $0x0  }
0x365: {  	(v2sf) =	vpush v6, $0x1  }
0x366: {  	(v2sf) =	vpush v6, $0x2;
	_ =	sdelay $0x1  }
0x367: {  	(v2sf) =	vpush v6, $0x3;
	_ =	sdelay $0x1  }
0x368: {  	(v2sf) =	vpush v6, $0x4;
	_ =	sdelay $0x1  }
0x369: {  	(v2sf) =	vpush v6, $0x5;
	_ =	sdelay $0x1  }
0x36a: {  	(v2sf) =	vpush v6, $0x6  }
0x36b: {  	s6 =	sadd.s32 $0x1380, s21;
	s29 =	sadd.s32 $0x1000, s21  }
0x36c: {  	s7 =	sadd.s32 $0x1400, s21;
	s8 =	sadd.s32 $0x1180, s21;
	s5 =	sadd.s32 $0x1300, s21;
	(v2sf) =	vpush v6, $0x7  }
0x36d: {  	s13 =	sadd.s32 $0x1200, s21;
	s17 =	sadd.s32 $0x1080, s21;
	s18 =	sadd.s32 $0x1100, s21  }
0x36e: {  	s23 =	sadd.s32 $0x1600, s21;
	s2 =	sadd.s32 $0x1500, s21;
	s14 =	sadd.s32 $0x1280, s21;
	(v2sf) =	vpush v6, $0x8  }
0x36f: {  	s0 =	sadd.s32 $0x1580, s21;
	s1 =	sadd.s32 $0x1480, s21;
	s28 =	spop (v2sf)  }
0x370: {  	s22 =	sadd.s32 $0x1680, s21;
	(v2sf) =	vpush v6, $0x9;
	s19 =	sand.u32 $0x1FFFFFF0, s28;
	s30 =	spop (v2sf)  }
0x371: {  	s19 =	sadd.s32 s4, s19;
	s25 =	sand.u32 $0x1FFFFFF0, s30;
	s31 =	spop (v2sf)  }
0x372: {  	(v2sf) =	vpush v6, $0xA;
	[tilespmem:s29], [sflag:$0x1] =	stream.linear.gather [hbm4b:s19+s3], $0x80, $0x38;
	[tilespmem:$0x10A80] =	vst v63  }
0x373: {  	s25 =	sadd.s32 s4, s25;
	s26 =	sand.u32 $0x1FFFFFF0, s31;
	s28 =	spop (v2sf)  }
0x374: {  	(v2sf) =	vpush v6, $0xB;
	[tilespmem:s17], [sflag:$0x1] =	stream.linear.gather [hbm4b:s25+s3], $0x80, $0x38;
	[tilespmem:$0x10A80] =	vst v63  }
0x375: {  	s29 =	sadd.s32 s4, s26;
	s30 =	sand.u32 $0x1FFFFFF0, s28;
	s31 =	spop (v2sf)  }
0x376: {  	(v2sf) =	vpush v6, $0xC;
	[tilespmem:s18], [sflag:$0x1] =	stream.linear.gather [hbm4b:s29+s3], $0x80, $0x38;
	[tilespmem:$0x10A80] =	vst v63  }
0x377: {  	s19 =	sand.u32 $0x1FFFFFF0, s31;
	s24 =	spop (v2sf);
	s18 =	sadd.s32 s4, s30  }
0x378: {  	(v2sf) =	vpush v6, $0xD;
	[tilespmem:s8], [sflag:$0x1] =	stream.linear.gather [hbm4b:s18+s3], $0x80, $0x38;
	[tilespmem:$0x10A80] =	vst v63  }
0x379: {  	s25 =	sadd.s32 s4, s19;
	s26 =	sand.u32 $0x1FFFFFF0, s24;
	s28 =	spop (v2sf)  }
0x37a: {  	(v2sf) =	vpush v6, $0xE;
	[tilespmem:s13], [sflag:$0x1] =	stream.linear.gather [hbm4b:s25+s3], $0x80, $0x38;
	[tilespmem:$0x10A80] =	vst v63  }
0x37b: {  	s29 =	sadd.s32 s4, s26;
	s30 =	sand.u32 $0x1FFFFFF0, s28;
	s31 =	spop (v2sf)  }
0x37c: {  	(v2sf) =	vpush v6, $0xF;
	[tilespmem:s14], [sflag:$0x1] =	stream.linear.gather [hbm4b:s29+s3], $0x80, $0x38;
	[tilespmem:$0x10A80] =	vst v63  }
0x37d: {  	s17 =	spop (v2sf);
	s13 =	sadd.s32 s4, s30;
	s14 =	sand.u32 $0x1FFFFFF0, s31  }
0x37e: {  	[tilespmem:s5], [sflag:$0x1] =	stream.linear.gather [hbm4b:s13+s3], $0x80, $0x38;
	[tilespmem:$0x10A80] =	vst v63  }
0x37f: {  	s19 =	sand.u32 $0x1FFFFFF0, s17;
	s18 =	sadd.s32 s4, s14;
	s24 =	spop (v2sf)  }
0x380: {  	[tilespmem:s6], [sflag:$0x1] =	stream.linear.gather [hbm4b:s18+s3], $0x80, $0x38;
	[tilespmem:$0x10A80] =	vst v63  }
0x381: {  	s25 =	sadd.s32 s4, s19;
	s26 =	sand.u32 $0x1FFFFFF0, s24;
	s28 =	spop (v2sf)  }
0x382: {  	[tilespmem:s7], [sflag:$0x1] =	stream.linear.gather [hbm4b:s25+s3], $0x80, $0x38;
	[tilespmem:$0x10A80] =	vst v63  }
0x383: {  	s29 =	sadd.s32 s4, s26;
	s30 =	sand.u32 $0x1FFFFFF0, s28;
	s31 =	spop (v2sf)  }
0x384: {  	[tilespmem:s1], [sflag:$0x1] =	stream.linear.gather [hbm4b:s29+s3], $0x80, $0x38;
	[tilespmem:$0x10A80] =	vst v63  }
0x385: {  	s5 =	sadd.s32 s4, s30;
	s6 =	sand.u32 $0x1FFFFFF0, s31;
	s7 =	spop (v2sf)  }
0x386: {  	[tilespmem:s2], [sflag:$0x1] =	stream.linear.gather [hbm4b:s5+s3], $0x80, $0x38;
	[tilespmem:$0x10A80] =	vst v63  }
0x387: {  	s8 =	sadd.s32 s4, s6;
	s13 =	sand.u32 $0x1FFFFFF0, s7;
	s14 =	spop (v2sf)  }
0x388: {  	[tilespmem:s0], [sflag:$0x1] =	stream.linear.gather [hbm4b:s8+s3], $0x80, $0x38;
	[tilespmem:$0x10A80] =	vst v63  }
0x389: {  	s17 =	sadd.s32 s4, s13;
	s18 =	sand.u32 $0x1FFFFFF0, s14;
	s19 =	spop (v2sf)  }
0x38a: {  	[tilespmem:s23], [sflag:$0x1] =	stream.linear.gather [hbm4b:s17+s3], $0x80, $0x38;
	[tilespmem:$0x10A80] =	vst v63  }
0x38b: {  	s24 =	sand.u32 $0x1FFFFFF0, s19;
	s25 =	spop (v2sf);
	s23 =	sadd.s32 s4, s18  }
0x38c: {  	[tilespmem:s22], [sflag:$0x1] =	stream.linear.gather [hbm4b:s23+s3], $0x80, $0x38;
	[tilespmem:$0x10A80] =	vst v63  }
0x38d: {  	s26 =	sadd.s32 $0x1700, s21;
	s1 =	sadd.s32 s4, s24;
	s2 =	sand.u32 $0x1FFFFFF0, s25  }
0x38e: {  	[tilespmem:s26], [sflag:$0x1] =	stream.linear.gather [hbm4b:s1+s3], $0x80, $0x38;
	[tilespmem:$0x10A80] =	vst v63  }
0x38f: {  	s28 =	sadd.s32 $0x1780, s21;
	s29 =	sadd.s32 s4, s2  }
0x390: {  	[tilespmem:s28], [sflag:$0x1] =	stream.linear.gather [hbm4b:s29+s3], $0x80, $0x38;
	[tilespmem:$0x10A80] =	vst v63  }
0x391: {  	s21 =	simm.s32 $0x0;
	s30 =	rddreg [dreg:$0x8];
	s31 =	simm.s32 $0x8800  }
0x392: {  	[tilespmem:s31], [sflag:$0x2] =	stream.linear.gather [hbm4b:s30+s21], $0x8000, $0x38;
	[tilespmem:$0x10A80] =	vst v63  }
0x393: {  	_ =	swait.ge [sflag:s12], $0x8000  }
0x394: {  	[sflag:s12] =	ssyncset.done $0x0  }
0x395: {  	[sflag:s12] =	ssyncadd.s32 $0xFFFF8000  }
0x396: {  	_ =	swait.ge [sflag:s15], $0x8000  }
0x397: {  	[sflag:s15] =	ssyncset.done $0x0  }
0x398: {  	s22 =	simm.s32 $0xC00;
	s23 =	simm.s32 $0x8C00;
	[sflag:s15] =	ssyncadd.s32 $0xFFFF8000  }
.LBB2_8:
0x399: {  	v6 =	vmov s21  }
0x39a: {  	v6 =	vshll.u32 v6, $0x7  }
0x39b: {  	v6 =	vor.u32 v0, v6  }
0x39c: {  	v7 =	vor.u32 $0x1, v6;
	_ =	sdelay $0x1  }
0x39d: {  	v8 =	vor.u32 $0x2, v6;
	_ =	sdelay $0x1  }
0x39e: {  	v10 =	vor.u32 $0x3, v6;
	v9 =	vld.idx.msk [tilespmem:v6+s16+$0x0], $0xffff  }
0x39f: {  	v7 =	vld.idx.msk [tilespmem:v7+s16+$0x0], $0xffff  }
0x3a0: {  	v11 =	vor.u32 $0x4, v6  }
0x3a1: {  	v8 =	vld.idx.msk [tilespmem:v8+s16+$0x0], $0xffff  }
0x3a2: {  	v12 =	vor.u32 $0x5, v6  }
0x3a3: {  	v10 =	vld.idx.msk [tilespmem:v10+s16+$0x0], $0xffff  }
0x3a4: {  	v13 =	vor.u32 $0x6, v6;
	v9 =	vmul.f32 v9, v9;
	v7 =	vmul.f32 v7, v7  }
0x3a5: {  	v11 =	vld.idx.msk [tilespmem:v11+s16+$0x0], $0xffff  }
0x3a6: {  	v43 =	vor.u32 $0x7, v6;
	v8 =	vmul.f32 v8, v8;
	v7 =	vadd.f32 v7, v9  }
0x3a7: {  	v12 =	vld.idx.msk [tilespmem:v12+s16+$0x0], $0xffff  }
0x3a8: {  	v45 =	vor.u32 $0x8, v6;
	v44 =	vmul.f32 v10, v10;
	v7 =	vadd.f32 v8, v7  }
0x3a9: {  	v13 =	vld.idx.msk [tilespmem:v13+s16+$0x0], $0xffff  }
0x3aa: {  	v47 =	vor.u32 $0x9, v6;
	v46 =	vmul.f32 v11, v11;
	v7 =	vadd.f32 v44, v7  }
0x3ab: {  	v9 =	vld.idx.msk [tilespmem:v43+s16+$0x0], $0xffff  }
0x3ac: {  	v49 =	vor.u32 $0xA, v6;
	v48 =	vmul.f32 v12, v12;
	v7 =	vadd.f32 v46, v7  }
0x3ad: {  	v10 =	vld.idx.msk [tilespmem:v45+s16+$0x0], $0xffff  }
0x3ae: {  	v51 =	vor.u32 $0xB, v6;
	v50 =	vmul.f32 v13, v13;
	v7 =	vadd.f32 v48, v7  }
0x3af: {  	v11 =	vld.idx.msk [tilespmem:v47+s16+$0x0], $0xffff  }
0x3b0: {  	v53 =	vor.u32 $0xC, v6;
	v52 =	vmul.f32 v9, v9;
	v7 =	vadd.f32 v50, v7  }
0x3b1: {  	v12 =	vld.idx.msk [tilespmem:v49+s16+$0x0], $0xffff  }
0x3b2: {  	v55 =	vor.u32 $0xD, v6;
	v54 =	vmul.f32 v10, v10;
	v7 =	vadd.f32 v52, v7  }
0x3b3: {  	v13 =	vld.idx.msk [tilespmem:v51+s16+$0x0], $0xffff  }
0x3b4: {  	v57 =	vor.u32 $0xE, v6;
	v56 =	vmul.f32 v11, v11;
	v7 =	vadd.f32 v54, v7  }
0x3b5: {  	v9 =	vld.idx.msk [tilespmem:v53+s16+$0x0], $0xffff  }
0x3b6: {  	v59 =	vor.u32 $0xF, v6;
	v58 =	vmul.f32 v12, v12;
	v7 =	vadd.f32 v56, v7  }
0x3b7: {  	v10 =	vld.idx.msk [tilespmem:v55+s16+$0x0], $0xffff  }
0x3b8: {  	v61 =	vor.u32 $0x10, v6;
	v60 =	vmul.f32 v13, v13;
	v7 =	vadd.f32 v58, v7  }
0x3b9: {  	v11 =	vld.idx.msk [tilespmem:v57+s16+$0x0], $0xffff  }
0x3ba: {  	v63 =	vor.u32 $0x11, v6;
	v62 =	vmul.f32 v9, v9;
	v7 =	vadd.f32 v60, v7  }
0x3bb: {  	v12 =	vld.idx.msk [tilespmem:v59+s16+$0x0], $0xffff  }
0x3bc: {  	v17 =	vor.u32 $0x12, v6;
	v16 =	vmul.f32 v10, v10;
	v7 =	vadd.f32 v62, v7  }
0x3bd: {  	v13 =	vld.idx.msk [tilespmem:v61+s16+$0x0], $0xffff  }
0x3be: {  	v19 =	vor.u32 $0x13, v6;
	v18 =	vmul.f32 v11, v11;
	v7 =	vadd.f32 v16, v7  }
0x3bf: {  	v9 =	vld.idx.msk [tilespmem:v63+s16+$0x0], $0xffff  }
0x3c0: {  	v21 =	vor.u32 $0x14, v6;
	v20 =	vmul.f32 v12, v12;
	v7 =	vadd.f32 v18, v7  }
0x3c1: {  	v10 =	vld.idx.msk [tilespmem:v17+s16+$0x0], $0xffff  }
0x3c2: {  	v23 =	vor.u32 $0x15, v6;
	v22 =	vmul.f32 v13, v13;
	v7 =	vadd.f32 v20, v7  }
0x3c3: {  	v11 =	vld.idx.msk [tilespmem:v19+s16+$0x0], $0xffff  }
0x3c4: {  	v25 =	vor.u32 $0x16, v6;
	v24 =	vmul.f32 v9, v9;
	v7 =	vadd.f32 v22, v7  }
0x3c5: {  	v12 =	vld.idx.msk [tilespmem:v21+s16+$0x0], $0xffff  }
0x3c6: {  	v27 =	vor.u32 $0x17, v6;
	v26 =	vmul.f32 v10, v10;
	v7 =	vadd.f32 v24, v7  }
0x3c7: {  	v13 =	vld.idx.msk [tilespmem:v23+s16+$0x0], $0xffff  }
0x3c8: {  	v29 =	vor.u32 $0x18, v6;
	v28 =	vmul.f32 v11, v11;
	v7 =	vadd.f32 v26, v7  }
0x3c9: {  	v9 =	vld.idx.msk [tilespmem:v25+s16+$0x0], $0xffff  }
0x3ca: {  	v31 =	vor.u32 $0x19, v6;
	v30 =	vmul.f32 v12, v12;
	v7 =	vadd.f32 v28, v7  }
0x3cb: {  	v10 =	vld.idx.msk [tilespmem:v27+s16+$0x0], $0xffff  }
0x3cc: {  	v33 =	vor.u32 $0x1A, v6;
	v32 =	vmul.f32 v13, v13;
	v7 =	vadd.f32 v30, v7  }
0x3cd: {  	v11 =	vld.idx.msk [tilespmem:v29+s16+$0x0], $0xffff  }
0x3ce: {  	v35 =	vor.u32 $0x1B, v6;
	v34 =	vmul.f32 v9, v9;
	v7 =	vadd.f32 v32, v7  }
0x3cf: {  	v12 =	vld.idx.msk [tilespmem:v31+s16+$0x0], $0xffff  }
0x3d0: {  	v37 =	vor.u32 $0x1C, v6;
	v36 =	vmul.f32 v10, v10;
	v7 =	vadd.f32 v34, v7  }
0x3d1: {  	v13 =	vld.idx.msk [tilespmem:v33+s16+$0x0], $0xffff  }
0x3d2: {  	v39 =	vor.u32 $0x1D, v6;
	v38 =	vmul.f32 v11, v11;
	v7 =	vadd.f32 v36, v7  }
0x3d3: {  	v9 =	vld.idx.msk [tilespmem:v35+s16+$0x0], $0xffff  }
0x3d4: {  	v41 =	vor.u32 $0x1E, v6;
	v40 =	vmul.f32 v12, v12;
	v7 =	vadd.f32 v38, v7  }
0x3d5: {  	v10 =	vld.idx.msk [tilespmem:v37+s16+$0x0], $0xffff  }
0x3d6: {  	v43 =	vor.u32 $0x1F, v6;
	v42 =	vmul.f32 v13, v13;
	v7 =	vadd.f32 v40, v7  }
0x3d7: {  	v11 =	vld.idx.msk [tilespmem:v39+s16+$0x0], $0xffff  }
0x3d8: {  	v45 =	vor.u32 $0x20, v6;
	v44 =	vmul.f32 v9, v9;
	v7 =	vadd.f32 v42, v7  }
0x3d9: {  	v12 =	vld.idx.msk [tilespmem:v41+s16+$0x0], $0xffff  }
0x3da: {  	v47 =	vor.u32 $0x21, v6;
	v46 =	vmul.f32 v10, v10;
	v7 =	vadd.f32 v44, v7  }
0x3db: {  	v13 =	vld.idx.msk [tilespmem:v43+s16+$0x0], $0xffff  }
0x3dc: {  	v49 =	vor.u32 $0x22, v6;
	v48 =	vmul.f32 v11, v11;
	v7 =	vadd.f32 v46, v7  }
0x3dd: {  	v9 =	vld.idx.msk [tilespmem:v45+s16+$0x0], $0xffff  }
0x3de: {  	v51 =	vor.u32 $0x23, v6;
	v50 =	vmul.f32 v12, v12;
	v7 =	vadd.f32 v48, v7  }
0x3df: {  	v10 =	vld.idx.msk [tilespmem:v47+s16+$0x0], $0xffff  }
0x3e0: {  	v53 =	vor.u32 $0x24, v6;
	v52 =	vmul.f32 v13, v13;
	v7 =	vadd.f32 v50, v7  }
0x3e1: {  	v11 =	vld.idx.msk [tilespmem:v49+s16+$0x0], $0xffff  }
0x3e2: {  	v55 =	vor.u32 $0x25, v6;
	v54 =	vmul.f32 v9, v9;
	v7 =	vadd.f32 v52, v7  }
0x3e3: {  	v12 =	vld.idx.msk [tilespmem:v51+s16+$0x0], $0xffff  }
0x3e4: {  	v57 =	vor.u32 $0x26, v6;
	v56 =	vmul.f32 v10, v10;
	v7 =	vadd.f32 v54, v7  }
0x3e5: {  	v13 =	vld.idx.msk [tilespmem:v53+s16+$0x0], $0xffff  }
0x3e6: {  	v59 =	vor.u32 $0x27, v6;
	v58 =	vmul.f32 v11, v11;
	v7 =	vadd.f32 v56, v7  }
0x3e7: {  	v9 =	vld.idx.msk [tilespmem:v55+s16+$0x0], $0xffff  }
0x3e8: {  	v61 =	vor.u32 $0x28, v6;
	v60 =	vmul.f32 v12, v12;
	v7 =	vadd.f32 v58, v7  }
0x3e9: {  	v10 =	vld.idx.msk [tilespmem:v57+s16+$0x0], $0xffff  }
0x3ea: {  	v63 =	vor.u32 $0x29, v6;
	v62 =	vmul.f32 v13, v13;
	v7 =	vadd.f32 v60, v7  }
0x3eb: {  	v11 =	vld.idx.msk [tilespmem:v59+s16+$0x0], $0xffff  }
0x3ec: {  	v17 =	vor.u32 $0x2A, v6;
	v16 =	vmul.f32 v9, v9;
	v7 =	vadd.f32 v62, v7  }
0x3ed: {  	v12 =	vld.idx.msk [tilespmem:v61+s16+$0x0], $0xffff  }
0x3ee: {  	v19 =	vor.u32 $0x2B, v6;
	v18 =	vmul.f32 v10, v10;
	v7 =	vadd.f32 v16, v7  }
0x3ef: {  	v13 =	vld.idx.msk [tilespmem:v63+s16+$0x0], $0xffff  }
0x3f0: {  	v21 =	vor.u32 $0x2C, v6;
	v20 =	vmul.f32 v11, v11;
	v7 =	vadd.f32 v18, v7  }
0x3f1: {  	v9 =	vld.idx.msk [tilespmem:v17+s16+$0x0], $0xffff  }
0x3f2: {  	v23 =	vor.u32 $0x2D, v6;
	v22 =	vmul.f32 v12, v12;
	v7 =	vadd.f32 v20, v7  }
0x3f3: {  	v10 =	vld.idx.msk [tilespmem:v19+s16+$0x0], $0xffff  }
0x3f4: {  	v25 =	vor.u32 $0x2E, v6;
	v24 =	vmul.f32 v13, v13;
	v7 =	vadd.f32 v22, v7  }
0x3f5: {  	v11 =	vld.idx.msk [tilespmem:v21+s16+$0x0], $0xffff  }
0x3f6: {  	v27 =	vor.u32 $0x2F, v6;
	v26 =	vmul.f32 v9, v9;
	v7 =	vadd.f32 v24, v7  }
0x3f7: {  	v12 =	vld.idx.msk [tilespmem:v23+s16+$0x0], $0xffff  }
0x3f8: {  	v29 =	vor.u32 $0x30, v6;
	v28 =	vmul.f32 v10, v10;
	v7 =	vadd.f32 v26, v7  }
0x3f9: {  	v13 =	vld.idx.msk [tilespmem:v25+s16+$0x0], $0xffff  }
0x3fa: {  	v31 =	vor.u32 $0x31, v6;
	v30 =	vmul.f32 v11, v11;
	v7 =	vadd.f32 v28, v7  }
0x3fb: {  	v9 =	vld.idx.msk [tilespmem:v27+s16+$0x0], $0xffff  }
0x3fc: {  	v33 =	vor.u32 $0x32, v6;
	v32 =	vmul.f32 v12, v12;
	v7 =	vadd.f32 v30, v7  }
0x3fd: {  	v10 =	vld.idx.msk [tilespmem:v29+s16+$0x0], $0xffff  }
0x3fe: {  	v35 =	vor.u32 $0x33, v6;
	v34 =	vmul.f32 v13, v13;
	v7 =	vadd.f32 v32, v7  }
0x3ff: {  	v11 =	vld.idx.msk [tilespmem:v31+s16+$0x0], $0xffff  }
0x400: {  	v37 =	vor.u32 $0x34, v6;
	v36 =	vmul.f32 v9, v9;
	v7 =	vadd.f32 v34, v7  }
0x401: {  	v12 =	vld.idx.msk [tilespmem:v33+s16+$0x0], $0xffff  }
0x402: {  	v39 =	vor.u32 $0x35, v6;
	v38 =	vmul.f32 v10, v10;
	v7 =	vadd.f32 v36, v7  }
0x403: {  	v13 =	vld.idx.msk [tilespmem:v35+s16+$0x0], $0xffff  }
0x404: {  	v41 =	vor.u32 $0x36, v6;
	v40 =	vmul.f32 v11, v11;
	v7 =	vadd.f32 v38, v7  }
0x405: {  	v9 =	vld.idx.msk [tilespmem:v37+s16+$0x0], $0xffff  }
0x406: {  	v43 =	vor.u32 $0x37, v6;
	v42 =	vmul.f32 v12, v12;
	v7 =	vadd.f32 v40, v7  }
0x407: {  	v10 =	vld.idx.msk [tilespmem:v39+s16+$0x0], $0xffff  }
0x408: {  	v45 =	vor.u32 $0x38, v6;
	v44 =	vmul.f32 v13, v13;
	v7 =	vadd.f32 v42, v7  }
0x409: {  	v11 =	vld.idx.msk [tilespmem:v41+s16+$0x0], $0xffff  }
0x40a: {  	v47 =	vor.u32 $0x39, v6;
	v46 =	vmul.f32 v9, v9;
	v7 =	vadd.f32 v44, v7  }
0x40b: {  	v12 =	vld.idx.msk [tilespmem:v43+s16+$0x0], $0xffff  }
0x40c: {  	v49 =	vor.u32 $0x3A, v6;
	v48 =	vmul.f32 v10, v10;
	v7 =	vadd.f32 v46, v7  }
0x40d: {  	v13 =	vld.idx.msk [tilespmem:v45+s16+$0x0], $0xffff  }
0x40e: {  	v51 =	vor.u32 $0x3B, v6;
	v50 =	vmul.f32 v11, v11;
	v7 =	vadd.f32 v48, v7  }
0x40f: {  	v9 =	vld.idx.msk [tilespmem:v47+s16+$0x0], $0xffff  }
0x410: {  	v53 =	vor.u32 $0x3C, v6;
	v52 =	vmul.f32 v12, v12;
	v7 =	vadd.f32 v50, v7  }
0x411: {  	v10 =	vld.idx.msk [tilespmem:v49+s16+$0x0], $0xffff  }
0x412: {  	v55 =	vor.u32 $0x3D, v6;
	v54 =	vmul.f32 v13, v13;
	v7 =	vadd.f32 v52, v7  }
0x413: {  	v11 =	vld.idx.msk [tilespmem:v51+s16+$0x0], $0xffff  }
0x414: {  	v57 =	vor.u32 $0x3E, v6;
	v56 =	vmul.f32 v9, v9;
	v7 =	vadd.f32 v54, v7  }
0x415: {  	v12 =	vld.idx.msk [tilespmem:v53+s16+$0x0], $0xffff  }
0x416: {  	v6 =	vor.u32 $0x3F, v6;
	v58 =	vmul.f32 v10, v10;
	v7 =	vadd.f32 v56, v7  }
0x417: {  	v59 =	vld.idx.msk [tilespmem:v55+s16+$0x0], $0xffff  }
0x418: {  	v60 =	vmul.f32 v11, v11;
	v7 =	vadd.f32 v58, v7  }
0x419: {  	v9 =	vld.idx.msk [tilespmem:v57+s16+$0x0], $0xffff  }
0x41a: {  	v61 =	vmul.f32 v12, v12;
	v7 =	vadd.f32 v60, v7  }
0x41b: {  	v6 =	vld.idx.msk [tilespmem:v6+s16+$0x0], $0xffff  }
0x41c: {  	v62 =	vmul.f32 v59, v59;
	v7 =	vadd.f32 v61, v7;
	_ =	sdelay $0x1  }
0x41d: {  	v63 =	vmul.f32 v9, v9;
	v7 =	vadd.f32 v62, v7;
	_ =	sdelay $0x1  }
0x41e: {  	v6 =	vmul.f32 v6, v6;
	v7 =	vadd.f32 v63, v7;
	_ =	sdelay $0x1  }
0x41f: {  	v6 =	vadd.f32 v6, v7;
	_ =	sdelay $0x1  }
0x420: {  	v6 =	vmul.f32 $5.000000000e-01, v6;
	_ =	sdelay $0x1  }
0x421: {  	v6 =	vadd.f32 v6, v5  }
0x422: {  	s0 =	sand.u32 $0xF0, s21  }
0x423: {  	[tilespmem:s0+$0x10980] =	vst v6  }
0x424: {  	v6 =	vld [tilespmem:s23+$0xFFFFFC00];
	_ =	sdelay $0x1  }
0x425: {  	v7 =	vld [tilespmem:s22+$0xFFFFFC00];
	_ =	sdelay $0x2  }
0x426: {  	v6 =	vmul.f32 v6, v1;
	_ =	sdelay $0x1  }
0x427: {  	v6 =	vadd.f32 v6, v7;
	_ =	sdelay $0x1  }
0x428: {  	[tilespmem:s22+$0xFFFFFC00] =	vst v6  }
0x429: {  	v6 =	vld [tilespmem:s23+$0xFFFFFC10];
	_ =	sdelay $0x1  }
0x42a: {  	v7 =	vld [tilespmem:s22+$0xFFFFFC10];
	_ =	sdelay $0x2  }
0x42b: {  	v6 =	vmul.f32 v6, v2;
	_ =	sdelay $0x1  }
0x42c: {  	v6 =	vadd.f32 v6, v7;
	_ =	sdelay $0x1  }
0x42d: {  	[tilespmem:s22+$0xFFFFFC10] =	vst v6  }
0x42e: {  	v6 =	vld [tilespmem:s23+$0xFFFFFC20];
	_ =	sdelay $0x1  }
0x42f: {  	v7 =	vld [tilespmem:s22+$0xFFFFFC20];
	_ =	sdelay $0x2  }
0x430: {  	v6 =	vmul.f32 v6, v3;
	_ =	sdelay $0x1  }
0x431: {  	v6 =	vadd.f32 v6, v7;
	_ =	sdelay $0x1  }
0x432: {  	[tilespmem:s22+$0xFFFFFC20] =	vst v6  }
0x433: {  	v6 =	vld [tilespmem:s23+$0xFFFFFC30];
	_ =	sdelay $0x1  }
0x434: {  	v7 =	vld [tilespmem:s22+$0xFFFFFC30];
	_ =	sdelay $0x2  }
0x435: {  	v6 =	vmul.f32 v6, v4;
	_ =	sdelay $0x1  }
0x436: {  	v6 =	vadd.f32 v6, v7;
	_ =	sdelay $0x1  }
0x437: {  	[tilespmem:s22+$0xFFFFFC30] =	vst v6  }
0x438: {  	v6 =	vld [tilespmem:s23+$0xFFFFFC80];
	_ =	sdelay $0x1  }
0x439: {  	v7 =	vld [tilespmem:s22+$0xFFFFFC80];
	_ =	sdelay $0x2  }
0x43a: {  	v6 =	vmul.f32 v6, v1;
	_ =	sdelay $0x1  }
0x43b: {  	v6 =	vadd.f32 v6, v7;
	_ =	sdelay $0x1  }
0x43c: {  	[tilespmem:s22+$0xFFFFFC80] =	vst v6  }
0x43d: {  	v6 =	vld [tilespmem:s23+$0xFFFFFC90];
	_ =	sdelay $0x1  }
0x43e: {  	v7 =	vld [tilespmem:s22+$0xFFFFFC90];
	_ =	sdelay $0x2  }
0x43f: {  	v6 =	vmul.f32 v6, v2;
	_ =	sdelay $0x1  }
0x440: {  	v6 =	vadd.f32 v6, v7;
	_ =	sdelay $0x1  }
0x441: {  	[tilespmem:s22+$0xFFFFFC90] =	vst v6  }
0x442: {  	v6 =	vld [tilespmem:s23+$0xFFFFFCA0];
	_ =	sdelay $0x1  }
0x443: {  	v7 =	vld [tilespmem:s22+$0xFFFFFCA0];
	_ =	sdelay $0x2  }
0x444: {  	v6 =	vmul.f32 v6, v3;
	_ =	sdelay $0x1  }
0x445: {  	v6 =	vadd.f32 v6, v7;
	_ =	sdelay $0x1  }
0x446: {  	[tilespmem:s22+$0xFFFFFCA0] =	vst v6  }
0x447: {  	v6 =	vld [tilespmem:s23+$0xFFFFFCB0];
	_ =	sdelay $0x1  }
0x448: {  	v7 =	vld [tilespmem:s22+$0xFFFFFCB0];
	_ =	sdelay $0x2  }
0x449: {  	v6 =	vmul.f32 v6, v4;
	_ =	sdelay $0x1  }
0x44a: {  	v6 =	vadd.f32 v6, v7;
	_ =	sdelay $0x1  }
0x44b: {  	[tilespmem:s22+$0xFFFFFCB0] =	vst v6  }
0x44c: {  	v6 =	vld [tilespmem:s23+$0xFFFFFD00];
	_ =	sdelay $0x1  }
0x44d: {  	v7 =	vld [tilespmem:s22+$0xFFFFFD00];
	_ =	sdelay $0x2  }
0x44e: {  	v6 =	vmul.f32 v6, v1;
	_ =	sdelay $0x1  }
0x44f: {  	v6 =	vadd.f32 v6, v7;
	_ =	sdelay $0x1  }
0x450: {  	[tilespmem:s22+$0xFFFFFD00] =	vst v6  }
0x451: {  	v6 =	vld [tilespmem:s23+$0xFFFFFD10];
	_ =	sdelay $0x1  }
0x452: {  	v7 =	vld [tilespmem:s22+$0xFFFFFD10];
	_ =	sdelay $0x2  }
0x453: {  	v6 =	vmul.f32 v6, v2;
	_ =	sdelay $0x1  }
0x454: {  	v6 =	vadd.f32 v6, v7;
	_ =	sdelay $0x1  }
0x455: {  	[tilespmem:s22+$0xFFFFFD10] =	vst v6  }
0x456: {  	v6 =	vld [tilespmem:s23+$0xFFFFFD20];
	_ =	sdelay $0x1  }
0x457: {  	v7 =	vld [tilespmem:s22+$0xFFFFFD20];
	_ =	sdelay $0x2  }
0x458: {  	v6 =	vmul.f32 v6, v3;
	_ =	sdelay $0x1  }
0x459: {  	v6 =	vadd.f32 v6, v7;
	_ =	sdelay $0x1  }
0x45a: {  	[tilespmem:s22+$0xFFFFFD20] =	vst v6  }
0x45b: {  	v6 =	vld [tilespmem:s23+$0xFFFFFD30];
	_ =	sdelay $0x1  }
0x45c: {  	v7 =	vld [tilespmem:s22+$0xFFFFFD30];
	_ =	sdelay $0x2  }
0x45d: {  	v6 =	vmul.f32 v6, v4;
	_ =	sdelay $0x1  }
0x45e: {  	v6 =	vadd.f32 v6, v7;
	_ =	sdelay $0x1  }
0x45f: {  	[tilespmem:s22+$0xFFFFFD30] =	vst v6  }
0x460: {  	v6 =	vld [tilespmem:s23+$0xFFFFFD80];
	_ =	sdelay $0x1  }
0x461: {  	v7 =	vld [tilespmem:s22+$0xFFFFFD80];
	_ =	sdelay $0x2  }
0x462: {  	v6 =	vmul.f32 v6, v1;
	_ =	sdelay $0x1  }
0x463: {  	v6 =	vadd.f32 v6, v7;
	_ =	sdelay $0x1  }
0x464: {  	[tilespmem:s22+$0xFFFFFD80] =	vst v6  }
0x465: {  	v6 =	vld [tilespmem:s23+$0xFFFFFD90];
	_ =	sdelay $0x1  }
0x466: {  	v7 =	vld [tilespmem:s22+$0xFFFFFD90];
	_ =	sdelay $0x2  }
0x467: {  	v6 =	vmul.f32 v6, v2;
	_ =	sdelay $0x1  }
0x468: {  	v6 =	vadd.f32 v6, v7;
	_ =	sdelay $0x1  }
0x469: {  	[tilespmem:s22+$0xFFFFFD90] =	vst v6  }
0x46a: {  	v6 =	vld [tilespmem:s23+$0xFFFFFDA0];
	_ =	sdelay $0x1  }
0x46b: {  	v7 =	vld [tilespmem:s22+$0xFFFFFDA0];
	_ =	sdelay $0x2  }
0x46c: {  	v6 =	vmul.f32 v6, v3;
	_ =	sdelay $0x1  }
0x46d: {  	v6 =	vadd.f32 v6, v7;
	_ =	sdelay $0x1  }
0x46e: {  	[tilespmem:s22+$0xFFFFFDA0] =	vst v6  }
0x46f: {  	v6 =	vld [tilespmem:s23+$0xFFFFFDB0];
	_ =	sdelay $0x1  }
0x470: {  	v7 =	vld [tilespmem:s22+$0xFFFFFDB0];
	_ =	sdelay $0x2  }
0x471: {  	v6 =	vmul.f32 v6, v4;
	_ =	sdelay $0x1  }
0x472: {  	v6 =	vadd.f32 v6, v7;
	_ =	sdelay $0x1  }
0x473: {  	[tilespmem:s22+$0xFFFFFDB0] =	vst v6  }
0x474: {  	v6 =	vld [tilespmem:s23+$0xFFFFFE00];
	_ =	sdelay $0x1  }
0x475: {  	v7 =	vld [tilespmem:s22+$0xFFFFFE00];
	_ =	sdelay $0x2  }
0x476: {  	v6 =	vmul.f32 v6, v1;
	_ =	sdelay $0x1  }
0x477: {  	v6 =	vadd.f32 v6, v7;
	_ =	sdelay $0x1  }
0x478: {  	[tilespmem:s22+$0xFFFFFE00] =	vst v6  }
0x479: {  	v6 =	vld [tilespmem:s23+$0xFFFFFE10];
	_ =	sdelay $0x1  }
0x47a: {  	v7 =	vld [tilespmem:s22+$0xFFFFFE10];
	_ =	sdelay $0x2  }
0x47b: {  	v6 =	vmul.f32 v6, v2;
	_ =	sdelay $0x1  }
0x47c: {  	v6 =	vadd.f32 v6, v7;
	_ =	sdelay $0x1  }
0x47d: {  	[tilespmem:s22+$0xFFFFFE10] =	vst v6  }
0x47e: {  	v6 =	vld [tilespmem:s23+$0xFFFFFE20];
	_ =	sdelay $0x1  }
0x47f: {  	v7 =	vld [tilespmem:s22+$0xFFFFFE20];
	_ =	sdelay $0x2  }
0x480: {  	v6 =	vmul.f32 v6, v3;
	_ =	sdelay $0x1  }
0x481: {  	v6 =	vadd.f32 v6, v7;
	_ =	sdelay $0x1  }
0x482: {  	[tilespmem:s22+$0xFFFFFE20] =	vst v6  }
0x483: {  	v6 =	vld [tilespmem:s23+$0xFFFFFE30];
	_ =	sdelay $0x1  }
0x484: {  	v7 =	vld [tilespmem:s22+$0xFFFFFE30];
	_ =	sdelay $0x2  }
0x485: {  	v6 =	vmul.f32 v6, v4;
	_ =	sdelay $0x1  }
0x486: {  	v6 =	vadd.f32 v6, v7;
	_ =	sdelay $0x1  }
0x487: {  	[tilespmem:s22+$0xFFFFFE30] =	vst v6  }
0x488: {  	v6 =	vld [tilespmem:s23+$0xFFFFFE80];
	_ =	sdelay $0x1  }
0x489: {  	v7 =	vld [tilespmem:s22+$0xFFFFFE80];
	_ =	sdelay $0x2  }
0x48a: {  	v6 =	vmul.f32 v6, v1;
	_ =	sdelay $0x1  }
0x48b: {  	v6 =	vadd.f32 v6, v7;
	_ =	sdelay $0x1  }
0x48c: {  	[tilespmem:s22+$0xFFFFFE80] =	vst v6  }
0x48d: {  	v6 =	vld [tilespmem:s23+$0xFFFFFE90];
	_ =	sdelay $0x1  }
0x48e: {  	v7 =	vld [tilespmem:s22+$0xFFFFFE90];
	_ =	sdelay $0x2  }
0x48f: {  	v6 =	vmul.f32 v6, v2;
	_ =	sdelay $0x1  }
0x490: {  	v6 =	vadd.f32 v6, v7;
	_ =	sdelay $0x1  }
0x491: {  	[tilespmem:s22+$0xFFFFFE90] =	vst v6  }
0x492: {  	v6 =	vld [tilespmem:s23+$0xFFFFFEA0];
	_ =	sdelay $0x1  }
0x493: {  	v7 =	vld [tilespmem:s22+$0xFFFFFEA0];
	_ =	sdelay $0x2  }
0x494: {  	v6 =	vmul.f32 v6, v3;
	_ =	sdelay $0x1  }
0x495: {  	v6 =	vadd.f32 v6, v7;
	_ =	sdelay $0x1  }
0x496: {  	[tilespmem:s22+$0xFFFFFEA0] =	vst v6  }
0x497: {  	v6 =	vld [tilespmem:s23+$0xFFFFFEB0];
	_ =	sdelay $0x1  }
0x498: {  	v7 =	vld [tilespmem:s22+$0xFFFFFEB0];
	_ =	sdelay $0x2  }
0x499: {  	v6 =	vmul.f32 v6, v4;
	_ =	sdelay $0x1  }
0x49a: {  	v6 =	vadd.f32 v6, v7;
	_ =	sdelay $0x1  }
0x49b: {  	[tilespmem:s22+$0xFFFFFEB0] =	vst v6  }
0x49c: {  	v6 =	vld [tilespmem:s23+$0xFFFFFF00];
	_ =	sdelay $0x1  }
0x49d: {  	v7 =	vld [tilespmem:s22+$0xFFFFFF00];
	_ =	sdelay $0x2  }
0x49e: {  	v6 =	vmul.f32 v6, v1;
	_ =	sdelay $0x1  }
0x49f: {  	v6 =	vadd.f32 v6, v7;
	_ =	sdelay $0x1  }
0x4a0: {  	[tilespmem:s22+$0xFFFFFF00] =	vst v6  }
0x4a1: {  	v6 =	vld [tilespmem:s23+$0xFFFFFF10];
	_ =	sdelay $0x1  }
0x4a2: {  	v7 =	vld [tilespmem:s22+$0xFFFFFF10];
	_ =	sdelay $0x2  }
0x4a3: {  	v6 =	vmul.f32 v6, v2;
	_ =	sdelay $0x1  }
0x4a4: {  	v6 =	vadd.f32 v6, v7;
	_ =	sdelay $0x1  }
0x4a5: {  	[tilespmem:s22+$0xFFFFFF10] =	vst v6  }
0x4a6: {  	v6 =	vld [tilespmem:s23+$0xFFFFFF20];
	_ =	sdelay $0x1  }
0x4a7: {  	v7 =	vld [tilespmem:s22+$0xFFFFFF20];
	_ =	sdelay $0x2  }
0x4a8: {  	v6 =	vmul.f32 v6, v3;
	_ =	sdelay $0x1  }
0x4a9: {  	v6 =	vadd.f32 v6, v7;
	_ =	sdelay $0x1  }
0x4aa: {  	[tilespmem:s22+$0xFFFFFF20] =	vst v6  }
0x4ab: {  	v6 =	vld [tilespmem:s23+$0xFFFFFF30];
	_ =	sdelay $0x1  }
0x4ac: {  	v7 =	vld [tilespmem:s22+$0xFFFFFF30];
	_ =	sdelay $0x2  }
0x4ad: {  	v6 =	vmul.f32 v6, v4;
	_ =	sdelay $0x1  }
0x4ae: {  	v6 =	vadd.f32 v6, v7;
	_ =	sdelay $0x1  }
0x4af: {  	[tilespmem:s22+$0xFFFFFF30] =	vst v6  }
0x4b0: {  	v6 =	vld [tilespmem:s23+$0xFFFFFF80];
	_ =	sdelay $0x1  }
0x4b1: {  	v7 =	vld [tilespmem:s22+$0xFFFFFF80];
	_ =	sdelay $0x2  }
0x4b2: {  	v6 =	vmul.f32 v6, v1;
	_ =	sdelay $0x1  }
0x4b3: {  	v6 =	vadd.f32 v6, v7;
	_ =	sdelay $0x1  }
0x4b4: {  	[tilespmem:s22+$0xFFFFFF80] =	vst v6  }
0x4b5: {  	v6 =	vld [tilespmem:s23+$0xFFFFFF90];
	_ =	sdelay $0x1  }
0x4b6: {  	v7 =	vld [tilespmem:s22+$0xFFFFFF90];
	_ =	sdelay $0x2  }
0x4b7: {  	v6 =	vmul.f32 v6, v2;
	_ =	sdelay $0x1  }
0x4b8: {  	v6 =	vadd.f32 v6, v7;
	_ =	sdelay $0x1  }
0x4b9: {  	[tilespmem:s22+$0xFFFFFF90] =	vst v6  }
0x4ba: {  	v6 =	vld [tilespmem:s23+$0xFFFFFFA0];
	_ =	sdelay $0x1  }
0x4bb: {  	v7 =	vld [tilespmem:s22+$0xFFFFFFA0];
	_ =	sdelay $0x2  }
0x4bc: {  	v6 =	vmul.f32 v6, v3;
	_ =	sdelay $0x1  }
0x4bd: {  	v6 =	vadd.f32 v6, v7;
	_ =	sdelay $0x1  }
0x4be: {  	[tilespmem:s22+$0xFFFFFFA0] =	vst v6  }
0x4bf: {  	v6 =	vld [tilespmem:s23+$0xFFFFFFB0];
	_ =	sdelay $0x1  }
0x4c0: {  	v7 =	vld [tilespmem:s22+$0xFFFFFFB0];
	_ =	sdelay $0x2  }
0x4c1: {  	v6 =	vmul.f32 v6, v4;
	_ =	sdelay $0x1  }
0x4c2: {  	v6 =	vadd.f32 v6, v7;
	_ =	sdelay $0x1  }
0x4c3: {  	[tilespmem:s22+$0xFFFFFFB0] =	vst v6  }
0x4c4: {  	v6 =	vld [tilespmem:s23+$0x0];
	_ =	sdelay $0x1  }
0x4c5: {  	v7 =	vld [tilespmem:s22+$0x0];
	_ =	sdelay $0x2  }
0x4c6: {  	v6 =	vmul.f32 v6, v1;
	_ =	sdelay $0x1  }
0x4c7: {  	v6 =	vadd.f32 v6, v7;
	_ =	sdelay $0x1  }
0x4c8: {  	[tilespmem:s22+$0x0] =	vst v6  }
0x4c9: {  	v6 =	vld [tilespmem:s23+$0x10];
	_ =	sdelay $0x1  }
0x4ca: {  	v7 =	vld [tilespmem:s22+$0x10];
	_ =	sdelay $0x2  }
0x4cb: {  	v6 =	vmul.f32 v6, v2;
	_ =	sdelay $0x1  }
0x4cc: {  	v6 =	vadd.f32 v6, v7;
	_ =	sdelay $0x1  }
0x4cd: {  	[tilespmem:s22+$0x10] =	vst v6  }
0x4ce: {  	v6 =	vld [tilespmem:s23+$0x20];
	_ =	sdelay $0x1  }
0x4cf: {  	v7 =	vld [tilespmem:s22+$0x20];
	_ =	sdelay $0x2  }
0x4d0: {  	v6 =	vmul.f32 v6, v3;
	_ =	sdelay $0x1  }
0x4d1: {  	v6 =	vadd.f32 v6, v7;
	_ =	sdelay $0x1  }
0x4d2: {  	[tilespmem:s22+$0x20] =	vst v6  }
0x4d3: {  	v6 =	vld [tilespmem:s23+$0x30];
	_ =	sdelay $0x1  }
0x4d4: {  	v7 =	vld [tilespmem:s22+$0x30];
	_ =	sdelay $0x2  }
0x4d5: {  	v6 =	vmul.f32 v6, v4;
	_ =	sdelay $0x1  }
0x4d6: {  	v6 =	vadd.f32 v6, v7;
	_ =	sdelay $0x1  }
0x4d7: {  	[tilespmem:s22+$0x30] =	vst v6  }
0x4d8: {  	v6 =	vld [tilespmem:s23+$0x80];
	_ =	sdelay $0x1  }
0x4d9: {  	v7 =	vld [tilespmem:s22+$0x80];
	_ =	sdelay $0x2  }
0x4da: {  	v6 =	vmul.f32 v6, v1;
	_ =	sdelay $0x1  }
0x4db: {  	v6 =	vadd.f32 v6, v7;
	_ =	sdelay $0x1  }
0x4dc: {  	[tilespmem:s22+$0x80] =	vst v6  }
0x4dd: {  	v6 =	vld [tilespmem:s23+$0x90];
	_ =	sdelay $0x1  }
0x4de: {  	v7 =	vld [tilespmem:s22+$0x90];
	_ =	sdelay $0x2  }
0x4df: {  	v6 =	vmul.f32 v6, v2;
	_ =	sdelay $0x1  }
0x4e0: {  	v6 =	vadd.f32 v6, v7;
	_ =	sdelay $0x1  }
0x4e1: {  	[tilespmem:s22+$0x90] =	vst v6  }
0x4e2: {  	v6 =	vld [tilespmem:s23+$0xA0];
	_ =	sdelay $0x1  }
0x4e3: {  	v7 =	vld [tilespmem:s22+$0xA0];
	_ =	sdelay $0x2  }
0x4e4: {  	v6 =	vmul.f32 v6, v3;
	_ =	sdelay $0x1  }
0x4e5: {  	v6 =	vadd.f32 v6, v7;
	_ =	sdelay $0x1  }
0x4e6: {  	[tilespmem:s22+$0xA0] =	vst v6  }
0x4e7: {  	v6 =	vld [tilespmem:s23+$0xB0];
	_ =	sdelay $0x1  }
0x4e8: {  	v7 =	vld [tilespmem:s22+$0xB0];
	_ =	sdelay $0x2  }
0x4e9: {  	v6 =	vmul.f32 v6, v4;
	_ =	sdelay $0x1  }
0x4ea: {  	v6 =	vadd.f32 v6, v7;
	_ =	sdelay $0x1  }
0x4eb: {  	[tilespmem:s22+$0xB0] =	vst v6  }
0x4ec: {  	v6 =	vld [tilespmem:s23+$0x100];
	_ =	sdelay $0x1  }
0x4ed: {  	v7 =	vld [tilespmem:s22+$0x100];
	_ =	sdelay $0x2  }
0x4ee: {  	v6 =	vmul.f32 v6, v1;
	_ =	sdelay $0x1  }
0x4ef: {  	v6 =	vadd.f32 v6, v7;
	_ =	sdelay $0x1  }
0x4f0: {  	[tilespmem:s22+$0x100] =	vst v6  }
0x4f1: {  	v6 =	vld [tilespmem:s23+$0x110];
	_ =	sdelay $0x1  }
0x4f2: {  	v7 =	vld [tilespmem:s22+$0x110];
	_ =	sdelay $0x2  }
0x4f3: {  	v6 =	vmul.f32 v6, v2;
	_ =	sdelay $0x1  }
0x4f4: {  	v6 =	vadd.f32 v6, v7;
	_ =	sdelay $0x1  }
0x4f5: {  	[tilespmem:s22+$0x110] =	vst v6  }
0x4f6: {  	v6 =	vld [tilespmem:s23+$0x120];
	_ =	sdelay $0x1  }
0x4f7: {  	v7 =	vld [tilespmem:s22+$0x120];
	_ =	sdelay $0x2  }
0x4f8: {  	v6 =	vmul.f32 v6, v3;
	_ =	sdelay $0x1  }
0x4f9: {  	v6 =	vadd.f32 v6, v7;
	_ =	sdelay $0x1  }
0x4fa: {  	[tilespmem:s22+$0x120] =	vst v6  }
0x4fb: {  	v6 =	vld [tilespmem:s23+$0x130];
	_ =	sdelay $0x1  }
0x4fc: {  	v7 =	vld [tilespmem:s22+$0x130];
	_ =	sdelay $0x2  }
0x4fd: {  	v6 =	vmul.f32 v6, v4;
	_ =	sdelay $0x1  }
0x4fe: {  	v6 =	vadd.f32 v6, v7;
	_ =	sdelay $0x1  }
0x4ff: {  	[tilespmem:s22+$0x130] =	vst v6  }
0x500: {  	v6 =	vld [tilespmem:s23+$0x180];
	_ =	sdelay $0x1  }
0x501: {  	v7 =	vld [tilespmem:s22+$0x180];
	_ =	sdelay $0x2  }
0x502: {  	v6 =	vmul.f32 v6, v1;
	_ =	sdelay $0x1  }
0x503: {  	v6 =	vadd.f32 v6, v7;
	_ =	sdelay $0x1  }
0x504: {  	[tilespmem:s22+$0x180] =	vst v6  }
0x505: {  	v6 =	vld [tilespmem:s23+$0x190];
	_ =	sdelay $0x1  }
0x506: {  	v7 =	vld [tilespmem:s22+$0x190];
	_ =	sdelay $0x2  }
0x507: {  	v6 =	vmul.f32 v6, v2;
	_ =	sdelay $0x1  }
0x508: {  	v6 =	vadd.f32 v6, v7;
	_ =	sdelay $0x1  }
0x509: {  	[tilespmem:s22+$0x190] =	vst v6  }
0x50a: {  	v6 =	vld [tilespmem:s23+$0x1A0];
	_ =	sdelay $0x1  }
0x50b: {  	v7 =	vld [tilespmem:s22+$0x1A0];
	_ =	sdelay $0x2  }
0x50c: {  	v6 =	vmul.f32 v6, v3;
	_ =	sdelay $0x1  }
0x50d: {  	v6 =	vadd.f32 v6, v7;
	_ =	sdelay $0x1  }
0x50e: {  	[tilespmem:s22+$0x1A0] =	vst v6  }
0x50f: {  	v6 =	vld [tilespmem:s23+$0x1B0];
	_ =	sdelay $0x1  }
0x510: {  	v7 =	vld [tilespmem:s22+$0x1B0];
	_ =	sdelay $0x2  }
0x511: {  	v6 =	vmul.f32 v6, v4;
	_ =	sdelay $0x1  }
0x512: {  	v6 =	vadd.f32 v6, v7;
	_ =	sdelay $0x1  }
0x513: {  	[tilespmem:s22+$0x1B0] =	vst v6  }
0x514: {  	v6 =	vld [tilespmem:s23+$0x200];
	_ =	sdelay $0x1  }
0x515: {  	v7 =	vld [tilespmem:s22+$0x200];
	_ =	sdelay $0x2  }
0x516: {  	v6 =	vmul.f32 v6, v1;
	_ =	sdelay $0x1  }
0x517: {  	v6 =	vadd.f32 v6, v7;
	_ =	sdelay $0x1  }
0x518: {  	[tilespmem:s22+$0x200] =	vst v6  }
0x519: {  	v6 =	vld [tilespmem:s23+$0x210];
	_ =	sdelay $0x1  }
0x51a: {  	v7 =	vld [tilespmem:s22+$0x210];
	_ =	sdelay $0x2  }
0x51b: {  	v6 =	vmul.f32 v6, v2;
	_ =	sdelay $0x1  }
0x51c: {  	v6 =	vadd.f32 v6, v7;
	_ =	sdelay $0x1  }
0x51d: {  	[tilespmem:s22+$0x210] =	vst v6  }
0x51e: {  	v6 =	vld [tilespmem:s23+$0x220];
	_ =	sdelay $0x1  }
0x51f: {  	v7 =	vld [tilespmem:s22+$0x220];
	_ =	sdelay $0x2  }
0x520: {  	v6 =	vmul.f32 v6, v3;
	_ =	sdelay $0x1  }
0x521: {  	v6 =	vadd.f32 v6, v7;
	_ =	sdelay $0x1  }
0x522: {  	[tilespmem:s22+$0x220] =	vst v6  }
0x523: {  	v6 =	vld [tilespmem:s23+$0x230];
	_ =	sdelay $0x1  }
0x524: {  	v7 =	vld [tilespmem:s22+$0x230];
	_ =	sdelay $0x2  }
0x525: {  	v6 =	vmul.f32 v6, v4;
	_ =	sdelay $0x1  }
0x526: {  	v6 =	vadd.f32 v6, v7;
	_ =	sdelay $0x1  }
0x527: {  	[tilespmem:s22+$0x230] =	vst v6  }
0x528: {  	v6 =	vld [tilespmem:s23+$0x280];
	_ =	sdelay $0x1  }
0x529: {  	v7 =	vld [tilespmem:s22+$0x280];
	_ =	sdelay $0x2  }
0x52a: {  	v6 =	vmul.f32 v6, v1;
	_ =	sdelay $0x1  }
0x52b: {  	v6 =	vadd.f32 v6, v7;
	_ =	sdelay $0x1  }
0x52c: {  	[tilespmem:s22+$0x280] =	vst v6  }
0x52d: {  	v6 =	vld [tilespmem:s23+$0x290];
	_ =	sdelay $0x1  }
0x52e: {  	v7 =	vld [tilespmem:s22+$0x290];
	_ =	sdelay $0x2  }
0x52f: {  	v6 =	vmul.f32 v6, v2;
	_ =	sdelay $0x1  }
0x530: {  	v6 =	vadd.f32 v6, v7;
	_ =	sdelay $0x1  }
0x531: {  	[tilespmem:s22+$0x290] =	vst v6  }
0x532: {  	v6 =	vld [tilespmem:s23+$0x2A0];
	_ =	sdelay $0x1  }
0x533: {  	v7 =	vld [tilespmem:s22+$0x2A0];
	_ =	sdelay $0x2  }
0x534: {  	v6 =	vmul.f32 v6, v3;
	_ =	sdelay $0x1  }
0x535: {  	v6 =	vadd.f32 v6, v7;
	_ =	sdelay $0x1  }
0x536: {  	[tilespmem:s22+$0x2A0] =	vst v6  }
0x537: {  	v6 =	vld [tilespmem:s23+$0x2B0];
	_ =	sdelay $0x1  }
0x538: {  	v7 =	vld [tilespmem:s22+$0x2B0];
	_ =	sdelay $0x2  }
0x539: {  	v6 =	vmul.f32 v6, v4;
	_ =	sdelay $0x1  }
0x53a: {  	v6 =	vadd.f32 v6, v7;
	_ =	sdelay $0x1  }
0x53b: {  	[tilespmem:s22+$0x2B0] =	vst v6  }
0x53c: {  	v6 =	vld [tilespmem:s23+$0x300];
	_ =	sdelay $0x1  }
0x53d: {  	v7 =	vld [tilespmem:s22+$0x300];
	_ =	sdelay $0x2  }
0x53e: {  	v6 =	vmul.f32 v6, v1;
	_ =	sdelay $0x1  }
0x53f: {  	v6 =	vadd.f32 v6, v7;
	_ =	sdelay $0x1  }
0x540: {  	[tilespmem:s22+$0x300] =	vst v6  }
0x541: {  	v6 =	vld [tilespmem:s23+$0x310];
	_ =	sdelay $0x1  }
0x542: {  	v7 =	vld [tilespmem:s22+$0x310];
	_ =	sdelay $0x2  }
0x543: {  	v6 =	vmul.f32 v6, v2;
	_ =	sdelay $0x1  }
0x544: {  	v6 =	vadd.f32 v6, v7;
	_ =	sdelay $0x1  }
0x545: {  	[tilespmem:s22+$0x310] =	vst v6  }
0x546: {  	v6 =	vld [tilespmem:s23+$0x320];
	_ =	sdelay $0x1  }
0x547: {  	v7 =	vld [tilespmem:s22+$0x320];
	_ =	sdelay $0x2  }
0x548: {  	v6 =	vmul.f32 v6, v3;
	_ =	sdelay $0x1  }
0x549: {  	v6 =	vadd.f32 v6, v7;
	_ =	sdelay $0x1  }
0x54a: {  	[tilespmem:s22+$0x320] =	vst v6  }
0x54b: {  	v6 =	vld [tilespmem:s23+$0x330];
	_ =	sdelay $0x1  }
0x54c: {  	v7 =	vld [tilespmem:s22+$0x330];
	_ =	sdelay $0x2  }
0x54d: {  	v6 =	vmul.f32 v6, v4;
	_ =	sdelay $0x1  }
0x54e: {  	v6 =	vadd.f32 v6, v7;
	_ =	sdelay $0x1  }
0x54f: {  	[tilespmem:s22+$0x330] =	vst v6  }
0x550: {  	v6 =	vld [tilespmem:s23+$0x380];
	_ =	sdelay $0x1  }
0x551: {  	v7 =	vld [tilespmem:s22+$0x380];
	_ =	sdelay $0x2  }
0x552: {  	v6 =	vmul.f32 v6, v1;
	_ =	sdelay $0x1  }
0x553: {  	v6 =	vadd.f32 v6, v7;
	_ =	sdelay $0x1  }
0x554: {  	[tilespmem:s22+$0x380] =	vst v6  }
0x555: {  	v6 =	vld [tilespmem:s23+$0x390];
	_ =	sdelay $0x1  }
0x556: {  	v7 =	vld [tilespmem:s22+$0x390];
	_ =	sdelay $0x2  }
0x557: {  	v6 =	vmul.f32 v6, v2;
	_ =	sdelay $0x1  }
0x558: {  	v6 =	vadd.f32 v6, v7;
	_ =	sdelay $0x1  }
0x559: {  	[tilespmem:s22+$0x390] =	vst v6  }
0x55a: {  	v6 =	vld [tilespmem:s23+$0x3A0];
	_ =	sdelay $0x1  }
0x55b: {  	v7 =	vld [tilespmem:s22+$0x3A0];
	_ =	sdelay $0x2  }
0x55c: {  	v6 =	vmul.f32 v6, v3;
	_ =	sdelay $0x1  }
0x55d: {  	v6 =	vadd.f32 v6, v7;
	_ =	sdelay $0x1  }
0x55e: {  	[tilespmem:s22+$0x3A0] =	vst v6  }
0x55f: {  	v6 =	vld [tilespmem:s23+$0x3B0];
	_ =	sdelay $0x1  }
0x560: {  	v7 =	vld [tilespmem:s22+$0x3B0];
	_ =	sdelay $0x1  }
0x561: {  	p0 =	sne.s32 s21, $0xF0  }
.Ltmp3:
0x562: {  	v6 =	vmul.f32 v6, v4;
	(pc) =	sbr.rel @p0 .LBB2_8-.Ltmp3, $3  }
0x563: {  	_ = 	snop  }
0x564: {  	v6 =	vadd.f32 v6, v7;
	_ =	sdelay $0x1  }
0x565: {  	s21 =	sadd.s32 $0x10, s21;
	s23 =	sadd.s32 $0x800, s23;
	[tilespmem:s22+$0x3B0] =	vst v6;
	s22 =	sadd.s32 $0x800, s22  }
0x566: {  	[hbm4b:s9+s3] =	stream.linear.scatter [tilespmem:s16], [sflag:$0x2], $0x8000, $0x38;
	[tilespmem:$0x10A80] =	vst v63  }
0x567: {  	s0 =	simm.s32 $0x80;
	s20 =	sadd.s32 $0x1, s20;
	_ =	swait.ge [sflag:s12], $0x8000  }
0x568: {  	s1 =	simm.s32 $0x400;
	p0 =	sne.s32 s20, s11;
	[sflag:s12] =	ssyncset.done $0x0  }
.Ltmp4:
0x569: {  	s2 =	simm.s32 $0x10880;
	[sflag:s12] =	ssyncadd.s32 $0xFFFF8000;
	(pc) =	sbr.rel @p0 .LBB2_1-.Ltmp4, $4  }
0x56a: {  	[hbm4b:s10+s0] =	stream.strided.scatter [tilespmem:s2], [sflag:$0x2], $0x200, s1, s0, $0x38;
	[tilespmem:$0x10A80] =	vst v63  }
0x56b: {  	_ =	swait.ge [sflag:s12], $0x200  }
0x56c: {  	[sflag:s12] =	ssyncset.done $0x0  }
0x56d: {  	[sflag:s12] =	ssyncadd.s32 $0xFFFFFE00  }
0x56e: {  	_ =	sfence.sel $0x180000  }
0x56f: {  	[bflag:$0x0] =	sbarrier.arrive $0xFFFF  }
0x570: {  	_ =	strace $0x90000047  }
0x571: {  	s0 =	stileid.u32;
	[bflag:$0x2] =	sbarrier.arrive $0xFFFF  }
0x572: {  	p0 =	sne.s32 s0, $0x0;
	s0 =	rddreg [dreg:$0x4]  }
0x573: {  	s0 =	sadd.s32 @!p0 $0x100000, s0  }
0x574: {  	[sflag:s0] =	ssyncadd.tile.s32 @!p0 $0x1;
	_ =	shalt  }
.Lfunc_end2:
_tile_overlayer_lowered:
.L_overlay_start_2:
0x575: {  	(tag) =	ssettag $0x2  }
0x576: {  	s0 =	rddreg [dreg:$0x0];
	s2 =	stileid.u32  }
0x577: {  	s1 =	rddreg [dreg:$0x1];
	p0 =	sne.s32 s2, $0x0  }
0x578: {  	s3 =	rddreg [dreg:$0x2];
	[bflag:$0x3] =	sbarrier.arrive $0xFFFF;
	s2 =	simm.s32 @!p0 $0x1C02  }
0x579: {  	[timem:s3], [sflag:s2] =	dma.local @!p0 [hbm:s0], s1  }
0x57a: {  	s0 =	simm.s32 @!p0 $0x2  }
0x57b: {  	_ =	swait.ge @!p0 [sflag:s0], s1  }
0x57c: {  	s1 =	ssub.s32 @!p0 $0x0, s1;
	[sflag:s0] =	ssyncset.done @!p0 $0x0  }
0x57d: {  	[sflag:s0] =	ssyncadd.s32 @!p0 s1  }
0x57e: {  	[bflag:$0x3] =	sbarrier.arrive $0xFFFF  }
0x57f: {  	_ =	shalt  }

</sc_bundles>
